<compile_context>
chip_gen: v7x
topology: tpu7x:2x2x1
jax: 0.10.2.dev20260603
libtpu: 0.0.44.dev20260713+nightly
codegen_flags: <defaults>
</compile_context>

<pallas_src>
import functools

import jax
import jax.numpy as jnp
import numpy as np
from jax import lax
from jax.experimental import pallas as pl
from jax.experimental.pallas import tpu as pltpu
from jax.experimental.pallas import tpu_sc as plsc

D_MODEL = 1024
TABLE_STARTS = (0, 100000, 110000, 111000, 116000)

B_TOTAL = 4 * 8192
NUM_WORKERS = 32
CHUNK = B_TOTAL // NUM_WORKERS
G = 16
NVREG = CHUNK // 16
LIST_CAP = CHUNK + 2 * G


def _gather16(v, idx):
    return v.at[idx].get(mode="promise_in_bounds")


def _lt0(x):
    return jnp.where(x < 0, 1, 0)


def _ge0(x):
    return jnp.where(x >= 0, 1, 0)


def _blend(b, a, m01):
    return b + (a - b) * m01


def _prefix16(v, lane):
    for k in (1, 2, 4, 8):
        shifted = _gather16(v, jnp.maximum(lane - k, 0))
        v = v + shifted * _ge0(lane - k)
    return v


def _invert16(m, lane):
    srcs = jnp.zeros((16,), jnp.int32)
    for l in range(16):
        srcs = srcs + jnp.where(lane == m[l], l, 0)
    return srcs


def _sc_embed(ids, text_w, audio_w, special_w, phoneme_w, reserved_w):
    mesh = plsc.VectorSubcoreMesh(core_axis_name="c", subcore_axis_name="s")

    list_scratch = [pltpu.VMEM((LIST_CAP,), jnp.int32) for _ in range(10)]

    @functools.partial(
        pl.kernel,
        mesh=mesh,
        out_type=jax.ShapeDtypeStruct((B_TOTAL, D_MODEL), jnp.float32),
        scratch_types=[
            pltpu.VMEM((CHUNK,), jnp.int32),
            *list_scratch,
            pltpu.VMEM((G, D_MODEL), jnp.float32),
            pltpu.VMEM((G, D_MODEL), jnp.float32),
            pltpu.SemaphoreType.DMA,
            pltpu.SemaphoreType.DMA,
            pltpu.SemaphoreType.DMA,
            pltpu.SemaphoreType.DMA,
        ],
    )
    def k(ids_hbm, t0, t1, t2, t3, t4, out_hbm, ids_v, *rest):
        tables = (t0, t1, t2, t3, t4)
        idx_list = rest[0:5]
        pos_list = rest[5:10]
        cba, cbb = rest[10], rest[11]
        gsa, gsb, ssa, ssb = rest[12], rest[13], rest[14], rest[15]

        wid = lax.axis_index("s") * 2 + lax.axis_index("c")
        base = wid * CHUNK
        pltpu.sync_copy(ids_hbm.at[pl.ds(base, CHUNK)], ids_v)

        lane = lax.iota(jnp.int32, 16)
        zeros16 = jnp.zeros((16,), jnp.int32)

        def compact_body(i, carry):
            offs, cnts, win_i, win_p = carry
            start = pl.multiple_of(i * 16, 16)
            ids_vec = ids_v[pl.ds(start, 16)]
            pos_vec = base + i * 16 + lane
            ge1 = _ge0(ids_vec - TABLE_STARTS[1])
            ge2 = _ge0(ids_vec - TABLE_STARTS[2])
            ge3 = _ge0(ids_vec - TABLE_STARTS[3])
            ge4 = _ge0(ids_vec - TABLE_STARTS[4])
            tid = ge1 + ge2 + ge3 + ge4
            local = (ids_vec
                     - TABLE_STARTS[1] * ge1
                     - (TABLE_STARTS[2] - TABLE_STARTS[1]) * ge2
                     - (TABLE_STARTS[3] - TABLE_STARTS[2]) * ge3
                     - (TABLE_STARTS[4] - TABLE_STARTS[3]) * ge4)
            fives = tid * 5
            csum_all = _prefix16(jnp.int32(1) << fives, lane)
            rank = ((csum_all >> fives) & 31) - 1
            last = csum_all[15]
            cnt = [(last >> (5 * t)) & 31 for t in range(5)]
            q = [np.int32(0)]
            for t in range(4):
                q.append(q[t] + cnt[t])
            q_sel = (q[0]
                     + (q[1] - q[0]) * ge1
                     + (q[2] - q[1]) * ge2
                     + (q[3] - q[2]) * ge3
                     + (q[4] - q[3]) * ge4)
            m = q_sel + rank
            srcs = _invert16(m, lane)
            sorted_i = _gather16(local, srcs)
            sorted_p = _gather16(pos_vec, srcs)

            new_offs, new_cnts, new_wi, new_wp = [], [], [], []
            for t in range(5):
                cv = cnts[t]
                total_v = cv + cnt[t]
                lane_mc = lane - cv
                lo01 = _ge0(lane_mc) * _lt0(lane_mc - cnt[t])
                lo_idx = (lane_mc + q[t]) & 15
                wi_m = _blend(win_i[t], _gather16(sorted_i, lo_idx), lo01)
                wp_m = _blend(win_p[t], _gather16(sorted_p, lo_idx), lo01)
                hi01 = _lt0(lane + 16 - total_v)
                hi_idx = (lane_mc + 16 + q[t]) & 15
                hi_i = _gather16(sorted_i, hi_idx) * hi01
                hi_p = _gather16(sorted_p, hi_idx) * hi01

                boff = pl.multiple_of(offs[t], 16)
                idx_list[t][pl.ds(boff, 16)] = wi_m
                pos_list[t][pl.ds(boff, 16)] = wp_m

                f01 = total_v >> 4
                total_s = (total_v + lane)[0]
                new_offs.append(offs[t] + (total_s >> 4) * 16)
                new_cnts.append(total_v - f01 * 16)
                new_wi.append(_blend(wi_m, hi_i, f01))
                new_wp.append(_blend(wp_m, hi_p, f01))
            return (tuple(new_offs), tuple(new_cnts),
                    tuple(new_wi), tuple(new_wp))

        zero5 = (np.int32(0),) * 5
        zvec5 = (zeros16,) * 5
        offs, cnts, win_i, win_p = lax.fori_loop(
            0, NVREG, compact_body, (zero5, zvec5, zvec5, zvec5))

        for t in range(5):
            prev_off = pl.multiple_of(jnp.maximum(offs[t] - 16, 0), 16)
            pw_i = idx_list[t][pl.ds(prev_off, 16)]
            pw_p = pos_list[t][pl.ds(prev_off, 16)]
            c01 = _ge0(cnts[t] - 1)
            dup_i = _blend(_gather16(pw_i, zeros16),
                           _gather16(win_i[t], zeros16), c01)
            dup_p = _blend(_gather16(pw_p, zeros16),
                           _gather16(win_p[t], zeros16), c01)
            tail01 = _lt0(lane - cnts[t])
            boff = pl.multiple_of(offs[t], 16)
            idx_list[t][pl.ds(boff, 16)] = _blend(dup_i, win_i[t], tail01)
            pos_list[t][pl.ds(boff, 16)] = _blend(dup_p, win_p[t], tail01)
            boff2 = pl.multiple_of(offs[t] + 16, 16)
            idx_list[t][pl.ds(boff2, 16)] = dup_i
            pos_list[t][pl.ds(boff2, 16)] = dup_p

        for t in range(5):
            nblk = (offs[t] + (cnts[t] + lane)[0] + (G - 1)) // G
            nhalf = (nblk + 1) // 2

            def run_block(j, slot, gsem, ssem, t=t):
                boff = pl.multiple_of(j * G, 16)
                iv = idx_list[t][pl.ds(boff, G)]
                pv = pos_list[t][pl.ds(boff, G)]
                pltpu.async_copy(tables[t].at[iv], slot, gsem).wait()
                pltpu.async_copy(slot, out_hbm.at[pv], ssem)

            def drain(slot, ssem, t=t):
                pv0 = pos_list[t][pl.ds(0, G)]
                pltpu.make_async_copy(slot, out_hbm.at[pv0], ssem).wait()

            @pl.when(nblk > 0)
            def _(t=t, nhalf=nhalf):
                run_block(np.int32(0), cba, gsa, ssa)
                run_block(np.int32(1), cbb, gsb, ssb)

                def body(g, carry, t=t):
                    drain(cba, ssa)
                    run_block(2 * g, cba, gsa, ssa)
                    drain(cbb, ssb)
                    run_block(2 * g + 1, cbb, gsb, ssb)
                    return carry

                lax.fori_loop(1, nhalf, body, np.int32(0))
                drain(cba, ssa)
                drain(cbb, ssb)

    return k(ids, text_w, audio_w, special_w, phoneme_w, reserved_w)


def kernel(input_ids, text_w, audio_w, special_w, phoneme_w, reserved_w):
    ids = input_ids.reshape(-1).astype(jnp.int32)
    out = _sc_embed(ids, text_w, audio_w, special_w, phoneme_w, reserved_w)
    return out.reshape(input_ids.shape + (D_MODEL,))

# --- scband reference (transcript-rebuilt; emitter-appended) ---
"""Pipeline reference for scband-unified-embedding-17051020165283 (READ-ONLY COPY).

The authoritative reference and input builder live on the scoring server;
editing this copy changes nothing except your own understanding.
"""

import jax, jax.numpy as jnp
import numpy as np

VOCAB_SIZE = 128000
D_MODEL = 1024
TEXT_SIZE = 100000
AUDIO_SIZE = 10000
SPECIAL_SIZE = 1000
PHONEME_SIZE = 5000
RESERVED_SIZE = 12000
TEXT_START = 0
AUDIO_START = 100000
SPECIAL_START = 110000
PHONEME_START = 111000
RESERVED_START = 116000


def setup_inputs(seed: int = 0) -> dict:
    key = jax.random.key(seed)
    ks = jax.random.split(key, 6)
    input_ids = jax.random.randint(ks[0], (4, 8192), 0, VOCAB_SIZE, dtype=jnp.int64 if jax.config.read('jax_enable_x64') else jnp.int32)
    text_w = jax.random.normal(ks[1], (TEXT_SIZE, D_MODEL), dtype=jnp.float32) * 0.02
    audio_w = jax.random.normal(ks[2], (AUDIO_SIZE, D_MODEL), dtype=jnp.float32) * 0.03
    special_w = jax.random.normal(ks[3], (SPECIAL_SIZE, D_MODEL), dtype=jnp.float32) * 0.01
    phoneme_w = jax.random.normal(ks[4], (PHONEME_SIZE, D_MODEL), dtype=jnp.float32) * 0.02
    reserved_w = jax.random.normal(ks[5], (RESERVED_SIZE, D_MODEL), dtype=jnp.float32) * 0.016
    return {
        'input_ids': input_ids,
        'text_w': text_w,
        'audio_w': audio_w,
        'special_w': special_w,
        'phoneme_w': phoneme_w,
        'reserved_w': reserved_w,
    }


def _unified_embed(input_ids, text_w, audio_w, special_w, phoneme_w, reserved_w):
    tables = [text_w, audio_w, special_w, phoneme_w, reserved_w]
    starts = [TEXT_START, AUDIO_START, SPECIAL_START, PHONEME_START, RESERVED_START]
    emb = jnp.zeros(input_ids.shape + (D_MODEL,), dtype=jnp.float32)
    for w, start in zip(tables, starts):
        size = w.shape[0]
        mask = (input_ids >= start) & (input_ids < start + size)
        local_ids = jnp.clip(input_ids - start, 0, size - 1)
        gathered = jnp.take(w, local_ids, axis=0)
        emb = emb + jnp.where(mask[..., None], gathered, jnp.zeros((), dtype=jnp.float32))
    return emb


def reference(input_ids, text_w, audio_w, special_w, phoneme_w, reserved_w):
    # Modality ranges are disjoint and cover [0, VOCAB_SIZE), so the
    # masked sum of per-modality gathers exactly reproduces the torch
    # masked scatter-assign in UnifiedEmbedding.forward.
    return _unified_embed(input_ids, text_w, audio_w, special_w, phoneme_w, reserved_w)

if __name__ == "__main__":
    import jax
    _d = setup_inputs()
    print(jax.jit(kernel)(*tuple(_d.values())))

</pallas_src>

<mosaic_0001>
#map = affine_map<(d0, d1) -> (0)>
#map1 = affine_map<(d0, d1) -> (0, 0)>
module attributes {stable_mosaic.version = 14 : i64} {
  func.func @k(%arg0: i32, %arg1: i32, %arg2: memref<32768xi32, #tpu.memory_space<hbm>>, %arg3: memref<100000x1024xf32, #tpu.memory_space<hbm>>, %arg4: memref<10000x1024xf32, #tpu.memory_space<hbm>>, %arg5: memref<1000x1024xf32, #tpu.memory_space<hbm>>, %arg6: memref<5000x1024xf32, #tpu.memory_space<hbm>>, %arg7: memref<12000x1024xf32, #tpu.memory_space<hbm>>, %arg8: memref<32768x1024xf32, #tpu.memory_space<hbm>>, %arg9: memref<1024xi32, #tpu.memory_space<vmem>>, %arg10: memref<1056xi32, #tpu.memory_space<vmem>>, %arg11: memref<1056xi32, #tpu.memory_space<vmem>>, %arg12: memref<1056xi32, #tpu.memory_space<vmem>>, %arg13: memref<1056xi32, #tpu.memory_space<vmem>>, %arg14: memref<1056xi32, #tpu.memory_space<vmem>>, %arg15: memref<1056xi32, #tpu.memory_space<vmem>>, %arg16: memref<1056xi32, #tpu.memory_space<vmem>>, %arg17: memref<1056xi32, #tpu.memory_space<vmem>>, %arg18: memref<1056xi32, #tpu.memory_space<vmem>>, %arg19: memref<1056xi32, #tpu.memory_space<vmem>>, %arg20: memref<16x1024xf32, #tpu.memory_space<vmem>>, %arg21: memref<16x1024xf32, #tpu.memory_space<vmem>>, %arg22: memref<!tpu.dma_semaphore, #tpu.memory_space<semaphore_mem>>, %arg23: memref<!tpu.dma_semaphore, #tpu.memory_space<semaphore_mem>>, %arg24: memref<!tpu.dma_semaphore, #tpu.memory_space<semaphore_mem>>, %arg25: memref<!tpu.dma_semaphore, #tpu.memory_space<semaphore_mem>>) attributes {dimension_semantics = [#tpu.dimension_semantics<core_parallel>, #tpu.dimension_semantics<subcore_parallel>], iteration_bounds = array<i64: 2, 16>, scalar_prefetch = 0 : i64, scratch_operands = 17 : i64, tpu.core_type = #tpu.core_type<sc_vector_subcore>, window_params = [{transform_indices = #map}, {transform_indices = #map1}, {transform_indices = #map1}, {transform_indices = #map1}, {transform_indices = #map1}, {transform_indices = #map1}, {transform_indices = #map1}]} {
    %mul3A = arith.constant 2 : i32
    %mul3A_0 = arith.muli %arg1, %mul3A : i32
    %add3A = arith.addi %mul3A_0, %arg0 : i32
    %mul3A_1 = arith.constant 1024 : i32
    %mul3A_2 = arith.muli %add3A, %mul3A_1 : i32
    "tpu.region"() ({
      %run_scoped3A = tpu.sem_alloc : memref<!tpu.dma_semaphore, #tpu.memory_space<semaphore_mem>>
      %dma_start3A = tpu.memref_slice %arg2[%mul3A_2] : memref<32768xi32, #tpu.memory_space<hbm>> -> memref<1024xi32, #tpu.memory_space<hbm>>
      %dma_start3A_814 = tpu.memref_slice %arg2[%mul3A_2] : memref<32768xi32, #tpu.memory_space<hbm>> -> memref<1024xi32, #tpu.memory_space<hbm>>
      tpu.enqueue_dma source(%dma_start3A_814 : memref<1024xi32, #tpu.memory_space<hbm>>) target(%arg9 : memref<1024xi32, #tpu.memory_space<vmem>>) target_semaphore(%run_scoped3A : memref<!tpu.dma_semaphore, #tpu.memory_space<semaphore_mem>>)
      %dma_wait3A = tpu.memref_slice %arg2[%mul3A_2] : memref<32768xi32, #tpu.memory_space<hbm>> -> memref<1024xi32, #tpu.memory_space<hbm>>
      %dma_wait3A_815 = tpu.memref_slice %arg2[%mul3A_2] : memref<32768xi32, #tpu.memory_space<hbm>> -> memref<1024xi32, #tpu.memory_space<hbm>>
      tpu.wait_dma2 semaphore(%run_scoped3A : memref<!tpu.dma_semaphore, #tpu.memory_space<semaphore_mem>>) src(%dma_wait3A_815 : memref<1024xi32, #tpu.memory_space<hbm>>) dst(%arg9 : memref<1024xi32, #tpu.memory_space<vmem>>)
      tpu.yield
    }) : () -> ()
    %iota3A = tpu.iota {dimensions = array<i32: 0>} : vector<16xi32>
    %broadcast_in_dim3A = arith.constant 0 : i32
    %broadcast_in_dim3A_3 = vector.broadcast %broadcast_in_dim3A : i32 to vector<16xi32>
    %scan3A = arith.constant 0 : i32
    %scan3A_4 = arith.constant 0 : i32
    %scan3A_5 = arith.constant 0 : i32
    %scan3A_6 = arith.constant 0 : i32
    %scan3A_7 = arith.constant 0 : i32
    %scan3A_8 = arith.constant 0 : i32
    %scan3A_9 = arith.constant 64 : i32
    %scan3A_10 = arith.addi %scan3A_8, %scan3A_9 : i32
    %scan3A_11 = arith.constant 1 : i32
    %scan3A_12:20 = scf.for %scan3A_814 = %scan3A_8 to %scan3A_10 step %scan3A_11 iter_args(%scan3A_815 = %scan3A, %scan3A_816 = %scan3A_4, %scan3A_817 = %scan3A_5, %scan3A_818 = %scan3A_6, %scan3A_819 = %scan3A_7, %scan3A_820 = %broadcast_in_dim3A_3, %scan3A_821 = %broadcast_in_dim3A_3, %scan3A_822 = %broadcast_in_dim3A_3, %scan3A_823 = %broadcast_in_dim3A_3, %scan3A_824 = %broadcast_in_dim3A_3, %scan3A_825 = %broadcast_in_dim3A_3, %scan3A_826 = %broadcast_in_dim3A_3, %scan3A_827 = %broadcast_in_dim3A_3, %scan3A_828 = %broadcast_in_dim3A_3, %scan3A_829 = %broadcast_in_dim3A_3, %scan3A_830 = %broadcast_in_dim3A_3, %scan3A_831 = %broadcast_in_dim3A_3, %scan3A_832 = %broadcast_in_dim3A_3, %scan3A_833 = %broadcast_in_dim3A_3, %scan3A_834 = %broadcast_in_dim3A_3) -> (i32, i32, i32, i32, i32, vector<16xi32>, vector<16xi32>, vector<16xi32>, vector<16xi32>, vector<16xi32>, vector<16xi32>, vector<16xi32>, vector<16xi32>, vector<16xi32>, vector<16xi32>, vector<16xi32>, vector<16xi32>, vector<16xi32>, vector<16xi32>, vector<16xi32>)  : i32 {
      %mul3A_835 = arith.constant 16 : i32
      %mul3A_836 = arith.muli %scan3A_814, %mul3A_835 : i32
      %multiple_of3A_837 = tpu.assume_multiple %mul3A_836, 16 : i32
      %get3A_838 = arith.index_cast %multiple_of3A_837 : i32 to index
      %get3A_839 = tpu.vector_load %arg9[%get3A_838] {strides = array<i32>} : memref<1024xi32, #tpu.memory_space<vmem>>, vector<16xi32>,
      %get3A_840 = vector.shape_cast %get3A_839 : vector<16xi32> to vector<16xi32>
      %mul3A_841 = arith.constant 16 : i32
      %mul3A_842 = arith.muli %scan3A_814, %mul3A_841 : i32
      %add3A_843 = arith.addi %mul3A_2, %mul3A_842 : i32
      %add3A_844 = vector.broadcast %add3A_843 : i32 to vector<16xi32>
      %add3A_845 = arith.addi %add3A_844, %iota3A : vector<16xi32>
      %sub3A_846 = arith.constant 100000 : i32
      %sub3A_847 = vector.broadcast %sub3A_846 : i32 to vector<16xi32>
      %sub3A_848 = arith.subi %get3A_840, %sub3A_847 : vector<16xi32>
      %ge3A_849 = arith.constant 0 : i32
      %ge3A_850 = vector.broadcast %ge3A_849 : i32 to vector<16xi32>
      %ge3A_851 = arith.cmpi sge, %sub3A_848, %ge3A_850 : vector<16xi32>
      %jit3A_852 = arith.constant 1 : i32
      %jit3A_853 = arith.constant 0 : i32
      %broadcast_in_dim3A_854 = vector.broadcast %jit3A_852 : i32 to vector<16xi32>
      %broadcast_in_dim3A_855 = vector.broadcast %jit3A_853 : i32 to vector<16xi32>
      %select_n3A_856 = arith.select %ge3A_851, %broadcast_in_dim3A_854, %broadcast_in_dim3A_855 : vector<16xi1>, vector<16xi32>
      %sub3A_857 = arith.constant 110000 : i32
      %sub3A_858 = vector.broadcast %sub3A_857 : i32 to vector<16xi32>
      %sub3A_859 = arith.subi %get3A_840, %sub3A_858 : vector<16xi32>
      %ge3A_860 = arith.constant 0 : i32
      %ge3A_861 = vector.broadcast %ge3A_860 : i32 to vector<16xi32>
      %ge3A_862 = arith.cmpi sge, %sub3A_859, %ge3A_861 : vector<16xi32>
      %jit3A_863 = arith.constant 1 : i32
      %jit3A_864 = arith.constant 0 : i32
      %broadcast_in_dim3A_865 = vector.broadcast %jit3A_863 : i32 to vector<16xi32>
      %broadcast_in_dim3A_866 = vector.broadcast %jit3A_864 : i32 to vector<16xi32>
      %select_n3A_867 = arith.select %ge3A_862, %broadcast_in_dim3A_865, %broadcast_in_dim3A_866 : vector<16xi1>, vector<16xi32>
      %sub3A_868 = arith.constant 111000 : i32
      %sub3A_869 = vector.broadcast %sub3A_868 : i32 to vector<16xi32>
      %sub3A_870 = arith.subi %get3A_840, %sub3A_869 : vector<16xi32>
      %ge3A_871 = arith.constant 0 : i32
      %ge3A_872 = vector.broadcast %ge3A_871 : i32 to vector<16xi32>
      %ge3A_873 = arith.cmpi sge, %sub3A_870, %ge3A_872 : vector<16xi32>
      %jit3A_874 = arith.constant 1 : i32
      %jit3A_875 = arith.constant 0 : i32
      %broadcast_in_dim3A_876 = vector.broadcast %jit3A_874 : i32 to vector<16xi32>
      %broadcast_in_dim3A_877 = vector.broadcast %jit3A_875 : i32 to vector<16xi32>
      %select_n3A_878 = arith.select %ge3A_873, %broadcast_in_dim3A_876, %broadcast_in_dim3A_877 : vector<16xi1>, vector<16xi32>
      %sub3A_879 = arith.constant 116000 : i32
      %sub3A_880 = vector.broadcast %sub3A_879 : i32 to vector<16xi32>
      %sub3A_881 = arith.subi %get3A_840, %sub3A_880 : vector<16xi32>
      %ge3A_882 = arith.constant 0 : i32
      %ge3A_883 = vector.broadcast %ge3A_882 : i32 to vector<16xi32>
      %ge3A_884 = arith.cmpi sge, %sub3A_881, %ge3A_883 : vector<16xi32>
      %jit3A_885 = arith.constant 1 : i32
      %jit3A_886 = arith.constant 0 : i32
      %broadcast_in_dim3A_887 = vector.broadcast %jit3A_885 : i32 to vector<16xi32>
      %broadcast_in_dim3A_888 = vector.broadcast %jit3A_886 : i32 to vector<16xi32>
      %select_n3A_889 = arith.select %ge3A_884, %broadcast_in_dim3A_887, %broadcast_in_dim3A_888 : vector<16xi1>, vector<16xi32>
      %add3A_890 = arith.addi %select_n3A_856, %select_n3A_867 : vector<16xi32>
      %add3A_891 = arith.addi %add3A_890, %select_n3A_878 : vector<16xi32>
      %add3A_892 = arith.addi %add3A_891, %select_n3A_889 : vector<16xi32>
      %mul3A_893 = arith.constant 100000 : i32
      %mul3A_894 = vector.broadcast %mul3A_893 : i32 to vector<16xi32>
      %mul3A_895 = arith.muli %mul3A_894, %select_n3A_856 : vector<16xi32>
      %sub3A_896 = arith.subi %get3A_840, %mul3A_895 : vector<16xi32>
      %mul3A_897 = arith.constant 10000 : i32
      %mul3A_898 = vector.broadcast %mul3A_897 : i32 to vector<16xi32>
      %mul3A_899 = arith.muli %mul3A_898, %select_n3A_867 : vector<16xi32>
      %sub3A_900 = arith.subi %sub3A_896, %mul3A_899 : vector<16xi32>
      %mul3A_901 = arith.constant 1000 : i32
      %mul3A_902 = vector.broadcast %mul3A_901 : i32 to vector<16xi32>
      %mul3A_903 = arith.muli %mul3A_902, %select_n3A_878 : vector<16xi32>
      %sub3A_904 = arith.subi %sub3A_900, %mul3A_903 : vector<16xi32>
      %mul3A_905 = arith.constant 5000 : i32
      %mul3A_906 = vector.broadcast %mul3A_905 : i32 to vector<16xi32>
      %mul3A_907 = arith.muli %mul3A_906, %select_n3A_889 : vector<16xi32>
      %sub3A_908 = arith.subi %sub3A_904, %mul3A_907 : vector<16xi32>
      %mul3A_909 = arith.constant 5 : i32
      %mul3A_910 = vector.broadcast %mul3A_909 : i32 to vector<16xi32>
      %mul3A_911 = arith.muli %add3A_892, %mul3A_910 : vector<16xi32>
      %shift_left3A = arith.constant 1 : i32
      %shift_left3A_912 = vector.broadcast %shift_left3A : i32 to vector<16xi32>
      %shift_left3A_913 = arith.shli %shift_left3A_912, %mul3A_911 : vector<16xi32>
      %sub3A_914 = arith.constant 1 : i32
      %sub3A_915 = vector.broadcast %sub3A_914 : i32 to vector<16xi32>
      %sub3A_916 = arith.subi %iota3A, %sub3A_915 : vector<16xi32>
      %max3A_917 = arith.constant 0 : i32
      %max3A_918 = vector.broadcast %max3A_917 : i32 to vector<16xi32>
      %max3A_919 = arith.maxsi %sub3A_916, %max3A_918 : vector<16xi32>
      %lt3A_920 = arith.constant 0 : i32
      %lt3A_921 = vector.broadcast %lt3A_920 : i32 to vector<16xi32>
      %lt3A_922 = arith.cmpi slt, %max3A_919, %lt3A_921 : vector<16xi32>
      %add3A_923 = arith.constant 16 : i32
      %add3A_924 = vector.broadcast %add3A_923 : i32 to vector<16xi32>
      %add3A_925 = arith.addi %max3A_919, %add3A_924 : vector<16xi32>
      %select_n3A_926 = arith.select %lt3A_922, %add3A_925, %max3A_919 : vector<16xi1>, vector<16xi32>
      %broadcast_in_dim3A_927 = vector.shape_cast %select_n3A_926 : vector<16xi32> to vector<16x1xi32>
      %gather3A_928 = vector.shape_cast %broadcast_in_dim3A_927 : vector<16x1xi32> to vector<16xi32>
      %gather3A_929 = tpu.dynamic_gather %shift_left3A_913[%gather3A_928] in [0] : vector<16xi32>, vector<16xi32> -> vector<16xi32>
      %sub3A_930 = arith.constant 1 : i32
      %sub3A_931 = vector.broadcast %sub3A_930 : i32 to vector<16xi32>
      %sub3A_932 = arith.subi %iota3A, %sub3A_931 : vector<16xi32>
      %ge3A_933 = arith.constant 0 : i32
      %ge3A_934 = vector.broadcast %ge3A_933 : i32 to vector<16xi32>
      %ge3A_935 = arith.cmpi sge, %sub3A_932, %ge3A_934 : vector<16xi32>
      %jit3A_936 = arith.constant 1 : i32
      %jit3A_937 = arith.constant 0 : i32
      %broadcast_in_dim3A_938 = vector.broadcast %jit3A_936 : i32 to vector<16xi32>
      %broadcast_in_dim3A_939 = vector.broadcast %jit3A_937 : i32 to vector<16xi32>
      %select_n3A_940 = arith.select %ge3A_935, %broadcast_in_dim3A_938, %broadcast_in_dim3A_939 : vector<16xi1>, vector<16xi32>
      %mul3A_941 = arith.muli %gather3A_929, %select_n3A_940 : vector<16xi32>
      %add3A_942 = arith.addi %shift_left3A_913, %mul3A_941 : vector<16xi32>
      %sub3A_943 = arith.constant 2 : i32
      %sub3A_944 = vector.broadcast %sub3A_943 : i32 to vector<16xi32>
      %sub3A_945 = arith.subi %iota3A, %sub3A_944 : vector<16xi32>
      %max3A_946 = arith.constant 0 : i32
      %max3A_947 = vector.broadcast %max3A_946 : i32 to vector<16xi32>
      %max3A_948 = arith.maxsi %sub3A_945, %max3A_947 : vector<16xi32>
      %lt3A_949 = arith.constant 0 : i32
      %lt3A_950 = vector.broadcast %lt3A_949 : i32 to vector<16xi32>
      %lt3A_951 = arith.cmpi slt, %max3A_948, %lt3A_950 : vector<16xi32>
      %add3A_952 = arith.constant 16 : i32
      %add3A_953 = vector.broadcast %add3A_952 : i32 to vector<16xi32>
      %add3A_954 = arith.addi %max3A_948, %add3A_953 : vector<16xi32>
      %select_n3A_955 = arith.select %lt3A_951, %add3A_954, %max3A_948 : vector<16xi1>, vector<16xi32>
      %broadcast_in_dim3A_956 = vector.shape_cast %select_n3A_955 : vector<16xi32> to vector<16x1xi32>
      %gather3A_957 = vector.shape_cast %broadcast_in_dim3A_956 : vector<16x1xi32> to vector<16xi32>
      %gather3A_958 = tpu.dynamic_gather %add3A_942[%gather3A_957] in [0] : vector<16xi32>, vector<16xi32> -> vector<16xi32>
      %sub3A_959 = arith.constant 2 : i32
      %sub3A_960 = vector.broadcast %sub3A_959 : i32 to vector<16xi32>
      %sub3A_961 = arith.subi %iota3A, %sub3A_960 : vector<16xi32>
      %ge3A_962 = arith.constant 0 : i32
      %ge3A_963 = vector.broadcast %ge3A_962 : i32 to vector<16xi32>
      %ge3A_964 = arith.cmpi sge, %sub3A_961, %ge3A_963 : vector<16xi32>
      %jit3A_965 = arith.constant 1 : i32
      %jit3A_966 = arith.constant 0 : i32
      %broadcast_in_dim3A_967 = vector.broadcast %jit3A_965 : i32 to vector<16xi32>
      %broadcast_in_dim3A_968 = vector.broadcast %jit3A_966 : i32 to vector<16xi32>
      %select_n3A_969 = arith.select %ge3A_964, %broadcast_in_dim3A_967, %broadcast_in_dim3A_968 : vector<16xi1>, vector<16xi32>
      %mul3A_970 = arith.muli %gather3A_958, %select_n3A_969 : vector<16xi32>
      %add3A_971 = arith.addi %add3A_942, %mul3A_970 : vector<16xi32>
      %sub3A_972 = arith.constant 4 : i32
      %sub3A_973 = vector.broadcast %sub3A_972 : i32 to vector<16xi32>
      %sub3A_974 = arith.subi %iota3A, %sub3A_973 : vector<16xi32>
      %max3A_975 = arith.constant 0 : i32
      %max3A_976 = vector.broadcast %max3A_975 : i32 to vector<16xi32>
      %max3A_977 = arith.maxsi %sub3A_974, %max3A_976 : vector<16xi32>
      %lt3A_978 = arith.constant 0 : i32
      %lt3A_979 = vector.broadcast %lt3A_978 : i32 to vector<16xi32>
      %lt3A_980 = arith.cmpi slt, %max3A_977, %lt3A_979 : vector<16xi32>
      %add3A_981 = arith.constant 16 : i32
      %add3A_982 = vector.broadcast %add3A_981 : i32 to vector<16xi32>
      %add3A_983 = arith.addi %max3A_977, %add3A_982 : vector<16xi32>
      %select_n3A_984 = arith.select %lt3A_980, %add3A_983, %max3A_977 : vector<16xi1>, vector<16xi32>
      %broadcast_in_dim3A_985 = vector.shape_cast %select_n3A_984 : vector<16xi32> to vector<16x1xi32>
      %gather3A_986 = vector.shape_cast %broadcast_in_dim3A_985 : vector<16x1xi32> to vector<16xi32>
      %gather3A_987 = tpu.dynamic_gather %add3A_971[%gather3A_986] in [0] : vector<16xi32>, vector<16xi32> -> vector<16xi32>
      %sub3A_988 = arith.constant 4 : i32
      %sub3A_989 = vector.broadcast %sub3A_988 : i32 to vector<16xi32>
      %sub3A_990 = arith.subi %iota3A, %sub3A_989 : vector<16xi32>
      %ge3A_991 = arith.constant 0 : i32
      %ge3A_992 = vector.broadcast %ge3A_991 : i32 to vector<16xi32>
      %ge3A_993 = arith.cmpi sge, %sub3A_990, %ge3A_992 : vector<16xi32>
      %jit3A_994 = arith.constant 1 : i32
      %jit3A_995 = arith.constant 0 : i32
      %broadcast_in_dim3A_996 = vector.broadcast %jit3A_994 : i32 to vector<16xi32>
      %broadcast_in_dim3A_997 = vector.broadcast %jit3A_995 : i32 to vector<16xi32>
      %select_n3A_998 = arith.select %ge3A_993, %broadcast_in_dim3A_996, %broadcast_in_dim3A_997 : vector<16xi1>, vector<16xi32>
      %mul3A_999 = arith.muli %gather3A_987, %select_n3A_998 : vector<16xi32>
      %add3A_1000 = arith.addi %add3A_971, %mul3A_999 : vector<16xi32>
      %sub3A_1001 = arith.constant 8 : i32
      %sub3A_1002 = vector.broadcast %sub3A_1001 : i32 to vector<16xi32>
      %sub3A_1003 = arith.subi %iota3A, %sub3A_1002 : vector<16xi32>
      %max3A_1004 = arith.constant 0 : i32
      %max3A_1005 = vector.broadcast %max3A_1004 : i32 to vector<16xi32>
      %max3A_1006 = arith.maxsi %sub3A_1003, %max3A_1005 : vector<16xi32>
      %lt3A_1007 = arith.constant 0 : i32
      %lt3A_1008 = vector.broadcast %lt3A_1007 : i32 to vector<16xi32>
      %lt3A_1009 = arith.cmpi slt, %max3A_1006, %lt3A_1008 : vector<16xi32>
      %add3A_1010 = arith.constant 16 : i32
      %add3A_1011 = vector.broadcast %add3A_1010 : i32 to vector<16xi32>
      %add3A_1012 = arith.addi %max3A_1006, %add3A_1011 : vector<16xi32>
      %select_n3A_1013 = arith.select %lt3A_1009, %add3A_1012, %max3A_1006 : vector<16xi1>, vector<16xi32>
      %broadcast_in_dim3A_1014 = vector.shape_cast %select_n3A_1013 : vector<16xi32> to vector<16x1xi32>
      %gather3A_1015 = vector.shape_cast %broadcast_in_dim3A_1014 : vector<16x1xi32> to vector<16xi32>
      %gather3A_1016 = tpu.dynamic_gather %add3A_1000[%gather3A_1015] in [0] : vector<16xi32>, vector<16xi32> -> vector<16xi32>
      %sub3A_1017 = arith.constant 8 : i32
      %sub3A_1018 = vector.broadcast %sub3A_1017 : i32 to vector<16xi32>
      %sub3A_1019 = arith.subi %iota3A, %sub3A_1018 : vector<16xi32>
      %ge3A_1020 = arith.constant 0 : i32
      %ge3A_1021 = vector.broadcast %ge3A_1020 : i32 to vector<16xi32>
      %ge3A_1022 = arith.cmpi sge, %sub3A_1019, %ge3A_1021 : vector<16xi32>
      %jit3A_1023 = arith.constant 1 : i32
      %jit3A_1024 = arith.constant 0 : i32
      %broadcast_in_dim3A_1025 = vector.broadcast %jit3A_1023 : i32 to vector<16xi32>
      %broadcast_in_dim3A_1026 = vector.broadcast %jit3A_1024 : i32 to vector<16xi32>
      %select_n3A_1027 = arith.select %ge3A_1022, %broadcast_in_dim3A_1025, %broadcast_in_dim3A_1026 : vector<16xi1>, vector<16xi32>
      %mul3A_1028 = arith.muli %gather3A_1016, %select_n3A_1027 : vector<16xi32>
      %add3A_1029 = arith.addi %add3A_1000, %mul3A_1028 : vector<16xi32>
      %shift_right_arithmetic3A = arith.shrsi %add3A_1029, %mul3A_911 : vector<16xi32>
      %and3A_1030 = arith.constant 31 : i32
      %and3A_1031 = vector.broadcast %and3A_1030 : i32 to vector<16xi32>
      %and3A_1032 = arith.andi %shift_right_arithmetic3A, %and3A_1031 : vector<16xi32>
      %sub3A_1033 = arith.constant 1 : i32
      %sub3A_1034 = vector.broadcast %sub3A_1033 : i32 to vector<16xi32>
      %sub3A_1035 = arith.subi %and3A_1032, %sub3A_1034 : vector<16xi32>
      %slice3A_1036 = vector.extract_strided_slice %add3A_1029 {offsets = [15], sizes = [1], strides = [1]} : vector<16xi32> to vector<1xi32>
      %squeeze3A_1037 = vector.extract %slice3A_1036[0] : i32 from vector<1xi32>
      %shift_right_arithmetic3A_1038 = arith.constant 0 : i32
      %shift_right_arithmetic3A_1039 = arith.shrsi %squeeze3A_1037, %shift_right_arithmetic3A_1038 : i32
      %and3A_1040 = arith.constant 31 : i32
      %and3A_1041 = arith.andi %shift_right_arithmetic3A_1039, %and3A_1040 : i32
      %shift_right_arithmetic3A_1042 = arith.constant 5 : i32
      %shift_right_arithmetic3A_1043 = arith.shrsi %squeeze3A_1037, %shift_right_arithmetic3A_1042 : i32
      %and3A_1044 = arith.constant 31 : i32
      %and3A_1045 = arith.andi %shift_right_arithmetic3A_1043, %and3A_1044 : i32
      %shift_right_arithmetic3A_1046 = arith.constant 10 : i32
      %shift_right_arithmetic3A_1047 = arith.shrsi %squeeze3A_1037, %shift_right_arithmetic3A_1046 : i32
      %and3A_1048 = arith.constant 31 : i32
      %and3A_1049 = arith.andi %shift_right_arithmetic3A_1047, %and3A_1048 : i32
      %shift_right_arithmetic3A_1050 = arith.constant 15 : i32
      %shift_right_arithmetic3A_1051 = arith.shrsi %squeeze3A_1037, %shift_right_arithmetic3A_1050 : i32
      %and3A_1052 = arith.constant 31 : i32
      %and3A_1053 = arith.andi %shift_right_arithmetic3A_1051, %and3A_1052 : i32
      %shift_right_arithmetic3A_1054 = arith.constant 20 : i32
      %shift_right_arithmetic3A_1055 = arith.shrsi %squeeze3A_1037, %shift_right_arithmetic3A_1054 : i32
      %and3A_1056 = arith.constant 31 : i32
      %and3A_1057 = arith.andi %shift_right_arithmetic3A_1055, %and3A_1056 : i32
      %add3A_1058 = arith.constant 0 : i32
      %add3A_1059 = arith.addi %add3A_1058, %and3A_1041 : i32
      %add3A_1060 = arith.addi %add3A_1059, %and3A_1045 : i32
      %add3A_1061 = arith.addi %add3A_1060, %and3A_1049 : i32
      %add3A_1062 = arith.addi %add3A_1061, %and3A_1053 : i32
      %sub3A_1063 = arith.constant 0 : i32
      %sub3A_1064 = arith.subi %add3A_1059, %sub3A_1063 : i32
      %mul3A_1065 = vector.broadcast %sub3A_1064 : i32 to vector<16xi32>
      %mul3A_1066 = arith.muli %mul3A_1065, %select_n3A_856 : vector<16xi32>
      %add3A_1067 = arith.constant 0 : i32
      %add3A_1068 = vector.broadcast %add3A_1067 : i32 to vector<16xi32>
      %add3A_1069 = arith.addi %add3A_1068, %mul3A_1066 : vector<16xi32>
      %sub3A_1070 = arith.subi %add3A_1060, %add3A_1059 : i32
      %mul3A_1071 = vector.broadcast %sub3A_1070 : i32 to vector<16xi32>
      %mul3A_1072 = arith.muli %mul3A_1071, %select_n3A_867 : vector<16xi32>
      %add3A_1073 = arith.addi %add3A_1069, %mul3A_1072 : vector<16xi32>
      %sub3A_1074 = arith.subi %add3A_1061, %add3A_1060 : i32
      %mul3A_1075 = vector.broadcast %sub3A_1074 : i32 to vector<16xi32>
      %mul3A_1076 = arith.muli %mul3A_1075, %select_n3A_878 : vector<16xi32>
      %add3A_1077 = arith.addi %add3A_1073, %mul3A_1076 : vector<16xi32>
      %sub3A_1078 = arith.subi %add3A_1062, %add3A_1061 : i32
      %mul3A_1079 = vector.broadcast %sub3A_1078 : i32 to vector<16xi32>
      %mul3A_1080 = arith.muli %mul3A_1079, %select_n3A_889 : vector<16xi32>
      %add3A_1081 = arith.addi %add3A_1077, %mul3A_1080 : vector<16xi32>
      %add3A_1082 = arith.addi %add3A_1081, %sub3A_1035 : vector<16xi32>
      %broadcast_in_dim3A_1083 = arith.constant 0 : i32
      %broadcast_in_dim3A_1084 = vector.broadcast %broadcast_in_dim3A_1083 : i32 to vector<16xi32>
      %slice3A_1085 = vector.extract_strided_slice %add3A_1082 {offsets = [0], sizes = [1], strides = [1]} : vector<16xi32> to vector<1xi32>
      %squeeze3A_1086 = vector.extract %slice3A_1085[0] : i32 from vector<1xi32>
      %eq3A = vector.broadcast %squeeze3A_1086 : i32 to vector<16xi32>
      %eq3A_1087 = arith.cmpi eq, %iota3A, %eq3A : vector<16xi32>
      %jit3A_1088 = arith.constant 0 : i32
      %jit3A_1089 = arith.constant 0 : i32
      %broadcast_in_dim3A_1090 = vector.broadcast %jit3A_1088 : i32 to vector<16xi32>
      %broadcast_in_dim3A_1091 = vector.broadcast %jit3A_1089 : i32 to vector<16xi32>
      %select_n3A_1092 = arith.select %eq3A_1087, %broadcast_in_dim3A_1090, %broadcast_in_dim3A_1091 : vector<16xi1>, vector<16xi32>
      %add3A_1093 = arith.addi %broadcast_in_dim3A_1084, %select_n3A_1092 : vector<16xi32>
      %slice3A_1094 = vector.extract_strided_slice %add3A_1082 {offsets = [1], sizes = [1], strides = [1]} : vector<16xi32> to vector<1xi32>
      %squeeze3A_1095 = vector.extract %slice3A_1094[0] : i32 from vector<1xi32>
      %eq3A_1096 = vector.broadcast %squeeze3A_1095 : i32 to vector<16xi32>
      %eq3A_1097 = arith.cmpi eq, %iota3A, %eq3A_1096 : vector<16xi32>
      %jit3A_1098 = arith.constant 1 : i32
      %jit3A_1099 = arith.constant 0 : i32
      %broadcast_in_dim3A_1100 = vector.broadcast %jit3A_1098 : i32 to vector<16xi32>
      %broadcast_in_dim3A_1101 = vector.broadcast %jit3A_1099 : i32 to vector<16xi32>
      %select_n3A_1102 = arith.select %eq3A_1097, %broadcast_in_dim3A_1100, %broadcast_in_dim3A_1101 : vector<16xi1>, vector<16xi32>
      %add3A_1103 = arith.addi %add3A_1093, %select_n3A_1102 : vector<16xi32>
      %slice3A_1104 = vector.extract_strided_slice %add3A_1082 {offsets = [2], sizes = [1], strides = [1]} : vector<16xi32> to vector<1xi32>
      %squeeze3A_1105 = vector.extract %slice3A_1104[0] : i32 from vector<1xi32>
      %eq3A_1106 = vector.broadcast %squeeze3A_1105 : i32 to vector<16xi32>
      %eq3A_1107 = arith.cmpi eq, %iota3A, %eq3A_1106 : vector<16xi32>
      %jit3A_1108 = arith.constant 2 : i32
      %jit3A_1109 = arith.constant 0 : i32
      %broadcast_in_dim3A_1110 = vector.broadcast %jit3A_1108 : i32 to vector<16xi32>
      %broadcast_in_dim3A_1111 = vector.broadcast %jit3A_1109 : i32 to vector<16xi32>
      %select_n3A_1112 = arith.select %eq3A_1107, %broadcast_in_dim3A_1110, %broadcast_in_dim3A_1111 : vector<16xi1>, vector<16xi32>
      %add3A_1113 = arith.addi %add3A_1103, %select_n3A_1112 : vector<16xi32>
      %slice3A_1114 = vector.extract_strided_slice %add3A_1082 {offsets = [3], sizes = [1], strides = [1]} : vector<16xi32> to vector<1xi32>
      %squeeze3A_1115 = vector.extract %slice3A_1114[0] : i32 from vector<1xi32>
      %eq3A_1116 = vector.broadcast %squeeze3A_1115 : i32 to vector<16xi32>
      %eq3A_1117 = arith.cmpi eq, %iota3A, %eq3A_1116 : vector<16xi32>
      %jit3A_1118 = arith.constant 3 : i32
      %jit3A_1119 = arith.constant 0 : i32
      %broadcast_in_dim3A_1120 = vector.broadcast %jit3A_1118 : i32 to vector<16xi32>
      %broadcast_in_dim3A_1121 = vector.broadcast %jit3A_1119 : i32 to vector<16xi32>
      %select_n3A_1122 = arith.select %eq3A_1117, %broadcast_in_dim3A_1120, %broadcast_in_dim3A_1121 : vector<16xi1>, vector<16xi32>
      %add3A_1123 = arith.addi %add3A_1113, %select_n3A_1122 : vector<16xi32>
      %slice3A_1124 = vector.extract_strided_slice %add3A_1082 {offsets = [4], sizes = [1], strides = [1]} : vector<16xi32> to vector<1xi32>
      %squeeze3A_1125 = vector.extract %slice3A_1124[0] : i32 from vector<1xi32>
      %eq3A_1126 = vector.broadcast %squeeze3A_1125 : i32 to vector<16xi32>
      %eq3A_1127 = arith.cmpi eq, %iota3A, %eq3A_1126 : vector<16xi32>
      %jit3A_1128 = arith.constant 4 : i32
      %jit3A_1129 = arith.constant 0 : i32
      %broadcast_in_dim3A_1130 = vector.broadcast %jit3A_1128 : i32 to vector<16xi32>
      %broadcast_in_dim3A_1131 = vector.broadcast %jit3A_1129 : i32 to vector<16xi32>
      %select_n3A_1132 = arith.select %eq3A_1127, %broadcast_in_dim3A_1130, %broadcast_in_dim3A_1131 : vector<16xi1>, vector<16xi32>
      %add3A_1133 = arith.addi %add3A_1123, %select_n3A_1132 : vector<16xi32>
      %slice3A_1134 = vector.extract_strided_slice %add3A_1082 {offsets = [5], sizes = [1], strides = [1]} : vector<16xi32> to vector<1xi32>
      %squeeze3A_1135 = vector.extract %slice3A_1134[0] : i32 from vector<1xi32>
      %eq3A_1136 = vector.broadcast %squeeze3A_1135 : i32 to vector<16xi32>
      %eq3A_1137 = arith.cmpi eq, %iota3A, %eq3A_1136 : vector<16xi32>
      %jit3A_1138 = arith.constant 5 : i32
      %jit3A_1139 = arith.constant 0 : i32
      %broadcast_in_dim3A_1140 = vector.broadcast %jit3A_1138 : i32 to vector<16xi32>
      %broadcast_in_dim3A_1141 = vector.broadcast %jit3A_1139 : i32 to vector<16xi32>
      %select_n3A_1142 = arith.select %eq3A_1137, %broadcast_in_dim3A_1140, %broadcast_in_dim3A_1141 : vector<16xi1>, vector<16xi32>
      %add3A_1143 = arith.addi %add3A_1133, %select_n3A_1142 : vector<16xi32>
      %slice3A_1144 = vector.extract_strided_slice %add3A_1082 {offsets = [6], sizes = [1], strides = [1]} : vector<16xi32> to vector<1xi32>
      %squeeze3A_1145 = vector.extract %slice3A_1144[0] : i32 from vector<1xi32>
      %eq3A_1146 = vector.broadcast %squeeze3A_1145 : i32 to vector<16xi32>
      %eq3A_1147 = arith.cmpi eq, %iota3A, %eq3A_1146 : vector<16xi32>
      %jit3A_1148 = arith.constant 6 : i32
      %jit3A_1149 = arith.constant 0 : i32
      %broadcast_in_dim3A_1150 = vector.broadcast %jit3A_1148 : i32 to vector<16xi32>
      %broadcast_in_dim3A_1151 = vector.broadcast %jit3A_1149 : i32 to vector<16xi32>
      %select_n3A_1152 = arith.select %eq3A_1147, %broadcast_in_dim3A_1150, %broadcast_in_dim3A_1151 : vector<16xi1>, vector<16xi32>
      %add3A_1153 = arith.addi %add3A_1143, %select_n3A_1152 : vector<16xi32>
      %slice3A_1154 = vector.extract_strided_slice %add3A_1082 {offsets = [7], sizes = [1], strides = [1]} : vector<16xi32> to vector<1xi32>
      %squeeze3A_1155 = vector.extract %slice3A_1154[0] : i32 from vector<1xi32>
      %eq3A_1156 = vector.broadcast %squeeze3A_1155 : i32 to vector<16xi32>
      %eq3A_1157 = arith.cmpi eq, %iota3A, %eq3A_1156 : vector<16xi32>
      %jit3A_1158 = arith.constant 7 : i32
      %jit3A_1159 = arith.constant 0 : i32
      %broadcast_in_dim3A_1160 = vector.broadcast %jit3A_1158 : i32 to vector<16xi32>
      %broadcast_in_dim3A_1161 = vector.broadcast %jit3A_1159 : i32 to vector<16xi32>
      %select_n3A_1162 = arith.select %eq3A_1157, %broadcast_in_dim3A_1160, %broadcast_in_dim3A_1161 : vector<16xi1>, vector<16xi32>
      %add3A_1163 = arith.addi %add3A_1153, %select_n3A_1162 : vector<16xi32>
      %slice3A_1164 = vector.extract_strided_slice %add3A_1082 {offsets = [8], sizes = [1], strides = [1]} : vector<16xi32> to vector<1xi32>
      %squeeze3A_1165 = vector.extract %slice3A_1164[0] : i32 from vector<1xi32>
      %eq3A_1166 = vector.broadcast %squeeze3A_1165 : i32 to vector<16xi32>
      %eq3A_1167 = arith.cmpi eq, %iota3A, %eq3A_1166 : vector<16xi32>
      %jit3A_1168 = arith.constant 8 : i32
      %jit3A_1169 = arith.constant 0 : i32
      %broadcast_in_dim3A_1170 = vector.broadcast %jit3A_1168 : i32 to vector<16xi32>
      %broadcast_in_dim3A_1171 = vector.broadcast %jit3A_1169 : i32 to vector<16xi32>
      %select_n3A_1172 = arith.select %eq3A_1167, %broadcast_in_dim3A_1170, %broadcast_in_dim3A_1171 : vector<16xi1>, vector<16xi32>
      %add3A_1173 = arith.addi %add3A_1163, %select_n3A_1172 : vector<16xi32>
      %slice3A_1174 = vector.extract_strided_slice %add3A_1082 {offsets = [9], sizes = [1], strides = [1]} : vector<16xi32> to vector<1xi32>
      %squeeze3A_1175 = vector.extract %slice3A_1174[0] : i32 from vector<1xi32>
      %eq3A_1176 = vector.broadcast %squeeze3A_1175 : i32 to vector<16xi32>
      %eq3A_1177 = arith.cmpi eq, %iota3A, %eq3A_1176 : vector<16xi32>
      %jit3A_1178 = arith.constant 9 : i32
      %jit3A_1179 = arith.constant 0 : i32
      %broadcast_in_dim3A_1180 = vector.broadcast %jit3A_1178 : i32 to vector<16xi32>
      %broadcast_in_dim3A_1181 = vector.broadcast %jit3A_1179 : i32 to vector<16xi32>
      %select_n3A_1182 = arith.select %eq3A_1177, %broadcast_in_dim3A_1180, %broadcast_in_dim3A_1181 : vector<16xi1>, vector<16xi32>
      %add3A_1183 = arith.addi %add3A_1173, %select_n3A_1182 : vector<16xi32>
      %slice3A_1184 = vector.extract_strided_slice %add3A_1082 {offsets = [10], sizes = [1], strides = [1]} : vector<16xi32> to vector<1xi32>
      %squeeze3A_1185 = vector.extract %slice3A_1184[0] : i32 from vector<1xi32>
      %eq3A_1186 = vector.broadcast %squeeze3A_1185 : i32 to vector<16xi32>
      %eq3A_1187 = arith.cmpi eq, %iota3A, %eq3A_1186 : vector<16xi32>
      %jit3A_1188 = arith.constant 10 : i32
      %jit3A_1189 = arith.constant 0 : i32
      %broadcast_in_dim3A_1190 = vector.broadcast %jit3A_1188 : i32 to vector<16xi32>
      %broadcast_in_dim3A_1191 = vector.broadcast %jit3A_1189 : i32 to vector<16xi32>
      %select_n3A_1192 = arith.select %eq3A_1187, %broadcast_in_dim3A_1190, %broadcast_in_dim3A_1191 : vector<16xi1>, vector<16xi32>
      %add3A_1193 = arith.addi %add3A_1183, %select_n3A_1192 : vector<16xi32>
      %slice3A_1194 = vector.extract_strided_slice %add3A_1082 {offsets = [11], sizes = [1], strides = [1]} : vector<16xi32> to vector<1xi32>
      %squeeze3A_1195 = vector.extract %slice3A_1194[0] : i32 from vector<1xi32>
      %eq3A_1196 = vector.broadcast %squeeze3A_1195 : i32 to vector<16xi32>
      %eq3A_1197 = arith.cmpi eq, %iota3A, %eq3A_1196 : vector<16xi32>
      %jit3A_1198 = arith.constant 11 : i32
      %jit3A_1199 = arith.constant 0 : i32
      %broadcast_in_dim3A_1200 = vector.broadcast %jit3A_1198 : i32 to vector<16xi32>
      %broadcast_in_dim3A_1201 = vector.broadcast %jit3A_1199 : i32 to vector<16xi32>
      %select_n3A_1202 = arith.select %eq3A_1197, %broadcast_in_dim3A_1200, %broadcast_in_dim3A_1201 : vector<16xi1>, vector<16xi32>
      %add3A_1203 = arith.addi %add3A_1193, %select_n3A_1202 : vector<16xi32>
      %slice3A_1204 = vector.extract_strided_slice %add3A_1082 {offsets = [12], sizes = [1], strides = [1]} : vector<16xi32> to vector<1xi32>
      %squeeze3A_1205 = vector.extract %slice3A_1204[0] : i32 from vector<1xi32>
      %eq3A_1206 = vector.broadcast %squeeze3A_1205 : i32 to vector<16xi32>
      %eq3A_1207 = arith.cmpi eq, %iota3A, %eq3A_1206 : vector<16xi32>
      %jit3A_1208 = arith.constant 12 : i32
      %jit3A_1209 = arith.constant 0 : i32
      %broadcast_in_dim3A_1210 = vector.broadcast %jit3A_1208 : i32 to vector<16xi32>
      %broadcast_in_dim3A_1211 = vector.broadcast %jit3A_1209 : i32 to vector<16xi32>
      %select_n3A_1212 = arith.select %eq3A_1207, %broadcast_in_dim3A_1210, %broadcast_in_dim3A_1211 : vector<16xi1>, vector<16xi32>
      %add3A_1213 = arith.addi %add3A_1203, %select_n3A_1212 : vector<16xi32>
      %slice3A_1214 = vector.extract_strided_slice %add3A_1082 {offsets = [13], sizes = [1], strides = [1]} : vector<16xi32> to vector<1xi32>
      %squeeze3A_1215 = vector.extract %slice3A_1214[0] : i32 from vector<1xi32>
      %eq3A_1216 = vector.broadcast %squeeze3A_1215 : i32 to vector<16xi32>
      %eq3A_1217 = arith.cmpi eq, %iota3A, %eq3A_1216 : vector<16xi32>
      %jit3A_1218 = arith.constant 13 : i32
      %jit3A_1219 = arith.constant 0 : i32
      %broadcast_in_dim3A_1220 = vector.broadcast %jit3A_1218 : i32 to vector<16xi32>
      %broadcast_in_dim3A_1221 = vector.broadcast %jit3A_1219 : i32 to vector<16xi32>
      %select_n3A_1222 = arith.select %eq3A_1217, %broadcast_in_dim3A_1220, %broadcast_in_dim3A_1221 : vector<16xi1>, vector<16xi32>
      %add3A_1223 = arith.addi %add3A_1213, %select_n3A_1222 : vector<16xi32>
      %slice3A_1224 = vector.extract_strided_slice %add3A_1082 {offsets = [14], sizes = [1], strides = [1]} : vector<16xi32> to vector<1xi32>
      %squeeze3A_1225 = vector.extract %slice3A_1224[0] : i32 from vector<1xi32>
      %eq3A_1226 = vector.broadcast %squeeze3A_1225 : i32 to vector<16xi32>
      %eq3A_1227 = arith.cmpi eq, %iota3A, %eq3A_1226 : vector<16xi32>
      %jit3A_1228 = arith.constant 14 : i32
      %jit3A_1229 = arith.constant 0 : i32
      %broadcast_in_dim3A_1230 = vector.broadcast %jit3A_1228 : i32 to vector<16xi32>
      %broadcast_in_dim3A_1231 = vector.broadcast %jit3A_1229 : i32 to vector<16xi32>
      %select_n3A_1232 = arith.select %eq3A_1227, %broadcast_in_dim3A_1230, %broadcast_in_dim3A_1231 : vector<16xi1>, vector<16xi32>
      %add3A_1233 = arith.addi %add3A_1223, %select_n3A_1232 : vector<16xi32>
      %slice3A_1234 = vector.extract_strided_slice %add3A_1082 {offsets = [15], sizes = [1], strides = [1]} : vector<16xi32> to vector<1xi32>
      %squeeze3A_1235 = vector.extract %slice3A_1234[0] : i32 from vector<1xi32>
      %eq3A_1236 = vector.broadcast %squeeze3A_1235 : i32 to vector<16xi32>
      %eq3A_1237 = arith.cmpi eq, %iota3A, %eq3A_1236 : vector<16xi32>
      %jit3A_1238 = arith.constant 15 : i32
      %jit3A_1239 = arith.constant 0 : i32
      %broadcast_in_dim3A_1240 = vector.broadcast %jit3A_1238 : i32 to vector<16xi32>
      %broadcast_in_dim3A_1241 = vector.broadcast %jit3A_1239 : i32 to vector<16xi32>
      %select_n3A_1242 = arith.select %eq3A_1237, %broadcast_in_dim3A_1240, %broadcast_in_dim3A_1241 : vector<16xi1>, vector<16xi32>
      %add3A_1243 = arith.addi %add3A_1233, %select_n3A_1242 : vector<16xi32>
      %lt3A_1244 = arith.constant 0 : i32
      %lt3A_1245 = vector.broadcast %lt3A_1244 : i32 to vector<16xi32>
      %lt3A_1246 = arith.cmpi slt, %add3A_1243, %lt3A_1245 : vector<16xi32>
      %add3A_1247 = arith.constant 16 : i32
      %add3A_1248 = vector.broadcast %add3A_1247 : i32 to vector<16xi32>
      %add3A_1249 = arith.addi %add3A_1243, %add3A_1248 : vector<16xi32>
      %select_n3A_1250 = arith.select %lt3A_1246, %add3A_1249, %add3A_1243 : vector<16xi1>, vector<16xi32>
      %broadcast_in_dim3A_1251 = vector.shape_cast %select_n3A_1250 : vector<16xi32> to vector<16x1xi32>
      %gather3A_1252 = vector.shape_cast %broadcast_in_dim3A_1251 : vector<16x1xi32> to vector<16xi32>
      %gather3A_1253 = tpu.dynamic_gather %sub3A_908[%gather3A_1252] in [0] : vector<16xi32>, vector<16xi32> -> vector<16xi32>
      %lt3A_1254 = arith.constant 0 : i32
      %lt3A_1255 = vector.broadcast %lt3A_1254 : i32 to vector<16xi32>
      %lt3A_1256 = arith.cmpi slt, %add3A_1243, %lt3A_1255 : vector<16xi32>
      %add3A_1257 = arith.constant 16 : i32
      %add3A_1258 = vector.broadcast %add3A_1257 : i32 to vector<16xi32>
      %add3A_1259 = arith.addi %add3A_1243, %add3A_1258 : vector<16xi32>
      %select_n3A_1260 = arith.select %lt3A_1256, %add3A_1259, %add3A_1243 : vector<16xi1>, vector<16xi32>
      %broadcast_in_dim3A_1261 = vector.shape_cast %select_n3A_1260 : vector<16xi32> to vector<16x1xi32>
      %gather3A_1262 = vector.shape_cast %broadcast_in_dim3A_1261 : vector<16x1xi32> to vector<16xi32>
      %gather3A_1263 = tpu.dynamic_gather %add3A_845[%gather3A_1262] in [0] : vector<16xi32>, vector<16xi32> -> vector<16xi32>
      %add3A_1264 = vector.broadcast %and3A_1041 : i32 to vector<16xi32>
      %add3A_1265 = arith.addi %scan3A_820, %add3A_1264 : vector<16xi32>
      %sub3A_1266 = arith.subi %iota3A, %scan3A_820 : vector<16xi32>
      %ge3A_1267 = arith.constant 0 : i32
      %ge3A_1268 = vector.broadcast %ge3A_1267 : i32 to vector<16xi32>
      %ge3A_1269 = arith.cmpi sge, %sub3A_1266, %ge3A_1268 : vector<16xi32>
      %jit3A_1270 = arith.constant 1 : i32
      %jit3A_1271 = arith.constant 0 : i32
      %broadcast_in_dim3A_1272 = vector.broadcast %jit3A_1270 : i32 to vector<16xi32>
      %broadcast_in_dim3A_1273 = vector.broadcast %jit3A_1271 : i32 to vector<16xi32>
      %select_n3A_1274 = arith.select %ge3A_1269, %broadcast_in_dim3A_1272, %broadcast_in_dim3A_1273 : vector<16xi1>, vector<16xi32>
      %sub3A_1275 = vector.broadcast %and3A_1041 : i32 to vector<16xi32>
      %sub3A_1276 = arith.subi %sub3A_1266, %sub3A_1275 : vector<16xi32>
      %lt3A_1277 = arith.constant 0 : i32
      %lt3A_1278 = vector.broadcast %lt3A_1277 : i32 to vector<16xi32>
      %lt3A_1279 = arith.cmpi slt, %sub3A_1276, %lt3A_1278 : vector<16xi32>
      %jit3A_1280 = arith.constant 1 : i32
      %jit3A_1281 = arith.constant 0 : i32
      %broadcast_in_dim3A_1282 = vector.broadcast %jit3A_1280 : i32 to vector<16xi32>
      %broadcast_in_dim3A_1283 = vector.broadcast %jit3A_1281 : i32 to vector<16xi32>
      %select_n3A_1284 = arith.select %lt3A_1279, %broadcast_in_dim3A_1282, %broadcast_in_dim3A_1283 : vector<16xi1>, vector<16xi32>
      %mul3A_1285 = arith.muli %select_n3A_1274, %select_n3A_1284 : vector<16xi32>
      %add3A_1286 = arith.constant 0 : i32
      %add3A_1287 = vector.broadcast %add3A_1286 : i32 to vector<16xi32>
      %add3A_1288 = arith.addi %sub3A_1266, %add3A_1287 : vector<16xi32>
      %and3A_1289 = arith.constant 15 : i32
      %and3A_1290 = vector.broadcast %and3A_1289 : i32 to vector<16xi32>
      %and3A_1291 = arith.andi %add3A_1288, %and3A_1290 : vector<16xi32>
      %lt3A_1292 = arith.constant 0 : i32
      %lt3A_1293 = vector.broadcast %lt3A_1292 : i32 to vector<16xi32>
      %lt3A_1294 = arith.cmpi slt, %and3A_1291, %lt3A_1293 : vector<16xi32>
      %add3A_1295 = arith.constant 16 : i32
      %add3A_1296 = vector.broadcast %add3A_1295 : i32 to vector<16xi32>
      %add3A_1297 = arith.addi %and3A_1291, %add3A_1296 : vector<16xi32>
      %select_n3A_1298 = arith.select %lt3A_1294, %add3A_1297, %and3A_1291 : vector<16xi1>, vector<16xi32>
      %broadcast_in_dim3A_1299 = vector.shape_cast %select_n3A_1298 : vector<16xi32> to vector<16x1xi32>
      %gather3A_1300 = vector.shape_cast %broadcast_in_dim3A_1299 : vector<16x1xi32> to vector<16xi32>
      %gather3A_1301 = tpu.dynamic_gather %gather3A_1253[%gather3A_1300] in [0] : vector<16xi32>, vector<16xi32> -> vector<16xi32>
      %sub3A_1302 = arith.subi %gather3A_1301, %scan3A_825 : vector<16xi32>
      %mul3A_1303 = arith.muli %sub3A_1302, %mul3A_1285 : vector<16xi32>
      %add3A_1304 = arith.addi %scan3A_825, %mul3A_1303 : vector<16xi32>
      %lt3A_1305 = arith.constant 0 : i32
      %lt3A_1306 = vector.broadcast %lt3A_1305 : i32 to vector<16xi32>
      %lt3A_1307 = arith.cmpi slt, %and3A_1291, %lt3A_1306 : vector<16xi32>
      %add3A_1308 = arith.constant 16 : i32
      %add3A_1309 = vector.broadcast %add3A_1308 : i32 to vector<16xi32>
      %add3A_1310 = arith.addi %and3A_1291, %add3A_1309 : vector<16xi32>
      %select_n3A_1311 = arith.select %lt3A_1307, %add3A_1310, %and3A_1291 : vector<16xi1>, vector<16xi32>
      %broadcast_in_dim3A_1312 = vector.shape_cast %select_n3A_1311 : vector<16xi32> to vector<16x1xi32>
      %gather3A_1313 = vector.shape_cast %broadcast_in_dim3A_1312 : vector<16x1xi32> to vector<16xi32>
      %gather3A_1314 = tpu.dynamic_gather %gather3A_1263[%gather3A_1313] in [0] : vector<16xi32>, vector<16xi32> -> vector<16xi32>
      %sub3A_1315 = arith.subi %gather3A_1314, %scan3A_830 : vector<16xi32>
      %mul3A_1316 = arith.muli %sub3A_1315, %mul3A_1285 : vector<16xi32>
      %add3A_1317 = arith.addi %scan3A_830, %mul3A_1316 : vector<16xi32>
      %add3A_1318 = arith.constant 16 : i32
      %add3A_1319 = vector.broadcast %add3A_1318 : i32 to vector<16xi32>
      %add3A_1320 = arith.addi %iota3A, %add3A_1319 : vector<16xi32>
      %sub3A_1321 = arith.subi %add3A_1320, %add3A_1265 : vector<16xi32>
      %lt3A_1322 = arith.constant 0 : i32
      %lt3A_1323 = vector.broadcast %lt3A_1322 : i32 to vector<16xi32>
      %lt3A_1324 = arith.cmpi slt, %sub3A_1321, %lt3A_1323 : vector<16xi32>
      %jit3A_1325 = arith.constant 1 : i32
      %jit3A_1326 = arith.constant 0 : i32
      %broadcast_in_dim3A_1327 = vector.broadcast %jit3A_1325 : i32 to vector<16xi32>
      %broadcast_in_dim3A_1328 = vector.broadcast %jit3A_1326 : i32 to vector<16xi32>
      %select_n3A_1329 = arith.select %lt3A_1324, %broadcast_in_dim3A_1327, %broadcast_in_dim3A_1328 : vector<16xi1>, vector<16xi32>
      %add3A_1330 = arith.constant 16 : i32
      %add3A_1331 = vector.broadcast %add3A_1330 : i32 to vector<16xi32>
      %add3A_1332 = arith.addi %sub3A_1266, %add3A_1331 : vector<16xi32>
      %add3A_1333 = arith.constant 0 : i32
      %add3A_1334 = vector.broadcast %add3A_1333 : i32 to vector<16xi32>
      %add3A_1335 = arith.addi %add3A_1332, %add3A_1334 : vector<16xi32>
      %and3A_1336 = arith.constant 15 : i32
      %and3A_1337 = vector.broadcast %and3A_1336 : i32 to vector<16xi32>
      %and3A_1338 = arith.andi %add3A_1335, %and3A_1337 : vector<16xi32>
      %lt3A_1339 = arith.constant 0 : i32
      %lt3A_1340 = vector.broadcast %lt3A_1339 : i32 to vector<16xi32>
      %lt3A_1341 = arith.cmpi slt, %and3A_1338, %lt3A_1340 : vector<16xi32>
      %add3A_1342 = arith.constant 16 : i32
      %add3A_1343 = vector.broadcast %add3A_1342 : i32 to vector<16xi32>
      %add3A_1344 = arith.addi %and3A_1338, %add3A_1343 : vector<16xi32>
      %select_n3A_1345 = arith.select %lt3A_1341, %add3A_1344, %and3A_1338 : vector<16xi1>, vector<16xi32>
      %broadcast_in_dim3A_1346 = vector.shape_cast %select_n3A_1345 : vector<16xi32> to vector<16x1xi32>
      %gather3A_1347 = vector.shape_cast %broadcast_in_dim3A_1346 : vector<16x1xi32> to vector<16xi32>
      %gather3A_1348 = tpu.dynamic_gather %gather3A_1253[%gather3A_1347] in [0] : vector<16xi32>, vector<16xi32> -> vector<16xi32>
      %mul3A_1349 = arith.muli %gather3A_1348, %select_n3A_1329 : vector<16xi32>
      %lt3A_1350 = arith.constant 0 : i32
      %lt3A_1351 = vector.broadcast %lt3A_1350 : i32 to vector<16xi32>
      %lt3A_1352 = arith.cmpi slt, %and3A_1338, %lt3A_1351 : vector<16xi32>
      %add3A_1353 = arith.constant 16 : i32
      %add3A_1354 = vector.broadcast %add3A_1353 : i32 to vector<16xi32>
      %add3A_1355 = arith.addi %and3A_1338, %add3A_1354 : vector<16xi32>
      %select_n3A_1356 = arith.select %lt3A_1352, %add3A_1355, %and3A_1338 : vector<16xi1>, vector<16xi32>
      %broadcast_in_dim3A_1357 = vector.shape_cast %select_n3A_1356 : vector<16xi32> to vector<16x1xi32>
      %gather3A_1358 = vector.shape_cast %broadcast_in_dim3A_1357 : vector<16x1xi32> to vector<16xi32>
      %gather3A_1359 = tpu.dynamic_gather %gather3A_1263[%gather3A_1358] in [0] : vector<16xi32>, vector<16xi32> -> vector<16xi32>
      %mul3A_1360 = arith.muli %gather3A_1359, %select_n3A_1329 : vector<16xi32>
      %multiple_of3A_1361 = tpu.assume_multiple %scan3A_815, 16 : i32
      %swap3A_1362 = arith.index_cast %multiple_of3A_1361 : i32 to index
      %swap3A_1363 = tpu.vector_load %arg10[%swap3A_1362] {strides = array<i32>} : memref<1056xi32, #tpu.memory_space<vmem>>, vector<16xi32>,
      %swap3A_1364 = vector.shape_cast %swap3A_1363 : vector<16xi32> to vector<16xi32>
      %swap3A_1365 = vector.shape_cast %add3A_1304 : vector<16xi32> to vector<16xi32>
      tpu.vector_store %arg10[%swap3A_1362], %swap3A_1365 {strides = array<i32>} : memref<1056xi32, #tpu.memory_space<vmem>>, vector<16xi32>,
      %swap3A_1366 = arith.index_cast %multiple_of3A_1361 : i32 to index
      %swap3A_1367 = tpu.vector_load %arg15[%swap3A_1366] {strides = array<i32>} : memref<1056xi32, #tpu.memory_space<vmem>>, vector<16xi32>,
      %swap3A_1368 = vector.shape_cast %swap3A_1367 : vector<16xi32> to vector<16xi32>
      %swap3A_1369 = vector.shape_cast %add3A_1317 : vector<16xi32> to vector<16xi32>
      tpu.vector_store %arg15[%swap3A_1366], %swap3A_1369 {strides = array<i32>} : memref<1056xi32, #tpu.memory_space<vmem>>, vector<16xi32>,
      %shift_right_arithmetic3A_1370 = arith.constant 4 : i32
      %shift_right_arithmetic3A_1371 = vector.broadcast %shift_right_arithmetic3A_1370 : i32 to vector<16xi32>
      %shift_right_arithmetic3A_1372 = arith.shrsi %add3A_1265, %shift_right_arithmetic3A_1371 : vector<16xi32>
      %add3A_1373 = arith.addi %add3A_1265, %iota3A : vector<16xi32>
      %slice3A_1374 = vector.extract_strided_slice %add3A_1373 {offsets = [0], sizes = [1], strides = [1]} : vector<16xi32> to vector<1xi32>
      %squeeze3A_1375 = vector.extract %slice3A_1374[0] : i32 from vector<1xi32>
      %shift_right_arithmetic3A_1376 = arith.constant 4 : i32
      %shift_right_arithmetic3A_1377 = arith.shrsi %squeeze3A_1375, %shift_right_arithmetic3A_1376 : i32
      %mul3A_1378 = arith.constant 16 : i32
      %mul3A_1379 = arith.muli %shift_right_arithmetic3A_1377, %mul3A_1378 : i32
      %add3A_1380 = arith.addi %scan3A_815, %mul3A_1379 : i32
      %mul3A_1381 = arith.constant 16 : i32
      %mul3A_1382 = vector.broadcast %mul3A_1381 : i32 to vector<16xi32>
      %mul3A_1383 = arith.muli %shift_right_arithmetic3A_1372, %mul3A_1382 : vector<16xi32>
      %sub3A_1384 = arith.subi %add3A_1265, %mul3A_1383 : vector<16xi32>
      %sub3A_1385 = arith.subi %mul3A_1349, %add3A_1304 : vector<16xi32>
      %mul3A_1386 = arith.muli %sub3A_1385, %shift_right_arithmetic3A_1372 : vector<16xi32>
      %add3A_1387 = arith.addi %add3A_1304, %mul3A_1386 : vector<16xi32>
      %sub3A_1388 = arith.subi %mul3A_1360, %add3A_1317 : vector<16xi32>
      %mul3A_1389 = arith.muli %sub3A_1388, %shift_right_arithmetic3A_1372 : vector<16xi32>
      %add3A_1390 = arith.addi %add3A_1317, %mul3A_1389 : vector<16xi32>
      %add3A_1391 = vector.broadcast %and3A_1045 : i32 to vector<16xi32>
      %add3A_1392 = arith.addi %scan3A_821, %add3A_1391 : vector<16xi32>
      %sub3A_1393 = arith.subi %iota3A, %scan3A_821 : vector<16xi32>
      %ge3A_1394 = arith.constant 0 : i32
      %ge3A_1395 = vector.broadcast %ge3A_1394 : i32 to vector<16xi32>
      %ge3A_1396 = arith.cmpi sge, %sub3A_1393, %ge3A_1395 : vector<16xi32>
      %jit3A_1397 = arith.constant 1 : i32
      %jit3A_1398 = arith.constant 0 : i32
      %broadcast_in_dim3A_1399 = vector.broadcast %jit3A_1397 : i32 to vector<16xi32>
      %broadcast_in_dim3A_1400 = vector.broadcast %jit3A_1398 : i32 to vector<16xi32>
      %select_n3A_1401 = arith.select %ge3A_1396, %broadcast_in_dim3A_1399, %broadcast_in_dim3A_1400 : vector<16xi1>, vector<16xi32>
      %sub3A_1402 = vector.broadcast %and3A_1045 : i32 to vector<16xi32>
      %sub3A_1403 = arith.subi %sub3A_1393, %sub3A_1402 : vector<16xi32>
      %lt3A_1404 = arith.constant 0 : i32
      %lt3A_1405 = vector.broadcast %lt3A_1404 : i32 to vector<16xi32>
      %lt3A_1406 = arith.cmpi slt, %sub3A_1403, %lt3A_1405 : vector<16xi32>
      %jit3A_1407 = arith.constant 1 : i32
      %jit3A_1408 = arith.constant 0 : i32
      %broadcast_in_dim3A_1409 = vector.broadcast %jit3A_1407 : i32 to vector<16xi32>
      %broadcast_in_dim3A_1410 = vector.broadcast %jit3A_1408 : i32 to vector<16xi32>
      %select_n3A_1411 = arith.select %lt3A_1406, %broadcast_in_dim3A_1409, %broadcast_in_dim3A_1410 : vector<16xi1>, vector<16xi32>
      %mul3A_1412 = arith.muli %select_n3A_1401, %select_n3A_1411 : vector<16xi32>
      %add3A_1413 = vector.broadcast %add3A_1059 : i32 to vector<16xi32>
      %add3A_1414 = arith.addi %sub3A_1393, %add3A_1413 : vector<16xi32>
      %and3A_1415 = arith.constant 15 : i32
      %and3A_1416 = vector.broadcast %and3A_1415 : i32 to vector<16xi32>
      %and3A_1417 = arith.andi %add3A_1414, %and3A_1416 : vector<16xi32>
      %lt3A_1418 = arith.constant 0 : i32
      %lt3A_1419 = vector.broadcast %lt3A_1418 : i32 to vector<16xi32>
      %lt3A_1420 = arith.cmpi slt, %and3A_1417, %lt3A_1419 : vector<16xi32>
      %add3A_1421 = arith.constant 16 : i32
      %add3A_1422 = vector.broadcast %add3A_1421 : i32 to vector<16xi32>
      %add3A_1423 = arith.addi %and3A_1417, %add3A_1422 : vector<16xi32>
      %select_n3A_1424 = arith.select %lt3A_1420, %add3A_1423, %and3A_1417 : vector<16xi1>, vector<16xi32>
      %broadcast_in_dim3A_1425 = vector.shape_cast %select_n3A_1424 : vector<16xi32> to vector<16x1xi32>
      %gather3A_1426 = vector.shape_cast %broadcast_in_dim3A_1425 : vector<16x1xi32> to vector<16xi32>
      %gather3A_1427 = tpu.dynamic_gather %gather3A_1253[%gather3A_1426] in [0] : vector<16xi32>, vector<16xi32> -> vector<16xi32>
      %sub3A_1428 = arith.subi %gather3A_1427, %scan3A_826 : vector<16xi32>
      %mul3A_1429 = arith.muli %sub3A_1428, %mul3A_1412 : vector<16xi32>
      %add3A_1430 = arith.addi %scan3A_826, %mul3A_1429 : vector<16xi32>
      %lt3A_1431 = arith.constant 0 : i32
      %lt3A_1432 = vector.broadcast %lt3A_1431 : i32 to vector<16xi32>
      %lt3A_1433 = arith.cmpi slt, %and3A_1417, %lt3A_1432 : vector<16xi32>
      %add3A_1434 = arith.constant 16 : i32
      %add3A_1435 = vector.broadcast %add3A_1434 : i32 to vector<16xi32>
      %add3A_1436 = arith.addi %and3A_1417, %add3A_1435 : vector<16xi32>
      %select_n3A_1437 = arith.select %lt3A_1433, %add3A_1436, %and3A_1417 : vector<16xi1>, vector<16xi32>
      %broadcast_in_dim3A_1438 = vector.shape_cast %select_n3A_1437 : vector<16xi32> to vector<16x1xi32>
      %gather3A_1439 = vector.shape_cast %broadcast_in_dim3A_1438 : vector<16x1xi32> to vector<16xi32>
      %gather3A_1440 = tpu.dynamic_gather %gather3A_1263[%gather3A_1439] in [0] : vector<16xi32>, vector<16xi32> -> vector<16xi32>
      %sub3A_1441 = arith.subi %gather3A_1440, %scan3A_831 : vector<16xi32>
      %mul3A_1442 = arith.muli %sub3A_1441, %mul3A_1412 : vector<16xi32>
      %add3A_1443 = arith.addi %scan3A_831, %mul3A_1442 : vector<16xi32>
      %add3A_1444 = arith.constant 16 : i32
      %add3A_1445 = vector.broadcast %add3A_1444 : i32 to vector<16xi32>
      %add3A_1446 = arith.addi %iota3A, %add3A_1445 : vector<16xi32>
      %sub3A_1447 = arith.subi %add3A_1446, %add3A_1392 : vector<16xi32>
      %lt3A_1448 = arith.constant 0 : i32
      %lt3A_1449 = vector.broadcast %lt3A_1448 : i32 to vector<16xi32>
      %lt3A_1450 = arith.cmpi slt, %sub3A_1447, %lt3A_1449 : vector<16xi32>
      %jit3A_1451 = arith.constant 1 : i32
      %jit3A_1452 = arith.constant 0 : i32
      %broadcast_in_dim3A_1453 = vector.broadcast %jit3A_1451 : i32 to vector<16xi32>
      %broadcast_in_dim3A_1454 = vector.broadcast %jit3A_1452 : i32 to vector<16xi32>
      %select_n3A_1455 = arith.select %lt3A_1450, %broadcast_in_dim3A_1453, %broadcast_in_dim3A_1454 : vector<16xi1>, vector<16xi32>
      %add3A_1456 = arith.constant 16 : i32
      %add3A_1457 = vector.broadcast %add3A_1456 : i32 to vector<16xi32>
      %add3A_1458 = arith.addi %sub3A_1393, %add3A_1457 : vector<16xi32>
      %add3A_1459 = vector.broadcast %add3A_1059 : i32 to vector<16xi32>
      %add3A_1460 = arith.addi %add3A_1458, %add3A_1459 : vector<16xi32>
      %and3A_1461 = arith.constant 15 : i32
      %and3A_1462 = vector.broadcast %and3A_1461 : i32 to vector<16xi32>
      %and3A_1463 = arith.andi %add3A_1460, %and3A_1462 : vector<16xi32>
      %lt3A_1464 = arith.constant 0 : i32
      %lt3A_1465 = vector.broadcast %lt3A_1464 : i32 to vector<16xi32>
      %lt3A_1466 = arith.cmpi slt, %and3A_1463, %lt3A_1465 : vector<16xi32>
      %add3A_1467 = arith.constant 16 : i32
      %add3A_1468 = vector.broadcast %add3A_1467 : i32 to vector<16xi32>
      %add3A_1469 = arith.addi %and3A_1463, %add3A_1468 : vector<16xi32>
      %select_n3A_1470 = arith.select %lt3A_1466, %add3A_1469, %and3A_1463 : vector<16xi1>, vector<16xi32>
      %broadcast_in_dim3A_1471 = vector.shape_cast %select_n3A_1470 : vector<16xi32> to vector<16x1xi32>
      %gather3A_1472 = vector.shape_cast %broadcast_in_dim3A_1471 : vector<16x1xi32> to vector<16xi32>
      %gather3A_1473 = tpu.dynamic_gather %gather3A_1253[%gather3A_1472] in [0] : vector<16xi32>, vector<16xi32> -> vector<16xi32>
      %mul3A_1474 = arith.muli %gather3A_1473, %select_n3A_1455 : vector<16xi32>
      %lt3A_1475 = arith.constant 0 : i32
      %lt3A_1476 = vector.broadcast %lt3A_1475 : i32 to vector<16xi32>
      %lt3A_1477 = arith.cmpi slt, %and3A_1463, %lt3A_1476 : vector<16xi32>
      %add3A_1478 = arith.constant 16 : i32
      %add3A_1479 = vector.broadcast %add3A_1478 : i32 to vector<16xi32>
      %add3A_1480 = arith.addi %and3A_1463, %add3A_1479 : vector<16xi32>
      %select_n3A_1481 = arith.select %lt3A_1477, %add3A_1480, %and3A_1463 : vector<16xi1>, vector<16xi32>
      %broadcast_in_dim3A_1482 = vector.shape_cast %select_n3A_1481 : vector<16xi32> to vector<16x1xi32>
      %gather3A_1483 = vector.shape_cast %broadcast_in_dim3A_1482 : vector<16x1xi32> to vector<16xi32>
      %gather3A_1484 = tpu.dynamic_gather %gather3A_1263[%gather3A_1483] in [0] : vector<16xi32>, vector<16xi32> -> vector<16xi32>
      %mul3A_1485 = arith.muli %gather3A_1484, %select_n3A_1455 : vector<16xi32>
      %multiple_of3A_1486 = tpu.assume_multiple %scan3A_816, 16 : i32
      %swap3A_1487 = arith.index_cast %multiple_of3A_1486 : i32 to index
      %swap3A_1488 = tpu.vector_load %arg11[%swap3A_1487] {strides = array<i32>} : memref<1056xi32, #tpu.memory_space<vmem>>, vector<16xi32>,
      %swap3A_1489 = vector.shape_cast %swap3A_1488 : vector<16xi32> to vector<16xi32>
      %swap3A_1490 = vector.shape_cast %add3A_1430 : vector<16xi32> to vector<16xi32>
      tpu.vector_store %arg11[%swap3A_1487], %swap3A_1490 {strides = array<i32>} : memref<1056xi32, #tpu.memory_space<vmem>>, vector<16xi32>,
      %swap3A_1491 = arith.index_cast %multiple_of3A_1486 : i32 to index
      %swap3A_1492 = tpu.vector_load %arg16[%swap3A_1491] {strides = array<i32>} : memref<1056xi32, #tpu.memory_space<vmem>>, vector<16xi32>,
      %swap3A_1493 = vector.shape_cast %swap3A_1492 : vector<16xi32> to vector<16xi32>
      %swap3A_1494 = vector.shape_cast %add3A_1443 : vector<16xi32> to vector<16xi32>
      tpu.vector_store %arg16[%swap3A_1491], %swap3A_1494 {strides = array<i32>} : memref<1056xi32, #tpu.memory_space<vmem>>, vector<16xi32>,
      %shift_right_arithmetic3A_1495 = arith.constant 4 : i32
      %shift_right_arithmetic3A_1496 = vector.broadcast %shift_right_arithmetic3A_1495 : i32 to vector<16xi32>
      %shift_right_arithmetic3A_1497 = arith.shrsi %add3A_1392, %shift_right_arithmetic3A_1496 : vector<16xi32>
      %add3A_1498 = arith.addi %add3A_1392, %iota3A : vector<16xi32>
      %slice3A_1499 = vector.extract_strided_slice %add3A_1498 {offsets = [0], sizes = [1], strides = [1]} : vector<16xi32> to vector<1xi32>
      %squeeze3A_1500 = vector.extract %slice3A_1499[0] : i32 from vector<1xi32>
      %shift_right_arithmetic3A_1501 = arith.constant 4 : i32
      %shift_right_arithmetic3A_1502 = arith.shrsi %squeeze3A_1500, %shift_right_arithmetic3A_1501 : i32
      %mul3A_1503 = arith.constant 16 : i32
      %mul3A_1504 = arith.muli %shift_right_arithmetic3A_1502, %mul3A_1503 : i32
      %add3A_1505 = arith.addi %scan3A_816, %mul3A_1504 : i32
      %mul3A_1506 = arith.constant 16 : i32
      %mul3A_1507 = vector.broadcast %mul3A_1506 : i32 to vector<16xi32>
      %mul3A_1508 = arith.muli %shift_right_arithmetic3A_1497, %mul3A_1507 : vector<16xi32>
      %sub3A_1509 = arith.subi %add3A_1392, %mul3A_1508 : vector<16xi32>
      %sub3A_1510 = arith.subi %mul3A_1474, %add3A_1430 : vector<16xi32>
      %mul3A_1511 = arith.muli %sub3A_1510, %shift_right_arithmetic3A_1497 : vector<16xi32>
      %add3A_1512 = arith.addi %add3A_1430, %mul3A_1511 : vector<16xi32>
      %sub3A_1513 = arith.subi %mul3A_1485, %add3A_1443 : vector<16xi32>
      %mul3A_1514 = arith.muli %sub3A_1513, %shift_right_arithmetic3A_1497 : vector<16xi32>
      %add3A_1515 = arith.addi %add3A_1443, %mul3A_1514 : vector<16xi32>
      %add3A_1516 = vector.broadcast %and3A_1049 : i32 to vector<16xi32>
      %add3A_1517 = arith.addi %scan3A_822, %add3A_1516 : vector<16xi32>
      %sub3A_1518 = arith.subi %iota3A, %scan3A_822 : vector<16xi32>
      %ge3A_1519 = arith.constant 0 : i32
      %ge3A_1520 = vector.broadcast %ge3A_1519 : i32 to vector<16xi32>
      %ge3A_1521 = arith.cmpi sge, %sub3A_1518, %ge3A_1520 : vector<16xi32>
      %jit3A_1522 = arith.constant 1 : i32
      %jit3A_1523 = arith.constant 0 : i32
      %broadcast_in_dim3A_1524 = vector.broadcast %jit3A_1522 : i32 to vector<16xi32>
      %broadcast_in_dim3A_1525 = vector.broadcast %jit3A_1523 : i32 to vector<16xi32>
      %select_n3A_1526 = arith.select %ge3A_1521, %broadcast_in_dim3A_1524, %broadcast_in_dim3A_1525 : vector<16xi1>, vector<16xi32>
      %sub3A_1527 = vector.broadcast %and3A_1049 : i32 to vector<16xi32>
      %sub3A_1528 = arith.subi %sub3A_1518, %sub3A_1527 : vector<16xi32>
      %lt3A_1529 = arith.constant 0 : i32
      %lt3A_1530 = vector.broadcast %lt3A_1529 : i32 to vector<16xi32>
      %lt3A_1531 = arith.cmpi slt, %sub3A_1528, %lt3A_1530 : vector<16xi32>
      %jit3A_1532 = arith.constant 1 : i32
      %jit3A_1533 = arith.constant 0 : i32
      %broadcast_in_dim3A_1534 = vector.broadcast %jit3A_1532 : i32 to vector<16xi32>
      %broadcast_in_dim3A_1535 = vector.broadcast %jit3A_1533 : i32 to vector<16xi32>
      %select_n3A_1536 = arith.select %lt3A_1531, %broadcast_in_dim3A_1534, %broadcast_in_dim3A_1535 : vector<16xi1>, vector<16xi32>
      %mul3A_1537 = arith.muli %select_n3A_1526, %select_n3A_1536 : vector<16xi32>
      %add3A_1538 = vector.broadcast %add3A_1060 : i32 to vector<16xi32>
      %add3A_1539 = arith.addi %sub3A_1518, %add3A_1538 : vector<16xi32>
      %and3A_1540 = arith.constant 15 : i32
      %and3A_1541 = vector.broadcast %and3A_1540 : i32 to vector<16xi32>
      %and3A_1542 = arith.andi %add3A_1539, %and3A_1541 : vector<16xi32>
      %lt3A_1543 = arith.constant 0 : i32
      %lt3A_1544 = vector.broadcast %lt3A_1543 : i32 to vector<16xi32>
      %lt3A_1545 = arith.cmpi slt, %and3A_1542, %lt3A_1544 : vector<16xi32>
      %add3A_1546 = arith.constant 16 : i32
      %add3A_1547 = vector.broadcast %add3A_1546 : i32 to vector<16xi32>
      %add3A_1548 = arith.addi %and3A_1542, %add3A_1547 : vector<16xi32>
      %select_n3A_1549 = arith.select %lt3A_1545, %add3A_1548, %and3A_1542 : vector<16xi1>, vector<16xi32>
      %broadcast_in_dim3A_1550 = vector.shape_cast %select_n3A_1549 : vector<16xi32> to vector<16x1xi32>
      %gather3A_1551 = vector.shape_cast %broadcast_in_dim3A_1550 : vector<16x1xi32> to vector<16xi32>
      %gather3A_1552 = tpu.dynamic_gather %gather3A_1253[%gather3A_1551] in [0] : vector<16xi32>, vector<16xi32> -> vector<16xi32>
      %sub3A_1553 = arith.subi %gather3A_1552, %scan3A_827 : vector<16xi32>
      %mul3A_1554 = arith.muli %sub3A_1553, %mul3A_1537 : vector<16xi32>
      %add3A_1555 = arith.addi %scan3A_827, %mul3A_1554 : vector<16xi32>
      %lt3A_1556 = arith.constant 0 : i32
      %lt3A_1557 = vector.broadcast %lt3A_1556 : i32 to vector<16xi32>
      %lt3A_1558 = arith.cmpi slt, %and3A_1542, %lt3A_1557 : vector<16xi32>
      %add3A_1559 = arith.constant 16 : i32
      %add3A_1560 = vector.broadcast %add3A_1559 : i32 to vector<16xi32>
      %add3A_1561 = arith.addi %and3A_1542, %add3A_1560 : vector<16xi32>
      %select_n3A_1562 = arith.select %lt3A_1558, %add3A_1561, %and3A_1542 : vector<16xi1>, vector<16xi32>
      %broadcast_in_dim3A_1563 = vector.shape_cast %select_n3A_1562 : vector<16xi32> to vector<16x1xi32>
      %gather3A_1564 = vector.shape_cast %broadcast_in_dim3A_1563 : vector<16x1xi32> to vector<16xi32>
      %gather3A_1565 = tpu.dynamic_gather %gather3A_1263[%gather3A_1564] in [0] : vector<16xi32>, vector<16xi32> -> vector<16xi32>
      %sub3A_1566 = arith.subi %gather3A_1565, %scan3A_832 : vector<16xi32>
      %mul3A_1567 = arith.muli %sub3A_1566, %mul3A_1537 : vector<16xi32>
      %add3A_1568 = arith.addi %scan3A_832, %mul3A_1567 : vector<16xi32>
      %add3A_1569 = arith.constant 16 : i32
      %add3A_1570 = vector.broadcast %add3A_1569 : i32 to vector<16xi32>
      %add3A_1571 = arith.addi %iota3A, %add3A_1570 : vector<16xi32>
      %sub3A_1572 = arith.subi %add3A_1571, %add3A_1517 : vector<16xi32>
      %lt3A_1573 = arith.constant 0 : i32
      %lt3A_1574 = vector.broadcast %lt3A_1573 : i32 to vector<16xi32>
      %lt3A_1575 = arith.cmpi slt, %sub3A_1572, %lt3A_1574 : vector<16xi32>
      %jit3A_1576 = arith.constant 1 : i32
      %jit3A_1577 = arith.constant 0 : i32
      %broadcast_in_dim3A_1578 = vector.broadcast %jit3A_1576 : i32 to vector<16xi32>
      %broadcast_in_dim3A_1579 = vector.broadcast %jit3A_1577 : i32 to vector<16xi32>
      %select_n3A_1580 = arith.select %lt3A_1575, %broadcast_in_dim3A_1578, %broadcast_in_dim3A_1579 : vector<16xi1>, vector<16xi32>
      %add3A_1581 = arith.constant 16 : i32
      %add3A_1582 = vector.broadcast %add3A_1581 : i32 to vector<16xi32>
      %add3A_1583 = arith.addi %sub3A_1518, %add3A_1582 : vector<16xi32>
      %add3A_1584 = vector.broadcast %add3A_1060 : i32 to vector<16xi32>
      %add3A_1585 = arith.addi %add3A_1583, %add3A_1584 : vector<16xi32>
      %and3A_1586 = arith.constant 15 : i32
      %and3A_1587 = vector.broadcast %and3A_1586 : i32 to vector<16xi32>
      %and3A_1588 = arith.andi %add3A_1585, %and3A_1587 : vector<16xi32>
      %lt3A_1589 = arith.constant 0 : i32
      %lt3A_1590 = vector.broadcast %lt3A_1589 : i32 to vector<16xi32>
      %lt3A_1591 = arith.cmpi slt, %and3A_1588, %lt3A_1590 : vector<16xi32>
      %add3A_1592 = arith.constant 16 : i32
      %add3A_1593 = vector.broadcast %add3A_1592 : i32 to vector<16xi32>
      %add3A_1594 = arith.addi %and3A_1588, %add3A_1593 : vector<16xi32>
      %select_n3A_1595 = arith.select %lt3A_1591, %add3A_1594, %and3A_1588 : vector<16xi1>, vector<16xi32>
      %broadcast_in_dim3A_1596 = vector.shape_cast %select_n3A_1595 : vector<16xi32> to vector<16x1xi32>
      %gather3A_1597 = vector.shape_cast %broadcast_in_dim3A_1596 : vector<16x1xi32> to vector<16xi32>
      %gather3A_1598 = tpu.dynamic_gather %gather3A_1253[%gather3A_1597] in [0] : vector<16xi32>, vector<16xi32> -> vector<16xi32>
      %mul3A_1599 = arith.muli %gather3A_1598, %select_n3A_1580 : vector<16xi32>
      %lt3A_1600 = arith.constant 0 : i32
      %lt3A_1601 = vector.broadcast %lt3A_1600 : i32 to vector<16xi32>
      %lt3A_1602 = arith.cmpi slt, %and3A_1588, %lt3A_1601 : vector<16xi32>
      %add3A_1603 = arith.constant 16 : i32
      %add3A_1604 = vector.broadcast %add3A_1603 : i32 to vector<16xi32>
      %add3A_1605 = arith.addi %and3A_1588, %add3A_1604 : vector<16xi32>
      %select_n3A_1606 = arith.select %lt3A_1602, %add3A_1605, %and3A_1588 : vector<16xi1>, vector<16xi32>
      %broadcast_in_dim3A_1607 = vector.shape_cast %select_n3A_1606 : vector<16xi32> to vector<16x1xi32>
      %gather3A_1608 = vector.shape_cast %broadcast_in_dim3A_1607 : vector<16x1xi32> to vector<16xi32>
      %gather3A_1609 = tpu.dynamic_gather %gather3A_1263[%gather3A_1608] in [0] : vector<16xi32>, vector<16xi32> -> vector<16xi32>
      %mul3A_1610 = arith.muli %gather3A_1609, %select_n3A_1580 : vector<16xi32>
      %multiple_of3A_1611 = tpu.assume_multiple %scan3A_817, 16 : i32
      %swap3A_1612 = arith.index_cast %multiple_of3A_1611 : i32 to index
      %swap3A_1613 = tpu.vector_load %arg12[%swap3A_1612] {strides = array<i32>} : memref<1056xi32, #tpu.memory_space<vmem>>, vector<16xi32>,
      %swap3A_1614 = vector.shape_cast %swap3A_1613 : vector<16xi32> to vector<16xi32>
      %swap3A_1615 = vector.shape_cast %add3A_1555 : vector<16xi32> to vector<16xi32>
      tpu.vector_store %arg12[%swap3A_1612], %swap3A_1615 {strides = array<i32>} : memref<1056xi32, #tpu.memory_space<vmem>>, vector<16xi32>,
      %swap3A_1616 = arith.index_cast %multiple_of3A_1611 : i32 to index
      %swap3A_1617 = tpu.vector_load %arg17[%swap3A_1616] {strides = array<i32>} : memref<1056xi32, #tpu.memory_space<vmem>>, vector<16xi32>,
      %swap3A_1618 = vector.shape_cast %swap3A_1617 : vector<16xi32> to vector<16xi32>
      %swap3A_1619 = vector.shape_cast %add3A_1568 : vector<16xi32> to vector<16xi32>
      tpu.vector_store %arg17[%swap3A_1616], %swap3A_1619 {strides = array<i32>} : memref<1056xi32, #tpu.memory_space<vmem>>, vector<16xi32>,
      %shift_right_arithmetic3A_1620 = arith.constant 4 : i32
      %shift_right_arithmetic3A_1621 = vector.broadcast %shift_right_arithmetic3A_1620 : i32 to vector<16xi32>
      %shift_right_arithmetic3A_1622 = arith.shrsi %add3A_1517, %shift_right_arithmetic3A_1621 : vector<16xi32>
      %add3A_1623 = arith.addi %add3A_1517, %iota3A : vector<16xi32>
      %slice3A_1624 = vector.extract_strided_slice %add3A_1623 {offsets = [0], sizes = [1], strides = [1]} : vector<16xi32> to vector<1xi32>
      %squeeze3A_1625 = vector.extract %slice3A_1624[0] : i32 from vector<1xi32>
      %shift_right_arithmetic3A_1626 = arith.constant 4 : i32
      %shift_right_arithmetic3A_1627 = arith.shrsi %squeeze3A_1625, %shift_right_arithmetic3A_1626 : i32
      %mul3A_1628 = arith.constant 16 : i32
      %mul3A_1629 = arith.muli %shift_right_arithmetic3A_1627, %mul3A_1628 : i32
      %add3A_1630 = arith.addi %scan3A_817, %mul3A_1629 : i32
      %mul3A_1631 = arith.constant 16 : i32
      %mul3A_1632 = vector.broadcast %mul3A_1631 : i32 to vector<16xi32>
      %mul3A_1633 = arith.muli %shift_right_arithmetic3A_1622, %mul3A_1632 : vector<16xi32>
      %sub3A_1634 = arith.subi %add3A_1517, %mul3A_1633 : vector<16xi32>
      %sub3A_1635 = arith.subi %mul3A_1599, %add3A_1555 : vector<16xi32>
      %mul3A_1636 = arith.muli %sub3A_1635, %shift_right_arithmetic3A_1622 : vector<16xi32>
      %add3A_1637 = arith.addi %add3A_1555, %mul3A_1636 : vector<16xi32>
      %sub3A_1638 = arith.subi %mul3A_1610, %add3A_1568 : vector<16xi32>
      %mul3A_1639 = arith.muli %sub3A_1638, %shift_right_arithmetic3A_1622 : vector<16xi32>
      %add3A_1640 = arith.addi %add3A_1568, %mul3A_1639 : vector<16xi32>
      %add3A_1641 = vector.broadcast %and3A_1053 : i32 to vector<16xi32>
      %add3A_1642 = arith.addi %scan3A_823, %add3A_1641 : vector<16xi32>
      %sub3A_1643 = arith.subi %iota3A, %scan3A_823 : vector<16xi32>
      %ge3A_1644 = arith.constant 0 : i32
      %ge3A_1645 = vector.broadcast %ge3A_1644 : i32 to vector<16xi32>
      %ge3A_1646 = arith.cmpi sge, %sub3A_1643, %ge3A_1645 : vector<16xi32>
      %jit3A_1647 = arith.constant 1 : i32
      %jit3A_1648 = arith.constant 0 : i32
      %broadcast_in_dim3A_1649 = vector.broadcast %jit3A_1647 : i32 to vector<16xi32>
      %broadcast_in_dim3A_1650 = vector.broadcast %jit3A_1648 : i32 to vector<16xi32>
      %select_n3A_1651 = arith.select %ge3A_1646, %broadcast_in_dim3A_1649, %broadcast_in_dim3A_1650 : vector<16xi1>, vector<16xi32>
      %sub3A_1652 = vector.broadcast %and3A_1053 : i32 to vector<16xi32>
      %sub3A_1653 = arith.subi %sub3A_1643, %sub3A_1652 : vector<16xi32>
      %lt3A_1654 = arith.constant 0 : i32
      %lt3A_1655 = vector.broadcast %lt3A_1654 : i32 to vector<16xi32>
      %lt3A_1656 = arith.cmpi slt, %sub3A_1653, %lt3A_1655 : vector<16xi32>
      %jit3A_1657 = arith.constant 1 : i32
      %jit3A_1658 = arith.constant 0 : i32
      %broadcast_in_dim3A_1659 = vector.broadcast %jit3A_1657 : i32 to vector<16xi32>
      %broadcast_in_dim3A_1660 = vector.broadcast %jit3A_1658 : i32 to vector<16xi32>
      %select_n3A_1661 = arith.select %lt3A_1656, %broadcast_in_dim3A_1659, %broadcast_in_dim3A_1660 : vector<16xi1>, vector<16xi32>
      %mul3A_1662 = arith.muli %select_n3A_1651, %select_n3A_1661 : vector<16xi32>
      %add3A_1663 = vector.broadcast %add3A_1061 : i32 to vector<16xi32>
      %add3A_1664 = arith.addi %sub3A_1643, %add3A_1663 : vector<16xi32>
      %and3A_1665 = arith.constant 15 : i32
      %and3A_1666 = vector.broadcast %and3A_1665 : i32 to vector<16xi32>
      %and3A_1667 = arith.andi %add3A_1664, %and3A_1666 : vector<16xi32>
      %lt3A_1668 = arith.constant 0 : i32
      %lt3A_1669 = vector.broadcast %lt3A_1668 : i32 to vector<16xi32>
      %lt3A_1670 = arith.cmpi slt, %and3A_1667, %lt3A_1669 : vector<16xi32>
      %add3A_1671 = arith.constant 16 : i32
      %add3A_1672 = vector.broadcast %add3A_1671 : i32 to vector<16xi32>
      %add3A_1673 = arith.addi %and3A_1667, %add3A_1672 : vector<16xi32>
      %select_n3A_1674 = arith.select %lt3A_1670, %add3A_1673, %and3A_1667 : vector<16xi1>, vector<16xi32>
      %broadcast_in_dim3A_1675 = vector.shape_cast %select_n3A_1674 : vector<16xi32> to vector<16x1xi32>
      %gather3A_1676 = vector.shape_cast %broadcast_in_dim3A_1675 : vector<16x1xi32> to vector<16xi32>
      %gather3A_1677 = tpu.dynamic_gather %gather3A_1253[%gather3A_1676] in [0] : vector<16xi32>, vector<16xi32> -> vector<16xi32>
      %sub3A_1678 = arith.subi %gather3A_1677, %scan3A_828 : vector<16xi32>
      %mul3A_1679 = arith.muli %sub3A_1678, %mul3A_1662 : vector<16xi32>
      %add3A_1680 = arith.addi %scan3A_828, %mul3A_1679 : vector<16xi32>
      %lt3A_1681 = arith.constant 0 : i32
      %lt3A_1682 = vector.broadcast %lt3A_1681 : i32 to vector<16xi32>
      %lt3A_1683 = arith.cmpi slt, %and3A_1667, %lt3A_1682 : vector<16xi32>
      %add3A_1684 = arith.constant 16 : i32
      %add3A_1685 = vector.broadcast %add3A_1684 : i32 to vector<16xi32>
      %add3A_1686 = arith.addi %and3A_1667, %add3A_1685 : vector<16xi32>
      %select_n3A_1687 = arith.select %lt3A_1683, %add3A_1686, %and3A_1667 : vector<16xi1>, vector<16xi32>
      %broadcast_in_dim3A_1688 = vector.shape_cast %select_n3A_1687 : vector<16xi32> to vector<16x1xi32>
      %gather3A_1689 = vector.shape_cast %broadcast_in_dim3A_1688 : vector<16x1xi32> to vector<16xi32>
      %gather3A_1690 = tpu.dynamic_gather %gather3A_1263[%gather3A_1689] in [0] : vector<16xi32>, vector<16xi32> -> vector<16xi32>
      %sub3A_1691 = arith.subi %gather3A_1690, %scan3A_833 : vector<16xi32>
      %mul3A_1692 = arith.muli %sub3A_1691, %mul3A_1662 : vector<16xi32>
      %add3A_1693 = arith.addi %scan3A_833, %mul3A_1692 : vector<16xi32>
      %add3A_1694 = arith.constant 16 : i32
      %add3A_1695 = vector.broadcast %add3A_1694 : i32 to vector<16xi32>
      %add3A_1696 = arith.addi %iota3A, %add3A_1695 : vector<16xi32>
      %sub3A_1697 = arith.subi %add3A_1696, %add3A_1642 : vector<16xi32>
      %lt3A_1698 = arith.constant 0 : i32
      %lt3A_1699 = vector.broadcast %lt3A_1698 : i32 to vector<16xi32>
      %lt3A_1700 = arith.cmpi slt, %sub3A_1697, %lt3A_1699 : vector<16xi32>
      %jit3A_1701 = arith.constant 1 : i32
      %jit3A_1702 = arith.constant 0 : i32
      %broadcast_in_dim3A_1703 = vector.broadcast %jit3A_1701 : i32 to vector<16xi32>
      %broadcast_in_dim3A_1704 = vector.broadcast %jit3A_1702 : i32 to vector<16xi32>
      %select_n3A_1705 = arith.select %lt3A_1700, %broadcast_in_dim3A_1703, %broadcast_in_dim3A_1704 : vector<16xi1>, vector<16xi32>
      %add3A_1706 = arith.constant 16 : i32
      %add3A_1707 = vector.broadcast %add3A_1706 : i32 to vector<16xi32>
      %add3A_1708 = arith.addi %sub3A_1643, %add3A_1707 : vector<16xi32>
      %add3A_1709 = vector.broadcast %add3A_1061 : i32 to vector<16xi32>
      %add3A_1710 = arith.addi %add3A_1708, %add3A_1709 : vector<16xi32>
      %and3A_1711 = arith.constant 15 : i32
      %and3A_1712 = vector.broadcast %and3A_1711 : i32 to vector<16xi32>
      %and3A_1713 = arith.andi %add3A_1710, %and3A_1712 : vector<16xi32>
      %lt3A_1714 = arith.constant 0 : i32
      %lt3A_1715 = vector.broadcast %lt3A_1714 : i32 to vector<16xi32>
      %lt3A_1716 = arith.cmpi slt, %and3A_1713, %lt3A_1715 : vector<16xi32>
      %add3A_1717 = arith.constant 16 : i32
      %add3A_1718 = vector.broadcast %add3A_1717 : i32 to vector<16xi32>
      %add3A_1719 = arith.addi %and3A_1713, %add3A_1718 : vector<16xi32>
      %select_n3A_1720 = arith.select %lt3A_1716, %add3A_1719, %and3A_1713 : vector<16xi1>, vector<16xi32>
      %broadcast_in_dim3A_1721 = vector.shape_cast %select_n3A_1720 : vector<16xi32> to vector<16x1xi32>
      %gather3A_1722 = vector.shape_cast %broadcast_in_dim3A_1721 : vector<16x1xi32> to vector<16xi32>
      %gather3A_1723 = tpu.dynamic_gather %gather3A_1253[%gather3A_1722] in [0] : vector<16xi32>, vector<16xi32> -> vector<16xi32>
      %mul3A_1724 = arith.muli %gather3A_1723, %select_n3A_1705 : vector<16xi32>
      %lt3A_1725 = arith.constant 0 : i32
      %lt3A_1726 = vector.broadcast %lt3A_1725 : i32 to vector<16xi32>
      %lt3A_1727 = arith.cmpi slt, %and3A_1713, %lt3A_1726 : vector<16xi32>
      %add3A_1728 = arith.constant 16 : i32
      %add3A_1729 = vector.broadcast %add3A_1728 : i32 to vector<16xi32>
      %add3A_1730 = arith.addi %and3A_1713, %add3A_1729 : vector<16xi32>
      %select_n3A_1731 = arith.select %lt3A_1727, %add3A_1730, %and3A_1713 : vector<16xi1>, vector<16xi32>
      %broadcast_in_dim3A_1732 = vector.shape_cast %select_n3A_1731 : vector<16xi32> to vector<16x1xi32>
      %gather3A_1733 = vector.shape_cast %broadcast_in_dim3A_1732 : vector<16x1xi32> to vector<16xi32>
      %gather3A_1734 = tpu.dynamic_gather %gather3A_1263[%gather3A_1733] in [0] : vector<16xi32>, vector<16xi32> -> vector<16xi32>
      %mul3A_1735 = arith.muli %gather3A_1734, %select_n3A_1705 : vector<16xi32>
      %multiple_of3A_1736 = tpu.assume_multiple %scan3A_818, 16 : i32
      %swap3A_1737 = arith.index_cast %multiple_of3A_1736 : i32 to index
      %swap3A_1738 = tpu.vector_load %arg13[%swap3A_1737] {strides = array<i32>} : memref<1056xi32, #tpu.memory_space<vmem>>, vector<16xi32>,
      %swap3A_1739 = vector.shape_cast %swap3A_1738 : vector<16xi32> to vector<16xi32>
      %swap3A_1740 = vector.shape_cast %add3A_1680 : vector<16xi32> to vector<16xi32>
      tpu.vector_store %arg13[%swap3A_1737], %swap3A_1740 {strides = array<i32>} : memref<1056xi32, #tpu.memory_space<vmem>>, vector<16xi32>,
      %swap3A_1741 = arith.index_cast %multiple_of3A_1736 : i32 to index
      %swap3A_1742 = tpu.vector_load %arg18[%swap3A_1741] {strides = array<i32>} : memref<1056xi32, #tpu.memory_space<vmem>>, vector<16xi32>,
      %swap3A_1743 = vector.shape_cast %swap3A_1742 : vector<16xi32> to vector<16xi32>
      %swap3A_1744 = vector.shape_cast %add3A_1693 : vector<16xi32> to vector<16xi32>
      tpu.vector_store %arg18[%swap3A_1741], %swap3A_1744 {strides = array<i32>} : memref<1056xi32, #tpu.memory_space<vmem>>, vector<16xi32>,
      %shift_right_arithmetic3A_1745 = arith.constant 4 : i32
      %shift_right_arithmetic3A_1746 = vector.broadcast %shift_right_arithmetic3A_1745 : i32 to vector<16xi32>
      %shift_right_arithmetic3A_1747 = arith.shrsi %add3A_1642, %shift_right_arithmetic3A_1746 : vector<16xi32>
      %add3A_1748 = arith.addi %add3A_1642, %iota3A : vector<16xi32>
      %slice3A_1749 = vector.extract_strided_slice %add3A_1748 {offsets = [0], sizes = [1], strides = [1]} : vector<16xi32> to vector<1xi32>
      %squeeze3A_1750 = vector.extract %slice3A_1749[0] : i32 from vector<1xi32>
      %shift_right_arithmetic3A_1751 = arith.constant 4 : i32
      %shift_right_arithmetic3A_1752 = arith.shrsi %squeeze3A_1750, %shift_right_arithmetic3A_1751 : i32
      %mul3A_1753 = arith.constant 16 : i32
      %mul3A_1754 = arith.muli %shift_right_arithmetic3A_1752, %mul3A_1753 : i32
      %add3A_1755 = arith.addi %scan3A_818, %mul3A_1754 : i32
      %mul3A_1756 = arith.constant 16 : i32
      %mul3A_1757 = vector.broadcast %mul3A_1756 : i32 to vector<16xi32>
      %mul3A_1758 = arith.muli %shift_right_arithmetic3A_1747, %mul3A_1757 : vector<16xi32>
      %sub3A_1759 = arith.subi %add3A_1642, %mul3A_1758 : vector<16xi32>
      %sub3A_1760 = arith.subi %mul3A_1724, %add3A_1680 : vector<16xi32>
      %mul3A_1761 = arith.muli %sub3A_1760, %shift_right_arithmetic3A_1747 : vector<16xi32>
      %add3A_1762 = arith.addi %add3A_1680, %mul3A_1761 : vector<16xi32>
      %sub3A_1763 = arith.subi %mul3A_1735, %add3A_1693 : vector<16xi32>
      %mul3A_1764 = arith.muli %sub3A_1763, %shift_right_arithmetic3A_1747 : vector<16xi32>
      %add3A_1765 = arith.addi %add3A_1693, %mul3A_1764 : vector<16xi32>
      %add3A_1766 = vector.broadcast %and3A_1057 : i32 to vector<16xi32>
      %add3A_1767 = arith.addi %scan3A_824, %add3A_1766 : vector<16xi32>
      %sub3A_1768 = arith.subi %iota3A, %scan3A_824 : vector<16xi32>
      %ge3A_1769 = arith.constant 0 : i32
      %ge3A_1770 = vector.broadcast %ge3A_1769 : i32 to vector<16xi32>
      %ge3A_1771 = arith.cmpi sge, %sub3A_1768, %ge3A_1770 : vector<16xi32>
      %jit3A_1772 = arith.constant 1 : i32
      %jit3A_1773 = arith.constant 0 : i32
      %broadcast_in_dim3A_1774 = vector.broadcast %jit3A_1772 : i32 to vector<16xi32>
      %broadcast_in_dim3A_1775 = vector.broadcast %jit3A_1773 : i32 to vector<16xi32>
      %select_n3A_1776 = arith.select %ge3A_1771, %broadcast_in_dim3A_1774, %broadcast_in_dim3A_1775 : vector<16xi1>, vector<16xi32>
      %sub3A_1777 = vector.broadcast %and3A_1057 : i32 to vector<16xi32>
      %sub3A_1778 = arith.subi %sub3A_1768, %sub3A_1777 : vector<16xi32>
      %lt3A_1779 = arith.constant 0 : i32
      %lt3A_1780 = vector.broadcast %lt3A_1779 : i32 to vector<16xi32>
      %lt3A_1781 = arith.cmpi slt, %sub3A_1778, %lt3A_1780 : vector<16xi32>
      %jit3A_1782 = arith.constant 1 : i32
      %jit3A_1783 = arith.constant 0 : i32
      %broadcast_in_dim3A_1784 = vector.broadcast %jit3A_1782 : i32 to vector<16xi32>
      %broadcast_in_dim3A_1785 = vector.broadcast %jit3A_1783 : i32 to vector<16xi32>
      %select_n3A_1786 = arith.select %lt3A_1781, %broadcast_in_dim3A_1784, %broadcast_in_dim3A_1785 : vector<16xi1>, vector<16xi32>
      %mul3A_1787 = arith.muli %select_n3A_1776, %select_n3A_1786 : vector<16xi32>
      %add3A_1788 = vector.broadcast %add3A_1062 : i32 to vector<16xi32>
      %add3A_1789 = arith.addi %sub3A_1768, %add3A_1788 : vector<16xi32>
      %and3A_1790 = arith.constant 15 : i32
      %and3A_1791 = vector.broadcast %and3A_1790 : i32 to vector<16xi32>
      %and3A_1792 = arith.andi %add3A_1789, %and3A_1791 : vector<16xi32>
      %lt3A_1793 = arith.constant 0 : i32
      %lt3A_1794 = vector.broadcast %lt3A_1793 : i32 to vector<16xi32>
      %lt3A_1795 = arith.cmpi slt, %and3A_1792, %lt3A_1794 : vector<16xi32>
      %add3A_1796 = arith.constant 16 : i32
      %add3A_1797 = vector.broadcast %add3A_1796 : i32 to vector<16xi32>
      %add3A_1798 = arith.addi %and3A_1792, %add3A_1797 : vector<16xi32>
      %select_n3A_1799 = arith.select %lt3A_1795, %add3A_1798, %and3A_1792 : vector<16xi1>, vector<16xi32>
      %broadcast_in_dim3A_1800 = vector.shape_cast %select_n3A_1799 : vector<16xi32> to vector<16x1xi32>
      %gather3A_1801 = vector.shape_cast %broadcast_in_dim3A_1800 : vector<16x1xi32> to vector<16xi32>
      %gather3A_1802 = tpu.dynamic_gather %gather3A_1253[%gather3A_1801] in [0] : vector<16xi32>, vector<16xi32> -> vector<16xi32>
      %sub3A_1803 = arith.subi %gather3A_1802, %scan3A_829 : vector<16xi32>
      %mul3A_1804 = arith.muli %sub3A_1803, %mul3A_1787 : vector<16xi32>
      %add3A_1805 = arith.addi %scan3A_829, %mul3A_1804 : vector<16xi32>
      %lt3A_1806 = arith.constant 0 : i32
      %lt3A_1807 = vector.broadcast %lt3A_1806 : i32 to vector<16xi32>
      %lt3A_1808 = arith.cmpi slt, %and3A_1792, %lt3A_1807 : vector<16xi32>
      %add3A_1809 = arith.constant 16 : i32
      %add3A_1810 = vector.broadcast %add3A_1809 : i32 to vector<16xi32>
      %add3A_1811 = arith.addi %and3A_1792, %add3A_1810 : vector<16xi32>
      %select_n3A_1812 = arith.select %lt3A_1808, %add3A_1811, %and3A_1792 : vector<16xi1>, vector<16xi32>
      %broadcast_in_dim3A_1813 = vector.shape_cast %select_n3A_1812 : vector<16xi32> to vector<16x1xi32>
      %gather3A_1814 = vector.shape_cast %broadcast_in_dim3A_1813 : vector<16x1xi32> to vector<16xi32>
      %gather3A_1815 = tpu.dynamic_gather %gather3A_1263[%gather3A_1814] in [0] : vector<16xi32>, vector<16xi32> -> vector<16xi32>
      %sub3A_1816 = arith.subi %gather3A_1815, %scan3A_834 : vector<16xi32>
      %mul3A_1817 = arith.muli %sub3A_1816, %mul3A_1787 : vector<16xi32>
      %add3A_1818 = arith.addi %scan3A_834, %mul3A_1817 : vector<16xi32>
      %add3A_1819 = arith.constant 16 : i32
      %add3A_1820 = vector.broadcast %add3A_1819 : i32 to vector<16xi32>
      %add3A_1821 = arith.addi %iota3A, %add3A_1820 : vector<16xi32>
      %sub3A_1822 = arith.subi %add3A_1821, %add3A_1767 : vector<16xi32>
      %lt3A_1823 = arith.constant 0 : i32
      %lt3A_1824 = vector.broadcast %lt3A_1823 : i32 to vector<16xi32>
      %lt3A_1825 = arith.cmpi slt, %sub3A_1822, %lt3A_1824 : vector<16xi32>
      %jit3A_1826 = arith.constant 1 : i32
      %jit3A_1827 = arith.constant 0 : i32
      %broadcast_in_dim3A_1828 = vector.broadcast %jit3A_1826 : i32 to vector<16xi32>
      %broadcast_in_dim3A_1829 = vector.broadcast %jit3A_1827 : i32 to vector<16xi32>
      %select_n3A_1830 = arith.select %lt3A_1825, %broadcast_in_dim3A_1828, %broadcast_in_dim3A_1829 : vector<16xi1>, vector<16xi32>
      %add3A_1831 = arith.constant 16 : i32
      %add3A_1832 = vector.broadcast %add3A_1831 : i32 to vector<16xi32>
      %add3A_1833 = arith.addi %sub3A_1768, %add3A_1832 : vector<16xi32>
      %add3A_1834 = vector.broadcast %add3A_1062 : i32 to vector<16xi32>
      %add3A_1835 = arith.addi %add3A_1833, %add3A_1834 : vector<16xi32>
      %and3A_1836 = arith.constant 15 : i32
      %and3A_1837 = vector.broadcast %and3A_1836 : i32 to vector<16xi32>
      %and3A_1838 = arith.andi %add3A_1835, %and3A_1837 : vector<16xi32>
      %lt3A_1839 = arith.constant 0 : i32
      %lt3A_1840 = vector.broadcast %lt3A_1839 : i32 to vector<16xi32>
      %lt3A_1841 = arith.cmpi slt, %and3A_1838, %lt3A_1840 : vector<16xi32>
      %add3A_1842 = arith.constant 16 : i32
      %add3A_1843 = vector.broadcast %add3A_1842 : i32 to vector<16xi32>
      %add3A_1844 = arith.addi %and3A_1838, %add3A_1843 : vector<16xi32>
      %select_n3A_1845 = arith.select %lt3A_1841, %add3A_1844, %and3A_1838 : vector<16xi1>, vector<16xi32>
      %broadcast_in_dim3A_1846 = vector.shape_cast %select_n3A_1845 : vector<16xi32> to vector<16x1xi32>
      %gather3A_1847 = vector.shape_cast %broadcast_in_dim3A_1846 : vector<16x1xi32> to vector<16xi32>
      %gather3A_1848 = tpu.dynamic_gather %gather3A_1253[%gather3A_1847] in [0] : vector<16xi32>, vector<16xi32> -> vector<16xi32>
      %mul3A_1849 = arith.muli %gather3A_1848, %select_n3A_1830 : vector<16xi32>
      %lt3A_1850 = arith.constant 0 : i32
      %lt3A_1851 = vector.broadcast %lt3A_1850 : i32 to vector<16xi32>
      %lt3A_1852 = arith.cmpi slt, %and3A_1838, %lt3A_1851 : vector<16xi32>
      %add3A_1853 = arith.constant 16 : i32
      %add3A_1854 = vector.broadcast %add3A_1853 : i32 to vector<16xi32>
      %add3A_1855 = arith.addi %and3A_1838, %add3A_1854 : vector<16xi32>
      %select_n3A_1856 = arith.select %lt3A_1852, %add3A_1855, %and3A_1838 : vector<16xi1>, vector<16xi32>
      %broadcast_in_dim3A_1857 = vector.shape_cast %select_n3A_1856 : vector<16xi32> to vector<16x1xi32>
      %gather3A_1858 = vector.shape_cast %broadcast_in_dim3A_1857 : vector<16x1xi32> to vector<16xi32>
      %gather3A_1859 = tpu.dynamic_gather %gather3A_1263[%gather3A_1858] in [0] : vector<16xi32>, vector<16xi32> -> vector<16xi32>
      %mul3A_1860 = arith.muli %gather3A_1859, %select_n3A_1830 : vector<16xi32>
      %multiple_of3A_1861 = tpu.assume_multiple %scan3A_819, 16 : i32
      %swap3A_1862 = arith.index_cast %multiple_of3A_1861 : i32 to index
      %swap3A_1863 = tpu.vector_load %arg14[%swap3A_1862] {strides = array<i32>} : memref<1056xi32, #tpu.memory_space<vmem>>, vector<16xi32>,
      %swap3A_1864 = vector.shape_cast %swap3A_1863 : vector<16xi32> to vector<16xi32>
      %swap3A_1865 = vector.shape_cast %add3A_1805 : vector<16xi32> to vector<16xi32>
      tpu.vector_store %arg14[%swap3A_1862], %swap3A_1865 {strides = array<i32>} : memref<1056xi32, #tpu.memory_space<vmem>>, vector<16xi32>,
      %swap3A_1866 = arith.index_cast %multiple_of3A_1861 : i32 to index
      %swap3A_1867 = tpu.vector_load %arg19[%swap3A_1866] {strides = array<i32>} : memref<1056xi32, #tpu.memory_space<vmem>>, vector<16xi32>,
      %swap3A_1868 = vector.shape_cast %swap3A_1867 : vector<16xi32> to vector<16xi32>
      %swap3A_1869 = vector.shape_cast %add3A_1818 : vector<16xi32> to vector<16xi32>
      tpu.vector_store %arg19[%swap3A_1866], %swap3A_1869 {strides = array<i32>} : memref<1056xi32, #tpu.memory_space<vmem>>, vector<16xi32>,
      %shift_right_arithmetic3A_1870 = arith.constant 4 : i32
      %shift_right_arithmetic3A_1871 = vector.broadcast %shift_right_arithmetic3A_1870 : i32 to vector<16xi32>
      %shift_right_arithmetic3A_1872 = arith.shrsi %add3A_1767, %shift_right_arithmetic3A_1871 : vector<16xi32>
      %add3A_1873 = arith.addi %add3A_1767, %iota3A : vector<16xi32>
      %slice3A_1874 = vector.extract_strided_slice %add3A_1873 {offsets = [0], sizes = [1], strides = [1]} : vector<16xi32> to vector<1xi32>
      %squeeze3A_1875 = vector.extract %slice3A_1874[0] : i32 from vector<1xi32>
      %shift_right_arithmetic3A_1876 = arith.constant 4 : i32
      %shift_right_arithmetic3A_1877 = arith.shrsi %squeeze3A_1875, %shift_right_arithmetic3A_1876 : i32
      %mul3A_1878 = arith.constant 16 : i32
      %mul3A_1879 = arith.muli %shift_right_arithmetic3A_1877, %mul3A_1878 : i32
      %add3A_1880 = arith.addi %scan3A_819, %mul3A_1879 : i32
      %mul3A_1881 = arith.constant 16 : i32
      %mul3A_1882 = vector.broadcast %mul3A_1881 : i32 to vector<16xi32>
      %mul3A_1883 = arith.muli %shift_right_arithmetic3A_1872, %mul3A_1882 : vector<16xi32>
      %sub3A_1884 = arith.subi %add3A_1767, %mul3A_1883 : vector<16xi32>
      %sub3A_1885 = arith.subi %mul3A_1849, %add3A_1805 : vector<16xi32>
      %mul3A_1886 = arith.muli %sub3A_1885, %shift_right_arithmetic3A_1872 : vector<16xi32>
      %add3A_1887 = arith.addi %add3A_1805, %mul3A_1886 : vector<16xi32>
      %sub3A_1888 = arith.subi %mul3A_1860, %add3A_1818 : vector<16xi32>
      %mul3A_1889 = arith.muli %sub3A_1888, %shift_right_arithmetic3A_1872 : vector<16xi32>
      %add3A_1890 = arith.addi %add3A_1818, %mul3A_1889 : vector<16xi32>
      scf.yield %add3A_1380, %add3A_1505, %add3A_1630, %add3A_1755, %add3A_1880, %sub3A_1384, %sub3A_1509, %sub3A_1634, %sub3A_1759, %sub3A_1884, %add3A_1387, %add3A_1512, %add3A_1637, %add3A_1762, %add3A_1887, %add3A_1390, %add3A_1515, %add3A_1640, %add3A_1765, %add3A_1890 : i32, i32, i32, i32, i32, vector<16xi32>, vector<16xi32>, vector<16xi32>, vector<16xi32>, vector<16xi32>, vector<16xi32>, vector<16xi32>, vector<16xi32>, vector<16xi32>, vector<16xi32>, vector<16xi32>, vector<16xi32>, vector<16xi32>, vector<16xi32>, vector<16xi32>
    }
    %scan3A_13 = arith.constant 64 : i32
    %sub3A = arith.constant 16 : i32
    %sub3A_14 = arith.subi %scan3A_12#0, %sub3A : i32
    %max3A = arith.constant 0 : i32
    %max3A_15 = arith.maxsi %sub3A_14, %max3A : i32
    %multiple_of3A = tpu.assume_multiple %max3A_15, 16 : i32
    %get3A = arith.index_cast %multiple_of3A : i32 to index
    %get3A_16 = tpu.vector_load %arg10[%get3A] {strides = array<i32>} : memref<1056xi32, #tpu.memory_space<vmem>>, vector<16xi32>,
    %get3A_17 = vector.shape_cast %get3A_16 : vector<16xi32> to vector<16xi32>
    %get3A_18 = arith.index_cast %multiple_of3A : i32 to index
    %get3A_19 = tpu.vector_load %arg15[%get3A_18] {strides = array<i32>} : memref<1056xi32, #tpu.memory_space<vmem>>, vector<16xi32>,
    %get3A_20 = vector.shape_cast %get3A_19 : vector<16xi32> to vector<16xi32>
    %sub3A_21 = arith.constant 1 : i32
    %sub3A_22 = vector.broadcast %sub3A_21 : i32 to vector<16xi32>
    %sub3A_23 = arith.subi %scan3A_12#5, %sub3A_22 : vector<16xi32>
    %ge3A = arith.constant 0 : i32
    %ge3A_24 = vector.broadcast %ge3A : i32 to vector<16xi32>
    %ge3A_25 = arith.cmpi sge, %sub3A_23, %ge3A_24 : vector<16xi32>
    %jit3A = arith.constant 1 : i32
    %jit3A_26 = arith.constant 0 : i32
    %broadcast_in_dim3A_27 = vector.broadcast %jit3A : i32 to vector<16xi32>
    %broadcast_in_dim3A_28 = vector.broadcast %jit3A_26 : i32 to vector<16xi32>
    %select_n3A = arith.select %ge3A_25, %broadcast_in_dim3A_27, %broadcast_in_dim3A_28 : vector<16xi1>, vector<16xi32>
    %lt3A = arith.constant 0 : i32
    %lt3A_29 = vector.broadcast %lt3A : i32 to vector<16xi32>
    %lt3A_30 = arith.cmpi slt, %broadcast_in_dim3A_3, %lt3A_29 : vector<16xi32>
    %add3A_31 = arith.constant 16 : i32
    %add3A_32 = vector.broadcast %add3A_31 : i32 to vector<16xi32>
    %add3A_33 = arith.addi %broadcast_in_dim3A_3, %add3A_32 : vector<16xi32>
    %select_n3A_34 = arith.select %lt3A_30, %add3A_33, %broadcast_in_dim3A_3 : vector<16xi1>, vector<16xi32>
    %broadcast_in_dim3A_35 = vector.shape_cast %select_n3A_34 : vector<16xi32> to vector<16x1xi32>
    %gather3A = vector.shape_cast %broadcast_in_dim3A_35 : vector<16x1xi32> to vector<16xi32>
    %gather3A_36 = tpu.dynamic_gather %get3A_17[%gather3A] in [0] : vector<16xi32>, vector<16xi32> -> vector<16xi32>
    %lt3A_37 = arith.constant 0 : i32
    %lt3A_38 = vector.broadcast %lt3A_37 : i32 to vector<16xi32>
    %lt3A_39 = arith.cmpi slt, %broadcast_in_dim3A_3, %lt3A_38 : vector<16xi32>
    %add3A_40 = arith.constant 16 : i32
    %add3A_41 = vector.broadcast %add3A_40 : i32 to vector<16xi32>
    %add3A_42 = arith.addi %broadcast_in_dim3A_3, %add3A_41 : vector<16xi32>
    %select_n3A_43 = arith.select %lt3A_39, %add3A_42, %broadcast_in_dim3A_3 : vector<16xi1>, vector<16xi32>
    %broadcast_in_dim3A_44 = vector.shape_cast %select_n3A_43 : vector<16xi32> to vector<16x1xi32>
    %gather3A_45 = vector.shape_cast %broadcast_in_dim3A_44 : vector<16x1xi32> to vector<16xi32>
    %gather3A_46 = tpu.dynamic_gather %scan3A_12#10[%gather3A_45] in [0] : vector<16xi32>, vector<16xi32> -> vector<16xi32>
    %sub3A_47 = arith.subi %gather3A_46, %gather3A_36 : vector<16xi32>
    %mul3A_48 = arith.muli %sub3A_47, %select_n3A : vector<16xi32>
    %add3A_49 = arith.addi %gather3A_36, %mul3A_48 : vector<16xi32>
    %lt3A_50 = arith.constant 0 : i32
    %lt3A_51 = vector.broadcast %lt3A_50 : i32 to vector<16xi32>
    %lt3A_52 = arith.cmpi slt, %broadcast_in_dim3A_3, %lt3A_51 : vector<16xi32>
    %add3A_53 = arith.constant 16 : i32
    %add3A_54 = vector.broadcast %add3A_53 : i32 to vector<16xi32>
    %add3A_55 = arith.addi %broadcast_in_dim3A_3, %add3A_54 : vector<16xi32>
    %select_n3A_56 = arith.select %lt3A_52, %add3A_55, %broadcast_in_dim3A_3 : vector<16xi1>, vector<16xi32>
    %broadcast_in_dim3A_57 = vector.shape_cast %select_n3A_56 : vector<16xi32> to vector<16x1xi32>
    %gather3A_58 = vector.shape_cast %broadcast_in_dim3A_57 : vector<16x1xi32> to vector<16xi32>
    %gather3A_59 = tpu.dynamic_gather %get3A_20[%gather3A_58] in [0] : vector<16xi32>, vector<16xi32> -> vector<16xi32>
    %lt3A_60 = arith.constant 0 : i32
    %lt3A_61 = vector.broadcast %lt3A_60 : i32 to vector<16xi32>
    %lt3A_62 = arith.cmpi slt, %broadcast_in_dim3A_3, %lt3A_61 : vector<16xi32>
    %add3A_63 = arith.constant 16 : i32
    %add3A_64 = vector.broadcast %add3A_63 : i32 to vector<16xi32>
    %add3A_65 = arith.addi %broadcast_in_dim3A_3, %add3A_64 : vector<16xi32>
    %select_n3A_66 = arith.select %lt3A_62, %add3A_65, %broadcast_in_dim3A_3 : vector<16xi1>, vector<16xi32>
    %broadcast_in_dim3A_67 = vector.shape_cast %select_n3A_66 : vector<16xi32> to vector<16x1xi32>
    %gather3A_68 = vector.shape_cast %broadcast_in_dim3A_67 : vector<16x1xi32> to vector<16xi32>
    %gather3A_69 = tpu.dynamic_gather %scan3A_12#15[%gather3A_68] in [0] : vector<16xi32>, vector<16xi32> -> vector<16xi32>
    %sub3A_70 = arith.subi %gather3A_69, %gather3A_59 : vector<16xi32>
    %mul3A_71 = arith.muli %sub3A_70, %select_n3A : vector<16xi32>
    %add3A_72 = arith.addi %gather3A_59, %mul3A_71 : vector<16xi32>
    %sub3A_73 = arith.subi %iota3A, %scan3A_12#5 : vector<16xi32>
    %lt3A_74 = arith.constant 0 : i32
    %lt3A_75 = vector.broadcast %lt3A_74 : i32 to vector<16xi32>
    %lt3A_76 = arith.cmpi slt, %sub3A_73, %lt3A_75 : vector<16xi32>
    %jit3A_77 = arith.constant 1 : i32
    %jit3A_78 = arith.constant 0 : i32
    %broadcast_in_dim3A_79 = vector.broadcast %jit3A_77 : i32 to vector<16xi32>
    %broadcast_in_dim3A_80 = vector.broadcast %jit3A_78 : i32 to vector<16xi32>
    %select_n3A_81 = arith.select %lt3A_76, %broadcast_in_dim3A_79, %broadcast_in_dim3A_80 : vector<16xi1>, vector<16xi32>
    %multiple_of3A_82 = tpu.assume_multiple %scan3A_12#0, 16 : i32
    %sub3A_83 = arith.subi %scan3A_12#10, %add3A_49 : vector<16xi32>
    %mul3A_84 = arith.muli %sub3A_83, %select_n3A_81 : vector<16xi32>
    %add3A_85 = arith.addi %add3A_49, %mul3A_84 : vector<16xi32>
    %swap3A = arith.index_cast %multiple_of3A_82 : i32 to index
    %swap3A_86 = tpu.vector_load %arg10[%swap3A] {strides = array<i32>} : memref<1056xi32, #tpu.memory_space<vmem>>, vector<16xi32>,
    %swap3A_87 = vector.shape_cast %swap3A_86 : vector<16xi32> to vector<16xi32>
    %swap3A_88 = vector.shape_cast %add3A_85 : vector<16xi32> to vector<16xi32>
    tpu.vector_store %arg10[%swap3A], %swap3A_88 {strides = array<i32>} : memref<1056xi32, #tpu.memory_space<vmem>>, vector<16xi32>,
    %sub3A_89 = arith.subi %scan3A_12#15, %add3A_72 : vector<16xi32>
    %mul3A_90 = arith.muli %sub3A_89, %select_n3A_81 : vector<16xi32>
    %add3A_91 = arith.addi %add3A_72, %mul3A_90 : vector<16xi32>
    %swap3A_92 = arith.index_cast %multiple_of3A_82 : i32 to index
    %swap3A_93 = tpu.vector_load %arg15[%swap3A_92] {strides = array<i32>} : memref<1056xi32, #tpu.memory_space<vmem>>, vector<16xi32>,
    %swap3A_94 = vector.shape_cast %swap3A_93 : vector<16xi32> to vector<16xi32>
    %swap3A_95 = vector.shape_cast %add3A_91 : vector<16xi32> to vector<16xi32>
    tpu.vector_store %arg15[%swap3A_92], %swap3A_95 {strides = array<i32>} : memref<1056xi32, #tpu.memory_space<vmem>>, vector<16xi32>,
    %add3A_96 = arith.constant 16 : i32
    %add3A_97 = arith.addi %scan3A_12#0, %add3A_96 : i32
    %multiple_of3A_98 = tpu.assume_multiple %add3A_97, 16 : i32
    %swap3A_99 = arith.index_cast %multiple_of3A_98 : i32 to index
    %swap3A_100 = tpu.vector_load %arg10[%swap3A_99] {strides = array<i32>} : memref<1056xi32, #tpu.memory_space<vmem>>, vector<16xi32>,
    %swap3A_101 = vector.shape_cast %swap3A_100 : vector<16xi32> to vector<16xi32>
    %swap3A_102 = vector.shape_cast %add3A_49 : vector<16xi32> to vector<16xi32>
    tpu.vector_store %arg10[%swap3A_99], %swap3A_102 {strides = array<i32>} : memref<1056xi32, #tpu.memory_space<vmem>>, vector<16xi32>,
    %swap3A_103 = arith.index_cast %multiple_of3A_98 : i32 to index
    %swap3A_104 = tpu.vector_load %arg15[%swap3A_103] {strides = array<i32>} : memref<1056xi32, #tpu.memory_space<vmem>>, vector<16xi32>,
    %swap3A_105 = vector.shape_cast %swap3A_104 : vector<16xi32> to vector<16xi32>
    %swap3A_106 = vector.shape_cast %add3A_72 : vector<16xi32> to vector<16xi32>
    tpu.vector_store %arg15[%swap3A_103], %swap3A_106 {strides = array<i32>} : memref<1056xi32, #tpu.memory_space<vmem>>, vector<16xi32>,
    %sub3A_107 = arith.constant 16 : i32
    %sub3A_108 = arith.subi %scan3A_12#1, %sub3A_107 : i32
    %max3A_109 = arith.constant 0 : i32
    %max3A_110 = arith.maxsi %sub3A_108, %max3A_109 : i32
    %multiple_of3A_111 = tpu.assume_multiple %max3A_110, 16 : i32
    %get3A_112 = arith.index_cast %multiple_of3A_111 : i32 to index
    %get3A_113 = tpu.vector_load %arg11[%get3A_112] {strides = array<i32>} : memref<1056xi32, #tpu.memory_space<vmem>>, vector<16xi32>,
    %get3A_114 = vector.shape_cast %get3A_113 : vector<16xi32> to vector<16xi32>
    %get3A_115 = arith.index_cast %multiple_of3A_111 : i32 to index
    %get3A_116 = tpu.vector_load %arg16[%get3A_115] {strides = array<i32>} : memref<1056xi32, #tpu.memory_space<vmem>>, vector<16xi32>,
    %get3A_117 = vector.shape_cast %get3A_116 : vector<16xi32> to vector<16xi32>
    %sub3A_118 = arith.constant 1 : i32
    %sub3A_119 = vector.broadcast %sub3A_118 : i32 to vector<16xi32>
    %sub3A_120 = arith.subi %scan3A_12#6, %sub3A_119 : vector<16xi32>
    %ge3A_121 = arith.constant 0 : i32
    %ge3A_122 = vector.broadcast %ge3A_121 : i32 to vector<16xi32>
    %ge3A_123 = arith.cmpi sge, %sub3A_120, %ge3A_122 : vector<16xi32>
    %jit3A_124 = arith.constant 1 : i32
    %jit3A_125 = arith.constant 0 : i32
    %broadcast_in_dim3A_126 = vector.broadcast %jit3A_124 : i32 to vector<16xi32>
    %broadcast_in_dim3A_127 = vector.broadcast %jit3A_125 : i32 to vector<16xi32>
    %select_n3A_128 = arith.select %ge3A_123, %broadcast_in_dim3A_126, %broadcast_in_dim3A_127 : vector<16xi1>, vector<16xi32>
    %lt3A_129 = arith.constant 0 : i32
    %lt3A_130 = vector.broadcast %lt3A_129 : i32 to vector<16xi32>
    %lt3A_131 = arith.cmpi slt, %broadcast_in_dim3A_3, %lt3A_130 : vector<16xi32>
    %add3A_132 = arith.constant 16 : i32
    %add3A_133 = vector.broadcast %add3A_132 : i32 to vector<16xi32>
    %add3A_134 = arith.addi %broadcast_in_dim3A_3, %add3A_133 : vector<16xi32>
    %select_n3A_135 = arith.select %lt3A_131, %add3A_134, %broadcast_in_dim3A_3 : vector<16xi1>, vector<16xi32>
    %broadcast_in_dim3A_136 = vector.shape_cast %select_n3A_135 : vector<16xi32> to vector<16x1xi32>
    %gather3A_137 = vector.shape_cast %broadcast_in_dim3A_136 : vector<16x1xi32> to vector<16xi32>
    %gather3A_138 = tpu.dynamic_gather %get3A_114[%gather3A_137] in [0] : vector<16xi32>, vector<16xi32> -> vector<16xi32>
    %lt3A_139 = arith.constant 0 : i32
    %lt3A_140 = vector.broadcast %lt3A_139 : i32 to vector<16xi32>
    %lt3A_141 = arith.cmpi slt, %broadcast_in_dim3A_3, %lt3A_140 : vector<16xi32>
    %add3A_142 = arith.constant 16 : i32
    %add3A_143 = vector.broadcast %add3A_142 : i32 to vector<16xi32>
    %add3A_144 = arith.addi %broadcast_in_dim3A_3, %add3A_143 : vector<16xi32>
    %select_n3A_145 = arith.select %lt3A_141, %add3A_144, %broadcast_in_dim3A_3 : vector<16xi1>, vector<16xi32>
    %broadcast_in_dim3A_146 = vector.shape_cast %select_n3A_145 : vector<16xi32> to vector<16x1xi32>
    %gather3A_147 = vector.shape_cast %broadcast_in_dim3A_146 : vector<16x1xi32> to vector<16xi32>
    %gather3A_148 = tpu.dynamic_gather %scan3A_12#11[%gather3A_147] in [0] : vector<16xi32>, vector<16xi32> -> vector<16xi32>
    %sub3A_149 = arith.subi %gather3A_148, %gather3A_138 : vector<16xi32>
    %mul3A_150 = arith.muli %sub3A_149, %select_n3A_128 : vector<16xi32>
    %add3A_151 = arith.addi %gather3A_138, %mul3A_150 : vector<16xi32>
    %lt3A_152 = arith.constant 0 : i32
    %lt3A_153 = vector.broadcast %lt3A_152 : i32 to vector<16xi32>
    %lt3A_154 = arith.cmpi slt, %broadcast_in_dim3A_3, %lt3A_153 : vector<16xi32>
    %add3A_155 = arith.constant 16 : i32
    %add3A_156 = vector.broadcast %add3A_155 : i32 to vector<16xi32>
    %add3A_157 = arith.addi %broadcast_in_dim3A_3, %add3A_156 : vector<16xi32>
    %select_n3A_158 = arith.select %lt3A_154, %add3A_157, %broadcast_in_dim3A_3 : vector<16xi1>, vector<16xi32>
    %broadcast_in_dim3A_159 = vector.shape_cast %select_n3A_158 : vector<16xi32> to vector<16x1xi32>
    %gather3A_160 = vector.shape_cast %broadcast_in_dim3A_159 : vector<16x1xi32> to vector<16xi32>
    %gather3A_161 = tpu.dynamic_gather %get3A_117[%gather3A_160] in [0] : vector<16xi32>, vector<16xi32> -> vector<16xi32>
    %lt3A_162 = arith.constant 0 : i32
    %lt3A_163 = vector.broadcast %lt3A_162 : i32 to vector<16xi32>
    %lt3A_164 = arith.cmpi slt, %broadcast_in_dim3A_3, %lt3A_163 : vector<16xi32>
    %add3A_165 = arith.constant 16 : i32
    %add3A_166 = vector.broadcast %add3A_165 : i32 to vector<16xi32>
    %add3A_167 = arith.addi %broadcast_in_dim3A_3, %add3A_166 : vector<16xi32>
    %select_n3A_168 = arith.select %lt3A_164, %add3A_167, %broadcast_in_dim3A_3 : vector<16xi1>, vector<16xi32>
    %broadcast_in_dim3A_169 = vector.shape_cast %select_n3A_168 : vector<16xi32> to vector<16x1xi32>
    %gather3A_170 = vector.shape_cast %broadcast_in_dim3A_169 : vector<16x1xi32> to vector<16xi32>
    %gather3A_171 = tpu.dynamic_gather %scan3A_12#16[%gather3A_170] in [0] : vector<16xi32>, vector<16xi32> -> vector<16xi32>
    %sub3A_172 = arith.subi %gather3A_171, %gather3A_161 : vector<16xi32>
    %mul3A_173 = arith.muli %sub3A_172, %select_n3A_128 : vector<16xi32>
    %add3A_174 = arith.addi %gather3A_161, %mul3A_173 : vector<16xi32>
    %sub3A_175 = arith.subi %iota3A, %scan3A_12#6 : vector<16xi32>
    %lt3A_176 = arith.constant 0 : i32
    %lt3A_177 = vector.broadcast %lt3A_176 : i32 to vector<16xi32>
    %lt3A_178 = arith.cmpi slt, %sub3A_175, %lt3A_177 : vector<16xi32>
    %jit3A_179 = arith.constant 1 : i32
    %jit3A_180 = arith.constant 0 : i32
    %broadcast_in_dim3A_181 = vector.broadcast %jit3A_179 : i32 to vector<16xi32>
    %broadcast_in_dim3A_182 = vector.broadcast %jit3A_180 : i32 to vector<16xi32>
    %select_n3A_183 = arith.select %lt3A_178, %broadcast_in_dim3A_181, %broadcast_in_dim3A_182 : vector<16xi1>, vector<16xi32>
    %multiple_of3A_184 = tpu.assume_multiple %scan3A_12#1, 16 : i32
    %sub3A_185 = arith.subi %scan3A_12#11, %add3A_151 : vector<16xi32>
    %mul3A_186 = arith.muli %sub3A_185, %select_n3A_183 : vector<16xi32>
    %add3A_187 = arith.addi %add3A_151, %mul3A_186 : vector<16xi32>
    %swap3A_188 = arith.index_cast %multiple_of3A_184 : i32 to index
    %swap3A_189 = tpu.vector_load %arg11[%swap3A_188] {strides = array<i32>} : memref<1056xi32, #tpu.memory_space<vmem>>, vector<16xi32>,
    %swap3A_190 = vector.shape_cast %swap3A_189 : vector<16xi32> to vector<16xi32>
    %swap3A_191 = vector.shape_cast %add3A_187 : vector<16xi32> to vector<16xi32>
    tpu.vector_store %arg11[%swap3A_188], %swap3A_191 {strides = array<i32>} : memref<1056xi32, #tpu.memory_space<vmem>>, vector<16xi32>,
    %sub3A_192 = arith.subi %scan3A_12#16, %add3A_174 : vector<16xi32>
    %mul3A_193 = arith.muli %sub3A_192, %select_n3A_183 : vector<16xi32>
    %add3A_194 = arith.addi %add3A_174, %mul3A_193 : vector<16xi32>
    %swap3A_195 = arith.index_cast %multiple_of3A_184 : i32 to index
    %swap3A_196 = tpu.vector_load %arg16[%swap3A_195] {strides = array<i32>} : memref<1056xi32, #tpu.memory_space<vmem>>, vector<16xi32>,
    %swap3A_197 = vector.shape_cast %swap3A_196 : vector<16xi32> to vector<16xi32>
    %swap3A_198 = vector.shape_cast %add3A_194 : vector<16xi32> to vector<16xi32>
    tpu.vector_store %arg16[%swap3A_195], %swap3A_198 {strides = array<i32>} : memref<1056xi32, #tpu.memory_space<vmem>>, vector<16xi32>,
    %add3A_199 = arith.constant 16 : i32
    %add3A_200 = arith.addi %scan3A_12#1, %add3A_199 : i32
    %multiple_of3A_201 = tpu.assume_multiple %add3A_200, 16 : i32
    %swap3A_202 = arith.index_cast %multiple_of3A_201 : i32 to index
    %swap3A_203 = tpu.vector_load %arg11[%swap3A_202] {strides = array<i32>} : memref<1056xi32, #tpu.memory_space<vmem>>, vector<16xi32>,
    %swap3A_204 = vector.shape_cast %swap3A_203 : vector<16xi32> to vector<16xi32>
    %swap3A_205 = vector.shape_cast %add3A_151 : vector<16xi32> to vector<16xi32>
    tpu.vector_store %arg11[%swap3A_202], %swap3A_205 {strides = array<i32>} : memref<1056xi32, #tpu.memory_space<vmem>>, vector<16xi32>,
    %swap3A_206 = arith.index_cast %multiple_of3A_201 : i32 to index
    %swap3A_207 = tpu.vector_load %arg16[%swap3A_206] {strides = array<i32>} : memref<1056xi32, #tpu.memory_space<vmem>>, vector<16xi32>,
    %swap3A_208 = vector.shape_cast %swap3A_207 : vector<16xi32> to vector<16xi32>
    %swap3A_209 = vector.shape_cast %add3A_174 : vector<16xi32> to vector<16xi32>
    tpu.vector_store %arg16[%swap3A_206], %swap3A_209 {strides = array<i32>} : memref<1056xi32, #tpu.memory_space<vmem>>, vector<16xi32>,
    %sub3A_210 = arith.constant 16 : i32
    %sub3A_211 = arith.subi %scan3A_12#2, %sub3A_210 : i32
    %max3A_212 = arith.constant 0 : i32
    %max3A_213 = arith.maxsi %sub3A_211, %max3A_212 : i32
    %multiple_of3A_214 = tpu.assume_multiple %max3A_213, 16 : i32
    %get3A_215 = arith.index_cast %multiple_of3A_214 : i32 to index
    %get3A_216 = tpu.vector_load %arg12[%get3A_215] {strides = array<i32>} : memref<1056xi32, #tpu.memory_space<vmem>>, vector<16xi32>,
    %get3A_217 = vector.shape_cast %get3A_216 : vector<16xi32> to vector<16xi32>
    %get3A_218 = arith.index_cast %multiple_of3A_214 : i32 to index
    %get3A_219 = tpu.vector_load %arg17[%get3A_218] {strides = array<i32>} : memref<1056xi32, #tpu.memory_space<vmem>>, vector<16xi32>,
    %get3A_220 = vector.shape_cast %get3A_219 : vector<16xi32> to vector<16xi32>
    %sub3A_221 = arith.constant 1 : i32
    %sub3A_222 = vector.broadcast %sub3A_221 : i32 to vector<16xi32>
    %sub3A_223 = arith.subi %scan3A_12#7, %sub3A_222 : vector<16xi32>
    %ge3A_224 = arith.constant 0 : i32
    %ge3A_225 = vector.broadcast %ge3A_224 : i32 to vector<16xi32>
    %ge3A_226 = arith.cmpi sge, %sub3A_223, %ge3A_225 : vector<16xi32>
    %jit3A_227 = arith.constant 1 : i32
    %jit3A_228 = arith.constant 0 : i32
    %broadcast_in_dim3A_229 = vector.broadcast %jit3A_227 : i32 to vector<16xi32>
    %broadcast_in_dim3A_230 = vector.broadcast %jit3A_228 : i32 to vector<16xi32>
    %select_n3A_231 = arith.select %ge3A_226, %broadcast_in_dim3A_229, %broadcast_in_dim3A_230 : vector<16xi1>, vector<16xi32>
    %lt3A_232 = arith.constant 0 : i32
    %lt3A_233 = vector.broadcast %lt3A_232 : i32 to vector<16xi32>
    %lt3A_234 = arith.cmpi slt, %broadcast_in_dim3A_3, %lt3A_233 : vector<16xi32>
    %add3A_235 = arith.constant 16 : i32
    %add3A_236 = vector.broadcast %add3A_235 : i32 to vector<16xi32>
    %add3A_237 = arith.addi %broadcast_in_dim3A_3, %add3A_236 : vector<16xi32>
    %select_n3A_238 = arith.select %lt3A_234, %add3A_237, %broadcast_in_dim3A_3 : vector<16xi1>, vector<16xi32>
    %broadcast_in_dim3A_239 = vector.shape_cast %select_n3A_238 : vector<16xi32> to vector<16x1xi32>
    %gather3A_240 = vector.shape_cast %broadcast_in_dim3A_239 : vector<16x1xi32> to vector<16xi32>
    %gather3A_241 = tpu.dynamic_gather %get3A_217[%gather3A_240] in [0] : vector<16xi32>, vector<16xi32> -> vector<16xi32>
    %lt3A_242 = arith.constant 0 : i32
    %lt3A_243 = vector.broadcast %lt3A_242 : i32 to vector<16xi32>
    %lt3A_244 = arith.cmpi slt, %broadcast_in_dim3A_3, %lt3A_243 : vector<16xi32>
    %add3A_245 = arith.constant 16 : i32
    %add3A_246 = vector.broadcast %add3A_245 : i32 to vector<16xi32>
    %add3A_247 = arith.addi %broadcast_in_dim3A_3, %add3A_246 : vector<16xi32>
    %select_n3A_248 = arith.select %lt3A_244, %add3A_247, %broadcast_in_dim3A_3 : vector<16xi1>, vector<16xi32>
    %broadcast_in_dim3A_249 = vector.shape_cast %select_n3A_248 : vector<16xi32> to vector<16x1xi32>
    %gather3A_250 = vector.shape_cast %broadcast_in_dim3A_249 : vector<16x1xi32> to vector<16xi32>
    %gather3A_251 = tpu.dynamic_gather %scan3A_12#12[%gather3A_250] in [0] : vector<16xi32>, vector<16xi32> -> vector<16xi32>
    %sub3A_252 = arith.subi %gather3A_251, %gather3A_241 : vector<16xi32>
    %mul3A_253 = arith.muli %sub3A_252, %select_n3A_231 : vector<16xi32>
    %add3A_254 = arith.addi %gather3A_241, %mul3A_253 : vector<16xi32>
    %lt3A_255 = arith.constant 0 : i32
    %lt3A_256 = vector.broadcast %lt3A_255 : i32 to vector<16xi32>
    %lt3A_257 = arith.cmpi slt, %broadcast_in_dim3A_3, %lt3A_256 : vector<16xi32>
    %add3A_258 = arith.constant 16 : i32
    %add3A_259 = vector.broadcast %add3A_258 : i32 to vector<16xi32>
    %add3A_260 = arith.addi %broadcast_in_dim3A_3, %add3A_259 : vector<16xi32>
    %select_n3A_261 = arith.select %lt3A_257, %add3A_260, %broadcast_in_dim3A_3 : vector<16xi1>, vector<16xi32>
    %broadcast_in_dim3A_262 = vector.shape_cast %select_n3A_261 : vector<16xi32> to vector<16x1xi32>
    %gather3A_263 = vector.shape_cast %broadcast_in_dim3A_262 : vector<16x1xi32> to vector<16xi32>
    %gather3A_264 = tpu.dynamic_gather %get3A_220[%gather3A_263] in [0] : vector<16xi32>, vector<16xi32> -> vector<16xi32>
    %lt3A_265 = arith.constant 0 : i32
    %lt3A_266 = vector.broadcast %lt3A_265 : i32 to vector<16xi32>
    %lt3A_267 = arith.cmpi slt, %broadcast_in_dim3A_3, %lt3A_266 : vector<16xi32>
    %add3A_268 = arith.constant 16 : i32
    %add3A_269 = vector.broadcast %add3A_268 : i32 to vector<16xi32>
    %add3A_270 = arith.addi %broadcast_in_dim3A_3, %add3A_269 : vector<16xi32>
    %select_n3A_271 = arith.select %lt3A_267, %add3A_270, %broadcast_in_dim3A_3 : vector<16xi1>, vector<16xi32>
    %broadcast_in_dim3A_272 = vector.shape_cast %select_n3A_271 : vector<16xi32> to vector<16x1xi32>
    %gather3A_273 = vector.shape_cast %broadcast_in_dim3A_272 : vector<16x1xi32> to vector<16xi32>
    %gather3A_274 = tpu.dynamic_gather %scan3A_12#17[%gather3A_273] in [0] : vector<16xi32>, vector<16xi32> -> vector<16xi32>
    %sub3A_275 = arith.subi %gather3A_274, %gather3A_264 : vector<16xi32>
    %mul3A_276 = arith.muli %sub3A_275, %select_n3A_231 : vector<16xi32>
    %add3A_277 = arith.addi %gather3A_264, %mul3A_276 : vector<16xi32>
    %sub3A_278 = arith.subi %iota3A, %scan3A_12#7 : vector<16xi32>
    %lt3A_279 = arith.constant 0 : i32
    %lt3A_280 = vector.broadcast %lt3A_279 : i32 to vector<16xi32>
    %lt3A_281 = arith.cmpi slt, %sub3A_278, %lt3A_280 : vector<16xi32>
    %jit3A_282 = arith.constant 1 : i32
    %jit3A_283 = arith.constant 0 : i32
    %broadcast_in_dim3A_284 = vector.broadcast %jit3A_282 : i32 to vector<16xi32>
    %broadcast_in_dim3A_285 = vector.broadcast %jit3A_283 : i32 to vector<16xi32>
    %select_n3A_286 = arith.select %lt3A_281, %broadcast_in_dim3A_284, %broadcast_in_dim3A_285 : vector<16xi1>, vector<16xi32>
    %multiple_of3A_287 = tpu.assume_multiple %scan3A_12#2, 16 : i32
    %sub3A_288 = arith.subi %scan3A_12#12, %add3A_254 : vector<16xi32>
    %mul3A_289 = arith.muli %sub3A_288, %select_n3A_286 : vector<16xi32>
    %add3A_290 = arith.addi %add3A_254, %mul3A_289 : vector<16xi32>
    %swap3A_291 = arith.index_cast %multiple_of3A_287 : i32 to index
    %swap3A_292 = tpu.vector_load %arg12[%swap3A_291] {strides = array<i32>} : memref<1056xi32, #tpu.memory_space<vmem>>, vector<16xi32>,
    %swap3A_293 = vector.shape_cast %swap3A_292 : vector<16xi32> to vector<16xi32>
    %swap3A_294 = vector.shape_cast %add3A_290 : vector<16xi32> to vector<16xi32>
    tpu.vector_store %arg12[%swap3A_291], %swap3A_294 {strides = array<i32>} : memref<1056xi32, #tpu.memory_space<vmem>>, vector<16xi32>,
    %sub3A_295 = arith.subi %scan3A_12#17, %add3A_277 : vector<16xi32>
    %mul3A_296 = arith.muli %sub3A_295, %select_n3A_286 : vector<16xi32>
    %add3A_297 = arith.addi %add3A_277, %mul3A_296 : vector<16xi32>
    %swap3A_298 = arith.index_cast %multiple_of3A_287 : i32 to index
    %swap3A_299 = tpu.vector_load %arg17[%swap3A_298] {strides = array<i32>} : memref<1056xi32, #tpu.memory_space<vmem>>, vector<16xi32>,
    %swap3A_300 = vector.shape_cast %swap3A_299 : vector<16xi32> to vector<16xi32>
    %swap3A_301 = vector.shape_cast %add3A_297 : vector<16xi32> to vector<16xi32>
    tpu.vector_store %arg17[%swap3A_298], %swap3A_301 {strides = array<i32>} : memref<1056xi32, #tpu.memory_space<vmem>>, vector<16xi32>,
    %add3A_302 = arith.constant 16 : i32
    %add3A_303 = arith.addi %scan3A_12#2, %add3A_302 : i32
    %multiple_of3A_304 = tpu.assume_multiple %add3A_303, 16 : i32
    %swap3A_305 = arith.index_cast %multiple_of3A_304 : i32 to index
    %swap3A_306 = tpu.vector_load %arg12[%swap3A_305] {strides = array<i32>} : memref<1056xi32, #tpu.memory_space<vmem>>, vector<16xi32>,
    %swap3A_307 = vector.shape_cast %swap3A_306 : vector<16xi32> to vector<16xi32>
    %swap3A_308 = vector.shape_cast %add3A_254 : vector<16xi32> to vector<16xi32>
    tpu.vector_store %arg12[%swap3A_305], %swap3A_308 {strides = array<i32>} : memref<1056xi32, #tpu.memory_space<vmem>>, vector<16xi32>,
    %swap3A_309 = arith.index_cast %multiple_of3A_304 : i32 to index
    %swap3A_310 = tpu.vector_load %arg17[%swap3A_309] {strides = array<i32>} : memref<1056xi32, #tpu.memory_space<vmem>>, vector<16xi32>,
    %swap3A_311 = vector.shape_cast %swap3A_310 : vector<16xi32> to vector<16xi32>
    %swap3A_312 = vector.shape_cast %add3A_277 : vector<16xi32> to vector<16xi32>
    tpu.vector_store %arg17[%swap3A_309], %swap3A_312 {strides = array<i32>} : memref<1056xi32, #tpu.memory_space<vmem>>, vector<16xi32>,
    %sub3A_313 = arith.constant 16 : i32
    %sub3A_314 = arith.subi %scan3A_12#3, %sub3A_313 : i32
    %max3A_315 = arith.constant 0 : i32
    %max3A_316 = arith.maxsi %sub3A_314, %max3A_315 : i32
    %multiple_of3A_317 = tpu.assume_multiple %max3A_316, 16 : i32
    %get3A_318 = arith.index_cast %multiple_of3A_317 : i32 to index
    %get3A_319 = tpu.vector_load %arg13[%get3A_318] {strides = array<i32>} : memref<1056xi32, #tpu.memory_space<vmem>>, vector<16xi32>,
    %get3A_320 = vector.shape_cast %get3A_319 : vector<16xi32> to vector<16xi32>
    %get3A_321 = arith.index_cast %multiple_of3A_317 : i32 to index
    %get3A_322 = tpu.vector_load %arg18[%get3A_321] {strides = array<i32>} : memref<1056xi32, #tpu.memory_space<vmem>>, vector<16xi32>,
    %get3A_323 = vector.shape_cast %get3A_322 : vector<16xi32> to vector<16xi32>
    %sub3A_324 = arith.constant 1 : i32
    %sub3A_325 = vector.broadcast %sub3A_324 : i32 to vector<16xi32>
    %sub3A_326 = arith.subi %scan3A_12#8, %sub3A_325 : vector<16xi32>
    %ge3A_327 = arith.constant 0 : i32
    %ge3A_328 = vector.broadcast %ge3A_327 : i32 to vector<16xi32>
    %ge3A_329 = arith.cmpi sge, %sub3A_326, %ge3A_328 : vector<16xi32>
    %jit3A_330 = arith.constant 1 : i32
    %jit3A_331 = arith.constant 0 : i32
    %broadcast_in_dim3A_332 = vector.broadcast %jit3A_330 : i32 to vector<16xi32>
    %broadcast_in_dim3A_333 = vector.broadcast %jit3A_331 : i32 to vector<16xi32>
    %select_n3A_334 = arith.select %ge3A_329, %broadcast_in_dim3A_332, %broadcast_in_dim3A_333 : vector<16xi1>, vector<16xi32>
    %lt3A_335 = arith.constant 0 : i32
    %lt3A_336 = vector.broadcast %lt3A_335 : i32 to vector<16xi32>
    %lt3A_337 = arith.cmpi slt, %broadcast_in_dim3A_3, %lt3A_336 : vector<16xi32>
    %add3A_338 = arith.constant 16 : i32
    %add3A_339 = vector.broadcast %add3A_338 : i32 to vector<16xi32>
    %add3A_340 = arith.addi %broadcast_in_dim3A_3, %add3A_339 : vector<16xi32>
    %select_n3A_341 = arith.select %lt3A_337, %add3A_340, %broadcast_in_dim3A_3 : vector<16xi1>, vector<16xi32>
    %broadcast_in_dim3A_342 = vector.shape_cast %select_n3A_341 : vector<16xi32> to vector<16x1xi32>
    %gather3A_343 = vector.shape_cast %broadcast_in_dim3A_342 : vector<16x1xi32> to vector<16xi32>
    %gather3A_344 = tpu.dynamic_gather %get3A_320[%gather3A_343] in [0] : vector<16xi32>, vector<16xi32> -> vector<16xi32>
    %lt3A_345 = arith.constant 0 : i32
    %lt3A_346 = vector.broadcast %lt3A_345 : i32 to vector<16xi32>
    %lt3A_347 = arith.cmpi slt, %broadcast_in_dim3A_3, %lt3A_346 : vector<16xi32>
    %add3A_348 = arith.constant 16 : i32
    %add3A_349 = vector.broadcast %add3A_348 : i32 to vector<16xi32>
    %add3A_350 = arith.addi %broadcast_in_dim3A_3, %add3A_349 : vector<16xi32>
    %select_n3A_351 = arith.select %lt3A_347, %add3A_350, %broadcast_in_dim3A_3 : vector<16xi1>, vector<16xi32>
    %broadcast_in_dim3A_352 = vector.shape_cast %select_n3A_351 : vector<16xi32> to vector<16x1xi32>
    %gather3A_353 = vector.shape_cast %broadcast_in_dim3A_352 : vector<16x1xi32> to vector<16xi32>
    %gather3A_354 = tpu.dynamic_gather %scan3A_12#13[%gather3A_353] in [0] : vector<16xi32>, vector<16xi32> -> vector<16xi32>
    %sub3A_355 = arith.subi %gather3A_354, %gather3A_344 : vector<16xi32>
    %mul3A_356 = arith.muli %sub3A_355, %select_n3A_334 : vector<16xi32>
    %add3A_357 = arith.addi %gather3A_344, %mul3A_356 : vector<16xi32>
    %lt3A_358 = arith.constant 0 : i32
    %lt3A_359 = vector.broadcast %lt3A_358 : i32 to vector<16xi32>
    %lt3A_360 = arith.cmpi slt, %broadcast_in_dim3A_3, %lt3A_359 : vector<16xi32>
    %add3A_361 = arith.constant 16 : i32
    %add3A_362 = vector.broadcast %add3A_361 : i32 to vector<16xi32>
    %add3A_363 = arith.addi %broadcast_in_dim3A_3, %add3A_362 : vector<16xi32>
    %select_n3A_364 = arith.select %lt3A_360, %add3A_363, %broadcast_in_dim3A_3 : vector<16xi1>, vector<16xi32>
    %broadcast_in_dim3A_365 = vector.shape_cast %select_n3A_364 : vector<16xi32> to vector<16x1xi32>
    %gather3A_366 = vector.shape_cast %broadcast_in_dim3A_365 : vector<16x1xi32> to vector<16xi32>
    %gather3A_367 = tpu.dynamic_gather %get3A_323[%gather3A_366] in [0] : vector<16xi32>, vector<16xi32> -> vector<16xi32>
    %lt3A_368 = arith.constant 0 : i32
    %lt3A_369 = vector.broadcast %lt3A_368 : i32 to vector<16xi32>
    %lt3A_370 = arith.cmpi slt, %broadcast_in_dim3A_3, %lt3A_369 : vector<16xi32>
    %add3A_371 = arith.constant 16 : i32
    %add3A_372 = vector.broadcast %add3A_371 : i32 to vector<16xi32>
    %add3A_373 = arith.addi %broadcast_in_dim3A_3, %add3A_372 : vector<16xi32>
    %select_n3A_374 = arith.select %lt3A_370, %add3A_373, %broadcast_in_dim3A_3 : vector<16xi1>, vector<16xi32>
    %broadcast_in_dim3A_375 = vector.shape_cast %select_n3A_374 : vector<16xi32> to vector<16x1xi32>
    %gather3A_376 = vector.shape_cast %broadcast_in_dim3A_375 : vector<16x1xi32> to vector<16xi32>
    %gather3A_377 = tpu.dynamic_gather %scan3A_12#18[%gather3A_376] in [0] : vector<16xi32>, vector<16xi32> -> vector<16xi32>
    %sub3A_378 = arith.subi %gather3A_377, %gather3A_367 : vector<16xi32>
    %mul3A_379 = arith.muli %sub3A_378, %select_n3A_334 : vector<16xi32>
    %add3A_380 = arith.addi %gather3A_367, %mul3A_379 : vector<16xi32>
    %sub3A_381 = arith.subi %iota3A, %scan3A_12#8 : vector<16xi32>
    %lt3A_382 = arith.constant 0 : i32
    %lt3A_383 = vector.broadcast %lt3A_382 : i32 to vector<16xi32>
    %lt3A_384 = arith.cmpi slt, %sub3A_381, %lt3A_383 : vector<16xi32>
    %jit3A_385 = arith.constant 1 : i32
    %jit3A_386 = arith.constant 0 : i32
    %broadcast_in_dim3A_387 = vector.broadcast %jit3A_385 : i32 to vector<16xi32>
    %broadcast_in_dim3A_388 = vector.broadcast %jit3A_386 : i32 to vector<16xi32>
    %select_n3A_389 = arith.select %lt3A_384, %broadcast_in_dim3A_387, %broadcast_in_dim3A_388 : vector<16xi1>, vector<16xi32>
    %multiple_of3A_390 = tpu.assume_multiple %scan3A_12#3, 16 : i32
    %sub3A_391 = arith.subi %scan3A_12#13, %add3A_357 : vector<16xi32>
    %mul3A_392 = arith.muli %sub3A_391, %select_n3A_389 : vector<16xi32>
    %add3A_393 = arith.addi %add3A_357, %mul3A_392 : vector<16xi32>
    %swap3A_394 = arith.index_cast %multiple_of3A_390 : i32 to index
    %swap3A_395 = tpu.vector_load %arg13[%swap3A_394] {strides = array<i32>} : memref<1056xi32, #tpu.memory_space<vmem>>, vector<16xi32>,
    %swap3A_396 = vector.shape_cast %swap3A_395 : vector<16xi32> to vector<16xi32>
    %swap3A_397 = vector.shape_cast %add3A_393 : vector<16xi32> to vector<16xi32>
    tpu.vector_store %arg13[%swap3A_394], %swap3A_397 {strides = array<i32>} : memref<1056xi32, #tpu.memory_space<vmem>>, vector<16xi32>,
    %sub3A_398 = arith.subi %scan3A_12#18, %add3A_380 : vector<16xi32>
    %mul3A_399 = arith.muli %sub3A_398, %select_n3A_389 : vector<16xi32>
    %add3A_400 = arith.addi %add3A_380, %mul3A_399 : vector<16xi32>
    %swap3A_401 = arith.index_cast %multiple_of3A_390 : i32 to index
    %swap3A_402 = tpu.vector_load %arg18[%swap3A_401] {strides = array<i32>} : memref<1056xi32, #tpu.memory_space<vmem>>, vector<16xi32>,
    %swap3A_403 = vector.shape_cast %swap3A_402 : vector<16xi32> to vector<16xi32>
    %swap3A_404 = vector.shape_cast %add3A_400 : vector<16xi32> to vector<16xi32>
    tpu.vector_store %arg18[%swap3A_401], %swap3A_404 {strides = array<i32>} : memref<1056xi32, #tpu.memory_space<vmem>>, vector<16xi32>,
    %add3A_405 = arith.constant 16 : i32
    %add3A_406 = arith.addi %scan3A_12#3, %add3A_405 : i32
    %multiple_of3A_407 = tpu.assume_multiple %add3A_406, 16 : i32
    %swap3A_408 = arith.index_cast %multiple_of3A_407 : i32 to index
    %swap3A_409 = tpu.vector_load %arg13[%swap3A_408] {strides = array<i32>} : memref<1056xi32, #tpu.memory_space<vmem>>, vector<16xi32>,
    %swap3A_410 = vector.shape_cast %swap3A_409 : vector<16xi32> to vector<16xi32>
    %swap3A_411 = vector.shape_cast %add3A_357 : vector<16xi32> to vector<16xi32>
    tpu.vector_store %arg13[%swap3A_408], %swap3A_411 {strides = array<i32>} : memref<1056xi32, #tpu.memory_space<vmem>>, vector<16xi32>,
    %swap3A_412 = arith.index_cast %multiple_of3A_407 : i32 to index
    %swap3A_413 = tpu.vector_load %arg18[%swap3A_412] {strides = array<i32>} : memref<1056xi32, #tpu.memory_space<vmem>>, vector<16xi32>,
    %swap3A_414 = vector.shape_cast %swap3A_413 : vector<16xi32> to vector<16xi32>
    %swap3A_415 = vector.shape_cast %add3A_380 : vector<16xi32> to vector<16xi32>
    tpu.vector_store %arg18[%swap3A_412], %swap3A_415 {strides = array<i32>} : memref<1056xi32, #tpu.memory_space<vmem>>, vector<16xi32>,
    %sub3A_416 = arith.constant 16 : i32
    %sub3A_417 = arith.subi %scan3A_12#4, %sub3A_416 : i32
    %max3A_418 = arith.constant 0 : i32
    %max3A_419 = arith.maxsi %sub3A_417, %max3A_418 : i32
    %multiple_of3A_420 = tpu.assume_multiple %max3A_419, 16 : i32
    %get3A_421 = arith.index_cast %multiple_of3A_420 : i32 to index
    %get3A_422 = tpu.vector_load %arg14[%get3A_421] {strides = array<i32>} : memref<1056xi32, #tpu.memory_space<vmem>>, vector<16xi32>,
    %get3A_423 = vector.shape_cast %get3A_422 : vector<16xi32> to vector<16xi32>
    %get3A_424 = arith.index_cast %multiple_of3A_420 : i32 to index
    %get3A_425 = tpu.vector_load %arg19[%get3A_424] {strides = array<i32>} : memref<1056xi32, #tpu.memory_space<vmem>>, vector<16xi32>,
    %get3A_426 = vector.shape_cast %get3A_425 : vector<16xi32> to vector<16xi32>
    %sub3A_427 = arith.constant 1 : i32
    %sub3A_428 = vector.broadcast %sub3A_427 : i32 to vector<16xi32>
    %sub3A_429 = arith.subi %scan3A_12#9, %sub3A_428 : vector<16xi32>
    %ge3A_430 = arith.constant 0 : i32
    %ge3A_431 = vector.broadcast %ge3A_430 : i32 to vector<16xi32>
    %ge3A_432 = arith.cmpi sge, %sub3A_429, %ge3A_431 : vector<16xi32>
    %jit3A_433 = arith.constant 1 : i32
    %jit3A_434 = arith.constant 0 : i32
    %broadcast_in_dim3A_435 = vector.broadcast %jit3A_433 : i32 to vector<16xi32>
    %broadcast_in_dim3A_436 = vector.broadcast %jit3A_434 : i32 to vector<16xi32>
    %select_n3A_437 = arith.select %ge3A_432, %broadcast_in_dim3A_435, %broadcast_in_dim3A_436 : vector<16xi1>, vector<16xi32>
    %lt3A_438 = arith.constant 0 : i32
    %lt3A_439 = vector.broadcast %lt3A_438 : i32 to vector<16xi32>
    %lt3A_440 = arith.cmpi slt, %broadcast_in_dim3A_3, %lt3A_439 : vector<16xi32>
    %add3A_441 = arith.constant 16 : i32
    %add3A_442 = vector.broadcast %add3A_441 : i32 to vector<16xi32>
    %add3A_443 = arith.addi %broadcast_in_dim3A_3, %add3A_442 : vector<16xi32>
    %select_n3A_444 = arith.select %lt3A_440, %add3A_443, %broadcast_in_dim3A_3 : vector<16xi1>, vector<16xi32>
    %broadcast_in_dim3A_445 = vector.shape_cast %select_n3A_444 : vector<16xi32> to vector<16x1xi32>
    %gather3A_446 = vector.shape_cast %broadcast_in_dim3A_445 : vector<16x1xi32> to vector<16xi32>
    %gather3A_447 = tpu.dynamic_gather %get3A_423[%gather3A_446] in [0] : vector<16xi32>, vector<16xi32> -> vector<16xi32>
    %lt3A_448 = arith.constant 0 : i32
    %lt3A_449 = vector.broadcast %lt3A_448 : i32 to vector<16xi32>
    %lt3A_450 = arith.cmpi slt, %broadcast_in_dim3A_3, %lt3A_449 : vector<16xi32>
    %add3A_451 = arith.constant 16 : i32
    %add3A_452 = vector.broadcast %add3A_451 : i32 to vector<16xi32>
    %add3A_453 = arith.addi %broadcast_in_dim3A_3, %add3A_452 : vector<16xi32>
    %select_n3A_454 = arith.select %lt3A_450, %add3A_453, %broadcast_in_dim3A_3 : vector<16xi1>, vector<16xi32>
    %broadcast_in_dim3A_455 = vector.shape_cast %select_n3A_454 : vector<16xi32> to vector<16x1xi32>
    %gather3A_456 = vector.shape_cast %broadcast_in_dim3A_455 : vector<16x1xi32> to vector<16xi32>
    %gather3A_457 = tpu.dynamic_gather %scan3A_12#14[%gather3A_456] in [0] : vector<16xi32>, vector<16xi32> -> vector<16xi32>
    %sub3A_458 = arith.subi %gather3A_457, %gather3A_447 : vector<16xi32>
    %mul3A_459 = arith.muli %sub3A_458, %select_n3A_437 : vector<16xi32>
    %add3A_460 = arith.addi %gather3A_447, %mul3A_459 : vector<16xi32>
    %lt3A_461 = arith.constant 0 : i32
    %lt3A_462 = vector.broadcast %lt3A_461 : i32 to vector<16xi32>
    %lt3A_463 = arith.cmpi slt, %broadcast_in_dim3A_3, %lt3A_462 : vector<16xi32>
    %add3A_464 = arith.constant 16 : i32
    %add3A_465 = vector.broadcast %add3A_464 : i32 to vector<16xi32>
    %add3A_466 = arith.addi %broadcast_in_dim3A_3, %add3A_465 : vector<16xi32>
    %select_n3A_467 = arith.select %lt3A_463, %add3A_466, %broadcast_in_dim3A_3 : vector<16xi1>, vector<16xi32>
    %broadcast_in_dim3A_468 = vector.shape_cast %select_n3A_467 : vector<16xi32> to vector<16x1xi32>
    %gather3A_469 = vector.shape_cast %broadcast_in_dim3A_468 : vector<16x1xi32> to vector<16xi32>
    %gather3A_470 = tpu.dynamic_gather %get3A_426[%gather3A_469] in [0] : vector<16xi32>, vector<16xi32> -> vector<16xi32>
    %lt3A_471 = arith.constant 0 : i32
    %lt3A_472 = vector.broadcast %lt3A_471 : i32 to vector<16xi32>
    %lt3A_473 = arith.cmpi slt, %broadcast_in_dim3A_3, %lt3A_472 : vector<16xi32>
    %add3A_474 = arith.constant 16 : i32
    %add3A_475 = vector.broadcast %add3A_474 : i32 to vector<16xi32>
    %add3A_476 = arith.addi %broadcast_in_dim3A_3, %add3A_475 : vector<16xi32>
    %select_n3A_477 = arith.select %lt3A_473, %add3A_476, %broadcast_in_dim3A_3 : vector<16xi1>, vector<16xi32>
    %broadcast_in_dim3A_478 = vector.shape_cast %select_n3A_477 : vector<16xi32> to vector<16x1xi32>
    %gather3A_479 = vector.shape_cast %broadcast_in_dim3A_478 : vector<16x1xi32> to vector<16xi32>
    %gather3A_480 = tpu.dynamic_gather %scan3A_12#19[%gather3A_479] in [0] : vector<16xi32>, vector<16xi32> -> vector<16xi32>
    %sub3A_481 = arith.subi %gather3A_480, %gather3A_470 : vector<16xi32>
    %mul3A_482 = arith.muli %sub3A_481, %select_n3A_437 : vector<16xi32>
    %add3A_483 = arith.addi %gather3A_470, %mul3A_482 : vector<16xi32>
    %sub3A_484 = arith.subi %iota3A, %scan3A_12#9 : vector<16xi32>
    %lt3A_485 = arith.constant 0 : i32
    %lt3A_486 = vector.broadcast %lt3A_485 : i32 to vector<16xi32>
    %lt3A_487 = arith.cmpi slt, %sub3A_484, %lt3A_486 : vector<16xi32>
    %jit3A_488 = arith.constant 1 : i32
    %jit3A_489 = arith.constant 0 : i32
    %broadcast_in_dim3A_490 = vector.broadcast %jit3A_488 : i32 to vector<16xi32>
    %broadcast_in_dim3A_491 = vector.broadcast %jit3A_489 : i32 to vector<16xi32>
    %select_n3A_492 = arith.select %lt3A_487, %broadcast_in_dim3A_490, %broadcast_in_dim3A_491 : vector<16xi1>, vector<16xi32>
    %multiple_of3A_493 = tpu.assume_multiple %scan3A_12#4, 16 : i32
    %sub3A_494 = arith.subi %scan3A_12#14, %add3A_460 : vector<16xi32>
    %mul3A_495 = arith.muli %sub3A_494, %select_n3A_492 : vector<16xi32>
    %add3A_496 = arith.addi %add3A_460, %mul3A_495 : vector<16xi32>
    %swap3A_497 = arith.index_cast %multiple_of3A_493 : i32 to index
    %swap3A_498 = tpu.vector_load %arg14[%swap3A_497] {strides = array<i32>} : memref<1056xi32, #tpu.memory_space<vmem>>, vector<16xi32>,
    %swap3A_499 = vector.shape_cast %swap3A_498 : vector<16xi32> to vector<16xi32>
    %swap3A_500 = vector.shape_cast %add3A_496 : vector<16xi32> to vector<16xi32>
    tpu.vector_store %arg14[%swap3A_497], %swap3A_500 {strides = array<i32>} : memref<1056xi32, #tpu.memory_space<vmem>>, vector<16xi32>,
    %sub3A_501 = arith.subi %scan3A_12#19, %add3A_483 : vector<16xi32>
    %mul3A_502 = arith.muli %sub3A_501, %select_n3A_492 : vector<16xi32>
    %add3A_503 = arith.addi %add3A_483, %mul3A_502 : vector<16xi32>
    %swap3A_504 = arith.index_cast %multiple_of3A_493 : i32 to index
    %swap3A_505 = tpu.vector_load %arg19[%swap3A_504] {strides = array<i32>} : memref<1056xi32, #tpu.memory_space<vmem>>, vector<16xi32>,
    %swap3A_506 = vector.shape_cast %swap3A_505 : vector<16xi32> to vector<16xi32>
    %swap3A_507 = vector.shape_cast %add3A_503 : vector<16xi32> to vector<16xi32>
    tpu.vector_store %arg19[%swap3A_504], %swap3A_507 {strides = array<i32>} : memref<1056xi32, #tpu.memory_space<vmem>>, vector<16xi32>,
    %add3A_508 = arith.constant 16 : i32
    %add3A_509 = arith.addi %scan3A_12#4, %add3A_508 : i32
    %multiple_of3A_510 = tpu.assume_multiple %add3A_509, 16 : i32
    %swap3A_511 = arith.index_cast %multiple_of3A_510 : i32 to index
    %swap3A_512 = tpu.vector_load %arg14[%swap3A_511] {strides = array<i32>} : memref<1056xi32, #tpu.memory_space<vmem>>, vector<16xi32>,
    %swap3A_513 = vector.shape_cast %swap3A_512 : vector<16xi32> to vector<16xi32>
    %swap3A_514 = vector.shape_cast %add3A_460 : vector<16xi32> to vector<16xi32>
    tpu.vector_store %arg14[%swap3A_511], %swap3A_514 {strides = array<i32>} : memref<1056xi32, #tpu.memory_space<vmem>>, vector<16xi32>,
    %swap3A_515 = arith.index_cast %multiple_of3A_510 : i32 to index
    %swap3A_516 = tpu.vector_load %arg19[%swap3A_515] {strides = array<i32>} : memref<1056xi32, #tpu.memory_space<vmem>>, vector<16xi32>,
    %swap3A_517 = vector.shape_cast %swap3A_516 : vector<16xi32> to vector<16xi32>
    %swap3A_518 = vector.shape_cast %add3A_483 : vector<16xi32> to vector<16xi32>
    tpu.vector_store %arg19[%swap3A_515], %swap3A_518 {strides = array<i32>} : memref<1056xi32, #tpu.memory_space<vmem>>, vector<16xi32>,
    %add3A_519 = arith.addi %scan3A_12#5, %iota3A : vector<16xi32>
    %slice3A = vector.extract_strided_slice %add3A_519 {offsets = [0], sizes = [1], strides = [1]} : vector<16xi32> to vector<1xi32>
    %squeeze3A = vector.extract %slice3A[0] : i32 from vector<1xi32>
    %add3A_520 = arith.addi %scan3A_12#0, %squeeze3A : i32
    %add3A_521 = arith.constant 15 : i32
    %add3A_522 = arith.addi %add3A_520, %add3A_521 : i32
    %jit3A_523 = arith.constant 16 : i32
    %div3A = arith.divsi %add3A_522, %jit3A_523 : i32
    %sign3A = arith.constant 0 : i32
    %sign3A_524 = arith.cmpi sgt, %add3A_522, %sign3A : i32
    %sign3A_525 = arith.extui %sign3A_524 : i1 to i32
    %sign3A_526 = arith.constant 0 : i32
    %sign3A_527 = arith.cmpi slt, %add3A_522, %sign3A_526 : i32
    %sign3A_528 = arith.extui %sign3A_527 : i1 to i32
    %sign3A_529 = arith.subi %sign3A_525, %sign3A_528 : i32
    %sign3A_530 = arith.constant 0 : i32
    %sign3A_531 = arith.cmpi sgt, %jit3A_523, %sign3A_530 : i32
    %sign3A_532 = arith.extui %sign3A_531 : i1 to i32
    %sign3A_533 = arith.constant 0 : i32
    %sign3A_534 = arith.cmpi slt, %jit3A_523, %sign3A_533 : i32
    %sign3A_535 = arith.extui %sign3A_534 : i1 to i32
    %sign3A_536 = arith.subi %sign3A_532, %sign3A_535 : i32
    %ne3A = arith.cmpi ne, %sign3A_529, %sign3A_536 : i32
    %rem3A = arith.remsi %add3A_522, %jit3A_523 : i32
    %ne3A_537 = arith.constant 0 : i32
    %ne3A_538 = arith.cmpi ne, %rem3A, %ne3A_537 : i32
    %and3A = arith.andi %ne3A, %ne3A_538 : i1
    %sub3A_539 = arith.constant 1 : i32
    %sub3A_540 = arith.subi %div3A, %sub3A_539 : i32
    %select_n3A_541 = arith.select %and3A, %sub3A_540, %div3A : i32
    %add3A_542 = arith.constant 1 : i32
    %add3A_543 = arith.addi %select_n3A_541, %add3A_542 : i32
    %jit3A_544 = arith.constant 2 : i32
    %div3A_545 = arith.divsi %add3A_543, %jit3A_544 : i32
    %sign3A_546 = arith.constant 0 : i32
    %sign3A_547 = arith.cmpi sgt, %add3A_543, %sign3A_546 : i32
    %sign3A_548 = arith.extui %sign3A_547 : i1 to i32
    %sign3A_549 = arith.constant 0 : i32
    %sign3A_550 = arith.cmpi slt, %add3A_543, %sign3A_549 : i32
    %sign3A_551 = arith.extui %sign3A_550 : i1 to i32
    %sign3A_552 = arith.subi %sign3A_548, %sign3A_551 : i32
    %sign3A_553 = arith.constant 0 : i32
    %sign3A_554 = arith.cmpi sgt, %jit3A_544, %sign3A_553 : i32
    %sign3A_555 = arith.extui %sign3A_554 : i1 to i32
    %sign3A_556 = arith.constant 0 : i32
    %sign3A_557 = arith.cmpi slt, %jit3A_544, %sign3A_556 : i32
    %sign3A_558 = arith.extui %sign3A_557 : i1 to i32
    %sign3A_559 = arith.subi %sign3A_555, %sign3A_558 : i32
    %ne3A_560 = arith.cmpi ne, %sign3A_552, %sign3A_559 : i32
    %rem3A_561 = arith.remsi %add3A_543, %jit3A_544 : i32
    %ne3A_562 = arith.constant 0 : i32
    %ne3A_563 = arith.cmpi ne, %rem3A_561, %ne3A_562 : i32
    %and3A_564 = arith.andi %ne3A_560, %ne3A_563 : i1
    %sub3A_565 = arith.constant 1 : i32
    %sub3A_566 = arith.subi %div3A_545, %sub3A_565 : i32
    %select_n3A_567 = arith.select %and3A_564, %sub3A_566, %div3A_545 : i32
    %gt3A = arith.constant 0 : i32
    %gt3A_568 = arith.cmpi sgt, %select_n3A_541, %gt3A : i32
    %convert_element_type3A = arith.extui %gt3A_568 : i1 to i32
    %cond3A = arith.constant 0 : i32
    %cond3A_569 = arith.cmpi ne, %convert_element_type3A, %cond3A : i32
    scf.if %cond3A_569 {
      %multiple_of3A_814 = arith.constant 0 : i32
      %multiple_of3A_815 = tpu.assume_multiple %multiple_of3A_814, 16 : i32
      %get3A_816 = arith.index_cast %multiple_of3A_815 : i32 to index
      %get3A_817 = tpu.vector_load %arg10[%get3A_816] {strides = array<i32>} : memref<1056xi32, #tpu.memory_space<vmem>>, vector<16xi32>,
      %get3A_818 = vector.shape_cast %get3A_817 : vector<16xi32> to vector<16xi32>
      %get3A_819 = arith.index_cast %multiple_of3A_815 : i32 to index
      %get3A_820 = tpu.vector_load %arg15[%get3A_819] {strides = array<i32>} : memref<1056xi32, #tpu.memory_space<vmem>>, vector<16xi32>,
      %get3A_821 = vector.shape_cast %get3A_820 : vector<16xi32> to vector<16xi32>
      %dma_start3A = arith.constant 0 : i32
      %dma_start3A_822 = arith.constant 0 : i32
      %dma_start3A_823 = tpu.memref_slice %arg3[%dma_start3A, %dma_start3A_822] : memref<100000x1024xf32, #tpu.memory_space<hbm>> -> memref<100000x1024xf32, #tpu.memory_space<hbm>>
      tpu.enqueue_indirect_dma source(%dma_start3A_823 : memref<100000x1024xf32, #tpu.memory_space<hbm>>) target(%arg20 : memref<16x1024xf32, #tpu.memory_space<vmem>>) offsets(%get3A_818 : vector<16xi32>) semaphore(%arg22 : memref<!tpu.dma_semaphore, #tpu.memory_space<semaphore_mem>>)
      %dma_wait3A = arith.constant 0 : i32
      %dma_wait3A_824 = arith.constant 0 : i32
      %dma_wait3A_825 = tpu.memref_slice %arg3[%dma_wait3A, %dma_wait3A_824] : memref<100000x1024xf32, #tpu.memory_space<hbm>> -> memref<100000x1024xf32, #tpu.memory_space<hbm>>
      tpu.wait_indirect_dma semaphore(%arg22 : memref<!tpu.dma_semaphore, #tpu.memory_space<semaphore_mem>>) src(%dma_wait3A_825 : memref<100000x1024xf32, #tpu.memory_space<hbm>>) dst(%arg20 : memref<16x1024xf32, #tpu.memory_space<vmem>>)
      %dma_start3A_826 = arith.constant 0 : i32
      %dma_start3A_827 = arith.constant 0 : i32
      %dma_start3A_828 = tpu.memref_slice %arg8[%dma_start3A_826, %dma_start3A_827] : memref<32768x1024xf32, #tpu.memory_space<hbm>> -> memref<32768x1024xf32, #tpu.memory_space<hbm>>
      tpu.enqueue_indirect_dma source(%arg20 : memref<16x1024xf32, #tpu.memory_space<vmem>>) target(%dma_start3A_828 : memref<32768x1024xf32, #tpu.memory_space<hbm>>) offsets(%get3A_821 : vector<16xi32>) semaphore(%arg24 : memref<!tpu.dma_semaphore, #tpu.memory_space<semaphore_mem>>)
      %multiple_of3A_829 = arith.constant 16 : i32
      %multiple_of3A_830 = tpu.assume_multiple %multiple_of3A_829, 16 : i32
      %get3A_831 = arith.index_cast %multiple_of3A_830 : i32 to index
      %get3A_832 = tpu.vector_load %arg10[%get3A_831] {strides = array<i32>} : memref<1056xi32, #tpu.memory_space<vmem>>, vector<16xi32>,
      %get3A_833 = vector.shape_cast %get3A_832 : vector<16xi32> to vector<16xi32>
      %get3A_834 = arith.index_cast %multiple_of3A_830 : i32 to index
      %get3A_835 = tpu.vector_load %arg15[%get3A_834] {strides = array<i32>} : memref<1056xi32, #tpu.memory_space<vmem>>, vector<16xi32>,
      %get3A_836 = vector.shape_cast %get3A_835 : vector<16xi32> to vector<16xi32>
      %dma_start3A_837 = arith.constant 0 : i32
      %dma_start3A_838 = arith.constant 0 : i32
      %dma_start3A_839 = tpu.memref_slice %arg3[%dma_start3A_837, %dma_start3A_838] : memref<100000x1024xf32, #tpu.memory_space<hbm>> -> memref<100000x1024xf32, #tpu.memory_space<hbm>>
      tpu.enqueue_indirect_dma source(%dma_start3A_839 : memref<100000x1024xf32, #tpu.memory_space<hbm>>) target(%arg21 : memref<16x1024xf32, #tpu.memory_space<vmem>>) offsets(%get3A_833 : vector<16xi32>) semaphore(%arg23 : memref<!tpu.dma_semaphore, #tpu.memory_space<semaphore_mem>>)
      %dma_wait3A_840 = arith.constant 0 : i32
      %dma_wait3A_841 = arith.constant 0 : i32
      %dma_wait3A_842 = tpu.memref_slice %arg3[%dma_wait3A_840, %dma_wait3A_841] : memref<100000x1024xf32, #tpu.memory_space<hbm>> -> memref<100000x1024xf32, #tpu.memory_space<hbm>>
      tpu.wait_indirect_dma semaphore(%arg23 : memref<!tpu.dma_semaphore, #tpu.memory_space<semaphore_mem>>) src(%dma_wait3A_842 : memref<100000x1024xf32, #tpu.memory_space<hbm>>) dst(%arg21 : memref<16x1024xf32, #tpu.memory_space<vmem>>)
      %dma_start3A_843 = arith.constant 0 : i32
      %dma_start3A_844 = arith.constant 0 : i32
      %dma_start3A_845 = tpu.memref_slice %arg8[%dma_start3A_843, %dma_start3A_844] : memref<32768x1024xf32, #tpu.memory_space<hbm>> -> memref<32768x1024xf32, #tpu.memory_space<hbm>>
      tpu.enqueue_indirect_dma source(%arg21 : memref<16x1024xf32, #tpu.memory_space<vmem>>) target(%dma_start3A_845 : memref<32768x1024xf32, #tpu.memory_space<hbm>>) offsets(%get3A_836 : vector<16xi32>) semaphore(%arg25 : memref<!tpu.dma_semaphore, #tpu.memory_space<semaphore_mem>>)
      %while3A = arith.constant 0 : i32
      %while3A_846 = arith.constant 1 : i32
      %while3A_847 = arith.subi %select_n3A_567, %while3A_846 : i32
      %while3A_848 = arith.addi %while3A_846, %while3A_847 : i32
      %while3A_849 = arith.constant 1 : i32
      %while3A_850 = arith.divsi %while3A_847, %while3A_849 : i32
      %while3A_851 = arith.muli %while3A_850, %while3A_849 : i32
      %while3A_852 = arith.addi %while3A_846, %while3A_851 : i32
      %while3A_853 = arith.constant 1 : i32
      scf.for %while3A_867 = %while3A_846 to %while3A_852 step %while3A_853  : i32 {
        %get3A_868 = arith.constant 0 : index
        %get3A_869 = tpu.vector_load %arg15[%get3A_868] {strides = array<i32>} : memref<1056xi32, #tpu.memory_space<vmem>>, vector<16xi32>,
        %get3A_870 = vector.shape_cast %get3A_869 : vector<16xi32> to vector<16xi32>
        %dma_wait3A_871 = arith.constant 0 : i32
        %dma_wait3A_872 = arith.constant 0 : i32
        %dma_wait3A_873 = tpu.memref_slice %arg8[%dma_wait3A_871, %dma_wait3A_872] : memref<32768x1024xf32, #tpu.memory_space<hbm>> -> memref<32768x1024xf32, #tpu.memory_space<hbm>>
        tpu.wait_indirect_dma semaphore(%arg24 : memref<!tpu.dma_semaphore, #tpu.memory_space<semaphore_mem>>) src(%arg20 : memref<16x1024xf32, #tpu.memory_space<vmem>>) dst(%dma_wait3A_873 : memref<32768x1024xf32, #tpu.memory_space<hbm>>)
        %mul3A_874 = arith.constant 2 : i32
        %mul3A_875 = arith.muli %mul3A_874, %while3A_867 : i32
        %mul3A_876 = arith.constant 16 : i32
        %mul3A_877 = arith.muli %mul3A_875, %mul3A_876 : i32
        %multiple_of3A_878 = tpu.assume_multiple %mul3A_877, 16 : i32
        %get3A_879 = arith.index_cast %multiple_of3A_878 : i32 to index
        %get3A_880 = tpu.vector_load %arg10[%get3A_879] {strides = array<i32>} : memref<1056xi32, #tpu.memory_space<vmem>>, vector<16xi32>,
        %get3A_881 = vector.shape_cast %get3A_880 : vector<16xi32> to vector<16xi32>
        %get3A_882 = arith.index_cast %multiple_of3A_878 : i32 to index
        %get3A_883 = tpu.vector_load %arg15[%get3A_882] {strides = array<i32>} : memref<1056xi32, #tpu.memory_space<vmem>>, vector<16xi32>,
        %get3A_884 = vector.shape_cast %get3A_883 : vector<16xi32> to vector<16xi32>
        %dma_start3A_885 = arith.constant 0 : i32
        %dma_start3A_886 = arith.constant 0 : i32
        %dma_start3A_887 = tpu.memref_slice %arg3[%dma_start3A_885, %dma_start3A_886] : memref<100000x1024xf32, #tpu.memory_space<hbm>> -> memref<100000x1024xf32, #tpu.memory_space<hbm>>
        tpu.enqueue_indirect_dma source(%dma_start3A_887 : memref<100000x1024xf32, #tpu.memory_space<hbm>>) target(%arg20 : memref<16x1024xf32, #tpu.memory_space<vmem>>) offsets(%get3A_881 : vector<16xi32>) semaphore(%arg22 : memref<!tpu.dma_semaphore, #tpu.memory_space<semaphore_mem>>)
        %dma_wait3A_888 = arith.constant 0 : i32
        %dma_wait3A_889 = arith.constant 0 : i32
        %dma_wait3A_890 = tpu.memref_slice %arg3[%dma_wait3A_888, %dma_wait3A_889] : memref<100000x1024xf32, #tpu.memory_space<hbm>> -> memref<100000x1024xf32, #tpu.memory_space<hbm>>
        tpu.wait_indirect_dma semaphore(%arg22 : memref<!tpu.dma_semaphore, #tpu.memory_space<semaphore_mem>>) src(%dma_wait3A_890 : memref<100000x1024xf32, #tpu.memory_space<hbm>>) dst(%arg20 : memref<16x1024xf32, #tpu.memory_space<vmem>>)
        %dma_start3A_891 = arith.constant 0 : i32
        %dma_start3A_892 = arith.constant 0 : i32
        %dma_start3A_893 = tpu.memref_slice %arg8[%dma_start3A_891, %dma_start3A_892] : memref<32768x1024xf32, #tpu.memory_space<hbm>> -> memref<32768x1024xf32, #tpu.memory_space<hbm>>
        tpu.enqueue_indirect_dma source(%arg20 : memref<16x1024xf32, #tpu.memory_space<vmem>>) target(%dma_start3A_893 : memref<32768x1024xf32, #tpu.memory_space<hbm>>) offsets(%get3A_884 : vector<16xi32>) semaphore(%arg24 : memref<!tpu.dma_semaphore, #tpu.memory_space<semaphore_mem>>)
        %get3A_894 = arith.constant 0 : index
        %get3A_895 = tpu.vector_load %arg15[%get3A_894] {strides = array<i32>} : memref<1056xi32, #tpu.memory_space<vmem>>, vector<16xi32>,
        %get3A_896 = vector.shape_cast %get3A_895 : vector<16xi32> to vector<16xi32>
        %dma_wait3A_897 = arith.constant 0 : i32
        %dma_wait3A_898 = arith.constant 0 : i32
        %dma_wait3A_899 = tpu.memref_slice %arg8[%dma_wait3A_897, %dma_wait3A_898] : memref<32768x1024xf32, #tpu.memory_space<hbm>> -> memref<32768x1024xf32, #tpu.memory_space<hbm>>
        tpu.wait_indirect_dma semaphore(%arg25 : memref<!tpu.dma_semaphore, #tpu.memory_space<semaphore_mem>>) src(%arg21 : memref<16x1024xf32, #tpu.memory_space<vmem>>) dst(%dma_wait3A_899 : memref<32768x1024xf32, #tpu.memory_space<hbm>>)
        %mul3A_900 = arith.constant 2 : i32
        %mul3A_901 = arith.muli %mul3A_900, %while3A_867 : i32
        %add3A_902 = arith.constant 1 : i32
        %add3A_903 = arith.addi %mul3A_901, %add3A_902 : i32
        %mul3A_904 = arith.constant 16 : i32
        %mul3A_905 = arith.muli %add3A_903, %mul3A_904 : i32
        %multiple_of3A_906 = tpu.assume_multiple %mul3A_905, 16 : i32
        %get3A_907 = arith.index_cast %multiple_of3A_906 : i32 to index
        %get3A_908 = tpu.vector_load %arg10[%get3A_907] {strides = array<i32>} : memref<1056xi32, #tpu.memory_space<vmem>>, vector<16xi32>,
        %get3A_909 = vector.shape_cast %get3A_908 : vector<16xi32> to vector<16xi32>
        %get3A_910 = arith.index_cast %multiple_of3A_906 : i32 to index
        %get3A_911 = tpu.vector_load %arg15[%get3A_910] {strides = array<i32>} : memref<1056xi32, #tpu.memory_space<vmem>>, vector<16xi32>,
        %get3A_912 = vector.shape_cast %get3A_911 : vector<16xi32> to vector<16xi32>
        %dma_start3A_913 = arith.constant 0 : i32
        %dma_start3A_914 = arith.constant 0 : i32
        %dma_start3A_915 = tpu.memref_slice %arg3[%dma_start3A_913, %dma_start3A_914] : memref<100000x1024xf32, #tpu.memory_space<hbm>> -> memref<100000x1024xf32, #tpu.memory_space<hbm>>
        tpu.enqueue_indirect_dma source(%dma_start3A_915 : memref<100000x1024xf32, #tpu.memory_space<hbm>>) target(%arg21 : memref<16x1024xf32, #tpu.memory_space<vmem>>) offsets(%get3A_909 : vector<16xi32>) semaphore(%arg23 : memref<!tpu.dma_semaphore, #tpu.memory_space<semaphore_mem>>)
        %dma_wait3A_916 = arith.constant 0 : i32
        %dma_wait3A_917 = arith.constant 0 : i32
        %dma_wait3A_918 = tpu.memref_slice %arg3[%dma_wait3A_916, %dma_wait3A_917] : memref<100000x1024xf32, #tpu.memory_space<hbm>> -> memref<100000x1024xf32, #tpu.memory_space<hbm>>
        tpu.wait_indirect_dma semaphore(%arg23 : memref<!tpu.dma_semaphore, #tpu.memory_space<semaphore_mem>>) src(%dma_wait3A_918 : memref<100000x1024xf32, #tpu.memory_space<hbm>>) dst(%arg21 : memref<16x1024xf32, #tpu.memory_space<vmem>>)
        %dma_start3A_919 = arith.constant 0 : i32
        %dma_start3A_920 = arith.constant 0 : i32
        %dma_start3A_921 = tpu.memref_slice %arg8[%dma_start3A_919, %dma_start3A_920] : memref<32768x1024xf32, #tpu.memory_space<hbm>> -> memref<32768x1024xf32, #tpu.memory_space<hbm>>
        tpu.enqueue_indirect_dma source(%arg21 : memref<16x1024xf32, #tpu.memory_space<vmem>>) target(%dma_start3A_921 : memref<32768x1024xf32, #tpu.memory_space<hbm>>) offsets(%get3A_912 : vector<16xi32>) semaphore(%arg25 : memref<!tpu.dma_semaphore, #tpu.memory_space<semaphore_mem>>)
      }
      %while3A_854 = arith.constant 1 : i32
      scf.for %while3A_867 = %while3A_852 to %while3A_848 step %while3A_854  : i32 {
        %get3A_868 = arith.constant 0 : index
        %get3A_869 = tpu.vector_load %arg15[%get3A_868] {strides = array<i32>} : memref<1056xi32, #tpu.memory_space<vmem>>, vector<16xi32>,
        %get3A_870 = vector.shape_cast %get3A_869 : vector<16xi32> to vector<16xi32>
        %dma_wait3A_871 = arith.constant 0 : i32
        %dma_wait3A_872 = arith.constant 0 : i32
        %dma_wait3A_873 = tpu.memref_slice %arg8[%dma_wait3A_871, %dma_wait3A_872] : memref<32768x1024xf32, #tpu.memory_space<hbm>> -> memref<32768x1024xf32, #tpu.memory_space<hbm>>
        tpu.wait_indirect_dma semaphore(%arg24 : memref<!tpu.dma_semaphore, #tpu.memory_space<semaphore_mem>>) src(%arg20 : memref<16x1024xf32, #tpu.memory_space<vmem>>) dst(%dma_wait3A_873 : memref<32768x1024xf32, #tpu.memory_space<hbm>>)
        %mul3A_874 = arith.constant 2 : i32
        %mul3A_875 = arith.muli %mul3A_874, %while3A_867 : i32
        %mul3A_876 = arith.constant 16 : i32
        %mul3A_877 = arith.muli %mul3A_875, %mul3A_876 : i32
        %multiple_of3A_878 = tpu.assume_multiple %mul3A_877, 16 : i32
        %get3A_879 = arith.index_cast %multiple_of3A_878 : i32 to index
        %get3A_880 = tpu.vector_load %arg10[%get3A_879] {strides = array<i32>} : memref<1056xi32, #tpu.memory_space<vmem>>, vector<16xi32>,
        %get3A_881 = vector.shape_cast %get3A_880 : vector<16xi32> to vector<16xi32>
        %get3A_882 = arith.index_cast %multiple_of3A_878 : i32 to index
        %get3A_883 = tpu.vector_load %arg15[%get3A_882] {strides = array<i32>} : memref<1056xi32, #tpu.memory_space<vmem>>, vector<16xi32>,
        %get3A_884 = vector.shape_cast %get3A_883 : vector<16xi32> to vector<16xi32>
        %dma_start3A_885 = arith.constant 0 : i32
        %dma_start3A_886 = arith.constant 0 : i32
        %dma_start3A_887 = tpu.memref_slice %arg3[%dma_start3A_885, %dma_start3A_886] : memref<100000x1024xf32, #tpu.memory_space<hbm>> -> memref<100000x1024xf32, #tpu.memory_space<hbm>>
        tpu.enqueue_indirect_dma source(%dma_start3A_887 : memref<100000x1024xf32, #tpu.memory_space<hbm>>) target(%arg20 : memref<16x1024xf32, #tpu.memory_space<vmem>>) offsets(%get3A_881 : vector<16xi32>) semaphore(%arg22 : memref<!tpu.dma_semaphore, #tpu.memory_space<semaphore_mem>>)
        %dma_wait3A_888 = arith.constant 0 : i32
        %dma_wait3A_889 = arith.constant 0 : i32
        %dma_wait3A_890 = tpu.memref_slice %arg3[%dma_wait3A_888, %dma_wait3A_889] : memref<100000x1024xf32, #tpu.memory_space<hbm>> -> memref<100000x1024xf32, #tpu.memory_space<hbm>>
        tpu.wait_indirect_dma semaphore(%arg22 : memref<!tpu.dma_semaphore, #tpu.memory_space<semaphore_mem>>) src(%dma_wait3A_890 : memref<100000x1024xf32, #tpu.memory_space<hbm>>) dst(%arg20 : memref<16x1024xf32, #tpu.memory_space<vmem>>)
        %dma_start3A_891 = arith.constant 0 : i32
        %dma_start3A_892 = arith.constant 0 : i32
        %dma_start3A_893 = tpu.memref_slice %arg8[%dma_start3A_891, %dma_start3A_892] : memref<32768x1024xf32, #tpu.memory_space<hbm>> -> memref<32768x1024xf32, #tpu.memory_space<hbm>>
        tpu.enqueue_indirect_dma source(%arg20 : memref<16x1024xf32, #tpu.memory_space<vmem>>) target(%dma_start3A_893 : memref<32768x1024xf32, #tpu.memory_space<hbm>>) offsets(%get3A_884 : vector<16xi32>) semaphore(%arg24 : memref<!tpu.dma_semaphore, #tpu.memory_space<semaphore_mem>>)
        %get3A_894 = arith.constant 0 : index
        %get3A_895 = tpu.vector_load %arg15[%get3A_894] {strides = array<i32>} : memref<1056xi32, #tpu.memory_space<vmem>>, vector<16xi32>,
        %get3A_896 = vector.shape_cast %get3A_895 : vector<16xi32> to vector<16xi32>
        %dma_wait3A_897 = arith.constant 0 : i32
        %dma_wait3A_898 = arith.constant 0 : i32
        %dma_wait3A_899 = tpu.memref_slice %arg8[%dma_wait3A_897, %dma_wait3A_898] : memref<32768x1024xf32, #tpu.memory_space<hbm>> -> memref<32768x1024xf32, #tpu.memory_space<hbm>>
        tpu.wait_indirect_dma semaphore(%arg25 : memref<!tpu.dma_semaphore, #tpu.memory_space<semaphore_mem>>) src(%arg21 : memref<16x1024xf32, #tpu.memory_space<vmem>>) dst(%dma_wait3A_899 : memref<32768x1024xf32, #tpu.memory_space<hbm>>)
        %mul3A_900 = arith.constant 2 : i32
        %mul3A_901 = arith.muli %mul3A_900, %while3A_867 : i32
        %add3A_902 = arith.constant 1 : i32
        %add3A_903 = arith.addi %mul3A_901, %add3A_902 : i32
        %mul3A_904 = arith.constant 16 : i32
        %mul3A_905 = arith.muli %add3A_903, %mul3A_904 : i32
        %multiple_of3A_906 = tpu.assume_multiple %mul3A_905, 16 : i32
        %get3A_907 = arith.index_cast %multiple_of3A_906 : i32 to index
        %get3A_908 = tpu.vector_load %arg10[%get3A_907] {strides = array<i32>} : memref<1056xi32, #tpu.memory_space<vmem>>, vector<16xi32>,
        %get3A_909 = vector.shape_cast %get3A_908 : vector<16xi32> to vector<16xi32>
        %get3A_910 = arith.index_cast %multiple_of3A_906 : i32 to index
        %get3A_911 = tpu.vector_load %arg15[%get3A_910] {strides = array<i32>} : memref<1056xi32, #tpu.memory_space<vmem>>, vector<16xi32>,
        %get3A_912 = vector.shape_cast %get3A_911 : vector<16xi32> to vector<16xi32>
        %dma_start3A_913 = arith.constant 0 : i32
        %dma_start3A_914 = arith.constant 0 : i32
        %dma_start3A_915 = tpu.memref_slice %arg3[%dma_start3A_913, %dma_start3A_914] : memref<100000x1024xf32, #tpu.memory_space<hbm>> -> memref<100000x1024xf32, #tpu.memory_space<hbm>>
        tpu.enqueue_indirect_dma source(%dma_start3A_915 : memref<100000x1024xf32, #tpu.memory_space<hbm>>) target(%arg21 : memref<16x1024xf32, #tpu.memory_space<vmem>>) offsets(%get3A_909 : vector<16xi32>) semaphore(%arg23 : memref<!tpu.dma_semaphore, #tpu.memory_space<semaphore_mem>>)
        %dma_wait3A_916 = arith.constant 0 : i32
        %dma_wait3A_917 = arith.constant 0 : i32
        %dma_wait3A_918 = tpu.memref_slice %arg3[%dma_wait3A_916, %dma_wait3A_917] : memref<100000x1024xf32, #tpu.memory_space<hbm>> -> memref<100000x1024xf32, #tpu.memory_space<hbm>>
        tpu.wait_indirect_dma semaphore(%arg23 : memref<!tpu.dma_semaphore, #tpu.memory_space<semaphore_mem>>) src(%dma_wait3A_918 : memref<100000x1024xf32, #tpu.memory_space<hbm>>) dst(%arg21 : memref<16x1024xf32, #tpu.memory_space<vmem>>)
        %dma_start3A_919 = arith.constant 0 : i32
        %dma_start3A_920 = arith.constant 0 : i32
        %dma_start3A_921 = tpu.memref_slice %arg8[%dma_start3A_919, %dma_start3A_920] : memref<32768x1024xf32, #tpu.memory_space<hbm>> -> memref<32768x1024xf32, #tpu.memory_space<hbm>>
        tpu.enqueue_indirect_dma source(%arg21 : memref<16x1024xf32, #tpu.memory_space<vmem>>) target(%dma_start3A_921 : memref<32768x1024xf32, #tpu.memory_space<hbm>>) offsets(%get3A_912 : vector<16xi32>) semaphore(%arg25 : memref<!tpu.dma_semaphore, #tpu.memory_space<semaphore_mem>>)
      }
      %get3A_855 = arith.constant 0 : index
      %get3A_856 = tpu.vector_load %arg15[%get3A_855] {strides = array<i32>} : memref<1056xi32, #tpu.memory_space<vmem>>, vector<16xi32>,
      %get3A_857 = vector.shape_cast %get3A_856 : vector<16xi32> to vector<16xi32>
      %dma_wait3A_858 = arith.constant 0 : i32
      %dma_wait3A_859 = arith.constant 0 : i32
      %dma_wait3A_860 = tpu.memref_slice %arg8[%dma_wait3A_858, %dma_wait3A_859] : memref<32768x1024xf32, #tpu.memory_space<hbm>> -> memref<32768x1024xf32, #tpu.memory_space<hbm>>
      tpu.wait_indirect_dma semaphore(%arg24 : memref<!tpu.dma_semaphore, #tpu.memory_space<semaphore_mem>>) src(%arg20 : memref<16x1024xf32, #tpu.memory_space<vmem>>) dst(%dma_wait3A_860 : memref<32768x1024xf32, #tpu.memory_space<hbm>>)
      %get3A_861 = arith.constant 0 : index
      %get3A_862 = tpu.vector_load %arg15[%get3A_861] {strides = array<i32>} : memref<1056xi32, #tpu.memory_space<vmem>>, vector<16xi32>,
      %get3A_863 = vector.shape_cast %get3A_862 : vector<16xi32> to vector<16xi32>
      %dma_wait3A_864 = arith.constant 0 : i32
      %dma_wait3A_865 = arith.constant 0 : i32
      %dma_wait3A_866 = tpu.memref_slice %arg8[%dma_wait3A_864, %dma_wait3A_865] : memref<32768x1024xf32, #tpu.memory_space<hbm>> -> memref<32768x1024xf32, #tpu.memory_space<hbm>>
      tpu.wait_indirect_dma semaphore(%arg25 : memref<!tpu.dma_semaphore, #tpu.memory_space<semaphore_mem>>) src(%arg21 : memref<16x1024xf32, #tpu.memory_space<vmem>>) dst(%dma_wait3A_866 : memref<32768x1024xf32, #tpu.memory_space<hbm>>)
    } else {
    }
    %add3A_570 = arith.addi %scan3A_12#6, %iota3A : vector<16xi32>
    %slice3A_571 = vector.extract_strided_slice %add3A_570 {offsets = [0], sizes = [1], strides = [1]} : vector<16xi32> to vector<1xi32>
    %squeeze3A_572 = vector.extract %slice3A_571[0] : i32 from vector<1xi32>
    %add3A_573 = arith.addi %scan3A_12#1, %squeeze3A_572 : i32
    %add3A_574 = arith.constant 15 : i32
    %add3A_575 = arith.addi %add3A_573, %add3A_574 : i32
    %jit3A_576 = arith.constant 16 : i32
    %div3A_577 = arith.divsi %add3A_575, %jit3A_576 : i32
    %sign3A_578 = arith.constant 0 : i32
    %sign3A_579 = arith.cmpi sgt, %add3A_575, %sign3A_578 : i32
    %sign3A_580 = arith.extui %sign3A_579 : i1 to i32
    %sign3A_581 = arith.constant 0 : i32
    %sign3A_582 = arith.cmpi slt, %add3A_575, %sign3A_581 : i32
    %sign3A_583 = arith.extui %sign3A_582 : i1 to i32
    %sign3A_584 = arith.subi %sign3A_580, %sign3A_583 : i32
    %sign3A_585 = arith.constant 0 : i32
    %sign3A_586 = arith.cmpi sgt, %jit3A_576, %sign3A_585 : i32
    %sign3A_587 = arith.extui %sign3A_586 : i1 to i32
    %sign3A_588 = arith.constant 0 : i32
    %sign3A_589 = arith.cmpi slt, %jit3A_576, %sign3A_588 : i32
    %sign3A_590 = arith.extui %sign3A_589 : i1 to i32
    %sign3A_591 = arith.subi %sign3A_587, %sign3A_590 : i32
    %ne3A_592 = arith.cmpi ne, %sign3A_584, %sign3A_591 : i32
    %rem3A_593 = arith.remsi %add3A_575, %jit3A_576 : i32
    %ne3A_594 = arith.constant 0 : i32
    %ne3A_595 = arith.cmpi ne, %rem3A_593, %ne3A_594 : i32
    %and3A_596 = arith.andi %ne3A_592, %ne3A_595 : i1
    %sub3A_597 = arith.constant 1 : i32
    %sub3A_598 = arith.subi %div3A_577, %sub3A_597 : i32
    %select_n3A_599 = arith.select %and3A_596, %sub3A_598, %div3A_577 : i32
    %add3A_600 = arith.constant 1 : i32
    %add3A_601 = arith.addi %select_n3A_599, %add3A_600 : i32
    %jit3A_602 = arith.constant 2 : i32
    %div3A_603 = arith.divsi %add3A_601, %jit3A_602 : i32
    %sign3A_604 = arith.constant 0 : i32
    %sign3A_605 = arith.cmpi sgt, %add3A_601, %sign3A_604 : i32
    %sign3A_606 = arith.extui %sign3A_605 : i1 to i32
    %sign3A_607 = arith.constant 0 : i32
    %sign3A_608 = arith.cmpi slt, %add3A_601, %sign3A_607 : i32
    %sign3A_609 = arith.extui %sign3A_608 : i1 to i32
    %sign3A_610 = arith.subi %sign3A_606, %sign3A_609 : i32
    %sign3A_611 = arith.constant 0 : i32
    %sign3A_612 = arith.cmpi sgt, %jit3A_602, %sign3A_611 : i32
    %sign3A_613 = arith.extui %sign3A_612 : i1 to i32
    %sign3A_614 = arith.constant 0 : i32
    %sign3A_615 = arith.cmpi slt, %jit3A_602, %sign3A_614 : i32
    %sign3A_616 = arith.extui %sign3A_615 : i1 to i32
    %sign3A_617 = arith.subi %sign3A_613, %sign3A_616 : i32
    %ne3A_618 = arith.cmpi ne, %sign3A_610, %sign3A_617 : i32
    %rem3A_619 = arith.remsi %add3A_601, %jit3A_602 : i32
    %ne3A_620 = arith.constant 0 : i32
    %ne3A_621 = arith.cmpi ne, %rem3A_619, %ne3A_620 : i32
    %and3A_622 = arith.andi %ne3A_618, %ne3A_621 : i1
    %sub3A_623 = arith.constant 1 : i32
    %sub3A_624 = arith.subi %div3A_603, %sub3A_623 : i32
    %select_n3A_625 = arith.select %and3A_622, %sub3A_624, %div3A_603 : i32
    %gt3A_626 = arith.constant 0 : i32
    %gt3A_627 = arith.cmpi sgt, %select_n3A_599, %gt3A_626 : i32
    %convert_element_type3A_628 = arith.extui %gt3A_627 : i1 to i32
    %cond3A_629 = arith.constant 0 : i32
    %cond3A_630 = arith.cmpi ne, %convert_element_type3A_628, %cond3A_629 : i32
    scf.if %cond3A_630 {
      %multiple_of3A_814 = arith.constant 0 : i32
      %multiple_of3A_815 = tpu.assume_multiple %multiple_of3A_814, 16 : i32
      %get3A_816 = arith.index_cast %multiple_of3A_815 : i32 to index
      %get3A_817 = tpu.vector_load %arg11[%get3A_816] {strides = array<i32>} : memref<1056xi32, #tpu.memory_space<vmem>>, vector<16xi32>,
      %get3A_818 = vector.shape_cast %get3A_817 : vector<16xi32> to vector<16xi32>
      %get3A_819 = arith.index_cast %multiple_of3A_815 : i32 to index
      %get3A_820 = tpu.vector_load %arg16[%get3A_819] {strides = array<i32>} : memref<1056xi32, #tpu.memory_space<vmem>>, vector<16xi32>,
      %get3A_821 = vector.shape_cast %get3A_820 : vector<16xi32> to vector<16xi32>
      %dma_start3A = arith.constant 0 : i32
      %dma_start3A_822 = arith.constant 0 : i32
      %dma_start3A_823 = tpu.memref_slice %arg4[%dma_start3A, %dma_start3A_822] : memref<10000x1024xf32, #tpu.memory_space<hbm>> -> memref<10000x1024xf32, #tpu.memory_space<hbm>>
      tpu.enqueue_indirect_dma source(%dma_start3A_823 : memref<10000x1024xf32, #tpu.memory_space<hbm>>) target(%arg20 : memref<16x1024xf32, #tpu.memory_space<vmem>>) offsets(%get3A_818 : vector<16xi32>) semaphore(%arg22 : memref<!tpu.dma_semaphore, #tpu.memory_space<semaphore_mem>>)
      %dma_wait3A = arith.constant 0 : i32
      %dma_wait3A_824 = arith.constant 0 : i32
      %dma_wait3A_825 = tpu.memref_slice %arg4[%dma_wait3A, %dma_wait3A_824] : memref<10000x1024xf32, #tpu.memory_space<hbm>> -> memref<10000x1024xf32, #tpu.memory_space<hbm>>
      tpu.wait_indirect_dma semaphore(%arg22 : memref<!tpu.dma_semaphore, #tpu.memory_space<semaphore_mem>>) src(%dma_wait3A_825 : memref<10000x1024xf32, #tpu.memory_space<hbm>>) dst(%arg20 : memref<16x1024xf32, #tpu.memory_space<vmem>>)
      %dma_start3A_826 = arith.constant 0 : i32
      %dma_start3A_827 = arith.constant 0 : i32
      %dma_start3A_828 = tpu.memref_slice %arg8[%dma_start3A_826, %dma_start3A_827] : memref<32768x1024xf32, #tpu.memory_space<hbm>> -> memref<32768x1024xf32, #tpu.memory_space<hbm>>
      tpu.enqueue_indirect_dma source(%arg20 : memref<16x1024xf32, #tpu.memory_space<vmem>>) target(%dma_start3A_828 : memref<32768x1024xf32, #tpu.memory_space<hbm>>) offsets(%get3A_821 : vector<16xi32>) semaphore(%arg24 : memref<!tpu.dma_semaphore, #tpu.memory_space<semaphore_mem>>)
      %multiple_of3A_829 = arith.constant 16 : i32
      %multiple_of3A_830 = tpu.assume_multiple %multiple_of3A_829, 16 : i32
      %get3A_831 = arith.index_cast %multiple_of3A_830 : i32 to index
      %get3A_832 = tpu.vector_load %arg11[%get3A_831] {strides = array<i32>} : memref<1056xi32, #tpu.memory_space<vmem>>, vector<16xi32>,
      %get3A_833 = vector.shape_cast %get3A_832 : vector<16xi32> to vector<16xi32>
      %get3A_834 = arith.index_cast %multiple_of3A_830 : i32 to index
      %get3A_835 = tpu.vector_load %arg16[%get3A_834] {strides = array<i32>} : memref<1056xi32, #tpu.memory_space<vmem>>, vector<16xi32>,
      %get3A_836 = vector.shape_cast %get3A_835 : vector<16xi32> to vector<16xi32>
      %dma_start3A_837 = arith.constant 0 : i32
      %dma_start3A_838 = arith.constant 0 : i32
      %dma_start3A_839 = tpu.memref_slice %arg4[%dma_start3A_837, %dma_start3A_838] : memref<10000x1024xf32, #tpu.memory_space<hbm>> -> memref<10000x1024xf32, #tpu.memory_space<hbm>>
      tpu.enqueue_indirect_dma source(%dma_start3A_839 : memref<10000x1024xf32, #tpu.memory_space<hbm>>) target(%arg21 : memref<16x1024xf32, #tpu.memory_space<vmem>>) offsets(%get3A_833 : vector<16xi32>) semaphore(%arg23 : memref<!tpu.dma_semaphore, #tpu.memory_space<semaphore_mem>>)
      %dma_wait3A_840 = arith.constant 0 : i32
      %dma_wait3A_841 = arith.constant 0 : i32
      %dma_wait3A_842 = tpu.memref_slice %arg4[%dma_wait3A_840, %dma_wait3A_841] : memref<10000x1024xf32, #tpu.memory_space<hbm>> -> memref<10000x1024xf32, #tpu.memory_space<hbm>>
      tpu.wait_indirect_dma semaphore(%arg23 : memref<!tpu.dma_semaphore, #tpu.memory_space<semaphore_mem>>) src(%dma_wait3A_842 : memref<10000x1024xf32, #tpu.memory_space<hbm>>) dst(%arg21 : memref<16x1024xf32, #tpu.memory_space<vmem>>)
      %dma_start3A_843 = arith.constant 0 : i32
      %dma_start3A_844 = arith.constant 0 : i32
      %dma_start3A_845 = tpu.memref_slice %arg8[%dma_start3A_843, %dma_start3A_844] : memref<32768x1024xf32, #tpu.memory_space<hbm>> -> memref<32768x1024xf32, #tpu.memory_space<hbm>>
      tpu.enqueue_indirect_dma source(%arg21 : memref<16x1024xf32, #tpu.memory_space<vmem>>) target(%dma_start3A_845 : memref<32768x1024xf32, #tpu.memory_space<hbm>>) offsets(%get3A_836 : vector<16xi32>) semaphore(%arg25 : memref<!tpu.dma_semaphore, #tpu.memory_space<semaphore_mem>>)
      %while3A = arith.constant 0 : i32
      %while3A_846 = arith.constant 1 : i32
      %while3A_847 = arith.subi %select_n3A_625, %while3A_846 : i32
      %while3A_848 = arith.addi %while3A_846, %while3A_847 : i32
      %while3A_849 = arith.constant 1 : i32
      %while3A_850 = arith.divsi %while3A_847, %while3A_849 : i32
      %while3A_851 = arith.muli %while3A_850, %while3A_849 : i32
      %while3A_852 = arith.addi %while3A_846, %while3A_851 : i32
      %while3A_853 = arith.constant 1 : i32
      scf.for %while3A_867 = %while3A_846 to %while3A_852 step %while3A_853  : i32 {
        %get3A_868 = arith.constant 0 : index
        %get3A_869 = tpu.vector_load %arg16[%get3A_868] {strides = array<i32>} : memref<1056xi32, #tpu.memory_space<vmem>>, vector<16xi32>,
        %get3A_870 = vector.shape_cast %get3A_869 : vector<16xi32> to vector<16xi32>
        %dma_wait3A_871 = arith.constant 0 : i32
        %dma_wait3A_872 = arith.constant 0 : i32
        %dma_wait3A_873 = tpu.memref_slice %arg8[%dma_wait3A_871, %dma_wait3A_872] : memref<32768x1024xf32, #tpu.memory_space<hbm>> -> memref<32768x1024xf32, #tpu.memory_space<hbm>>
        tpu.wait_indirect_dma semaphore(%arg24 : memref<!tpu.dma_semaphore, #tpu.memory_space<semaphore_mem>>) src(%arg20 : memref<16x1024xf32, #tpu.memory_space<vmem>>) dst(%dma_wait3A_873 : memref<32768x1024xf32, #tpu.memory_space<hbm>>)
        %mul3A_874 = arith.constant 2 : i32
        %mul3A_875 = arith.muli %mul3A_874, %while3A_867 : i32
        %mul3A_876 = arith.constant 16 : i32
        %mul3A_877 = arith.muli %mul3A_875, %mul3A_876 : i32
        %multiple_of3A_878 = tpu.assume_multiple %mul3A_877, 16 : i32
        %get3A_879 = arith.index_cast %multiple_of3A_878 : i32 to index
        %get3A_880 = tpu.vector_load %arg11[%get3A_879] {strides = array<i32>} : memref<1056xi32, #tpu.memory_space<vmem>>, vector<16xi32>,
        %get3A_881 = vector.shape_cast %get3A_880 : vector<16xi32> to vector<16xi32>
        %get3A_882 = arith.index_cast %multiple_of3A_878 : i32 to index
        %get3A_883 = tpu.vector_load %arg16[%get3A_882] {strides = array<i32>} : memref<1056xi32, #tpu.memory_space<vmem>>, vector<16xi32>,
        %get3A_884 = vector.shape_cast %get3A_883 : vector<16xi32> to vector<16xi32>
        %dma_start3A_885 = arith.constant 0 : i32
        %dma_start3A_886 = arith.constant 0 : i32
        %dma_start3A_887 = tpu.memref_slice %arg4[%dma_start3A_885, %dma_start3A_886] : memref<10000x1024xf32, #tpu.memory_space<hbm>> -> memref<10000x1024xf32, #tpu.memory_space<hbm>>
        tpu.enqueue_indirect_dma source(%dma_start3A_887 : memref<10000x1024xf32, #tpu.memory_space<hbm>>) target(%arg20 : memref<16x1024xf32, #tpu.memory_space<vmem>>) offsets(%get3A_881 : vector<16xi32>) semaphore(%arg22 : memref<!tpu.dma_semaphore, #tpu.memory_space<semaphore_mem>>)
        %dma_wait3A_888 = arith.constant 0 : i32
        %dma_wait3A_889 = arith.constant 0 : i32
        %dma_wait3A_890 = tpu.memref_slice %arg4[%dma_wait3A_888, %dma_wait3A_889] : memref<10000x1024xf32, #tpu.memory_space<hbm>> -> memref<10000x1024xf32, #tpu.memory_space<hbm>>
        tpu.wait_indirect_dma semaphore(%arg22 : memref<!tpu.dma_semaphore, #tpu.memory_space<semaphore_mem>>) src(%dma_wait3A_890 : memref<10000x1024xf32, #tpu.memory_space<hbm>>) dst(%arg20 : memref<16x1024xf32, #tpu.memory_space<vmem>>)
        %dma_start3A_891 = arith.constant 0 : i32
        %dma_start3A_892 = arith.constant 0 : i32
        %dma_start3A_893 = tpu.memref_slice %arg8[%dma_start3A_891, %dma_start3A_892] : memref<32768x1024xf32, #tpu.memory_space<hbm>> -> memref<32768x1024xf32, #tpu.memory_space<hbm>>
        tpu.enqueue_indirect_dma source(%arg20 : memref<16x1024xf32, #tpu.memory_space<vmem>>) target(%dma_start3A_893 : memref<32768x1024xf32, #tpu.memory_space<hbm>>) offsets(%get3A_884 : vector<16xi32>) semaphore(%arg24 : memref<!tpu.dma_semaphore, #tpu.memory_space<semaphore_mem>>)
        %get3A_894 = arith.constant 0 : index
        %get3A_895 = tpu.vector_load %arg16[%get3A_894] {strides = array<i32>} : memref<1056xi32, #tpu.memory_space<vmem>>, vector<16xi32>,
        %get3A_896 = vector.shape_cast %get3A_895 : vector<16xi32> to vector<16xi32>
        %dma_wait3A_897 = arith.constant 0 : i32
        %dma_wait3A_898 = arith.constant 0 : i32
        %dma_wait3A_899 = tpu.memref_slice %arg8[%dma_wait3A_897, %dma_wait3A_898] : memref<32768x1024xf32, #tpu.memory_space<hbm>> -> memref<32768x1024xf32, #tpu.memory_space<hbm>>
        tpu.wait_indirect_dma semaphore(%arg25 : memref<!tpu.dma_semaphore, #tpu.memory_space<semaphore_mem>>) src(%arg21 : memref<16x1024xf32, #tpu.memory_space<vmem>>) dst(%dma_wait3A_899 : memref<32768x1024xf32, #tpu.memory_space<hbm>>)
        %mul3A_900 = arith.constant 2 : i32
        %mul3A_901 = arith.muli %mul3A_900, %while3A_867 : i32
        %add3A_902 = arith.constant 1 : i32
        %add3A_903 = arith.addi %mul3A_901, %add3A_902 : i32
        %mul3A_904 = arith.constant 16 : i32
        %mul3A_905 = arith.muli %add3A_903, %mul3A_904 : i32
        %multiple_of3A_906 = tpu.assume_multiple %mul3A_905, 16 : i32
        %get3A_907 = arith.index_cast %multiple_of3A_906 : i32 to index
        %get3A_908 = tpu.vector_load %arg11[%get3A_907] {strides = array<i32>} : memref<1056xi32, #tpu.memory_space<vmem>>, vector<16xi32>,
        %get3A_909 = vector.shape_cast %get3A_908 : vector<16xi32> to vector<16xi32>
        %get3A_910 = arith.index_cast %multiple_of3A_906 : i32 to index
        %get3A_911 = tpu.vector_load %arg16[%get3A_910] {strides = array<i32>} : memref<1056xi32, #tpu.memory_space<vmem>>, vector<16xi32>,
        %get3A_912 = vector.shape_cast %get3A_911 : vector<16xi32> to vector<16xi32>
        %dma_start3A_913 = arith.constant 0 : i32
        %dma_start3A_914 = arith.constant 0 : i32
        %dma_start3A_915 = tpu.memref_slice %arg4[%dma_start3A_913, %dma_start3A_914] : memref<10000x1024xf32, #tpu.memory_space<hbm>> -> memref<10000x1024xf32, #tpu.memory_space<hbm>>
        tpu.enqueue_indirect_dma source(%dma_start3A_915 : memref<10000x1024xf32, #tpu.memory_space<hbm>>) target(%arg21 : memref<16x1024xf32, #tpu.memory_space<vmem>>) offsets(%get3A_909 : vector<16xi32>) semaphore(%arg23 : memref<!tpu.dma_semaphore, #tpu.memory_space<semaphore_mem>>)
        %dma_wait3A_916 = arith.constant 0 : i32
        %dma_wait3A_917 = arith.constant 0 : i32
        %dma_wait3A_918 = tpu.memref_slice %arg4[%dma_wait3A_916, %dma_wait3A_917] : memref<10000x1024xf32, #tpu.memory_space<hbm>> -> memref<10000x1024xf32, #tpu.memory_space<hbm>>
        tpu.wait_indirect_dma semaphore(%arg23 : memref<!tpu.dma_semaphore, #tpu.memory_space<semaphore_mem>>) src(%dma_wait3A_918 : memref<10000x1024xf32, #tpu.memory_space<hbm>>) dst(%arg21 : memref<16x1024xf32, #tpu.memory_space<vmem>>)
        %dma_start3A_919 = arith.constant 0 : i32
        %dma_start3A_920 = arith.constant 0 : i32
        %dma_start3A_921 = tpu.memref_slice %arg8[%dma_start3A_919, %dma_start3A_920] : memref<32768x1024xf32, #tpu.memory_space<hbm>> -> memref<32768x1024xf32, #tpu.memory_space<hbm>>
        tpu.enqueue_indirect_dma source(%arg21 : memref<16x1024xf32, #tpu.memory_space<vmem>>) target(%dma_start3A_921 : memref<32768x1024xf32, #tpu.memory_space<hbm>>) offsets(%get3A_912 : vector<16xi32>) semaphore(%arg25 : memref<!tpu.dma_semaphore, #tpu.memory_space<semaphore_mem>>)
      }
      %while3A_854 = arith.constant 1 : i32
      scf.for %while3A_867 = %while3A_852 to %while3A_848 step %while3A_854  : i32 {
        %get3A_868 = arith.constant 0 : index
        %get3A_869 = tpu.vector_load %arg16[%get3A_868] {strides = array<i32>} : memref<1056xi32, #tpu.memory_space<vmem>>, vector<16xi32>,
        %get3A_870 = vector.shape_cast %get3A_869 : vector<16xi32> to vector<16xi32>
        %dma_wait3A_871 = arith.constant 0 : i32
        %dma_wait3A_872 = arith.constant 0 : i32
        %dma_wait3A_873 = tpu.memref_slice %arg8[%dma_wait3A_871, %dma_wait3A_872] : memref<32768x1024xf32, #tpu.memory_space<hbm>> -> memref<32768x1024xf32, #tpu.memory_space<hbm>>
        tpu.wait_indirect_dma semaphore(%arg24 : memref<!tpu.dma_semaphore, #tpu.memory_space<semaphore_mem>>) src(%arg20 : memref<16x1024xf32, #tpu.memory_space<vmem>>) dst(%dma_wait3A_873 : memref<32768x1024xf32, #tpu.memory_space<hbm>>)
        %mul3A_874 = arith.constant 2 : i32
        %mul3A_875 = arith.muli %mul3A_874, %while3A_867 : i32
        %mul3A_876 = arith.constant 16 : i32
        %mul3A_877 = arith.muli %mul3A_875, %mul3A_876 : i32
        %multiple_of3A_878 = tpu.assume_multiple %mul3A_877, 16 : i32
        %get3A_879 = arith.index_cast %multiple_of3A_878 : i32 to index
        %get3A_880 = tpu.vector_load %arg11[%get3A_879] {strides = array<i32>} : memref<1056xi32, #tpu.memory_space<vmem>>, vector<16xi32>,
        %get3A_881 = vector.shape_cast %get3A_880 : vector<16xi32> to vector<16xi32>
        %get3A_882 = arith.index_cast %multiple_of3A_878 : i32 to index
        %get3A_883 = tpu.vector_load %arg16[%get3A_882] {strides = array<i32>} : memref<1056xi32, #tpu.memory_space<vmem>>, vector<16xi32>,
        %get3A_884 = vector.shape_cast %get3A_883 : vector<16xi32> to vector<16xi32>
        %dma_start3A_885 = arith.constant 0 : i32
        %dma_start3A_886 = arith.constant 0 : i32
        %dma_start3A_887 = tpu.memref_slice %arg4[%dma_start3A_885, %dma_start3A_886] : memref<10000x1024xf32, #tpu.memory_space<hbm>> -> memref<10000x1024xf32, #tpu.memory_space<hbm>>
        tpu.enqueue_indirect_dma source(%dma_start3A_887 : memref<10000x1024xf32, #tpu.memory_space<hbm>>) target(%arg20 : memref<16x1024xf32, #tpu.memory_space<vmem>>) offsets(%get3A_881 : vector<16xi32>) semaphore(%arg22 : memref<!tpu.dma_semaphore, #tpu.memory_space<semaphore_mem>>)
        %dma_wait3A_888 = arith.constant 0 : i32
        %dma_wait3A_889 = arith.constant 0 : i32
        %dma_wait3A_890 = tpu.memref_slice %arg4[%dma_wait3A_888, %dma_wait3A_889] : memref<10000x1024xf32, #tpu.memory_space<hbm>> -> memref<10000x1024xf32, #tpu.memory_space<hbm>>
        tpu.wait_indirect_dma semaphore(%arg22 : memref<!tpu.dma_semaphore, #tpu.memory_space<semaphore_mem>>) src(%dma_wait3A_890 : memref<10000x1024xf32, #tpu.memory_space<hbm>>) dst(%arg20 : memref<16x1024xf32, #tpu.memory_space<vmem>>)
        %dma_start3A_891 = arith.constant 0 : i32
        %dma_start3A_892 = arith.constant 0 : i32
        %dma_start3A_893 = tpu.memref_slice %arg8[%dma_start3A_891, %dma_start3A_892] : memref<32768x1024xf32, #tpu.memory_space<hbm>> -> memref<32768x1024xf32, #tpu.memory_space<hbm>>
        tpu.enqueue_indirect_dma source(%arg20 : memref<16x1024xf32, #tpu.memory_space<vmem>>) target(%dma_start3A_893 : memref<32768x1024xf32, #tpu.memory_space<hbm>>) offsets(%get3A_884 : vector<16xi32>) semaphore(%arg24 : memref<!tpu.dma_semaphore, #tpu.memory_space<semaphore_mem>>)
        %get3A_894 = arith.constant 0 : index
        %get3A_895 = tpu.vector_load %arg16[%get3A_894] {strides = array<i32>} : memref<1056xi32, #tpu.memory_space<vmem>>, vector<16xi32>,
        %get3A_896 = vector.shape_cast %get3A_895 : vector<16xi32> to vector<16xi32>
        %dma_wait3A_897 = arith.constant 0 : i32
        %dma_wait3A_898 = arith.constant 0 : i32
        %dma_wait3A_899 = tpu.memref_slice %arg8[%dma_wait3A_897, %dma_wait3A_898] : memref<32768x1024xf32, #tpu.memory_space<hbm>> -> memref<32768x1024xf32, #tpu.memory_space<hbm>>
        tpu.wait_indirect_dma semaphore(%arg25 : memref<!tpu.dma_semaphore, #tpu.memory_space<semaphore_mem>>) src(%arg21 : memref<16x1024xf32, #tpu.memory_space<vmem>>) dst(%dma_wait3A_899 : memref<32768x1024xf32, #tpu.memory_space<hbm>>)
        %mul3A_900 = arith.constant 2 : i32
        %mul3A_901 = arith.muli %mul3A_900, %while3A_867 : i32
        %add3A_902 = arith.constant 1 : i32
        %add3A_903 = arith.addi %mul3A_901, %add3A_902 : i32
        %mul3A_904 = arith.constant 16 : i32
        %mul3A_905 = arith.muli %add3A_903, %mul3A_904 : i32
        %multiple_of3A_906 = tpu.assume_multiple %mul3A_905, 16 : i32
        %get3A_907 = arith.index_cast %multiple_of3A_906 : i32 to index
        %get3A_908 = tpu.vector_load %arg11[%get3A_907] {strides = array<i32>} : memref<1056xi32, #tpu.memory_space<vmem>>, vector<16xi32>,
        %get3A_909 = vector.shape_cast %get3A_908 : vector<16xi32> to vector<16xi32>
        %get3A_910 = arith.index_cast %multiple_of3A_906 : i32 to index
        %get3A_911 = tpu.vector_load %arg16[%get3A_910] {strides = array<i32>} : memref<1056xi32, #tpu.memory_space<vmem>>, vector<16xi32>,
        %get3A_912 = vector.shape_cast %get3A_911 : vector<16xi32> to vector<16xi32>
        %dma_start3A_913 = arith.constant 0 : i32
        %dma_start3A_914 = arith.constant 0 : i32
        %dma_start3A_915 = tpu.memref_slice %arg4[%dma_start3A_913, %dma_start3A_914] : memref<10000x1024xf32, #tpu.memory_space<hbm>> -> memref<10000x1024xf32, #tpu.memory_space<hbm>>
        tpu.enqueue_indirect_dma source(%dma_start3A_915 : memref<10000x1024xf32, #tpu.memory_space<hbm>>) target(%arg21 : memref<16x1024xf32, #tpu.memory_space<vmem>>) offsets(%get3A_909 : vector<16xi32>) semaphore(%arg23 : memref<!tpu.dma_semaphore, #tpu.memory_space<semaphore_mem>>)
        %dma_wait3A_916 = arith.constant 0 : i32
        %dma_wait3A_917 = arith.constant 0 : i32
        %dma_wait3A_918 = tpu.memref_slice %arg4[%dma_wait3A_916, %dma_wait3A_917] : memref<10000x1024xf32, #tpu.memory_space<hbm>> -> memref<10000x1024xf32, #tpu.memory_space<hbm>>
        tpu.wait_indirect_dma semaphore(%arg23 : memref<!tpu.dma_semaphore, #tpu.memory_space<semaphore_mem>>) src(%dma_wait3A_918 : memref<10000x1024xf32, #tpu.memory_space<hbm>>) dst(%arg21 : memref<16x1024xf32, #tpu.memory_space<vmem>>)
        %dma_start3A_919 = arith.constant 0 : i32
        %dma_start3A_920 = arith.constant 0 : i32
        %dma_start3A_921 = tpu.memref_slice %arg8[%dma_start3A_919, %dma_start3A_920] : memref<32768x1024xf32, #tpu.memory_space<hbm>> -> memref<32768x1024xf32, #tpu.memory_space<hbm>>
        tpu.enqueue_indirect_dma source(%arg21 : memref<16x1024xf32, #tpu.memory_space<vmem>>) target(%dma_start3A_921 : memref<32768x1024xf32, #tpu.memory_space<hbm>>) offsets(%get3A_912 : vector<16xi32>) semaphore(%arg25 : memref<!tpu.dma_semaphore, #tpu.memory_space<semaphore_mem>>)
      }
      %get3A_855 = arith.constant 0 : index
      %get3A_856 = tpu.vector_load %arg16[%get3A_855] {strides = array<i32>} : memref<1056xi32, #tpu.memory_space<vmem>>, vector<16xi32>,
      %get3A_857 = vector.shape_cast %get3A_856 : vector<16xi32> to vector<16xi32>
      %dma_wait3A_858 = arith.constant 0 : i32
      %dma_wait3A_859 = arith.constant 0 : i32
      %dma_wait3A_860 = tpu.memref_slice %arg8[%dma_wait3A_858, %dma_wait3A_859] : memref<32768x1024xf32, #tpu.memory_space<hbm>> -> memref<32768x1024xf32, #tpu.memory_space<hbm>>
      tpu.wait_indirect_dma semaphore(%arg24 : memref<!tpu.dma_semaphore, #tpu.memory_space<semaphore_mem>>) src(%arg20 : memref<16x1024xf32, #tpu.memory_space<vmem>>) dst(%dma_wait3A_860 : memref<32768x1024xf32, #tpu.memory_space<hbm>>)
      %get3A_861 = arith.constant 0 : index
      %get3A_862 = tpu.vector_load %arg16[%get3A_861] {strides = array<i32>} : memref<1056xi32, #tpu.memory_space<vmem>>, vector<16xi32>,
      %get3A_863 = vector.shape_cast %get3A_862 : vector<16xi32> to vector<16xi32>
      %dma_wait3A_864 = arith.constant 0 : i32
      %dma_wait3A_865 = arith.constant 0 : i32
      %dma_wait3A_866 = tpu.memref_slice %arg8[%dma_wait3A_864, %dma_wait3A_865] : memref<32768x1024xf32, #tpu.memory_space<hbm>> -> memref<32768x1024xf32, #tpu.memory_space<hbm>>
      tpu.wait_indirect_dma semaphore(%arg25 : memref<!tpu.dma_semaphore, #tpu.memory_space<semaphore_mem>>) src(%arg21 : memref<16x1024xf32, #tpu.memory_space<vmem>>) dst(%dma_wait3A_866 : memref<32768x1024xf32, #tpu.memory_space<hbm>>)
    } else {
    }
    %add3A_631 = arith.addi %scan3A_12#7, %iota3A : vector<16xi32>
    %slice3A_632 = vector.extract_strided_slice %add3A_631 {offsets = [0], sizes = [1], strides = [1]} : vector<16xi32> to vector<1xi32>
    %squeeze3A_633 = vector.extract %slice3A_632[0] : i32 from vector<1xi32>
    %add3A_634 = arith.addi %scan3A_12#2, %squeeze3A_633 : i32
    %add3A_635 = arith.constant 15 : i32
    %add3A_636 = arith.addi %add3A_634, %add3A_635 : i32
    %jit3A_637 = arith.constant 16 : i32
    %div3A_638 = arith.divsi %add3A_636, %jit3A_637 : i32
    %sign3A_639 = arith.constant 0 : i32
    %sign3A_640 = arith.cmpi sgt, %add3A_636, %sign3A_639 : i32
    %sign3A_641 = arith.extui %sign3A_640 : i1 to i32
    %sign3A_642 = arith.constant 0 : i32
    %sign3A_643 = arith.cmpi slt, %add3A_636, %sign3A_642 : i32
    %sign3A_644 = arith.extui %sign3A_643 : i1 to i32
    %sign3A_645 = arith.subi %sign3A_641, %sign3A_644 : i32
    %sign3A_646 = arith.constant 0 : i32
    %sign3A_647 = arith.cmpi sgt, %jit3A_637, %sign3A_646 : i32
    %sign3A_648 = arith.extui %sign3A_647 : i1 to i32
    %sign3A_649 = arith.constant 0 : i32
    %sign3A_650 = arith.cmpi slt, %jit3A_637, %sign3A_649 : i32
    %sign3A_651 = arith.extui %sign3A_650 : i1 to i32
    %sign3A_652 = arith.subi %sign3A_648, %sign3A_651 : i32
    %ne3A_653 = arith.cmpi ne, %sign3A_645, %sign3A_652 : i32
    %rem3A_654 = arith.remsi %add3A_636, %jit3A_637 : i32
    %ne3A_655 = arith.constant 0 : i32
    %ne3A_656 = arith.cmpi ne, %rem3A_654, %ne3A_655 : i32
    %and3A_657 = arith.andi %ne3A_653, %ne3A_656 : i1
    %sub3A_658 = arith.constant 1 : i32
    %sub3A_659 = arith.subi %div3A_638, %sub3A_658 : i32
    %select_n3A_660 = arith.select %and3A_657, %sub3A_659, %div3A_638 : i32
    %add3A_661 = arith.constant 1 : i32
    %add3A_662 = arith.addi %select_n3A_660, %add3A_661 : i32
    %jit3A_663 = arith.constant 2 : i32
    %div3A_664 = arith.divsi %add3A_662, %jit3A_663 : i32
    %sign3A_665 = arith.constant 0 : i32
    %sign3A_666 = arith.cmpi sgt, %add3A_662, %sign3A_665 : i32
    %sign3A_667 = arith.extui %sign3A_666 : i1 to i32
    %sign3A_668 = arith.constant 0 : i32
    %sign3A_669 = arith.cmpi slt, %add3A_662, %sign3A_668 : i32
    %sign3A_670 = arith.extui %sign3A_669 : i1 to i32
    %sign3A_671 = arith.subi %sign3A_667, %sign3A_670 : i32
    %sign3A_672 = arith.constant 0 : i32
    %sign3A_673 = arith.cmpi sgt, %jit3A_663, %sign3A_672 : i32
    %sign3A_674 = arith.extui %sign3A_673 : i1 to i32
    %sign3A_675 = arith.constant 0 : i32
    %sign3A_676 = arith.cmpi slt, %jit3A_663, %sign3A_675 : i32
    %sign3A_677 = arith.extui %sign3A_676 : i1 to i32
    %sign3A_678 = arith.subi %sign3A_674, %sign3A_677 : i32
    %ne3A_679 = arith.cmpi ne, %sign3A_671, %sign3A_678 : i32
    %rem3A_680 = arith.remsi %add3A_662, %jit3A_663 : i32
    %ne3A_681 = arith.constant 0 : i32
    %ne3A_682 = arith.cmpi ne, %rem3A_680, %ne3A_681 : i32
    %and3A_683 = arith.andi %ne3A_679, %ne3A_682 : i1
    %sub3A_684 = arith.constant 1 : i32
    %sub3A_685 = arith.subi %div3A_664, %sub3A_684 : i32
    %select_n3A_686 = arith.select %and3A_683, %sub3A_685, %div3A_664 : i32
    %gt3A_687 = arith.constant 0 : i32
    %gt3A_688 = arith.cmpi sgt, %select_n3A_660, %gt3A_687 : i32
    %convert_element_type3A_689 = arith.extui %gt3A_688 : i1 to i32
    %cond3A_690 = arith.constant 0 : i32
    %cond3A_691 = arith.cmpi ne, %convert_element_type3A_689, %cond3A_690 : i32
    scf.if %cond3A_691 {
      %multiple_of3A_814 = arith.constant 0 : i32
      %multiple_of3A_815 = tpu.assume_multiple %multiple_of3A_814, 16 : i32
      %get3A_816 = arith.index_cast %multiple_of3A_815 : i32 to index
      %get3A_817 = tpu.vector_load %arg12[%get3A_816] {strides = array<i32>} : memref<1056xi32, #tpu.memory_space<vmem>>, vector<16xi32>,
      %get3A_818 = vector.shape_cast %get3A_817 : vector<16xi32> to vector<16xi32>
      %get3A_819 = arith.index_cast %multiple_of3A_815 : i32 to index
      %get3A_820 = tpu.vector_load %arg17[%get3A_819] {strides = array<i32>} : memref<1056xi32, #tpu.memory_space<vmem>>, vector<16xi32>,
      %get3A_821 = vector.shape_cast %get3A_820 : vector<16xi32> to vector<16xi32>
      %dma_start3A = arith.constant 0 : i32
      %dma_start3A_822 = arith.constant 0 : i32
      %dma_start3A_823 = tpu.memref_slice %arg5[%dma_start3A, %dma_start3A_822] : memref<1000x1024xf32, #tpu.memory_space<hbm>> -> memref<1000x1024xf32, #tpu.memory_space<hbm>>
      tpu.enqueue_indirect_dma source(%dma_start3A_823 : memref<1000x1024xf32, #tpu.memory_space<hbm>>) target(%arg20 : memref<16x1024xf32, #tpu.memory_space<vmem>>) offsets(%get3A_818 : vector<16xi32>) semaphore(%arg22 : memref<!tpu.dma_semaphore, #tpu.memory_space<semaphore_mem>>)
      %dma_wait3A = arith.constant 0 : i32
      %dma_wait3A_824 = arith.constant 0 : i32
      %dma_wait3A_825 = tpu.memref_slice %arg5[%dma_wait3A, %dma_wait3A_824] : memref<1000x1024xf32, #tpu.memory_space<hbm>> -> memref<1000x1024xf32, #tpu.memory_space<hbm>>
      tpu.wait_indirect_dma semaphore(%arg22 : memref<!tpu.dma_semaphore, #tpu.memory_space<semaphore_mem>>) src(%dma_wait3A_825 : memref<1000x1024xf32, #tpu.memory_space<hbm>>) dst(%arg20 : memref<16x1024xf32, #tpu.memory_space<vmem>>)
      %dma_start3A_826 = arith.constant 0 : i32
      %dma_start3A_827 = arith.constant 0 : i32
      %dma_start3A_828 = tpu.memref_slice %arg8[%dma_start3A_826, %dma_start3A_827] : memref<32768x1024xf32, #tpu.memory_space<hbm>> -> memref<32768x1024xf32, #tpu.memory_space<hbm>>
      tpu.enqueue_indirect_dma source(%arg20 : memref<16x1024xf32, #tpu.memory_space<vmem>>) target(%dma_start3A_828 : memref<32768x1024xf32, #tpu.memory_space<hbm>>) offsets(%get3A_821 : vector<16xi32>) semaphore(%arg24 : memref<!tpu.dma_semaphore, #tpu.memory_space<semaphore_mem>>)
      %multiple_of3A_829 = arith.constant 16 : i32
      %multiple_of3A_830 = tpu.assume_multiple %multiple_of3A_829, 16 : i32
      %get3A_831 = arith.index_cast %multiple_of3A_830 : i32 to index
      %get3A_832 = tpu.vector_load %arg12[%get3A_831] {strides = array<i32>} : memref<1056xi32, #tpu.memory_space<vmem>>, vector<16xi32>,
      %get3A_833 = vector.shape_cast %get3A_832 : vector<16xi32> to vector<16xi32>
      %get3A_834 = arith.index_cast %multiple_of3A_830 : i32 to index
      %get3A_835 = tpu.vector_load %arg17[%get3A_834] {strides = array<i32>} : memref<1056xi32, #tpu.memory_space<vmem>>, vector<16xi32>,
      %get3A_836 = vector.shape_cast %get3A_835 : vector<16xi32> to vector<16xi32>
      %dma_start3A_837 = arith.constant 0 : i32
      %dma_start3A_838 = arith.constant 0 : i32
      %dma_start3A_839 = tpu.memref_slice %arg5[%dma_start3A_837, %dma_start3A_838] : memref<1000x1024xf32, #tpu.memory_space<hbm>> -> memref<1000x1024xf32, #tpu.memory_space<hbm>>
      tpu.enqueue_indirect_dma source(%dma_start3A_839 : memref<1000x1024xf32, #tpu.memory_space<hbm>>) target(%arg21 : memref<16x1024xf32, #tpu.memory_space<vmem>>) offsets(%get3A_833 : vector<16xi32>) semaphore(%arg23 : memref<!tpu.dma_semaphore, #tpu.memory_space<semaphore_mem>>)
      %dma_wait3A_840 = arith.constant 0 : i32
      %dma_wait3A_841 = arith.constant 0 : i32
      %dma_wait3A_842 = tpu.memref_slice %arg5[%dma_wait3A_840, %dma_wait3A_841] : memref<1000x1024xf32, #tpu.memory_space<hbm>> -> memref<1000x1024xf32, #tpu.memory_space<hbm>>
      tpu.wait_indirect_dma semaphore(%arg23 : memref<!tpu.dma_semaphore, #tpu.memory_space<semaphore_mem>>) src(%dma_wait3A_842 : memref<1000x1024xf32, #tpu.memory_space<hbm>>) dst(%arg21 : memref<16x1024xf32, #tpu.memory_space<vmem>>)
      %dma_start3A_843 = arith.constant 0 : i32
      %dma_start3A_844 = arith.constant 0 : i32
      %dma_start3A_845 = tpu.memref_slice %arg8[%dma_start3A_843, %dma_start3A_844] : memref<32768x1024xf32, #tpu.memory_space<hbm>> -> memref<32768x1024xf32, #tpu.memory_space<hbm>>
      tpu.enqueue_indirect_dma source(%arg21 : memref<16x1024xf32, #tpu.memory_space<vmem>>) target(%dma_start3A_845 : memref<32768x1024xf32, #tpu.memory_space<hbm>>) offsets(%get3A_836 : vector<16xi32>) semaphore(%arg25 : memref<!tpu.dma_semaphore, #tpu.memory_space<semaphore_mem>>)
      %while3A = arith.constant 0 : i32
      %while3A_846 = arith.constant 1 : i32
      %while3A_847 = arith.subi %select_n3A_686, %while3A_846 : i32
      %while3A_848 = arith.addi %while3A_846, %while3A_847 : i32
      %while3A_849 = arith.constant 1 : i32
      %while3A_850 = arith.divsi %while3A_847, %while3A_849 : i32
      %while3A_851 = arith.muli %while3A_850, %while3A_849 : i32
      %while3A_852 = arith.addi %while3A_846, %while3A_851 : i32
      %while3A_853 = arith.constant 1 : i32
      scf.for %while3A_867 = %while3A_846 to %while3A_852 step %while3A_853  : i32 {
        %get3A_868 = arith.constant 0 : index
        %get3A_869 = tpu.vector_load %arg17[%get3A_868] {strides = array<i32>} : memref<1056xi32, #tpu.memory_space<vmem>>, vector<16xi32>,
        %get3A_870 = vector.shape_cast %get3A_869 : vector<16xi32> to vector<16xi32>
        %dma_wait3A_871 = arith.constant 0 : i32
        %dma_wait3A_872 = arith.constant 0 : i32
        %dma_wait3A_873 = tpu.memref_slice %arg8[%dma_wait3A_871, %dma_wait3A_872] : memref<32768x1024xf32, #tpu.memory_space<hbm>> -> memref<32768x1024xf32, #tpu.memory_space<hbm>>
        tpu.wait_indirect_dma semaphore(%arg24 : memref<!tpu.dma_semaphore, #tpu.memory_space<semaphore_mem>>) src(%arg20 : memref<16x1024xf32, #tpu.memory_space<vmem>>) dst(%dma_wait3A_873 : memref<32768x1024xf32, #tpu.memory_space<hbm>>)
        %mul3A_874 = arith.constant 2 : i32
        %mul3A_875 = arith.muli %mul3A_874, %while3A_867 : i32
        %mul3A_876 = arith.constant 16 : i32
        %mul3A_877 = arith.muli %mul3A_875, %mul3A_876 : i32
        %multiple_of3A_878 = tpu.assume_multiple %mul3A_877, 16 : i32
        %get3A_879 = arith.index_cast %multiple_of3A_878 : i32 to index
        %get3A_880 = tpu.vector_load %arg12[%get3A_879] {strides = array<i32>} : memref<1056xi32, #tpu.memory_space<vmem>>, vector<16xi32>,
        %get3A_881 = vector.shape_cast %get3A_880 : vector<16xi32> to vector<16xi32>
        %get3A_882 = arith.index_cast %multiple_of3A_878 : i32 to index
        %get3A_883 = tpu.vector_load %arg17[%get3A_882] {strides = array<i32>} : memref<1056xi32, #tpu.memory_space<vmem>>, vector<16xi32>,
        %get3A_884 = vector.shape_cast %get3A_883 : vector<16xi32> to vector<16xi32>
        %dma_start3A_885 = arith.constant 0 : i32
        %dma_start3A_886 = arith.constant 0 : i32
        %dma_start3A_887 = tpu.memref_slice %arg5[%dma_start3A_885, %dma_start3A_886] : memref<1000x1024xf32, #tpu.memory_space<hbm>> -> memref<1000x1024xf32, #tpu.memory_space<hbm>>
        tpu.enqueue_indirect_dma source(%dma_start3A_887 : memref<1000x1024xf32, #tpu.memory_space<hbm>>) target(%arg20 : memref<16x1024xf32, #tpu.memory_space<vmem>>) offsets(%get3A_881 : vector<16xi32>) semaphore(%arg22 : memref<!tpu.dma_semaphore, #tpu.memory_space<semaphore_mem>>)
        %dma_wait3A_888 = arith.constant 0 : i32
        %dma_wait3A_889 = arith.constant 0 : i32
        %dma_wait3A_890 = tpu.memref_slice %arg5[%dma_wait3A_888, %dma_wait3A_889] : memref<1000x1024xf32, #tpu.memory_space<hbm>> -> memref<1000x1024xf32, #tpu.memory_space<hbm>>
        tpu.wait_indirect_dma semaphore(%arg22 : memref<!tpu.dma_semaphore, #tpu.memory_space<semaphore_mem>>) src(%dma_wait3A_890 : memref<1000x1024xf32, #tpu.memory_space<hbm>>) dst(%arg20 : memref<16x1024xf32, #tpu.memory_space<vmem>>)
        %dma_start3A_891 = arith.constant 0 : i32
        %dma_start3A_892 = arith.constant 0 : i32
        %dma_start3A_893 = tpu.memref_slice %arg8[%dma_start3A_891, %dma_start3A_892] : memref<32768x1024xf32, #tpu.memory_space<hbm>> -> memref<32768x1024xf32, #tpu.memory_space<hbm>>
        tpu.enqueue_indirect_dma source(%arg20 : memref<16x1024xf32, #tpu.memory_space<vmem>>) target(%dma_start3A_893 : memref<32768x1024xf32, #tpu.memory_space<hbm>>) offsets(%get3A_884 : vector<16xi32>) semaphore(%arg24 : memref<!tpu.dma_semaphore, #tpu.memory_space<semaphore_mem>>)
        %get3A_894 = arith.constant 0 : index
        %get3A_895 = tpu.vector_load %arg17[%get3A_894] {strides = array<i32>} : memref<1056xi32, #tpu.memory_space<vmem>>, vector<16xi32>,
        %get3A_896 = vector.shape_cast %get3A_895 : vector<16xi32> to vector<16xi32>
        %dma_wait3A_897 = arith.constant 0 : i32
        %dma_wait3A_898 = arith.constant 0 : i32
        %dma_wait3A_899 = tpu.memref_slice %arg8[%dma_wait3A_897, %dma_wait3A_898] : memref<32768x1024xf32, #tpu.memory_space<hbm>> -> memref<32768x1024xf32, #tpu.memory_space<hbm>>
        tpu.wait_indirect_dma semaphore(%arg25 : memref<!tpu.dma_semaphore, #tpu.memory_space<semaphore_mem>>) src(%arg21 : memref<16x1024xf32, #tpu.memory_space<vmem>>) dst(%dma_wait3A_899 : memref<32768x1024xf32, #tpu.memory_space<hbm>>)
        %mul3A_900 = arith.constant 2 : i32
        %mul3A_901 = arith.muli %mul3A_900, %while3A_867 : i32
        %add3A_902 = arith.constant 1 : i32
        %add3A_903 = arith.addi %mul3A_901, %add3A_902 : i32
        %mul3A_904 = arith.constant 16 : i32
        %mul3A_905 = arith.muli %add3A_903, %mul3A_904 : i32
        %multiple_of3A_906 = tpu.assume_multiple %mul3A_905, 16 : i32
        %get3A_907 = arith.index_cast %multiple_of3A_906 : i32 to index
        %get3A_908 = tpu.vector_load %arg12[%get3A_907] {strides = array<i32>} : memref<1056xi32, #tpu.memory_space<vmem>>, vector<16xi32>,
        %get3A_909 = vector.shape_cast %get3A_908 : vector<16xi32> to vector<16xi32>
        %get3A_910 = arith.index_cast %multiple_of3A_906 : i32 to index
        %get3A_911 = tpu.vector_load %arg17[%get3A_910] {strides = array<i32>} : memref<1056xi32, #tpu.memory_space<vmem>>, vector<16xi32>,
        %get3A_912 = vector.shape_cast %get3A_911 : vector<16xi32> to vector<16xi32>
        %dma_start3A_913 = arith.constant 0 : i32
        %dma_start3A_914 = arith.constant 0 : i32
        %dma_start3A_915 = tpu.memref_slice %arg5[%dma_start3A_913, %dma_start3A_914] : memref<1000x1024xf32, #tpu.memory_space<hbm>> -> memref<1000x1024xf32, #tpu.memory_space<hbm>>
        tpu.enqueue_indirect_dma source(%dma_start3A_915 : memref<1000x1024xf32, #tpu.memory_space<hbm>>) target(%arg21 : memref<16x1024xf32, #tpu.memory_space<vmem>>) offsets(%get3A_909 : vector<16xi32>) semaphore(%arg23 : memref<!tpu.dma_semaphore, #tpu.memory_space<semaphore_mem>>)
        %dma_wait3A_916 = arith.constant 0 : i32
        %dma_wait3A_917 = arith.constant 0 : i32
        %dma_wait3A_918 = tpu.memref_slice %arg5[%dma_wait3A_916, %dma_wait3A_917] : memref<1000x1024xf32, #tpu.memory_space<hbm>> -> memref<1000x1024xf32, #tpu.memory_space<hbm>>
        tpu.wait_indirect_dma semaphore(%arg23 : memref<!tpu.dma_semaphore, #tpu.memory_space<semaphore_mem>>) src(%dma_wait3A_918 : memref<1000x1024xf32, #tpu.memory_space<hbm>>) dst(%arg21 : memref<16x1024xf32, #tpu.memory_space<vmem>>)
        %dma_start3A_919 = arith.constant 0 : i32
        %dma_start3A_920 = arith.constant 0 : i32
        %dma_start3A_921 = tpu.memref_slice %arg8[%dma_start3A_919, %dma_start3A_920] : memref<32768x1024xf32, #tpu.memory_space<hbm>> -> memref<32768x1024xf32, #tpu.memory_space<hbm>>
        tpu.enqueue_indirect_dma source(%arg21 : memref<16x1024xf32, #tpu.memory_space<vmem>>) target(%dma_start3A_921 : memref<32768x1024xf32, #tpu.memory_space<hbm>>) offsets(%get3A_912 : vector<16xi32>) semaphore(%arg25 : memref<!tpu.dma_semaphore, #tpu.memory_space<semaphore_mem>>)
      }
      %while3A_854 = arith.constant 1 : i32
      scf.for %while3A_867 = %while3A_852 to %while3A_848 step %while3A_854  : i32 {
        %get3A_868 = arith.constant 0 : index
        %get3A_869 = tpu.vector_load %arg17[%get3A_868] {strides = array<i32>} : memref<1056xi32, #tpu.memory_space<vmem>>, vector<16xi32>,
        %get3A_870 = vector.shape_cast %get3A_869 : vector<16xi32> to vector<16xi32>
        %dma_wait3A_871 = arith.constant 0 : i32
        %dma_wait3A_872 = arith.constant 0 : i32
        %dma_wait3A_873 = tpu.memref_slice %arg8[%dma_wait3A_871, %dma_wait3A_872] : memref<32768x1024xf32, #tpu.memory_space<hbm>> -> memref<32768x1024xf32, #tpu.memory_space<hbm>>
        tpu.wait_indirect_dma semaphore(%arg24 : memref<!tpu.dma_semaphore, #tpu.memory_space<semaphore_mem>>) src(%arg20 : memref<16x1024xf32, #tpu.memory_space<vmem>>) dst(%dma_wait3A_873 : memref<32768x1024xf32, #tpu.memory_space<hbm>>)
        %mul3A_874 = arith.constant 2 : i32
        %mul3A_875 = arith.muli %mul3A_874, %while3A_867 : i32
        %mul3A_876 = arith.constant 16 : i32
        %mul3A_877 = arith.muli %mul3A_875, %mul3A_876 : i32
        %multiple_of3A_878 = tpu.assume_multiple %mul3A_877, 16 : i32
        %get3A_879 = arith.index_cast %multiple_of3A_878 : i32 to index
        %get3A_880 = tpu.vector_load %arg12[%get3A_879] {strides = array<i32>} : memref<1056xi32, #tpu.memory_space<vmem>>, vector<16xi32>,
        %get3A_881 = vector.shape_cast %get3A_880 : vector<16xi32> to vector<16xi32>
        %get3A_882 = arith.index_cast %multiple_of3A_878 : i32 to index
        %get3A_883 = tpu.vector_load %arg17[%get3A_882] {strides = array<i32>} : memref<1056xi32, #tpu.memory_space<vmem>>, vector<16xi32>,
        %get3A_884 = vector.shape_cast %get3A_883 : vector<16xi32> to vector<16xi32>
        %dma_start3A_885 = arith.constant 0 : i32
        %dma_start3A_886 = arith.constant 0 : i32
        %dma_start3A_887 = tpu.memref_slice %arg5[%dma_start3A_885, %dma_start3A_886] : memref<1000x1024xf32, #tpu.memory_space<hbm>> -> memref<1000x1024xf32, #tpu.memory_space<hbm>>
        tpu.enqueue_indirect_dma source(%dma_start3A_887 : memref<1000x1024xf32, #tpu.memory_space<hbm>>) target(%arg20 : memref<16x1024xf32, #tpu.memory_space<vmem>>) offsets(%get3A_881 : vector<16xi32>) semaphore(%arg22 : memref<!tpu.dma_semaphore, #tpu.memory_space<semaphore_mem>>)
        %dma_wait3A_888 = arith.constant 0 : i32
        %dma_wait3A_889 = arith.constant 0 : i32
        %dma_wait3A_890 = tpu.memref_slice %arg5[%dma_wait3A_888, %dma_wait3A_889] : memref<1000x1024xf32, #tpu.memory_space<hbm>> -> memref<1000x1024xf32, #tpu.memory_space<hbm>>
        tpu.wait_indirect_dma semaphore(%arg22 : memref<!tpu.dma_semaphore, #tpu.memory_space<semaphore_mem>>) src(%dma_wait3A_890 : memref<1000x1024xf32, #tpu.memory_space<hbm>>) dst(%arg20 : memref<16x1024xf32, #tpu.memory_space<vmem>>)
        %dma_start3A_891 = arith.constant 0 : i32
        %dma_start3A_892 = arith.constant 0 : i32
        %dma_start3A_893 = tpu.memref_slice %arg8[%dma_start3A_891, %dma_start3A_892] : memref<32768x1024xf32, #tpu.memory_space<hbm>> -> memref<32768x1024xf32, #tpu.memory_space<hbm>>
        tpu.enqueue_indirect_dma source(%arg20 : memref<16x1024xf32, #tpu.memory_space<vmem>>) target(%dma_start3A_893 : memref<32768x1024xf32, #tpu.memory_space<hbm>>) offsets(%get3A_884 : vector<16xi32>) semaphore(%arg24 : memref<!tpu.dma_semaphore, #tpu.memory_space<semaphore_mem>>)
        %get3A_894 = arith.constant 0 : index
        %get3A_895 = tpu.vector_load %arg17[%get3A_894] {strides = array<i32>} : memref<1056xi32, #tpu.memory_space<vmem>>, vector<16xi32>,
        %get3A_896 = vector.shape_cast %get3A_895 : vector<16xi32> to vector<16xi32>
        %dma_wait3A_897 = arith.constant 0 : i32
        %dma_wait3A_898 = arith.constant 0 : i32
        %dma_wait3A_899 = tpu.memref_slice %arg8[%dma_wait3A_897, %dma_wait3A_898] : memref<32768x1024xf32, #tpu.memory_space<hbm>> -> memref<32768x1024xf32, #tpu.memory_space<hbm>>
        tpu.wait_indirect_dma semaphore(%arg25 : memref<!tpu.dma_semaphore, #tpu.memory_space<semaphore_mem>>) src(%arg21 : memref<16x1024xf32, #tpu.memory_space<vmem>>) dst(%dma_wait3A_899 : memref<32768x1024xf32, #tpu.memory_space<hbm>>)
        %mul3A_900 = arith.constant 2 : i32
        %mul3A_901 = arith.muli %mul3A_900, %while3A_867 : i32
        %add3A_902 = arith.constant 1 : i32
        %add3A_903 = arith.addi %mul3A_901, %add3A_902 : i32
        %mul3A_904 = arith.constant 16 : i32
        %mul3A_905 = arith.muli %add3A_903, %mul3A_904 : i32
        %multiple_of3A_906 = tpu.assume_multiple %mul3A_905, 16 : i32
        %get3A_907 = arith.index_cast %multiple_of3A_906 : i32 to index
        %get3A_908 = tpu.vector_load %arg12[%get3A_907] {strides = array<i32>} : memref<1056xi32, #tpu.memory_space<vmem>>, vector<16xi32>,
        %get3A_909 = vector.shape_cast %get3A_908 : vector<16xi32> to vector<16xi32>
        %get3A_910 = arith.index_cast %multiple_of3A_906 : i32 to index
        %get3A_911 = tpu.vector_load %arg17[%get3A_910] {strides = array<i32>} : memref<1056xi32, #tpu.memory_space<vmem>>, vector<16xi32>,
        %get3A_912 = vector.shape_cast %get3A_911 : vector<16xi32> to vector<16xi32>
        %dma_start3A_913 = arith.constant 0 : i32
        %dma_start3A_914 = arith.constant 0 : i32
        %dma_start3A_915 = tpu.memref_slice %arg5[%dma_start3A_913, %dma_start3A_914] : memref<1000x1024xf32, #tpu.memory_space<hbm>> -> memref<1000x1024xf32, #tpu.memory_space<hbm>>
        tpu.enqueue_indirect_dma source(%dma_start3A_915 : memref<1000x1024xf32, #tpu.memory_space<hbm>>) target(%arg21 : memref<16x1024xf32, #tpu.memory_space<vmem>>) offsets(%get3A_909 : vector<16xi32>) semaphore(%arg23 : memref<!tpu.dma_semaphore, #tpu.memory_space<semaphore_mem>>)
        %dma_wait3A_916 = arith.constant 0 : i32
        %dma_wait3A_917 = arith.constant 0 : i32
        %dma_wait3A_918 = tpu.memref_slice %arg5[%dma_wait3A_916, %dma_wait3A_917] : memref<1000x1024xf32, #tpu.memory_space<hbm>> -> memref<1000x1024xf32, #tpu.memory_space<hbm>>
        tpu.wait_indirect_dma semaphore(%arg23 : memref<!tpu.dma_semaphore, #tpu.memory_space<semaphore_mem>>) src(%dma_wait3A_918 : memref<1000x1024xf32, #tpu.memory_space<hbm>>) dst(%arg21 : memref<16x1024xf32, #tpu.memory_space<vmem>>)
        %dma_start3A_919 = arith.constant 0 : i32
        %dma_start3A_920 = arith.constant 0 : i32
        %dma_start3A_921 = tpu.memref_slice %arg8[%dma_start3A_919, %dma_start3A_920] : memref<32768x1024xf32, #tpu.memory_space<hbm>> -> memref<32768x1024xf32, #tpu.memory_space<hbm>>
        tpu.enqueue_indirect_dma source(%arg21 : memref<16x1024xf32, #tpu.memory_space<vmem>>) target(%dma_start3A_921 : memref<32768x1024xf32, #tpu.memory_space<hbm>>) offsets(%get3A_912 : vector<16xi32>) semaphore(%arg25 : memref<!tpu.dma_semaphore, #tpu.memory_space<semaphore_mem>>)
      }
      %get3A_855 = arith.constant 0 : index
      %get3A_856 = tpu.vector_load %arg17[%get3A_855] {strides = array<i32>} : memref<1056xi32, #tpu.memory_space<vmem>>, vector<16xi32>,
      %get3A_857 = vector.shape_cast %get3A_856 : vector<16xi32> to vector<16xi32>
      %dma_wait3A_858 = arith.constant 0 : i32
      %dma_wait3A_859 = arith.constant 0 : i32
      %dma_wait3A_860 = tpu.memref_slice %arg8[%dma_wait3A_858, %dma_wait3A_859] : memref<32768x1024xf32, #tpu.memory_space<hbm>> -> memref<32768x1024xf32, #tpu.memory_space<hbm>>
      tpu.wait_indirect_dma semaphore(%arg24 : memref<!tpu.dma_semaphore, #tpu.memory_space<semaphore_mem>>) src(%arg20 : memref<16x1024xf32, #tpu.memory_space<vmem>>) dst(%dma_wait3A_860 : memref<32768x1024xf32, #tpu.memory_space<hbm>>)
      %get3A_861 = arith.constant 0 : index
      %get3A_862 = tpu.vector_load %arg17[%get3A_861] {strides = array<i32>} : memref<1056xi32, #tpu.memory_space<vmem>>, vector<16xi32>,
      %get3A_863 = vector.shape_cast %get3A_862 : vector<16xi32> to vector<16xi32>
      %dma_wait3A_864 = arith.constant 0 : i32
      %dma_wait3A_865 = arith.constant 0 : i32
      %dma_wait3A_866 = tpu.memref_slice %arg8[%dma_wait3A_864, %dma_wait3A_865] : memref<32768x1024xf32, #tpu.memory_space<hbm>> -> memref<32768x1024xf32, #tpu.memory_space<hbm>>
      tpu.wait_indirect_dma semaphore(%arg25 : memref<!tpu.dma_semaphore, #tpu.memory_space<semaphore_mem>>) src(%arg21 : memref<16x1024xf32, #tpu.memory_space<vmem>>) dst(%dma_wait3A_866 : memref<32768x1024xf32, #tpu.memory_space<hbm>>)
    } else {
    }
    %add3A_692 = arith.addi %scan3A_12#8, %iota3A : vector<16xi32>
    %slice3A_693 = vector.extract_strided_slice %add3A_692 {offsets = [0], sizes = [1], strides = [1]} : vector<16xi32> to vector<1xi32>
    %squeeze3A_694 = vector.extract %slice3A_693[0] : i32 from vector<1xi32>
    %add3A_695 = arith.addi %scan3A_12#3, %squeeze3A_694 : i32
    %add3A_696 = arith.constant 15 : i32
    %add3A_697 = arith.addi %add3A_695, %add3A_696 : i32
    %jit3A_698 = arith.constant 16 : i32
    %div3A_699 = arith.divsi %add3A_697, %jit3A_698 : i32
    %sign3A_700 = arith.constant 0 : i32
    %sign3A_701 = arith.cmpi sgt, %add3A_697, %sign3A_700 : i32
    %sign3A_702 = arith.extui %sign3A_701 : i1 to i32
    %sign3A_703 = arith.constant 0 : i32
    %sign3A_704 = arith.cmpi slt, %add3A_697, %sign3A_703 : i32
    %sign3A_705 = arith.extui %sign3A_704 : i1 to i32
    %sign3A_706 = arith.subi %sign3A_702, %sign3A_705 : i32
    %sign3A_707 = arith.constant 0 : i32
    %sign3A_708 = arith.cmpi sgt, %jit3A_698, %sign3A_707 : i32
    %sign3A_709 = arith.extui %sign3A_708 : i1 to i32
    %sign3A_710 = arith.constant 0 : i32
    %sign3A_711 = arith.cmpi slt, %jit3A_698, %sign3A_710 : i32
    %sign3A_712 = arith.extui %sign3A_711 : i1 to i32
    %sign3A_713 = arith.subi %sign3A_709, %sign3A_712 : i32
    %ne3A_714 = arith.cmpi ne, %sign3A_706, %sign3A_713 : i32
    %rem3A_715 = arith.remsi %add3A_697, %jit3A_698 : i32
    %ne3A_716 = arith.constant 0 : i32
    %ne3A_717 = arith.cmpi ne, %rem3A_715, %ne3A_716 : i32
    %and3A_718 = arith.andi %ne3A_714, %ne3A_717 : i1
    %sub3A_719 = arith.constant 1 : i32
    %sub3A_720 = arith.subi %div3A_699, %sub3A_719 : i32
    %select_n3A_721 = arith.select %and3A_718, %sub3A_720, %div3A_699 : i32
    %add3A_722 = arith.constant 1 : i32
    %add3A_723 = arith.addi %select_n3A_721, %add3A_722 : i32
    %jit3A_724 = arith.constant 2 : i32
    %div3A_725 = arith.divsi %add3A_723, %jit3A_724 : i32
    %sign3A_726 = arith.constant 0 : i32
    %sign3A_727 = arith.cmpi sgt, %add3A_723, %sign3A_726 : i32
    %sign3A_728 = arith.extui %sign3A_727 : i1 to i32
    %sign3A_729 = arith.constant 0 : i32
    %sign3A_730 = arith.cmpi slt, %add3A_723, %sign3A_729 : i32
    %sign3A_731 = arith.extui %sign3A_730 : i1 to i32
    %sign3A_732 = arith.subi %sign3A_728, %sign3A_731 : i32
    %sign3A_733 = arith.constant 0 : i32
    %sign3A_734 = arith.cmpi sgt, %jit3A_724, %sign3A_733 : i32
    %sign3A_735 = arith.extui %sign3A_734 : i1 to i32
    %sign3A_736 = arith.constant 0 : i32
    %sign3A_737 = arith.cmpi slt, %jit3A_724, %sign3A_736 : i32
    %sign3A_738 = arith.extui %sign3A_737 : i1 to i32
    %sign3A_739 = arith.subi %sign3A_735, %sign3A_738 : i32
    %ne3A_740 = arith.cmpi ne, %sign3A_732, %sign3A_739 : i32
    %rem3A_741 = arith.remsi %add3A_723, %jit3A_724 : i32
    %ne3A_742 = arith.constant 0 : i32
    %ne3A_743 = arith.cmpi ne, %rem3A_741, %ne3A_742 : i32
    %and3A_744 = arith.andi %ne3A_740, %ne3A_743 : i1
    %sub3A_745 = arith.constant 1 : i32
    %sub3A_746 = arith.subi %div3A_725, %sub3A_745 : i32
    %select_n3A_747 = arith.select %and3A_744, %sub3A_746, %div3A_725 : i32
    %gt3A_748 = arith.constant 0 : i32
    %gt3A_749 = arith.cmpi sgt, %select_n3A_721, %gt3A_748 : i32
    %convert_element_type3A_750 = arith.extui %gt3A_749 : i1 to i32
    %cond3A_751 = arith.constant 0 : i32
    %cond3A_752 = arith.cmpi ne, %convert_element_type3A_750, %cond3A_751 : i32
    scf.if %cond3A_752 {
      %multiple_of3A_814 = arith.constant 0 : i32
      %multiple_of3A_815 = tpu.assume_multiple %multiple_of3A_814, 16 : i32
      %get3A_816 = arith.index_cast %multiple_of3A_815 : i32 to index
      %get3A_817 = tpu.vector_load %arg13[%get3A_816] {strides = array<i32>} : memref<1056xi32, #tpu.memory_space<vmem>>, vector<16xi32>,
      %get3A_818 = vector.shape_cast %get3A_817 : vector<16xi32> to vector<16xi32>
      %get3A_819 = arith.index_cast %multiple_of3A_815 : i32 to index
      %get3A_820 = tpu.vector_load %arg18[%get3A_819] {strides = array<i32>} : memref<1056xi32, #tpu.memory_space<vmem>>, vector<16xi32>,
      %get3A_821 = vector.shape_cast %get3A_820 : vector<16xi32> to vector<16xi32>
      %dma_start3A = arith.constant 0 : i32
      %dma_start3A_822 = arith.constant 0 : i32
      %dma_start3A_823 = tpu.memref_slice %arg6[%dma_start3A, %dma_start3A_822] : memref<5000x1024xf32, #tpu.memory_space<hbm>> -> memref<5000x1024xf32, #tpu.memory_space<hbm>>
      tpu.enqueue_indirect_dma source(%dma_start3A_823 : memref<5000x1024xf32, #tpu.memory_space<hbm>>) target(%arg20 : memref<16x1024xf32, #tpu.memory_space<vmem>>) offsets(%get3A_818 : vector<16xi32>) semaphore(%arg22 : memref<!tpu.dma_semaphore, #tpu.memory_space<semaphore_mem>>)
      %dma_wait3A = arith.constant 0 : i32
      %dma_wait3A_824 = arith.constant 0 : i32
      %dma_wait3A_825 = tpu.memref_slice %arg6[%dma_wait3A, %dma_wait3A_824] : memref<5000x1024xf32, #tpu.memory_space<hbm>> -> memref<5000x1024xf32, #tpu.memory_space<hbm>>
      tpu.wait_indirect_dma semaphore(%arg22 : memref<!tpu.dma_semaphore, #tpu.memory_space<semaphore_mem>>) src(%dma_wait3A_825 : memref<5000x1024xf32, #tpu.memory_space<hbm>>) dst(%arg20 : memref<16x1024xf32, #tpu.memory_space<vmem>>)
      %dma_start3A_826 = arith.constant 0 : i32
      %dma_start3A_827 = arith.constant 0 : i32
      %dma_start3A_828 = tpu.memref_slice %arg8[%dma_start3A_826, %dma_start3A_827] : memref<32768x1024xf32, #tpu.memory_space<hbm>> -> memref<32768x1024xf32, #tpu.memory_space<hbm>>
      tpu.enqueue_indirect_dma source(%arg20 : memref<16x1024xf32, #tpu.memory_space<vmem>>) target(%dma_start3A_828 : memref<32768x1024xf32, #tpu.memory_space<hbm>>) offsets(%get3A_821 : vector<16xi32>) semaphore(%arg24 : memref<!tpu.dma_semaphore, #tpu.memory_space<semaphore_mem>>)
      %multiple_of3A_829 = arith.constant 16 : i32
      %multiple_of3A_830 = tpu.assume_multiple %multiple_of3A_829, 16 : i32
      %get3A_831 = arith.index_cast %multiple_of3A_830 : i32 to index
      %get3A_832 = tpu.vector_load %arg13[%get3A_831] {strides = array<i32>} : memref<1056xi32, #tpu.memory_space<vmem>>, vector<16xi32>,
      %get3A_833 = vector.shape_cast %get3A_832 : vector<16xi32> to vector<16xi32>
      %get3A_834 = arith.index_cast %multiple_of3A_830 : i32 to index
      %get3A_835 = tpu.vector_load %arg18[%get3A_834] {strides = array<i32>} : memref<1056xi32, #tpu.memory_space<vmem>>, vector<16xi32>,
      %get3A_836 = vector.shape_cast %get3A_835 : vector<16xi32> to vector<16xi32>
      %dma_start3A_837 = arith.constant 0 : i32
      %dma_start3A_838 = arith.constant 0 : i32
      %dma_start3A_839 = tpu.memref_slice %arg6[%dma_start3A_837, %dma_start3A_838] : memref<5000x1024xf32, #tpu.memory_space<hbm>> -> memref<5000x1024xf32, #tpu.memory_space<hbm>>
      tpu.enqueue_indirect_dma source(%dma_start3A_839 : memref<5000x1024xf32, #tpu.memory_space<hbm>>) target(%arg21 : memref<16x1024xf32, #tpu.memory_space<vmem>>) offsets(%get3A_833 : vector<16xi32>) semaphore(%arg23 : memref<!tpu.dma_semaphore, #tpu.memory_space<semaphore_mem>>)
      %dma_wait3A_840 = arith.constant 0 : i32
      %dma_wait3A_841 = arith.constant 0 : i32
      %dma_wait3A_842 = tpu.memref_slice %arg6[%dma_wait3A_840, %dma_wait3A_841] : memref<5000x1024xf32, #tpu.memory_space<hbm>> -> memref<5000x1024xf32, #tpu.memory_space<hbm>>
      tpu.wait_indirect_dma semaphore(%arg23 : memref<!tpu.dma_semaphore, #tpu.memory_space<semaphore_mem>>) src(%dma_wait3A_842 : memref<5000x1024xf32, #tpu.memory_space<hbm>>) dst(%arg21 : memref<16x1024xf32, #tpu.memory_space<vmem>>)
      %dma_start3A_843 = arith.constant 0 : i32
      %dma_start3A_844 = arith.constant 0 : i32
      %dma_start3A_845 = tpu.memref_slice %arg8[%dma_start3A_843, %dma_start3A_844] : memref<32768x1024xf32, #tpu.memory_space<hbm>> -> memref<32768x1024xf32, #tpu.memory_space<hbm>>
      tpu.enqueue_indirect_dma source(%arg21 : memref<16x1024xf32, #tpu.memory_space<vmem>>) target(%dma_start3A_845 : memref<32768x1024xf32, #tpu.memory_space<hbm>>) offsets(%get3A_836 : vector<16xi32>) semaphore(%arg25 : memref<!tpu.dma_semaphore, #tpu.memory_space<semaphore_mem>>)
      %while3A = arith.constant 0 : i32
      %while3A_846 = arith.constant 1 : i32
      %while3A_847 = arith.subi %select_n3A_747, %while3A_846 : i32
      %while3A_848 = arith.addi %while3A_846, %while3A_847 : i32
      %while3A_849 = arith.constant 1 : i32
      %while3A_850 = arith.divsi %while3A_847, %while3A_849 : i32
      %while3A_851 = arith.muli %while3A_850, %while3A_849 : i32
      %while3A_852 = arith.addi %while3A_846, %while3A_851 : i32
      %while3A_853 = arith.constant 1 : i32
      scf.for %while3A_867 = %while3A_846 to %while3A_852 step %while3A_853  : i32 {
        %get3A_868 = arith.constant 0 : index
        %get3A_869 = tpu.vector_load %arg18[%get3A_868] {strides = array<i32>} : memref<1056xi32, #tpu.memory_space<vmem>>, vector<16xi32>,
        %get3A_870 = vector.shape_cast %get3A_869 : vector<16xi32> to vector<16xi32>
        %dma_wait3A_871 = arith.constant 0 : i32
        %dma_wait3A_872 = arith.constant 0 : i32
        %dma_wait3A_873 = tpu.memref_slice %arg8[%dma_wait3A_871, %dma_wait3A_872] : memref<32768x1024xf32, #tpu.memory_space<hbm>> -> memref<32768x1024xf32, #tpu.memory_space<hbm>>
        tpu.wait_indirect_dma semaphore(%arg24 : memref<!tpu.dma_semaphore, #tpu.memory_space<semaphore_mem>>) src(%arg20 : memref<16x1024xf32, #tpu.memory_space<vmem>>) dst(%dma_wait3A_873 : memref<32768x1024xf32, #tpu.memory_space<hbm>>)
        %mul3A_874 = arith.constant 2 : i32
        %mul3A_875 = arith.muli %mul3A_874, %while3A_867 : i32
        %mul3A_876 = arith.constant 16 : i32
        %mul3A_877 = arith.muli %mul3A_875, %mul3A_876 : i32
        %multiple_of3A_878 = tpu.assume_multiple %mul3A_877, 16 : i32
        %get3A_879 = arith.index_cast %multiple_of3A_878 : i32 to index
        %get3A_880 = tpu.vector_load %arg13[%get3A_879] {strides = array<i32>} : memref<1056xi32, #tpu.memory_space<vmem>>, vector<16xi32>,
        %get3A_881 = vector.shape_cast %get3A_880 : vector<16xi32> to vector<16xi32>
        %get3A_882 = arith.index_cast %multiple_of3A_878 : i32 to index
        %get3A_883 = tpu.vector_load %arg18[%get3A_882] {strides = array<i32>} : memref<1056xi32, #tpu.memory_space<vmem>>, vector<16xi32>,
        %get3A_884 = vector.shape_cast %get3A_883 : vector<16xi32> to vector<16xi32>
        %dma_start3A_885 = arith.constant 0 : i32
        %dma_start3A_886 = arith.constant 0 : i32
        %dma_start3A_887 = tpu.memref_slice %arg6[%dma_start3A_885, %dma_start3A_886] : memref<5000x1024xf32, #tpu.memory_space<hbm>> -> memref<5000x1024xf32, #tpu.memory_space<hbm>>
        tpu.enqueue_indirect_dma source(%dma_start3A_887 : memref<5000x1024xf32, #tpu.memory_space<hbm>>) target(%arg20 : memref<16x1024xf32, #tpu.memory_space<vmem>>) offsets(%get3A_881 : vector<16xi32>) semaphore(%arg22 : memref<!tpu.dma_semaphore, #tpu.memory_space<semaphore_mem>>)
        %dma_wait3A_888 = arith.constant 0 : i32
        %dma_wait3A_889 = arith.constant 0 : i32
        %dma_wait3A_890 = tpu.memref_slice %arg6[%dma_wait3A_888, %dma_wait3A_889] : memref<5000x1024xf32, #tpu.memory_space<hbm>> -> memref<5000x1024xf32, #tpu.memory_space<hbm>>
        tpu.wait_indirect_dma semaphore(%arg22 : memref<!tpu.dma_semaphore, #tpu.memory_space<semaphore_mem>>) src(%dma_wait3A_890 : memref<5000x1024xf32, #tpu.memory_space<hbm>>) dst(%arg20 : memref<16x1024xf32, #tpu.memory_space<vmem>>)
        %dma_start3A_891 = arith.constant 0 : i32
        %dma_start3A_892 = arith.constant 0 : i32
        %dma_start3A_893 = tpu.memref_slice %arg8[%dma_start3A_891, %dma_start3A_892] : memref<32768x1024xf32, #tpu.memory_space<hbm>> -> memref<32768x1024xf32, #tpu.memory_space<hbm>>
        tpu.enqueue_indirect_dma source(%arg20 : memref<16x1024xf32, #tpu.memory_space<vmem>>) target(%dma_start3A_893 : memref<32768x1024xf32, #tpu.memory_space<hbm>>) offsets(%get3A_884 : vector<16xi32>) semaphore(%arg24 : memref<!tpu.dma_semaphore, #tpu.memory_space<semaphore_mem>>)
        %get3A_894 = arith.constant 0 : index
        %get3A_895 = tpu.vector_load %arg18[%get3A_894] {strides = array<i32>} : memref<1056xi32, #tpu.memory_space<vmem>>, vector<16xi32>,
        %get3A_896 = vector.shape_cast %get3A_895 : vector<16xi32> to vector<16xi32>
        %dma_wait3A_897 = arith.constant 0 : i32
        %dma_wait3A_898 = arith.constant 0 : i32
        %dma_wait3A_899 = tpu.memref_slice %arg8[%dma_wait3A_897, %dma_wait3A_898] : memref<32768x1024xf32, #tpu.memory_space<hbm>> -> memref<32768x1024xf32, #tpu.memory_space<hbm>>
        tpu.wait_indirect_dma semaphore(%arg25 : memref<!tpu.dma_semaphore, #tpu.memory_space<semaphore_mem>>) src(%arg21 : memref<16x1024xf32, #tpu.memory_space<vmem>>) dst(%dma_wait3A_899 : memref<32768x1024xf32, #tpu.memory_space<hbm>>)
        %mul3A_900 = arith.constant 2 : i32
        %mul3A_901 = arith.muli %mul3A_900, %while3A_867 : i32
        %add3A_902 = arith.constant 1 : i32
        %add3A_903 = arith.addi %mul3A_901, %add3A_902 : i32
        %mul3A_904 = arith.constant 16 : i32
        %mul3A_905 = arith.muli %add3A_903, %mul3A_904 : i32
        %multiple_of3A_906 = tpu.assume_multiple %mul3A_905, 16 : i32
        %get3A_907 = arith.index_cast %multiple_of3A_906 : i32 to index
        %get3A_908 = tpu.vector_load %arg13[%get3A_907] {strides = array<i32>} : memref<1056xi32, #tpu.memory_space<vmem>>, vector<16xi32>,
        %get3A_909 = vector.shape_cast %get3A_908 : vector<16xi32> to vector<16xi32>
        %get3A_910 = arith.index_cast %multiple_of3A_906 : i32 to index
        %get3A_911 = tpu.vector_load %arg18[%get3A_910] {strides = array<i32>} : memref<1056xi32, #tpu.memory_space<vmem>>, vector<16xi32>,
        %get3A_912 = vector.shape_cast %get3A_911 : vector<16xi32> to vector<16xi32>
        %dma_start3A_913 = arith.constant 0 : i32
        %dma_start3A_914 = arith.constant 0 : i32
        %dma_start3A_915 = tpu.memref_slice %arg6[%dma_start3A_913, %dma_start3A_914] : memref<5000x1024xf32, #tpu.memory_space<hbm>> -> memref<5000x1024xf32, #tpu.memory_space<hbm>>
        tpu.enqueue_indirect_dma source(%dma_start3A_915 : memref<5000x1024xf32, #tpu.memory_space<hbm>>) target(%arg21 : memref<16x1024xf32, #tpu.memory_space<vmem>>) offsets(%get3A_909 : vector<16xi32>) semaphore(%arg23 : memref<!tpu.dma_semaphore, #tpu.memory_space<semaphore_mem>>)
        %dma_wait3A_916 = arith.constant 0 : i32
        %dma_wait3A_917 = arith.constant 0 : i32
        %dma_wait3A_918 = tpu.memref_slice %arg6[%dma_wait3A_916, %dma_wait3A_917] : memref<5000x1024xf32, #tpu.memory_space<hbm>> -> memref<5000x1024xf32, #tpu.memory_space<hbm>>
        tpu.wait_indirect_dma semaphore(%arg23 : memref<!tpu.dma_semaphore, #tpu.memory_space<semaphore_mem>>) src(%dma_wait3A_918 : memref<5000x1024xf32, #tpu.memory_space<hbm>>) dst(%arg21 : memref<16x1024xf32, #tpu.memory_space<vmem>>)
        %dma_start3A_919 = arith.constant 0 : i32
        %dma_start3A_920 = arith.constant 0 : i32
        %dma_start3A_921 = tpu.memref_slice %arg8[%dma_start3A_919, %dma_start3A_920] : memref<32768x1024xf32, #tpu.memory_space<hbm>> -> memref<32768x1024xf32, #tpu.memory_space<hbm>>
        tpu.enqueue_indirect_dma source(%arg21 : memref<16x1024xf32, #tpu.memory_space<vmem>>) target(%dma_start3A_921 : memref<32768x1024xf32, #tpu.memory_space<hbm>>) offsets(%get3A_912 : vector<16xi32>) semaphore(%arg25 : memref<!tpu.dma_semaphore, #tpu.memory_space<semaphore_mem>>)
      }
      %while3A_854 = arith.constant 1 : i32
      scf.for %while3A_867 = %while3A_852 to %while3A_848 step %while3A_854  : i32 {
        %get3A_868 = arith.constant 0 : index
        %get3A_869 = tpu.vector_load %arg18[%get3A_868] {strides = array<i32>} : memref<1056xi32, #tpu.memory_space<vmem>>, vector<16xi32>,
        %get3A_870 = vector.shape_cast %get3A_869 : vector<16xi32> to vector<16xi32>
        %dma_wait3A_871 = arith.constant 0 : i32
        %dma_wait3A_872 = arith.constant 0 : i32
        %dma_wait3A_873 = tpu.memref_slice %arg8[%dma_wait3A_871, %dma_wait3A_872] : memref<32768x1024xf32, #tpu.memory_space<hbm>> -> memref<32768x1024xf32, #tpu.memory_space<hbm>>
        tpu.wait_indirect_dma semaphore(%arg24 : memref<!tpu.dma_semaphore, #tpu.memory_space<semaphore_mem>>) src(%arg20 : memref<16x1024xf32, #tpu.memory_space<vmem>>) dst(%dma_wait3A_873 : memref<32768x1024xf32, #tpu.memory_space<hbm>>)
        %mul3A_874 = arith.constant 2 : i32
        %mul3A_875 = arith.muli %mul3A_874, %while3A_867 : i32
        %mul3A_876 = arith.constant 16 : i32
        %mul3A_877 = arith.muli %mul3A_875, %mul3A_876 : i32
        %multiple_of3A_878 = tpu.assume_multiple %mul3A_877, 16 : i32
        %get3A_879 = arith.index_cast %multiple_of3A_878 : i32 to index
        %get3A_880 = tpu.vector_load %arg13[%get3A_879] {strides = array<i32>} : memref<1056xi32, #tpu.memory_space<vmem>>, vector<16xi32>,
        %get3A_881 = vector.shape_cast %get3A_880 : vector<16xi32> to vector<16xi32>
        %get3A_882 = arith.index_cast %multiple_of3A_878 : i32 to index
        %get3A_883 = tpu.vector_load %arg18[%get3A_882] {strides = array<i32>} : memref<1056xi32, #tpu.memory_space<vmem>>, vector<16xi32>,
        %get3A_884 = vector.shape_cast %get3A_883 : vector<16xi32> to vector<16xi32>
        %dma_start3A_885 = arith.constant 0 : i32
        %dma_start3A_886 = arith.constant 0 : i32
        %dma_start3A_887 = tpu.memref_slice %arg6[%dma_start3A_885, %dma_start3A_886] : memref<5000x1024xf32, #tpu.memory_space<hbm>> -> memref<5000x1024xf32, #tpu.memory_space<hbm>>
        tpu.enqueue_indirect_dma source(%dma_start3A_887 : memref<5000x1024xf32, #tpu.memory_space<hbm>>) target(%arg20 : memref<16x1024xf32, #tpu.memory_space<vmem>>) offsets(%get3A_881 : vector<16xi32>) semaphore(%arg22 : memref<!tpu.dma_semaphore, #tpu.memory_space<semaphore_mem>>)
        %dma_wait3A_888 = arith.constant 0 : i32
        %dma_wait3A_889 = arith.constant 0 : i32
        %dma_wait3A_890 = tpu.memref_slice %arg6[%dma_wait3A_888, %dma_wait3A_889] : memref<5000x1024xf32, #tpu.memory_space<hbm>> -> memref<5000x1024xf32, #tpu.memory_space<hbm>>
        tpu.wait_indirect_dma semaphore(%arg22 : memref<!tpu.dma_semaphore, #tpu.memory_space<semaphore_mem>>) src(%dma_wait3A_890 : memref<5000x1024xf32, #tpu.memory_space<hbm>>) dst(%arg20 : memref<16x1024xf32, #tpu.memory_space<vmem>>)
        %dma_start3A_891 = arith.constant 0 : i32
        %dma_start3A_892 = arith.constant 0 : i32
        %dma_start3A_893 = tpu.memref_slice %arg8[%dma_start3A_891, %dma_start3A_892] : memref<32768x1024xf32, #tpu.memory_space<hbm>> -> memref<32768x1024xf32, #tpu.memory_space<hbm>>
        tpu.enqueue_indirect_dma source(%arg20 : memref<16x1024xf32, #tpu.memory_space<vmem>>) target(%dma_start3A_893 : memref<32768x1024xf32, #tpu.memory_space<hbm>>) offsets(%get3A_884 : vector<16xi32>) semaphore(%arg24 : memref<!tpu.dma_semaphore, #tpu.memory_space<semaphore_mem>>)
        %get3A_894 = arith.constant 0 : index
        %get3A_895 = tpu.vector_load %arg18[%get3A_894] {strides = array<i32>} : memref<1056xi32, #tpu.memory_space<vmem>>, vector<16xi32>,
        %get3A_896 = vector.shape_cast %get3A_895 : vector<16xi32> to vector<16xi32>
        %dma_wait3A_897 = arith.constant 0 : i32
        %dma_wait3A_898 = arith.constant 0 : i32
        %dma_wait3A_899 = tpu.memref_slice %arg8[%dma_wait3A_897, %dma_wait3A_898] : memref<32768x1024xf32, #tpu.memory_space<hbm>> -> memref<32768x1024xf32, #tpu.memory_space<hbm>>
        tpu.wait_indirect_dma semaphore(%arg25 : memref<!tpu.dma_semaphore, #tpu.memory_space<semaphore_mem>>) src(%arg21 : memref<16x1024xf32, #tpu.memory_space<vmem>>) dst(%dma_wait3A_899 : memref<32768x1024xf32, #tpu.memory_space<hbm>>)
        %mul3A_900 = arith.constant 2 : i32
        %mul3A_901 = arith.muli %mul3A_900, %while3A_867 : i32
        %add3A_902 = arith.constant 1 : i32
        %add3A_903 = arith.addi %mul3A_901, %add3A_902 : i32
        %mul3A_904 = arith.constant 16 : i32
        %mul3A_905 = arith.muli %add3A_903, %mul3A_904 : i32
        %multiple_of3A_906 = tpu.assume_multiple %mul3A_905, 16 : i32
        %get3A_907 = arith.index_cast %multiple_of3A_906 : i32 to index
        %get3A_908 = tpu.vector_load %arg13[%get3A_907] {strides = array<i32>} : memref<1056xi32, #tpu.memory_space<vmem>>, vector<16xi32>,
        %get3A_909 = vector.shape_cast %get3A_908 : vector<16xi32> to vector<16xi32>
        %get3A_910 = arith.index_cast %multiple_of3A_906 : i32 to index
        %get3A_911 = tpu.vector_load %arg18[%get3A_910] {strides = array<i32>} : memref<1056xi32, #tpu.memory_space<vmem>>, vector<16xi32>,
        %get3A_912 = vector.shape_cast %get3A_911 : vector<16xi32> to vector<16xi32>
        %dma_start3A_913 = arith.constant 0 : i32
        %dma_start3A_914 = arith.constant 0 : i32
        %dma_start3A_915 = tpu.memref_slice %arg6[%dma_start3A_913, %dma_start3A_914] : memref<5000x1024xf32, #tpu.memory_space<hbm>> -> memref<5000x1024xf32, #tpu.memory_space<hbm>>
        tpu.enqueue_indirect_dma source(%dma_start3A_915 : memref<5000x1024xf32, #tpu.memory_space<hbm>>) target(%arg21 : memref<16x1024xf32, #tpu.memory_space<vmem>>) offsets(%get3A_909 : vector<16xi32>) semaphore(%arg23 : memref<!tpu.dma_semaphore, #tpu.memory_space<semaphore_mem>>)
        %dma_wait3A_916 = arith.constant 0 : i32
        %dma_wait3A_917 = arith.constant 0 : i32
        %dma_wait3A_918 = tpu.memref_slice %arg6[%dma_wait3A_916, %dma_wait3A_917] : memref<5000x1024xf32, #tpu.memory_space<hbm>> -> memref<5000x1024xf32, #tpu.memory_space<hbm>>
        tpu.wait_indirect_dma semaphore(%arg23 : memref<!tpu.dma_semaphore, #tpu.memory_space<semaphore_mem>>) src(%dma_wait3A_918 : memref<5000x1024xf32, #tpu.memory_space<hbm>>) dst(%arg21 : memref<16x1024xf32, #tpu.memory_space<vmem>>)
        %dma_start3A_919 = arith.constant 0 : i32
        %dma_start3A_920 = arith.constant 0 : i32
        %dma_start3A_921 = tpu.memref_slice %arg8[%dma_start3A_919, %dma_start3A_920] : memref<32768x1024xf32, #tpu.memory_space<hbm>> -> memref<32768x1024xf32, #tpu.memory_space<hbm>>
        tpu.enqueue_indirect_dma source(%arg21 : memref<16x1024xf32, #tpu.memory_space<vmem>>) target(%dma_start3A_921 : memref<32768x1024xf32, #tpu.memory_space<hbm>>) offsets(%get3A_912 : vector<16xi32>) semaphore(%arg25 : memref<!tpu.dma_semaphore, #tpu.memory_space<semaphore_mem>>)
      }
      %get3A_855 = arith.constant 0 : index
      %get3A_856 = tpu.vector_load %arg18[%get3A_855] {strides = array<i32>} : memref<1056xi32, #tpu.memory_space<vmem>>, vector<16xi32>,
      %get3A_857 = vector.shape_cast %get3A_856 : vector<16xi32> to vector<16xi32>
      %dma_wait3A_858 = arith.constant 0 : i32
      %dma_wait3A_859 = arith.constant 0 : i32
      %dma_wait3A_860 = tpu.memref_slice %arg8[%dma_wait3A_858, %dma_wait3A_859] : memref<32768x1024xf32, #tpu.memory_space<hbm>> -> memref<32768x1024xf32, #tpu.memory_space<hbm>>
      tpu.wait_indirect_dma semaphore(%arg24 : memref<!tpu.dma_semaphore, #tpu.memory_space<semaphore_mem>>) src(%arg20 : memref<16x1024xf32, #tpu.memory_space<vmem>>) dst(%dma_wait3A_860 : memref<32768x1024xf32, #tpu.memory_space<hbm>>)
      %get3A_861 = arith.constant 0 : index
      %get3A_862 = tpu.vector_load %arg18[%get3A_861] {strides = array<i32>} : memref<1056xi32, #tpu.memory_space<vmem>>, vector<16xi32>,
      %get3A_863 = vector.shape_cast %get3A_862 : vector<16xi32> to vector<16xi32>
      %dma_wait3A_864 = arith.constant 0 : i32
      %dma_wait3A_865 = arith.constant 0 : i32
      %dma_wait3A_866 = tpu.memref_slice %arg8[%dma_wait3A_864, %dma_wait3A_865] : memref<32768x1024xf32, #tpu.memory_space<hbm>> -> memref<32768x1024xf32, #tpu.memory_space<hbm>>
      tpu.wait_indirect_dma semaphore(%arg25 : memref<!tpu.dma_semaphore, #tpu.memory_space<semaphore_mem>>) src(%arg21 : memref<16x1024xf32, #tpu.memory_space<vmem>>) dst(%dma_wait3A_866 : memref<32768x1024xf32, #tpu.memory_space<hbm>>)
    } else {
    }
    %add3A_753 = arith.addi %scan3A_12#9, %iota3A : vector<16xi32>
    %slice3A_754 = vector.extract_strided_slice %add3A_753 {offsets = [0], sizes = [1], strides = [1]} : vector<16xi32> to vector<1xi32>
    %squeeze3A_755 = vector.extract %slice3A_754[0] : i32 from vector<1xi32>
    %add3A_756 = arith.addi %scan3A_12#4, %squeeze3A_755 : i32
    %add3A_757 = arith.constant 15 : i32
    %add3A_758 = arith.addi %add3A_756, %add3A_757 : i32
    %jit3A_759 = arith.constant 16 : i32
    %div3A_760 = arith.divsi %add3A_758, %jit3A_759 : i32
    %sign3A_761 = arith.constant 0 : i32
    %sign3A_762 = arith.cmpi sgt, %add3A_758, %sign3A_761 : i32
    %sign3A_763 = arith.extui %sign3A_762 : i1 to i32
    %sign3A_764 = arith.constant 0 : i32
    %sign3A_765 = arith.cmpi slt, %add3A_758, %sign3A_764 : i32
    %sign3A_766 = arith.extui %sign3A_765 : i1 to i32
    %sign3A_767 = arith.subi %sign3A_763, %sign3A_766 : i32
    %sign3A_768 = arith.constant 0 : i32
    %sign3A_769 = arith.cmpi sgt, %jit3A_759, %sign3A_768 : i32
    %sign3A_770 = arith.extui %sign3A_769 : i1 to i32
    %sign3A_771 = arith.constant 0 : i32
    %sign3A_772 = arith.cmpi slt, %jit3A_759, %sign3A_771 : i32
    %sign3A_773 = arith.extui %sign3A_772 : i1 to i32
    %sign3A_774 = arith.subi %sign3A_770, %sign3A_773 : i32
    %ne3A_775 = arith.cmpi ne, %sign3A_767, %sign3A_774 : i32
    %rem3A_776 = arith.remsi %add3A_758, %jit3A_759 : i32
    %ne3A_777 = arith.constant 0 : i32
    %ne3A_778 = arith.cmpi ne, %rem3A_776, %ne3A_777 : i32
    %and3A_779 = arith.andi %ne3A_775, %ne3A_778 : i1
    %sub3A_780 = arith.constant 1 : i32
    %sub3A_781 = arith.subi %div3A_760, %sub3A_780 : i32
    %select_n3A_782 = arith.select %and3A_779, %sub3A_781, %div3A_760 : i32
    %add3A_783 = arith.constant 1 : i32
    %add3A_784 = arith.addi %select_n3A_782, %add3A_783 : i32
    %jit3A_785 = arith.constant 2 : i32
    %div3A_786 = arith.divsi %add3A_784, %jit3A_785 : i32
    %sign3A_787 = arith.constant 0 : i32
    %sign3A_788 = arith.cmpi sgt, %add3A_784, %sign3A_787 : i32
    %sign3A_789 = arith.extui %sign3A_788 : i1 to i32
    %sign3A_790 = arith.constant 0 : i32
    %sign3A_791 = arith.cmpi slt, %add3A_784, %sign3A_790 : i32
    %sign3A_792 = arith.extui %sign3A_791 : i1 to i32
    %sign3A_793 = arith.subi %sign3A_789, %sign3A_792 : i32
    %sign3A_794 = arith.constant 0 : i32
    %sign3A_795 = arith.cmpi sgt, %jit3A_785, %sign3A_794 : i32
    %sign3A_796 = arith.extui %sign3A_795 : i1 to i32
    %sign3A_797 = arith.constant 0 : i32
    %sign3A_798 = arith.cmpi slt, %jit3A_785, %sign3A_797 : i32
    %sign3A_799 = arith.extui %sign3A_798 : i1 to i32
    %sign3A_800 = arith.subi %sign3A_796, %sign3A_799 : i32
    %ne3A_801 = arith.cmpi ne, %sign3A_793, %sign3A_800 : i32
    %rem3A_802 = arith.remsi %add3A_784, %jit3A_785 : i32
    %ne3A_803 = arith.constant 0 : i32
    %ne3A_804 = arith.cmpi ne, %rem3A_802, %ne3A_803 : i32
    %and3A_805 = arith.andi %ne3A_801, %ne3A_804 : i1
    %sub3A_806 = arith.constant 1 : i32
    %sub3A_807 = arith.subi %div3A_786, %sub3A_806 : i32
    %select_n3A_808 = arith.select %and3A_805, %sub3A_807, %div3A_786 : i32
    %gt3A_809 = arith.constant 0 : i32
    %gt3A_810 = arith.cmpi sgt, %select_n3A_782, %gt3A_809 : i32
    %convert_element_type3A_811 = arith.extui %gt3A_810 : i1 to i32
    %cond3A_812 = arith.constant 0 : i32
    %cond3A_813 = arith.cmpi ne, %convert_element_type3A_811, %cond3A_812 : i32
    scf.if %cond3A_813 {
      %multiple_of3A_814 = arith.constant 0 : i32
      %multiple_of3A_815 = tpu.assume_multiple %multiple_of3A_814, 16 : i32
      %get3A_816 = arith.index_cast %multiple_of3A_815 : i32 to index
      %get3A_817 = tpu.vector_load %arg14[%get3A_816] {strides = array<i32>} : memref<1056xi32, #tpu.memory_space<vmem>>, vector<16xi32>,
      %get3A_818 = vector.shape_cast %get3A_817 : vector<16xi32> to vector<16xi32>
      %get3A_819 = arith.index_cast %multiple_of3A_815 : i32 to index
      %get3A_820 = tpu.vector_load %arg19[%get3A_819] {strides = array<i32>} : memref<1056xi32, #tpu.memory_space<vmem>>, vector<16xi32>,
      %get3A_821 = vector.shape_cast %get3A_820 : vector<16xi32> to vector<16xi32>
      %dma_start3A = arith.constant 0 : i32
      %dma_start3A_822 = arith.constant 0 : i32
      %dma_start3A_823 = tpu.memref_slice %arg7[%dma_start3A, %dma_start3A_822] : memref<12000x1024xf32, #tpu.memory_space<hbm>> -> memref<12000x1024xf32, #tpu.memory_space<hbm>>
      tpu.enqueue_indirect_dma source(%dma_start3A_823 : memref<12000x1024xf32, #tpu.memory_space<hbm>>) target(%arg20 : memref<16x1024xf32, #tpu.memory_space<vmem>>) offsets(%get3A_818 : vector<16xi32>) semaphore(%arg22 : memref<!tpu.dma_semaphore, #tpu.memory_space<semaphore_mem>>)
      %dma_wait3A = arith.constant 0 : i32
      %dma_wait3A_824 = arith.constant 0 : i32
      %dma_wait3A_825 = tpu.memref_slice %arg7[%dma_wait3A, %dma_wait3A_824] : memref<12000x1024xf32, #tpu.memory_space<hbm>> -> memref<12000x1024xf32, #tpu.memory_space<hbm>>
      tpu.wait_indirect_dma semaphore(%arg22 : memref<!tpu.dma_semaphore, #tpu.memory_space<semaphore_mem>>) src(%dma_wait3A_825 : memref<12000x1024xf32, #tpu.memory_space<hbm>>) dst(%arg20 : memref<16x1024xf32, #tpu.memory_space<vmem>>)
      %dma_start3A_826 = arith.constant 0 : i32
      %dma_start3A_827 = arith.constant 0 : i32
      %dma_start3A_828 = tpu.memref_slice %arg8[%dma_start3A_826, %dma_start3A_827] : memref<32768x1024xf32, #tpu.memory_space<hbm>> -> memref<32768x1024xf32, #tpu.memory_space<hbm>>
      tpu.enqueue_indirect_dma source(%arg20 : memref<16x1024xf32, #tpu.memory_space<vmem>>) target(%dma_start3A_828 : memref<32768x1024xf32, #tpu.memory_space<hbm>>) offsets(%get3A_821 : vector<16xi32>) semaphore(%arg24 : memref<!tpu.dma_semaphore, #tpu.memory_space<semaphore_mem>>)
      %multiple_of3A_829 = arith.constant 16 : i32
      %multiple_of3A_830 = tpu.assume_multiple %multiple_of3A_829, 16 : i32
      %get3A_831 = arith.index_cast %multiple_of3A_830 : i32 to index
      %get3A_832 = tpu.vector_load %arg14[%get3A_831] {strides = array<i32>} : memref<1056xi32, #tpu.memory_space<vmem>>, vector<16xi32>,
      %get3A_833 = vector.shape_cast %get3A_832 : vector<16xi32> to vector<16xi32>
      %get3A_834 = arith.index_cast %multiple_of3A_830 : i32 to index
      %get3A_835 = tpu.vector_load %arg19[%get3A_834] {strides = array<i32>} : memref<1056xi32, #tpu.memory_space<vmem>>, vector<16xi32>,
      %get3A_836 = vector.shape_cast %get3A_835 : vector<16xi32> to vector<16xi32>
      %dma_start3A_837 = arith.constant 0 : i32
      %dma_start3A_838 = arith.constant 0 : i32
      %dma_start3A_839 = tpu.memref_slice %arg7[%dma_start3A_837, %dma_start3A_838] : memref<12000x1024xf32, #tpu.memory_space<hbm>> -> memref<12000x1024xf32, #tpu.memory_space<hbm>>
      tpu.enqueue_indirect_dma source(%dma_start3A_839 : memref<12000x1024xf32, #tpu.memory_space<hbm>>) target(%arg21 : memref<16x1024xf32, #tpu.memory_space<vmem>>) offsets(%get3A_833 : vector<16xi32>) semaphore(%arg23 : memref<!tpu.dma_semaphore, #tpu.memory_space<semaphore_mem>>)
      %dma_wait3A_840 = arith.constant 0 : i32
      %dma_wait3A_841 = arith.constant 0 : i32
      %dma_wait3A_842 = tpu.memref_slice %arg7[%dma_wait3A_840, %dma_wait3A_841] : memref<12000x1024xf32, #tpu.memory_space<hbm>> -> memref<12000x1024xf32, #tpu.memory_space<hbm>>
      tpu.wait_indirect_dma semaphore(%arg23 : memref<!tpu.dma_semaphore, #tpu.memory_space<semaphore_mem>>) src(%dma_wait3A_842 : memref<12000x1024xf32, #tpu.memory_space<hbm>>) dst(%arg21 : memref<16x1024xf32, #tpu.memory_space<vmem>>)
      %dma_start3A_843 = arith.constant 0 : i32
      %dma_start3A_844 = arith.constant 0 : i32
      %dma_start3A_845 = tpu.memref_slice %arg8[%dma_start3A_843, %dma_start3A_844] : memref<32768x1024xf32, #tpu.memory_space<hbm>> -> memref<32768x1024xf32, #tpu.memory_space<hbm>>
      tpu.enqueue_indirect_dma source(%arg21 : memref<16x1024xf32, #tpu.memory_space<vmem>>) target(%dma_start3A_845 : memref<32768x1024xf32, #tpu.memory_space<hbm>>) offsets(%get3A_836 : vector<16xi32>) semaphore(%arg25 : memref<!tpu.dma_semaphore, #tpu.memory_space<semaphore_mem>>)
      %while3A = arith.constant 0 : i32
      %while3A_846 = arith.constant 1 : i32
      %while3A_847 = arith.subi %select_n3A_808, %while3A_846 : i32
      %while3A_848 = arith.addi %while3A_846, %while3A_847 : i32
      %while3A_849 = arith.constant 1 : i32
      %while3A_850 = arith.divsi %while3A_847, %while3A_849 : i32
      %while3A_851 = arith.muli %while3A_850, %while3A_849 : i32
      %while3A_852 = arith.addi %while3A_846, %while3A_851 : i32
      %while3A_853 = arith.constant 1 : i32
      scf.for %while3A_867 = %while3A_846 to %while3A_852 step %while3A_853  : i32 {
        %get3A_868 = arith.constant 0 : index
        %get3A_869 = tpu.vector_load %arg19[%get3A_868] {strides = array<i32>} : memref<1056xi32, #tpu.memory_space<vmem>>, vector<16xi32>,
        %get3A_870 = vector.shape_cast %get3A_869 : vector<16xi32> to vector<16xi32>
        %dma_wait3A_871 = arith.constant 0 : i32
        %dma_wait3A_872 = arith.constant 0 : i32
        %dma_wait3A_873 = tpu.memref_slice %arg8[%dma_wait3A_871, %dma_wait3A_872] : memref<32768x1024xf32, #tpu.memory_space<hbm>> -> memref<32768x1024xf32, #tpu.memory_space<hbm>>
        tpu.wait_indirect_dma semaphore(%arg24 : memref<!tpu.dma_semaphore, #tpu.memory_space<semaphore_mem>>) src(%arg20 : memref<16x1024xf32, #tpu.memory_space<vmem>>) dst(%dma_wait3A_873 : memref<32768x1024xf32, #tpu.memory_space<hbm>>)
        %mul3A_874 = arith.constant 2 : i32
        %mul3A_875 = arith.muli %mul3A_874, %while3A_867 : i32
        %mul3A_876 = arith.constant 16 : i32
        %mul3A_877 = arith.muli %mul3A_875, %mul3A_876 : i32
        %multiple_of3A_878 = tpu.assume_multiple %mul3A_877, 16 : i32
        %get3A_879 = arith.index_cast %multiple_of3A_878 : i32 to index
        %get3A_880 = tpu.vector_load %arg14[%get3A_879] {strides = array<i32>} : memref<1056xi32, #tpu.memory_space<vmem>>, vector<16xi32>,
        %get3A_881 = vector.shape_cast %get3A_880 : vector<16xi32> to vector<16xi32>
        %get3A_882 = arith.index_cast %multiple_of3A_878 : i32 to index
        %get3A_883 = tpu.vector_load %arg19[%get3A_882] {strides = array<i32>} : memref<1056xi32, #tpu.memory_space<vmem>>, vector<16xi32>,
        %get3A_884 = vector.shape_cast %get3A_883 : vector<16xi32> to vector<16xi32>
        %dma_start3A_885 = arith.constant 0 : i32
        %dma_start3A_886 = arith.constant 0 : i32
        %dma_start3A_887 = tpu.memref_slice %arg7[%dma_start3A_885, %dma_start3A_886] : memref<12000x1024xf32, #tpu.memory_space<hbm>> -> memref<12000x1024xf32, #tpu.memory_space<hbm>>
        tpu.enqueue_indirect_dma source(%dma_start3A_887 : memref<12000x1024xf32, #tpu.memory_space<hbm>>) target(%arg20 : memref<16x1024xf32, #tpu.memory_space<vmem>>) offsets(%get3A_881 : vector<16xi32>) semaphore(%arg22 : memref<!tpu.dma_semaphore, #tpu.memory_space<semaphore_mem>>)
        %dma_wait3A_888 = arith.constant 0 : i32
        %dma_wait3A_889 = arith.constant 0 : i32
        %dma_wait3A_890 = tpu.memref_slice %arg7[%dma_wait3A_888, %dma_wait3A_889] : memref<12000x1024xf32, #tpu.memory_space<hbm>> -> memref<12000x1024xf32, #tpu.memory_space<hbm>>
        tpu.wait_indirect_dma semaphore(%arg22 : memref<!tpu.dma_semaphore, #tpu.memory_space<semaphore_mem>>) src(%dma_wait3A_890 : memref<12000x1024xf32, #tpu.memory_space<hbm>>) dst(%arg20 : memref<16x1024xf32, #tpu.memory_space<vmem>>)
        %dma_start3A_891 = arith.constant 0 : i32
        %dma_start3A_892 = arith.constant 0 : i32
        %dma_start3A_893 = tpu.memref_slice %arg8[%dma_start3A_891, %dma_start3A_892] : memref<32768x1024xf32, #tpu.memory_space<hbm>> -> memref<32768x1024xf32, #tpu.memory_space<hbm>>
        tpu.enqueue_indirect_dma source(%arg20 : memref<16x1024xf32, #tpu.memory_space<vmem>>) target(%dma_start3A_893 : memref<32768x1024xf32, #tpu.memory_space<hbm>>) offsets(%get3A_884 : vector<16xi32>) semaphore(%arg24 : memref<!tpu.dma_semaphore, #tpu.memory_space<semaphore_mem>>)
        %get3A_894 = arith.constant 0 : index
        %get3A_895 = tpu.vector_load %arg19[%get3A_894] {strides = array<i32>} : memref<1056xi32, #tpu.memory_space<vmem>>, vector<16xi32>,
        %get3A_896 = vector.shape_cast %get3A_895 : vector<16xi32> to vector<16xi32>
        %dma_wait3A_897 = arith.constant 0 : i32
        %dma_wait3A_898 = arith.constant 0 : i32
        %dma_wait3A_899 = tpu.memref_slice %arg8[%dma_wait3A_897, %dma_wait3A_898] : memref<32768x1024xf32, #tpu.memory_space<hbm>> -> memref<32768x1024xf32, #tpu.memory_space<hbm>>
        tpu.wait_indirect_dma semaphore(%arg25 : memref<!tpu.dma_semaphore, #tpu.memory_space<semaphore_mem>>) src(%arg21 : memref<16x1024xf32, #tpu.memory_space<vmem>>) dst(%dma_wait3A_899 : memref<32768x1024xf32, #tpu.memory_space<hbm>>)
        %mul3A_900 = arith.constant 2 : i32
        %mul3A_901 = arith.muli %mul3A_900, %while3A_867 : i32
        %add3A_902 = arith.constant 1 : i32
        %add3A_903 = arith.addi %mul3A_901, %add3A_902 : i32
        %mul3A_904 = arith.constant 16 : i32
        %mul3A_905 = arith.muli %add3A_903, %mul3A_904 : i32
        %multiple_of3A_906 = tpu.assume_multiple %mul3A_905, 16 : i32
        %get3A_907 = arith.index_cast %multiple_of3A_906 : i32 to index
        %get3A_908 = tpu.vector_load %arg14[%get3A_907] {strides = array<i32>} : memref<1056xi32, #tpu.memory_space<vmem>>, vector<16xi32>,
        %get3A_909 = vector.shape_cast %get3A_908 : vector<16xi32> to vector<16xi32>
        %get3A_910 = arith.index_cast %multiple_of3A_906 : i32 to index
        %get3A_911 = tpu.vector_load %arg19[%get3A_910] {strides = array<i32>} : memref<1056xi32, #tpu.memory_space<vmem>>, vector<16xi32>,
        %get3A_912 = vector.shape_cast %get3A_911 : vector<16xi32> to vector<16xi32>
        %dma_start3A_913 = arith.constant 0 : i32
        %dma_start3A_914 = arith.constant 0 : i32
        %dma_start3A_915 = tpu.memref_slice %arg7[%dma_start3A_913, %dma_start3A_914] : memref<12000x1024xf32, #tpu.memory_space<hbm>> -> memref<12000x1024xf32, #tpu.memory_space<hbm>>
        tpu.enqueue_indirect_dma source(%dma_start3A_915 : memref<12000x1024xf32, #tpu.memory_space<hbm>>) target(%arg21 : memref<16x1024xf32, #tpu.memory_space<vmem>>) offsets(%get3A_909 : vector<16xi32>) semaphore(%arg23 : memref<!tpu.dma_semaphore, #tpu.memory_space<semaphore_mem>>)
        %dma_wait3A_916 = arith.constant 0 : i32
        %dma_wait3A_917 = arith.constant 0 : i32
        %dma_wait3A_918 = tpu.memref_slice %arg7[%dma_wait3A_916, %dma_wait3A_917] : memref<12000x1024xf32, #tpu.memory_space<hbm>> -> memref<12000x1024xf32, #tpu.memory_space<hbm>>
        tpu.wait_indirect_dma semaphore(%arg23 : memref<!tpu.dma_semaphore, #tpu.memory_space<semaphore_mem>>) src(%dma_wait3A_918 : memref<12000x1024xf32, #tpu.memory_space<hbm>>) dst(%arg21 : memref<16x1024xf32, #tpu.memory_space<vmem>>)
        %dma_start3A_919 = arith.constant 0 : i32
        %dma_start3A_920 = arith.constant 0 : i32
        %dma_start3A_921 = tpu.memref_slice %arg8[%dma_start3A_919, %dma_start3A_920] : memref<32768x1024xf32, #tpu.memory_space<hbm>> -> memref<32768x1024xf32, #tpu.memory_space<hbm>>
        tpu.enqueue_indirect_dma source(%arg21 : memref<16x1024xf32, #tpu.memory_space<vmem>>) target(%dma_start3A_921 : memref<32768x1024xf32, #tpu.memory_space<hbm>>) offsets(%get3A_912 : vector<16xi32>) semaphore(%arg25 : memref<!tpu.dma_semaphore, #tpu.memory_space<semaphore_mem>>)
      }
      %while3A_854 = arith.constant 1 : i32
      scf.for %while3A_867 = %while3A_852 to %while3A_848 step %while3A_854  : i32 {
        %get3A_868 = arith.constant 0 : index
        %get3A_869 = tpu.vector_load %arg19[%get3A_868] {strides = array<i32>} : memref<1056xi32, #tpu.memory_space<vmem>>, vector<16xi32>,
        %get3A_870 = vector.shape_cast %get3A_869 : vector<16xi32> to vector<16xi32>
        %dma_wait3A_871 = arith.constant 0 : i32
        %dma_wait3A_872 = arith.constant 0 : i32
        %dma_wait3A_873 = tpu.memref_slice %arg8[%dma_wait3A_871, %dma_wait3A_872] : memref<32768x1024xf32, #tpu.memory_space<hbm>> -> memref<32768x1024xf32, #tpu.memory_space<hbm>>
        tpu.wait_indirect_dma semaphore(%arg24 : memref<!tpu.dma_semaphore, #tpu.memory_space<semaphore_mem>>) src(%arg20 : memref<16x1024xf32, #tpu.memory_space<vmem>>) dst(%dma_wait3A_873 : memref<32768x1024xf32, #tpu.memory_space<hbm>>)
        %mul3A_874 = arith.constant 2 : i32
        %mul3A_875 = arith.muli %mul3A_874, %while3A_867 : i32
        %mul3A_876 = arith.constant 16 : i32
        %mul3A_877 = arith.muli %mul3A_875, %mul3A_876 : i32
        %multiple_of3A_878 = tpu.assume_multiple %mul3A_877, 16 : i32
        %get3A_879 = arith.index_cast %multiple_of3A_878 : i32 to index
        %get3A_880 = tpu.vector_load %arg14[%get3A_879] {strides = array<i32>} : memref<1056xi32, #tpu.memory_space<vmem>>, vector<16xi32>,
        %get3A_881 = vector.shape_cast %get3A_880 : vector<16xi32> to vector<16xi32>
        %get3A_882 = arith.index_cast %multiple_of3A_878 : i32 to index
        %get3A_883 = tpu.vector_load %arg19[%get3A_882] {strides = array<i32>} : memref<1056xi32, #tpu.memory_space<vmem>>, vector<16xi32>,
        %get3A_884 = vector.shape_cast %get3A_883 : vector<16xi32> to vector<16xi32>
        %dma_start3A_885 = arith.constant 0 : i32
        %dma_start3A_886 = arith.constant 0 : i32
        %dma_start3A_887 = tpu.memref_slice %arg7[%dma_start3A_885, %dma_start3A_886] : memref<12000x1024xf32, #tpu.memory_space<hbm>> -> memref<12000x1024xf32, #tpu.memory_space<hbm>>
        tpu.enqueue_indirect_dma source(%dma_start3A_887 : memref<12000x1024xf32, #tpu.memory_space<hbm>>) target(%arg20 : memref<16x1024xf32, #tpu.memory_space<vmem>>) offsets(%get3A_881 : vector<16xi32>) semaphore(%arg22 : memref<!tpu.dma_semaphore, #tpu.memory_space<semaphore_mem>>)
        %dma_wait3A_888 = arith.constant 0 : i32
        %dma_wait3A_889 = arith.constant 0 : i32
        %dma_wait3A_890 = tpu.memref_slice %arg7[%dma_wait3A_888, %dma_wait3A_889] : memref<12000x1024xf32, #tpu.memory_space<hbm>> -> memref<12000x1024xf32, #tpu.memory_space<hbm>>
        tpu.wait_indirect_dma semaphore(%arg22 : memref<!tpu.dma_semaphore, #tpu.memory_space<semaphore_mem>>) src(%dma_wait3A_890 : memref<12000x1024xf32, #tpu.memory_space<hbm>>) dst(%arg20 : memref<16x1024xf32, #tpu.memory_space<vmem>>)
        %dma_start3A_891 = arith.constant 0 : i32
        %dma_start3A_892 = arith.constant 0 : i32
        %dma_start3A_893 = tpu.memref_slice %arg8[%dma_start3A_891, %dma_start3A_892] : memref<32768x1024xf32, #tpu.memory_space<hbm>> -> memref<32768x1024xf32, #tpu.memory_space<hbm>>
        tpu.enqueue_indirect_dma source(%arg20 : memref<16x1024xf32, #tpu.memory_space<vmem>>) target(%dma_start3A_893 : memref<32768x1024xf32, #tpu.memory_space<hbm>>) offsets(%get3A_884 : vector<16xi32>) semaphore(%arg24 : memref<!tpu.dma_semaphore, #tpu.memory_space<semaphore_mem>>)
        %get3A_894 = arith.constant 0 : index
        %get3A_895 = tpu.vector_load %arg19[%get3A_894] {strides = array<i32>} : memref<1056xi32, #tpu.memory_space<vmem>>, vector<16xi32>,
        %get3A_896 = vector.shape_cast %get3A_895 : vector<16xi32> to vector<16xi32>
        %dma_wait3A_897 = arith.constant 0 : i32
        %dma_wait3A_898 = arith.constant 0 : i32
        %dma_wait3A_899 = tpu.memref_slice %arg8[%dma_wait3A_897, %dma_wait3A_898] : memref<32768x1024xf32, #tpu.memory_space<hbm>> -> memref<32768x1024xf32, #tpu.memory_space<hbm>>
        tpu.wait_indirect_dma semaphore(%arg25 : memref<!tpu.dma_semaphore, #tpu.memory_space<semaphore_mem>>) src(%arg21 : memref<16x1024xf32, #tpu.memory_space<vmem>>) dst(%dma_wait3A_899 : memref<32768x1024xf32, #tpu.memory_space<hbm>>)
        %mul3A_900 = arith.constant 2 : i32
        %mul3A_901 = arith.muli %mul3A_900, %while3A_867 : i32
        %add3A_902 = arith.constant 1 : i32
        %add3A_903 = arith.addi %mul3A_901, %add3A_902 : i32
        %mul3A_904 = arith.constant 16 : i32
        %mul3A_905 = arith.muli %add3A_903, %mul3A_904 : i32
        %multiple_of3A_906 = tpu.assume_multiple %mul3A_905, 16 : i32
        %get3A_907 = arith.index_cast %multiple_of3A_906 : i32 to index
        %get3A_908 = tpu.vector_load %arg14[%get3A_907] {strides = array<i32>} : memref<1056xi32, #tpu.memory_space<vmem>>, vector<16xi32>,
        %get3A_909 = vector.shape_cast %get3A_908 : vector<16xi32> to vector<16xi32>
        %get3A_910 = arith.index_cast %multiple_of3A_906 : i32 to index
        %get3A_911 = tpu.vector_load %arg19[%get3A_910] {strides = array<i32>} : memref<1056xi32, #tpu.memory_space<vmem>>, vector<16xi32>,
        %get3A_912 = vector.shape_cast %get3A_911 : vector<16xi32> to vector<16xi32>
        %dma_start3A_913 = arith.constant 0 : i32
        %dma_start3A_914 = arith.constant 0 : i32
        %dma_start3A_915 = tpu.memref_slice %arg7[%dma_start3A_913, %dma_start3A_914] : memref<12000x1024xf32, #tpu.memory_space<hbm>> -> memref<12000x1024xf32, #tpu.memory_space<hbm>>
        tpu.enqueue_indirect_dma source(%dma_start3A_915 : memref<12000x1024xf32, #tpu.memory_space<hbm>>) target(%arg21 : memref<16x1024xf32, #tpu.memory_space<vmem>>) offsets(%get3A_909 : vector<16xi32>) semaphore(%arg23 : memref<!tpu.dma_semaphore, #tpu.memory_space<semaphore_mem>>)
        %dma_wait3A_916 = arith.constant 0 : i32
        %dma_wait3A_917 = arith.constant 0 : i32
        %dma_wait3A_918 = tpu.memref_slice %arg7[%dma_wait3A_916, %dma_wait3A_917] : memref<12000x1024xf32, #tpu.memory_space<hbm>> -> memref<12000x1024xf32, #tpu.memory_space<hbm>>
        tpu.wait_indirect_dma semaphore(%arg23 : memref<!tpu.dma_semaphore, #tpu.memory_space<semaphore_mem>>) src(%dma_wait3A_918 : memref<12000x1024xf32, #tpu.memory_space<hbm>>) dst(%arg21 : memref<16x1024xf32, #tpu.memory_space<vmem>>)
        %dma_start3A_919 = arith.constant 0 : i32
        %dma_start3A_920 = arith.constant 0 : i32
        %dma_start3A_921 = tpu.memref_slice %arg8[%dma_start3A_919, %dma_start3A_920] : memref<32768x1024xf32, #tpu.memory_space<hbm>> -> memref<32768x1024xf32, #tpu.memory_space<hbm>>
        tpu.enqueue_indirect_dma source(%arg21 : memref<16x1024xf32, #tpu.memory_space<vmem>>) target(%dma_start3A_921 : memref<32768x1024xf32, #tpu.memory_space<hbm>>) offsets(%get3A_912 : vector<16xi32>) semaphore(%arg25 : memref<!tpu.dma_semaphore, #tpu.memory_space<semaphore_mem>>)
      }
      %get3A_855 = arith.constant 0 : index
      %get3A_856 = tpu.vector_load %arg19[%get3A_855] {strides = array<i32>} : memref<1056xi32, #tpu.memory_space<vmem>>, vector<16xi32>,
      %get3A_857 = vector.shape_cast %get3A_856 : vector<16xi32> to vector<16xi32>
      %dma_wait3A_858 = arith.constant 0 : i32
      %dma_wait3A_859 = arith.constant 0 : i32
      %dma_wait3A_860 = tpu.memref_slice %arg8[%dma_wait3A_858, %dma_wait3A_859] : memref<32768x1024xf32, #tpu.memory_space<hbm>> -> memref<32768x1024xf32, #tpu.memory_space<hbm>>
      tpu.wait_indirect_dma semaphore(%arg24 : memref<!tpu.dma_semaphore, #tpu.memory_space<semaphore_mem>>) src(%arg20 : memref<16x1024xf32, #tpu.memory_space<vmem>>) dst(%dma_wait3A_860 : memref<32768x1024xf32, #tpu.memory_space<hbm>>)
      %get3A_861 = arith.constant 0 : index
      %get3A_862 = tpu.vector_load %arg19[%get3A_861] {strides = array<i32>} : memref<1056xi32, #tpu.memory_space<vmem>>, vector<16xi32>,
      %get3A_863 = vector.shape_cast %get3A_862 : vector<16xi32> to vector<16xi32>
      %dma_wait3A_864 = arith.constant 0 : i32
      %dma_wait3A_865 = arith.constant 0 : i32
      %dma_wait3A_866 = tpu.memref_slice %arg8[%dma_wait3A_864, %dma_wait3A_865] : memref<32768x1024xf32, #tpu.memory_space<hbm>> -> memref<32768x1024xf32, #tpu.memory_space<hbm>>
      tpu.wait_indirect_dma semaphore(%arg25 : memref<!tpu.dma_semaphore, #tpu.memory_space<semaphore_mem>>) src(%arg21 : memref<16x1024xf32, #tpu.memory_space<vmem>>) dst(%dma_wait3A_866 : memref<32768x1024xf32, #tpu.memory_space<hbm>>)
    } else {
    }
    return
  }
}

</mosaic_0001>

<sc_bundles>
// kernel: kernel.3.cloned.1.call-start
scs
__scs_entry_jumppad:
0x0: {  	(pc) =	sbr.rel $0x88, $3  }
0x1: {  	(tag) =	ssettag $0x0;
	lr =	simm.s32 $0x1  }
0x2: {  	[smem:$0x3F9B] =	sst lr;
	_ =	strace $0xD0000000  }
0x3: {  	_ = 	snop  }
0x4: {  	_ = 	snop  }
0x5: {  	_ = 	snop  }
0x6: {  	_ = 	snop  }
0x7: {  	_ = 	snop  }
__scs_overlays_trampoline_lowered:
0x8: {  	[smem:$0x3FAA] =	sst s0  }
0x9: {  	[smem:$0x3FAB] =	sst s1  }
0xa: {  	[smem:$0x3FAC] =	sst s2  }
0xb: {  	[smem:$0x3FAD] =	sst s3  }
0xc: {  	[smem:$0x3FAE] =	sst s4  }
0xd: {  	[smem:$0x3FAF] =	sst s5  }
0xe: {  	[smem:$0x3FB0] =	sst s6  }
0xf: {  	[smem:$0x3FB1] =	sst s7  }
0x10: {  	[smem:$0x3FB2] =	sst s8  }
0x11: {  	[smem:$0x3FB3] =	sst s9;
	s0 =	simm.s32 @!p0 $0x0  }
0x12: {  	s1 =	sld [smem:$0x3F99];
	s0 =	simm.s32 @p0 $0x1  }
0x13: {  	[smem:$0x3FB4] =	sst s0;
	s0 =	simm.s32 @!p1 $0x0  }
0x14: {  	s2 =	sld [smem:$0x3F98];
	s0 =	simm.s32 @p1 $0x1  }
0x15: {  	[smem:$0x3FB5] =	sst s0;
	s0 =	simm.s32 @!p2 $0x0  }
0x16: {  	s3 =	sld [smem:$0x3FDB];
	s0 =	simm.s32 @p2 $0x1  }
0x17: {  	s4 =	simm.s32 $0x1BF5;
	[smem:$0x3FB7] =	sst s0  }
0x18: {  	s0 =	sld [smem:$0x3F9A];
	_ =	swait.ge [sflag:s4], $0x0  }
0x19: {  	s7 =	sld [smem:$0x3F9B]  }
0x1a: {  	s8 =	sadd.s32 $0xFFFFE003, lr  }
0x1b: {  	s9 =	sadd.s32 $0xFFFFFEF7, lr;
	s5 =	simm.s32 $0xFFFFFFFF;
	p2 =	slt.u32 s8, $0xFFFFF086  }
0x1c: {  	p1 =	slt.u32 s9, $0xF7A;
	s5 =	simm.s32 @!p2 $0x0  }
0x1d: {  	s5 =	simm.s32 @p1 $0x1;
	p0 =	seq.s32 s7, s2  }
0x1e: {  	s7 =	smul.u32 @!p0 $0xF7A, s2;
	p2 =	seq.s32 @!p0 s5, $0x0  }
0x1f: {  	s9 =	smul.u32 $0xF7A, s1;
	s8 =	simm.s32 @!p0 $0x1BF5;
	p2 =	por !p2, p0  }
0x20: {  	[sflag:s8] =	ssyncset.s32 @!p0 $0xFFFFF086;
	s6 =	sadd.s32 @!p0 s3, s7;
	s7 =	simm.s32 @!p0 $0x108  }
0x21: {  	s3 =	sadd.s32 s3, s9;
	s6 =	sadd.s32 @!p0 $0x88, s6;
	s7 =	simm.s32 @p2 $0x1082  }
0x22: {  	[simem:s7], [sflag:s8] =	dma.local @!p0 [hbm:s6], $0xF7A  }
0x23: {  	s9 =	sor.u32 $0xD0000000, s2;
	s6 =	simm.s32 $0x108;
	_ =	swait.ge @!p0 [sflag:s8], $0x0  }
0x24: {  	s3 =	sadd.s32 $0x88, s3;
	s6 =	simm.s32 @!p1 $0x1082;
	[sflag:s4] =	ssyncset.s32 $0xFFFFF086  }
0x25: {  	[simem:s6], [sflag:s4] =	dma.local [hbm:s3], $0xF7A  }
0x26: {  	[smem:$0x3F9B] =	sst s1;
	(tag) =	ssettag s2;
	_ =	strace s9  }
0x27: {  	s1 =	sld [smem:$0x3FAB]  }
0x28: {  	s2 =	sld [smem:$0x3FAC]  }
0x29: {  	s4 =	sld [smem:$0x3FAE]  }
0x2a: {  	p0 =	seq.s32 s5, $0x0;
	s5 =	sld [smem:$0x3FAF]  }
0x2b: {  	s6 =	sld [smem:$0x3FB0]  }
0x2c: {  	s7 =	sld [smem:$0x3FB1]  }
0x2d: {  	s3 =	simm.s32 $0x108;
	s8 =	sld [smem:$0x3FB2]  }
0x2e: {  	s3 =	simm.s32 @!p0 $0x1082;
	s9 =	sld [smem:$0x3FB3]  }
0x2f: {  	lr =	sadd.s32 s0, s3;
	s0 =	sld [smem:$0x3FAA]  }
0x30: {  	s3 =	sld [smem:$0x3FAD]  }
0x31: {  	[smem:$0x3FB6] =	sst s10  }
0x32: {  	s10 =	sld [smem:$0x3FB4];
	_ =	sdelay $0x3  }
0x33: {  	p0 =	seq.s32 s10, $0x1;
	s10 =	sld [smem:$0x3FB6];
	_ =	sdelay $0x3  }
0x34: {  	[smem:$0x3FB6] =	sst s10  }
0x35: {  	s10 =	sld [smem:$0x3FB5];
	_ =	sdelay $0x3  }
0x36: {  	p1 =	seq.s32 s10, $0x1;
	s10 =	sld [smem:$0x3FB6];
	_ =	sdelay $0x3  }
0x37: {  	[smem:$0x3FB6] =	sst s10  }
0x38: {  	s10 =	sld [smem:$0x3FB7]  }
0x39: {  	_ = 	snop;
	(pc) =	sbr.ind lr, $3  }
0x3a: {  	_ = 	snop  }
0x3b: {  	_ = 	snop  }
0x3c: {  	p2 =	seq.s32 s10, $0x1;
	s10 =	sld [smem:$0x3FB6]  }
0x3d: {  	_ =	shalt  }
0x3e: {  	_ =	shalt  }
0x3f: {  	_ =	shalt  }
0x40: {  	_ =	shalt  }
0x41: {  	_ =	shalt  }
0x42: {  	_ =	shalt  }
0x43: {  	_ =	shalt  }
0x44: {  	_ =	shalt  }
0x45: {  	_ =	shalt  }
0x46: {  	_ =	shalt  }
0x47: {  	_ =	shalt  }
0x48: {  	_ =	shalt  }
0x49: {  	_ =	shalt  }
0x4a: {  	_ =	shalt  }
0x4b: {  	_ =	shalt  }
0x4c: {  	_ =	shalt  }
0x4d: {  	_ =	shalt  }
0x4e: {  	_ =	shalt  }
0x4f: {  	_ =	shalt  }
0x50: {  	_ =	shalt  }
0x51: {  	_ =	shalt  }
0x52: {  	_ =	shalt  }
0x53: {  	_ =	shalt  }
0x54: {  	_ =	shalt  }
0x55: {  	_ =	shalt  }
0x56: {  	_ =	shalt  }
0x57: {  	_ =	shalt  }
0x58: {  	_ =	shalt  }
0x59: {  	_ =	shalt  }
0x5a: {  	_ =	shalt  }
0x5b: {  	_ =	shalt  }
0x5c: {  	_ =	shalt  }
0x5d: {  	_ =	shalt  }
0x5e: {  	_ =	shalt  }
0x5f: {  	_ =	shalt  }
0x60: {  	_ =	shalt  }
0x61: {  	_ =	shalt  }
0x62: {  	_ =	shalt  }
0x63: {  	_ =	shalt  }
0x64: {  	_ =	shalt  }
0x65: {  	_ =	shalt  }
0x66: {  	_ =	shalt  }
0x67: {  	_ =	shalt  }
0x68: {  	_ =	shalt  }
0x69: {  	_ =	shalt  }
0x6a: {  	_ =	shalt  }
0x6b: {  	_ =	shalt  }
0x6c: {  	_ =	shalt  }
0x6d: {  	_ =	shalt  }
0x6e: {  	_ =	shalt  }
0x6f: {  	_ =	shalt  }
0x70: {  	_ =	shalt  }
0x71: {  	_ =	shalt  }
0x72: {  	_ =	shalt  }
0x73: {  	_ =	shalt  }
0x74: {  	_ =	shalt  }
0x75: {  	_ =	shalt  }
0x76: {  	_ =	shalt  }
0x77: {  	_ =	shalt  }
0x78: {  	_ =	shalt  }
0x79: {  	_ =	shalt  }
0x7a: {  	_ =	shalt  }
0x7b: {  	_ =	shalt  }
0x7c: {  	_ =	shalt  }
0x7d: {  	_ =	shalt  }
0x7e: {  	_ =	shalt  }
0x7f: {  	_ =	shalt  }
0x80: {  	_ =	shalt  }
0x81: {  	_ =	shalt  }
0x82: {  	_ =	shalt  }
0x83: {  	_ =	shalt  }
0x84: {  	_ =	shalt  }
0x85: {  	_ =	shalt  }
0x86: {  	_ =	shalt  }
0x87: {  	_ =	shalt  }
.Lfunc_end0:
.L_simem_size_0:
called_computation_lowered:
.L_overlay_start_0:
0x88: {  	s2 =	sld [smem:$0x3FD9]  }
0x89: {  	s3 =	sld [smem:$0x3FFE];
	_ =	sdelay $0x1  }
0x8a: {  	s1 =	srdreg.scid  }
0x8b: {  	s0 =	sand.u32 $0x1, s1  }
0x8c: {  	s17 =	sshll.u32 s0, $0xA;
	s2 =	sadd.s32 s3, s2  }
0x8d: {  	s2 =	sadd.s32 s2, s17  }
0x8e: {  	[smem:$0x3FC2] =	sst s2  }
0x8f: {  	_ = 	snop  }
0x90: {  	s2 =	sld [smem:$0x3FC8]  }
0x91: {  	s18 =	sld [smem:$0x3FC7]  }
0x92: {  	s4 =	sld [smem:$0x3FC6]  }
0x93: {  	s5 =	sld [smem:$0x3FC5]  }
0x94: {  	s6 =	sld [smem:$0x3FC4]  }
0x95: {  	s7 =	sld [smem:$0x3FD0];
	(tm) =	ssettm $0x1  }
0x96: {  	s8 =	sld [smem:$0x3FFB];
	_ =	sdelay $0x3  }
0x97: {  	_ =	strace s8  }
0x98: {  	s8 =	sld [smem:$0x3FFC];
	_ =	sdelay $0x3  }
0x99: {  	_ =	strace s8  }
0x9a: {  	s8 =	sld [smem:$0x3FFD];
	_ =	sdelay $0x3  }
0x9b: {  	_ =	strace s8  }
0x9c: {  	_ =	strace $0x8FFFFFFF  }
0x9d: {  	s19 =	sld [smem:$0x3FDB];
	_ =	sdelay $0x1  }
0x9e: {  	s9 =	simm.s32 $_scs_section_size  }
0x9f: {  	s10 =	simm.s32 $_size__tile_overlayer_lowered;
	s11 =	simm.s32 $_tile_overlayer_lowered  }
0xa0: {  	s22 =	simm.s32 $0x1BFF;
	s21 =	sshll.u32 s11, $0x1;
	s8 =	sadd.s32 s9, s19  }
0xa1: {  	s12 =	simm.s32 $0x0;
	s20 =	sshll.u32 s10, $0x1;
	s10 =	sadd.s32 s21, s8  }
0xa2: {  	[timem:s12], [sflag:s22] =	dma.local [hbm:s10], s20  }
0xa3: {  	_ =	swait.ge [sflag:s22], s20  }
0xa4: {  	s9 =	ssub.s32 $0x0, s20;
	[sflag:s22] =	ssyncset.done $0x0  }
0xa5: {  	[sflag:s22] =	ssyncadd.s32 s9;
	_ =	sdelay $0x1  }
0xa6: {  	s23 =	simm.s32 $0x1B8B  }
0xa7: {  	_ =	swait.ge [sflag:s23], $0x1  }
0xa8: {  	[sflag:s23] =	ssyncset.done $0x0  }
0xa9: {  	s25 =	simm.s32 $0x1B8E;
	s24 =	sld [smem:$0x3FFE];
	[sflag:s23] =	ssyncadd.s32 $0xFFFFFFFF  }
0xaa: {  	s26 =	simm.s32 $execute0_lowered;
	[smem:$0x3FD2] =	sst s25  }
0xab: {  	s10 =	sshll.u32 s26, $0x1;
	_ =	strace $0x80000046;
	[dreg:$0x1] =	wrdreg $0xFFFFFFFF  }
0xac: {  	s28 =	simm.s32 $_size_execute0_lowered;
	s8 =	sadd.s32 s8, s10;
	[dreg:$0x0] =	wrdreg $0x0  }
0xad: {  	s10 =	sshll.u32 s28, $0x1;
	[dreg:$0x2] =	wrdreg s8  }
0xae: {  	[dreg:$0x3] =	wrdreg s10  }
0xaf: {  	[dreg:$0x4] =	wrdreg $0xC0  }
0xb0: {  	_ =	task [dreg:s12], $0x5FFFF  }
0xb1: {  	[dreg:$0x1] =	wrdreg $0xFFFFFFFF  }
0xb2: {  	[dreg:$0x0] =	wrdreg $0x60  }
0xb3: {  	[dreg:$0x2] =	wrdreg s24  }
0xb4: {  	[dreg:$0x3] =	wrdreg s2  }
0xb5: {  	[dreg:$0x4] =	wrdreg s18  }
0xb6: {  	[dreg:$0x5] =	wrdreg s4  }
0xb7: {  	[dreg:$0x6] =	wrdreg s5  }
0xb8: {  	[dreg:$0x7] =	wrdreg s6  }
0xb9: {  	[dreg:$0x8] =	wrdreg s7  }
0xba: {  	[dreg:$0x9] =	wrdreg $0x9  }
0xbb: {  	_ =	task.clear_ibuf [dreg:s12], $0xAFFFF;
	_ =	strace $0x90000046  }
0xbc: {  	s29 =	simm.s32 $0x9;
	_ =	strace $0x80000048  }
0xbd: {  	_ =	swait.ge [sflag:s29], $0x1  }
0xbe: {  	[sflag:s29] =	ssyncadd.s32 $0xFFFFFFFF  }
0xbf: {  	_ =	strace $0x90000048  }
0xc0: {  	_ =	sfence  }
0xc1: {  	s30 =	sld [smem:$0x0];
	_ =	sdelay $0x2  }
0xc2: {  	s31 =	sshll.u32 s1, $0xD;
	s1 =	sshrl.u32 s1, $0x2  }
0xc3: {  	s3 =	sand.u32 $0x4000, s31;
	s1 =	sadd.s32 s1, s30  }
0xc4: {  	s0 =	sor.u32 s3, s0;
	s1 =	sshll.u32 s1, $0x11  }
0xc5: {  	s0 =	sor.u32 s1, s0  }
0xc6: {  	s0 =	sadd.s32 $0x8F2B, s0  }
0xc7: {  	[sflag:s0] =	ssyncadd.remote.s32 $0x1  }
0xc8: {  	_ =	sfence.sel $0xFFFF  }
0xc9: {  	[dreg:$0x0] =	wrdreg $0xFFFFFFFF;
	(pc) =	sbr.abs _section_cstart, $3  }
0xca: {  	[dreg:$0x1] =	wrdreg $0xFFFFFFFF  }
0xcb: {  	_ =	task.clear_ibuf [dreg:s12], $0x2FFFF;
	_ =	strace $0x9FFFFFFF  }
0xcc: {  	(tm) =	ssettm $0x7FFFFFFF  }
0xcd: {  	_ =	shalt  }
tec
execute0_lowered:
.L_overlay_start_1:
0x0: {  	(tag) =	ssettag $0x1  }
0x1: {  	s0 =	rddreg [dreg:$0x0]  }
0x2: {  	s4 =	rddreg [dreg:$0x1]  }
0x3: {  	s5 =	rddreg [dreg:$0x2]  }
0x4: {  	s6 =	rddreg [dreg:$0x3]  }
0x5: {  	s9 =	rddreg [dreg:$0x4]  }
0x6: {  	s10 =	rddreg [dreg:$0x5]  }
0x7: {  	s1 =	srdreg.scid;
	s7 =	rddreg [dreg:$0x6]  }
0x8: {  	s2 =	stileid.u32;
	s8 =	simm.s32 $0x0;
	s1 =	sand.u32 $0x1, s1  }
0x9: {  	s12 =	simm.s32 $0x5100;
	s2 =	sshll.u32 s2, $0xB;
	s3 =	sshll.u32 s1, $0xA  }
0xa: {  	s13 =	simm.s32 $0x5900;
	[smem:$0x7FF] =	sst s8;
	s2 =	sor.u32 s3, s2  }
0xb: {  	s17 =	simm.s32 $0x6100;
	s31 =	sadd.s32 $0x100, s6;
	[dreg:$0x8] =	wrdreg s2  }
0xc: {  	s20 =	sadd.s32 $0x100, s4;
	_ =	strace $0x80000047;
	[dreg:$0x10] =	wrdreg s31  }
0xd: {  	v0 =	vimm.s32 $0xEDCBA987;
	s18 =	simm.s32 $0x6900;
	s23 =	sadd.s32 $0x200, s4;
	[dreg:$0xa] =	wrdreg s20  }
0xe: {  	v1 =	vimm.s32 $0x65432100;
	v2 =	vimm.s32 $0x1;
	vm0 =	vcmask $0x300;
	s19 =	simm.s32 $0x7100;
	s4 =	sadd.s32 $0x300, s4;
	[dreg:$0xb] =	wrdreg s23  }
0xf: {  	v8 =	vimm.s32 $0xFFFFFFFF;
	v5 =	vimm.s32 $0x54321000;
	v7 =	vimm.s32 $0xBA987654;
	s21 =	simm.s32 $0x2;
	s11 =	sadd.s32 $0x100, s5;
	[dreg:$0xc] =	wrdreg s4  }
0x10: {  	v9 =	vimm.s32 $0xE40000;
	v10 =	vimm.s32 $0x32100000;
	vm13 =	vcmask $0x700;
	s24 =	sadd.s32 $0x200, s5;
	s5 =	sadd.s32 $0x300, s5;
	[dreg:$0xd] =	wrdreg s11  }
0x11: {  	vm14 =	vcmask $0xF00;
	v11 =	vimm.s32 $0x7060504;
	s22 =	simm.s32 $0x3;
	v0 =	vunpack.c.l.s4.s8 v0;
	s5 =	smov.u32 s5;
	[dreg:$0xe] =	wrdreg s24  }
0x12: {  	vm15 =	vcmask $0x3F30;
	v1 =	vunpack.c.l.s4.s8 v1;
	s14 =	sadd.s32 $0x100, s7;
	s25 =	sadd.s32 $0x200, s6;
	v5 =	vunpack.c.l.s4.s8 v5;
	[dreg:$0xf] =	wrdreg s5  }
0x13: {  	s15 =	sadd.s32 $0x200, s7;
	s26 =	sadd.s32 $0x300, s6;
	v7 =	vunpack.c.l.s4.s8 v7;
	v9 =	vunpack.c.l.s2.s4 v9;
	v3 =	vunpack.c.0.s8.s32 v0;
	[dreg:$0x11] =	wrdreg s25  }
0x14: {  	s28 =	sadd.s32 $0x300, s9;
	v10 =	vunpack.c.l.s4.s8 v10;
	s1 =	ssub.s32 $0x2, s1;
	v0 =	vlaneseq.u32;
	v4 =	vunpack.c.0.s8.s32 v1;
	[dreg:$0x12] =	wrdreg s26  }
0x15: {  	s29 =	sadd.s32 $0x100, s10;
	s30 =	sshrl.u32 s1, $0x1;
	v1 =	vimm.s32 $0x0;
	v7 =	vunpack.c.0.s8.s32 v7;
	v3 =	vand.u32 $0xF, v3;
	[dreg:$0x16] =	wrdreg s28  }
0x16: {  	v9 =	vunpack.c.l.s4.s8 v9;
	s1 =	ssub.s32 s1, s30;
	s30 =	sadd.s32 $0x200, s10;
	[dreg:$0x17] =	wrdreg s29;
	v3 =	vcombine.low v4, v3;
	v4 =	vimm.s32 $0xDCBA9876  }
0x17: {  	v5 =	vunpack.c.0.s8.s32 v5;
	v10 =	vunpack.c.0.s8.s32 v10;
	s2 =	sshrl.u32 s2, $0x3;
	s1 =	smax.u32 s1, $0x1;
	[dreg:$0x18] =	wrdreg s30;
	v6 =	vunpack.c.l.s4.s8 v4  }
.Ltmp0:
0x18: {  	v12 =	vor.u32 $0x10, v0;
	s31 =	sadd.s32 $0x300, s10;
	v7 =	vand.u32 $0xF, v7;
	v9 =	vunpack.c.0.s8.s32 v9;
	[dreg:$0x15] =	wrdreg s1;
	(pc) =	sbr.rel .LBB2_1-.Ltmp0, $4  }
0x19: {  	s0 =	sadd.s32 s2, s0;
	s2 =	sadd.s32 $0x100, s9;
	[dreg:$0x19] =	wrdreg s31;
	v7 =	vcombine.low v10, v7;
	v10 =	vunpack.c.0.s8.s32 v11;
	v6 =	vunpack.c.0.s8.s32 v6  }
0x1a: {  	s16 =	sadd.s32 $0x300, s7;
	s0 =	sadd.s32 $0x400, s0;
	[dreg:$0x13] =	wrdreg s2;
	v4 =	vsel vm0, $0x0, v8;
	v11 =	vand.u32 $0x3, v9;
	v9 =	vshrl.u32 v0, $0x3  }
0x1b: {  	s6 =	simm.s32 $0x4100;
	[dreg:$0x9] =	wrdreg s0;
	s0 =	sadd.s32 $0x200, s9;
	v10 =	vsel vm15, v10, v11;
	v11 =	vmul.u32 $0xFFFFFFFF, v9;
	v6 =	vand.u32 $0xF, v6  }
0x1c: {  	s3 =	simm.s32 $0x1;
	[dreg:$0x14] =	wrdreg s0;
	s0 =	simm.s32 $0x0;
	v5 =	vcombine.low v5, v6;
	v6 =	vsel vm13, $0x0, v8;
	v8 =	vsel vm14, $0x0, v8  }
.LBB2_27:
0x1d: {  	_ =	swait.ge [sflag:s22], $0x4000  }
0x1e: {  	[sflag:s22] =	ssyncset.done $0x0  }
0x1f: {  	[sflag:s22] =	ssyncadd.s32 $0xFFFFC000  }
0x20: {  	s6 =	simm.s32 $0x4100;
	s12 =	simm.s32 $0x5100;
	_ =	swait.ge [sflag:s20], $0x4000  }
0x21: {  	s13 =	simm.s32 $0x5900;
	s17 =	simm.s32 $0x6100;
	[sflag:s20] =	ssyncset.done $0x0  }
0x22: {  	s18 =	simm.s32 $0x6900;
	s4 =	rddreg [dreg:$0x1a];
	[sflag:s20] =	ssyncadd.s32 $0xFFFFC000  }
.LBB2_28:
0x23: {  	s4 =	sadd.s32 $0x1, s4;
	s0 =	rddreg [dreg:$0x15]  }
0x24: {  	p0 =	sne.s32 s4, s0  }
.Ltmp1:
0x25: {  	_ = 	snop;
	(pc) =	sbr.rel @!p0 .LBB2_29-.Ltmp1, $2  }
0x26: {  	_ =	sdelay $0x2  }
0x27: {  	s19 =	simm.s32 $0x7100;
	s0 =	smov.u32 s4  }
.LBB2_1:
0x28: {  	[dreg:$0x1a] =	wrdreg s0  }
0x29: {  	s26 =	rddreg [dreg:$0x9];
	s31 =	simm.s32 $0x5;
	v17 =	vimm.s32 $0x0;
	v20 =	vimm.s32 $0x0;
	v26 =	vimm.s32 $0x0;
	s30 =	simm.s32 $0x0  }
0x2a: {  	v24 =	vimm.s32 $0x0;
	v27 =	vimm.s32 $0x0;
	v18 =	vimm.s32 $0x0;
	[tilespmem:s8], [sflag:$0x5] =	stream.linear.gather [hbm4b:s26+s8], $0x400, $0x38;
	[tilespmem:$0xB100] =	vst v63  }
0x2b: {  	v23 =	vimm.s32 $0x0;
	v21 =	vimm.s32 $0x0;
	v25 =	vimm.s32 $0x0;
	s23 =	simm.s32 $0x0;
	s24 =	simm.s32 $0x0;
	_ =	swait.ge [sflag:s31], $0x400  }
0x2c: {  	v22 =	vimm.s32 $0x0;
	v13 =	vimm.s32 $0x0;
	v14 =	vimm.s32 $0x0;
	s28 =	simm.s32 $0x0;
	s29 =	simm.s32 $0x0;
	[sflag:s31] =	ssyncset.done $0x0  }
0x2d: {  	v15 =	vimm.s32 $0x0;
	v16 =	vimm.s32 $0x0;
	v19 =	vimm.s32 $0x0;
	s26 =	simm.s32 $0x0;
	s4 =	rddreg [dreg:$0x8];
	[sflag:s31] =	ssyncadd.s32 $0xFFFFFC00  }
.LBB2_2:
0x2e: {  	s0 =	sshra.s32 s30, $0x2  }
0x2f: {  	v30 =	vld [tilespmem:s0+$0x0];
	_ =	sdelay $0x4  }
0x30: {  	v28 =	vadd.s32 $0xFFFE7960, v30  }
0x31: {  	vm3 =	vgt.s32 v28, $0xFFFFFFFF;
	v28 =	vadd.s32 $0xFFFE5250, v30  }
0x32: {  	v29 =	vsel vm3, $0x1, v1;
	vm2 =	vgt.s32 v28, $0xFFFFFFFF;
	v28 =	vadd.s32 $0xFFFE4E68, v30  }
0x33: {  	v31 =	vsel vm2, $0x1, v1;
	vm1 =	vgt.s32 v28, $0xFFFFFFFF;
	v28 =	vadd.s32 $0xFFFE3AE0, v30  }
0x34: {  	v32 =	vsel vm1, $0x1, v1;
	vm0 =	vgt.s32 v28, $0xFFFFFFFF;
	v28 =	vadd.s32 v31, v29  }
0x35: {  	v29 =	vsel vm0, $0x1, v1;
	v28 =	vadd.s32 v32, v28  }
0x36: {  	v28 =	vadd.s32 v29, v28  }
0x37: {  	v28 =	vmul.u32 $0x5, v28;
	_ =	sdelay $0x1  }
0x38: {  	v29 =	vshll.u32 v2, v28  }
0x39: {  	v51 =	vperm.xlane v29, v3;
	_ =	sdelay $0x1  }
0x3a: {  	v31 =	vand.u32 v4, v51  }
0x3b: {  	v29 =	vadd.s32 v31, v29  }
0x3c: {  	v31 =	vperm.xlane v29, v5;
	_ =	sdelay $0x1  }
0x3d: {  	v31 =	vand.u32 v6, v31  }
0x3e: {  	v29 =	vadd.s32 v31, v29  }
0x3f: {  	v31 =	vperm.xlane v29, v7;
	_ =	sdelay $0x1  }
0x40: {  	v31 =	vand.u32 v8, v31  }
0x41: {  	v29 =	vadd.s32 v31, v29  }
0x42: {  	v31 =	vperm.xlane v29, v10;
	_ =	sdelay $0x1  }
0x43: {  	v31 =	vand.u32 v11, v31  }
0x44: {  	v29 =	vadd.s32 v31, v29  }
0x45: {  	(v2sf) =	vpush v29, $0xF;
	_ =	sdelay $0xe  }
0x46: {  	s25 =	spop (v2sf)  }
0x47: {  	s31 =	sand.u32 $0x1F, s25;
	s20 =	sshrl.u32 s25, $0x5  }
0x48: {  	s9 =	sshrl.u32 s25, $0xA;
	s0 =	sand.u32 $0x1F, s20;
	v52 =	vmov s31  }
0x49: {  	v28 =	vshra.s32 v29, v28;
	s10 =	sshrl.u32 s25, $0xF;
	s9 =	sand.u32 $0x1F, s9;
	v31 =	vbroadcast v52, $0x0;
	v29 =	vmov s0  }
0x4a: {  	v53 =	vand.u32 $0x1F, v28;
	s10 =	sand.u32 $0x1F, s10;
	v28 =	vmov s9;
	v33 =	vbroadcast v29, $0x0  }
0x4b: {  	v29 =	vbroadcast v28, $0x0;
	v28 =	vmov s10;
	v34 =	vnsel vm3, $0x0, v31  }
0x4c: {  	v28 =	vbroadcast v28, $0x0;
	v35 =	vnsel vm2, $0x0, v33;
	v32 =	vadd.s32 v34, v53  }
0x4d: {  	v54 =	vnsel vm1, $0x0, v29;
	v32 =	vadd.s32 v35, v32  }
0x4e: {  	v55 =	vnsel vm0, $0x0, v28;
	v32 =	vadd.s32 v54, v32  }
0x4f: {  	v32 =	vadd.s32 v55, v32  }
0x50: {  	v32 =	vadd.s32 $0xFFFFFFFF, v32  }
0x51: {  	v38 =	vsel vm3, $0xFFFE7960, v1;
	v56 =	vbroadcast v32, $0x1;
	v57 =	vbroadcast v32, $0x2  }
0x52: {  	v30 =	vadd.s32 v30, v38;
	v58 =	vbroadcast v32, $0x3;
	v59 =	vbroadcast v32, $0x4  }
0x53: {  	v44 =	vsel vm2, $0xFFFFD8F0, v1;
	v60 =	vbroadcast v32, $0x5;
	v61 =	vbroadcast v32, $0x6  }
0x54: {  	v30 =	vadd.s32 v44, v30;
	v63 =	vbroadcast v32, $0x7;
	v41 =	vbroadcast v32, $0x8  }
0x55: {  	v39 =	vadd.s32 v14, v28;
	v43 =	vbroadcast v32, $0x9;
	v46 =	vbroadcast v32, $0xA  }
0x56: {  	v55 =	vsel vm1, $0xFFFFFC18, v1;
	v48 =	vbroadcast v32, $0xB;
	v50 =	vbroadcast v32, $0xC  }
0x57: {  	v30 =	vadd.s32 v55, v30;
	v52 =	vbroadcast v32, $0xD;
	v53 =	vbroadcast v32, $0xE  }
0x58: {  	v32 =	vbroadcast v32, $0xF;
	vm4 =	veq.s32 v56, v0;
	vm10 =	veq.s32 v57, v0  }
0x59: {  	vm11 =	veq.s32 v58, v0;
	vm12 =	veq.s32 v59, v0;
	vm13 =	veq.s32 v60, v0  }
0x5a: {  	vm14 =	veq.s32 v61, v0;
	vm15 =	veq.s32 v63, v0;
	vm5 =	veq.s32 v41, v0  }
0x5b: {  	vm6 =	veq.s32 v43, v0;
	vm7 =	veq.s32 v46, v0;
	vm8 =	veq.s32 v48, v0  }
0x5c: {  	vm9 =	veq.s32 v50, v0;
	v57 =	vsel vm0, $0xFFFFEC78, v1;
	v59 =	vsub.s32 v0, v19  }
0x5d: {  	v60 =	vor.u32 s4, v0;
	v19 =	vadd.s32 v19, v31;
	v46 =	vsub.s32 v0, v16  }
0x5e: {  	v50 =	vsub.s32 v0, v15;
	v36 =	vsel vm4, $0x1, v1;
	v35 =	vsel vm10, $0x2, v1  }
0x5f: {  	v37 =	vsel vm11, $0x3, v1;
	v34 =	vsel vm12, $0x4, v1;
	v62 =	vsel vm13, $0x5, v1  }
0x60: {  	v40 =	vsel vm14, $0x6, v1;
	v42 =	vsel vm15, $0x7, v1;
	v35 =	vor.u32 v36, v35  }
0x61: {  	v45 =	vsel vm5, $0x8, v1;
	v47 =	vsel vm6, $0x9, v1;
	v35 =	vadd.s32 v37, v35  }
0x62: {  	v49 =	vsel vm7, $0xA, v1;
	v51 =	vsel vm8, $0xB, v1;
	v34 =	vadd.s32 v34, v35  }
0x63: {  	vm10 =	veq.s32 v52, v0;
	vm11 =	veq.s32 v53, v0;
	v34 =	vadd.s32 v62, v34  }
0x64: {  	vm12 =	veq.s32 v32, v0;
	v30 =	vadd.s32 v57, v30;
	v34 =	vadd.s32 v40, v34  }
0x65: {  	v61 =	vand.u32 $0xF, v59;
	vm13 =	vlt.s32 v59, v31;
	v34 =	vadd.s32 v42, v34  }
0x66: {  	vm14 =	vgt.s32 v59, $0xFFFFFFFF;
	vm15 =	vgt.u32 v19, v12;
	v34 =	vadd.s32 v45, v34  }
0x67: {  	v43 =	vshrl.u32 v19, $0x4;
	(v2sf) =	vpush v19, $0x0;
	v34 =	vadd.s32 v47, v34  }
0x68: {  	v19 =	vand.u32 $0xF, v19;
	vm4 =	vlt.s32 v46, v33;
	v34 =	vadd.s32 v49, v34  }
0x69: {  	vm5 =	vgt.s32 v46, $0xFFFFFFFF;
	v36 =	vsel vm9, $0xC, v1;
	v34 =	vadd.s32 v51, v34  }
0x6a: {  	vm7 =	vlt.s32 v50, v29;
	v54 =	vsel vm10, $0xD, v1;
	v34 =	vadd.s32 v36, v34  }
0x6b: {  	vm8 =	vgt.s32 v50, $0xFFFFFFFF;
	v35 =	vsel vm11, $0xE, v1;
	v34 =	vadd.s32 v54, v34  }
0x6c: {  	v57 =	vshrl.u32 v39, $0x4;
	v56 =	vsel vm12, $0xF, v1;
	v34 =	vadd.s32 v35, v34  }
0x6d: {  	v59 =	vsub.s32 v0, v13;
	vm0 =	vmand vm14, vm13;
	v34 =	vadd.s32 v56, v34  }
0x6e: {  	vm12 =	vgt.u32 v39, v12;
	vm14 =	vgt.s32 v59, $0xFFFFFFFF;
	v58 =	vand.u32 $0xF, v34  }
0x6f: {  	v45 =	vadd.s32 v16, v33;
	v16 =	vsub.s32 v31, v16;
	v30 =	vperm.xlane v30, v58  }
0x70: {  	v47 =	vadd.s32 v46, v31;
	v16 =	vadd.s32 v0, v16;
	v32 =	vperm.xlane v60, v58  }
0x71: {  	vm6 =	vgt.u32 v45, v12;
	v48 =	vand.u32 $0xF, v47;
	v62 =	vperm.xlane v30, v61  }
0x72: {  	v16 =	vand.u32 $0xF, v16;
	v42 =	vperm.xlane v32, v61;
	v33 =	vperm.xlane v30, v48  }
0x73: {  	(v2sf) =	vpush v45, $0x0;
	v31 =	vperm.xlane v32, v48;
	v49 =	vperm.xlane v30, v16  }
0x74: {  	v16 =	vperm.xlane v32, v16;
	v63 =	vsel vm0, v62, v22;
	v22 =	vnsel vm15, $0x0, v62  }
0x75: {  	v44 =	vsel vm0, v42, v27;
	v27 =	vnsel vm15, $0x0, v42;
	vm0 =	vmand vm5, vm4  }
0x76: {  	v16 =	vnsel vm6, $0x0, v16;
	v22 =	vsub.s32 v22, v63;
	v27 =	vsub.s32 v27, v44  }
0x77: {  	v33 =	vsel vm0, v33, v25;
	v31 =	vsel vm0, v31, v24;
	v24 =	vnsel vm6, $0x0, v49  }
0x78: {  	v25 =	vshrl.u32 v45, $0x4;
	vm0 =	vmand vm8, vm7;
	v24 =	vsub.s32 v24, v33  }
0x79: {  	s0 =	sadd.s32 s31, s0;
	v22 =	vmul.u32 v43, v22;
	v16 =	vsub.s32 v16, v31;
	v24 =	vmul.u32 v25, v24  }
0x7a: {  	v51 =	vmul.u32 v25, v16;
	v16 =	vadd.s32 s0, v50;
	v25 =	vsub.s32 s0, v15  }
0x7b: {  	v15 =	vadd.s32 v15, v29;
	v16 =	vand.u32 $0xF, v16;
	v25 =	vadd.s32 v0, v25  }
0x7c: {  	v29 =	vperm.xlane v30, v16;
	v25 =	vand.u32 $0xF, v25;
	v16 =	vperm.xlane v32, v16  }
0x7d: {  	v27 =	vmul.u32 v43, v27;
	v52 =	vperm.xlane v30, v25;
	v25 =	vperm.xlane v32, v25  }
0x7e: {  	s25 =	sshrl.u32 s25, $0x14;
	vm9 =	vgt.u32 v15, v12;
	v26 =	vsel vm0, v16, v26;
	v16 =	vsub.s32 v0, v14  }
0x7f: {  	s25 =	sand.u32 $0x1F, s25;
	s0 =	sadd.s32 s9, s0;
	v22 =	vadd.s32 v63, v22;
	v53 =	vnsel vm9, $0x0, v25;
	vm10 =	vlt.s32 v16, v28  }
0x80: {  	v25 =	vadd.s32 s0, v16;
	vm11 =	vgt.s32 v16, $0xFFFFFFFF;
	v16 =	vmov s25  }
0x81: {  	(v2sf) =	vpush v15, $0x0;
	v27 =	vadd.s32 v44, v27;
	v40 =	vbroadcast v16, $0x0  }
0x82: {  	(v2sf) =	vpush v39, $0x0;
	v29 =	vsel vm0, v29, v21;
	v14 =	vsub.s32 s0, v14  }
0x83: {  	v21 =	vnsel vm9, $0x0, v52;
	v14 =	vadd.s32 v0, v14;
	v54 =	vadd.s32 v13, v40  }
0x84: {  	v25 =	vand.u32 $0xF, v25;
	vm0 =	vmand vm11, vm10;
	(v2sf) =	vpush v54, $0x0  }
0x85: {  	s0 =	sadd.s32 s10, s0;
	v16 =	vand.u32 $0xF, v45;
	v21 =	vsub.s32 v21, v29;
	v14 =	vand.u32 $0xF, v14  }
0x86: {  	v36 =	vsub.s32 v53, v26;
	v60 =	vadd.s32 s0, v59;
	v28 =	vperm.xlane v30, v25  }
0x87: {  	v55 =	vperm.xlane v30, v14;
	v14 =	vperm.xlane v32, v14;
	v61 =	vand.u32 $0xF, v60  }
0x88: {  	vm13 =	vlt.s32 v59, v40;
	v13 =	vsub.s32 s0, v13;
	v62 =	vperm.xlane v30, v61  }
0x89: {  	[tilespmem:s29+$0x400] =	vst v63;
	v23 =	vsel vm0, v28, v23;
	v28 =	vperm.xlane v32, v25;
	v25 =	vadd.s32 v33, v24  }
0x8a: {  	[tilespmem:s29+$0x1A80] =	vst v44;
	v24 =	vadd.s32 v31, v51;
	v56 =	vnsel vm12, $0x0, v55;
	v14 =	vnsel vm12, $0x0, v14  }
0x8b: {  	[tilespmem:s28+$0x880] =	vst v33;
	v13 =	vadd.s32 v0, v13;
	v33 =	vperm.xlane v32, v61;
	vm15 =	vgt.u32 v54, v12  }
0x8c: {  	v13 =	vand.u32 $0xF, v13;
	v20 =	vsel vm0, v28, v20;
	v28 =	vshrl.u32 v15, $0x4  }
0x8d: {  	v15 =	vand.u32 $0xF, v15;
	vm0 =	vmand vm14, vm13;
	v21 =	vmul.u32 v28, v21  }
0x8e: {  	[tilespmem:s28+$0x1F00] =	vst v31;
	v28 =	vmul.u32 v28, v36;
	v36 =	vsub.s32 v56, v23;
	v14 =	vsub.s32 v14, v20  }
0x8f: {  	s31 =	spop (v2sf);
	[tilespmem:s26+$0xD00] =	vst v29;
	v21 =	vadd.s32 v29, v21;
	v29 =	vperm.xlane v30, v13;
	v13 =	vperm.xlane v32, v13  }
0x90: {  	p0 =	sne.s32 s30, $0xFC0;
	s30 =	sadd.s32 $0x40, s30;
	s1 =	spop (v2sf);
	v18 =	vsel vm0, v62, v18;
	v17 =	vsel vm0, v33, v17;
	v58 =	vmul.u32 v57, v36  }
.Ltmp2:
0x91: {  	s4 =	sadd.s32 $0x10, s4;
	[tilespmem:s26+$0x2380] =	vst v26;
	v63 =	vmul.u32 v57, v14;
	s2 =	spop (v2sf);
	v14 =	vnsel vm15, $0x0, v29;
	v13 =	vnsel vm15, $0x0, v13;
	(pc) =	sbr.rel @p0 .LBB2_2-.Ltmp2, $4  }
0x92: {  	s9 =	sand.u32 $0x30, s1;
	s0 =	sand.u32 $0x30, s31;
	[tilespmem:s24+$0x1180] =	vst v23;
	v29 =	vshrl.u32 v54, $0x4;
	s5 =	spop (v2sf);
	v14 =	vsub.s32 v14, v18;
	v13 =	vsub.s32 v13, v17  }
0x93: {  	s28 =	sadd.s32 s28, s9;
	s29 =	sadd.s32 s29, s0;
	[tilespmem:s24+$0x2800] =	vst v20;
	v26 =	vadd.s32 v26, v28;
	v28 =	vmul.u32 v29, v14;
	v29 =	vmul.u32 v29, v13;
	s25 =	spop (v2sf)  }
0x94: {  	[tilespmem:s23+$0x1600] =	vst v18;
	v23 =	vadd.s32 v23, v58;
	v20 =	vadd.s32 v20, v63;
	s11 =	sand.u32 $0x30, s2;
	s20 =	sand.u32 $0x30, s5;
	v14 =	vand.u32 $0xF, v39;
	s31 =	sand.u32 $0x30, s25  }
0x95: {  	[tilespmem:s23+$0x2C80] =	vst v17;
	s26 =	sadd.s32 s26, s11;
	v13 =	vand.u32 $0xF, v54;
	s24 =	sadd.s32 s24, s20;
	v18 =	vadd.s32 v18, v28;
	v17 =	vadd.s32 v17, v29;
	s23 =	sadd.s32 s23, s31  }
0x96: {  	s0 =	sadd.s32 $0xFFFFFFF0, s29  }
0x97: {  	p0 =	sgt.s32 s0, $0x0  }
0x98: {  	s0 =	simm.s32 @!p0 $0x0  }
0x99: {  	v28 =	vld [tilespmem:s0+$0x400]  }
0x9a: {  	v29 =	vld [tilespmem:s0+$0x1A80];
	_ =	sdelay $0x3  }
0x9b: {  	v30 =	vperm.xlane v22, v1;
	v28 =	vperm.xlane v28, v1  }
0x9c: {  	vm0 =	veq.s32 v19, $0x0;
	v31 =	vperm.xlane v27, v1;
	v29 =	vperm.xlane v29, v1  }
0x9d: {  	v28 =	vsel vm0, v28, v30  }
0x9e: {  	vm1 =	vgt.u32 v19, v0;
	v29 =	vsel vm0, v29, v31;
	[tilespmem:s29+$0x410] =	vst v28  }
0x9f: {  	s0 =	sadd.s32 $0xFFFFFFF0, s28;
	v48 =	vsel vm1, v22, v28;
	[tilespmem:s29+$0x1A90] =	vst v29  }
0xa0: {  	p0 =	sgt.s32 s0, $0x0;
	v49 =	vsel vm1, v27, v29;
	[tilespmem:s29+$0x400] =	vst v48  }
0xa1: {  	s0 =	simm.s32 @!p0 $0x0;
	[tilespmem:s29+$0x1A80] =	vst v49  }
0xa2: {  	v22 =	vld [tilespmem:s0+$0x880]  }
0xa3: {  	v50 =	vld [tilespmem:s0+$0x1F00];
	_ =	sdelay $0x3  }
0xa4: {  	v51 =	vperm.xlane v25, v1;
	v22 =	vperm.xlane v22, v1  }
0xa5: {  	vm8 =	veq.s32 v16, $0x0;
	v52 =	vperm.xlane v24, v1;
	v27 =	vperm.xlane v50, v1  }
0xa6: {  	v22 =	vsel vm8, v22, v51  }
0xa7: {  	vm9 =	vgt.u32 v16, v0;
	v27 =	vsel vm8, v27, v52;
	[tilespmem:s28+$0x890] =	vst v22  }
0xa8: {  	s0 =	sadd.s32 $0xFFFFFFF0, s26;
	v53 =	vsel vm9, v25, v22;
	[tilespmem:s28+$0x1F10] =	vst v27  }
0xa9: {  	p0 =	sgt.s32 s0, $0x0;
	v54 =	vsel vm9, v24, v27;
	[tilespmem:s28+$0x880] =	vst v53  }
0xaa: {  	s0 =	simm.s32 @!p0 $0x0;
	[tilespmem:s28+$0x1F00] =	vst v54  }
0xab: {  	v22 =	vld [tilespmem:s0+$0xD00]  }
0xac: {  	v24 =	vld [tilespmem:s0+$0x2380];
	_ =	sdelay $0x3  }
0xad: {  	v55 =	vperm.xlane v21, v1;
	v22 =	vperm.xlane v22, v1  }
0xae: {  	vm10 =	veq.s32 v15, $0x0;
	v56 =	vperm.xlane v26, v1;
	v24 =	vperm.xlane v24, v1  }
0xaf: {  	v22 =	vsel vm10, v22, v55  }
0xb0: {  	vm11 =	vgt.u32 v15, v0;
	v24 =	vsel vm10, v24, v56;
	[tilespmem:s26+$0xD10] =	vst v22  }
0xb1: {  	(v2sf) =	vpush v19, $0x0;
	s0 =	sadd.s32 $0xFFFFFFF0, s24;
	v57 =	vsel vm11, v21, v22;
	[tilespmem:s26+$0x2390] =	vst v24  }
0xb2: {  	p0 =	sgt.s32 s0, $0x0;
	v58 =	vsel vm11, v26, v24;
	[tilespmem:s26+$0xD00] =	vst v57  }
0xb3: {  	s0 =	simm.s32 @!p0 $0x0;
	[tilespmem:s26+$0x2380] =	vst v58  }
0xb4: {  	v21 =	vld [tilespmem:s0+$0x1180]  }
0xb5: {  	v19 =	vld [tilespmem:s0+$0x2800];
	_ =	sdelay $0x3  }
0xb6: {  	v59 =	vperm.xlane v23, v1;
	v21 =	vperm.xlane v21, v1  }
0xb7: {  	vm12 =	veq.s32 v14, $0x0;
	v60 =	vperm.xlane v20, v1;
	v19 =	vperm.xlane v19, v1  }
0xb8: {  	v21 =	vsel vm12, v21, v59  }
0xb9: {  	vm13 =	vgt.u32 v14, v0;
	v19 =	vsel vm12, v19, v60;
	[tilespmem:s24+$0x1190] =	vst v21  }
0xba: {  	s0 =	sadd.s32 $0xFFFFFFF0, s23;
	v22 =	vsel vm13, v23, v21;
	[tilespmem:s24+$0x2810] =	vst v19  }
0xbb: {  	p0 =	sgt.s32 s0, $0x0;
	v61 =	vsel vm13, v20, v19;
	[tilespmem:s24+$0x1180] =	vst v22  }
0xbc: {  	s0 =	simm.s32 @!p0 $0x0;
	[tilespmem:s24+$0x2800] =	vst v61  }
0xbd: {  	s30 =	spop (v2sf);
	v19 =	vld [tilespmem:s0+$0x1600]  }
0xbe: {  	v20 =	vld [tilespmem:s0+$0x2C80];
	s0 =	sor.u32 s29, s30  }
0xbf: {  	s0 =	sadd.s32 $0xF, s0  }
0xc0: {  	s4 =	sand.u32 $0xF, s0  }
0xc1: {  	s31 =	sshra.s32 s0, $0x1F;
	p1 =	slt.s32 s0, $0x1;
	p6 =	sne.s32 s4, $0x0  }
0xc2: {  	s4 =	sshrl.u32 s31, $0x1C;
	p0 =	por !p1, !p6  }
0xc3: {  	s0 =	sadd.s32 s4, s0;
	s4 =	simm.s32 $0x1;
	p0 =	por !p0, !p0  }
0xc4: {  	s0 =	sshra.s32 s0, $0x4;
	s4 =	simm.s32 @!p0 $0x0  }
0xc5: {  	v62 =	vperm.xlane v18, v1;
	v19 =	vperm.xlane v19, v1;
	s0 =	ssub.s32 s0, s4  }
0xc6: {  	vm14 =	veq.s32 v13, $0x0;
	v63 =	vperm.xlane v17, v1;
	v20 =	vperm.xlane v20, v1;
	p0 =	slt.s32 s0, $0x1  }
.Ltmp3:
0xc7: {  	v19 =	vsel vm14, v19, v62;
	(pc) =	sbr.rel @p0 .LBB2_8-.Ltmp3, $4  }
0xc8: {  	vm15 =	vgt.u32 v13, v0;
	v20 =	vsel vm14, v20, v63;
	[tilespmem:s23+$0x1610] =	vst v19  }
0xc9: {  	v18 =	vsel vm15, v18, v19;
	[tilespmem:s23+$0x2C90] =	vst v20  }
0xca: {  	v17 =	vsel vm15, v17, v20;
	[tilespmem:s23+$0x1600] =	vst v18  }
0xcb: {  	s10 =	rddreg [dreg:$0x1];
	s11 =	simm.s32 $0x4900;
	[tilespmem:s23+$0x2C80] =	vst v17  }
0xcc: {  	v17 =	vld [tilespmem:$0x400];
	_ =	sdelay $0x4  }
0xcd: {  	v18 =	vshll.u32 v17, $0x3  }
0xce: {  	v17 =	vand.u32 $0x7, v17;
	v18 =	vand.u32 $0xFFFFFFC0, v18  }
0xcf: {  	v20 =	vor.u32 v17, v18;
	v17 =	vand.u32 $0x7, v0  }
0xd0: {  	v18 =	vmul.u32 $0x8, v9;
	v19 =	vperm.xlane v20, v17;
	_ =	sdelay $0x1  }
0xd1: {  	v21 =	vadd.s32 v18, v19;
	_ =	sdelay $0x3  }
0xd2: {  	vm0 =	vmmov $0xffff;
	s1 =	simm.s32 $0x3100  }
0xd3: {  	v22 =	vld [tilespmem:$0x1A80];
	v19 =	vor.u32 $0x8, v0;
	[tilespmem:s1], [sflag:$0x1] =	stream.indirect_vreg.gather [hbm4b:s10+s8], $0x80, v21, vm0, $0xb8  }
0xd4: {  	s4 =	simm.s32 $0x3900;
	s2 =	rddreg [dreg:$0xa];
	v20 =	vperm.xlane v20, v19  }
0xd5: {  	[tilespmem:s4], [sflag:$0x1] =	stream.indirect_vreg.gather [hbm4b:s2+s8], $0x80, v21, vm0, $0xb8;
	[tilespmem:$0xB100] =	vst v63  }
0xd6: {  	s20 =	rddreg [dreg:$0xb];
	v20 =	vadd.s32 v18, v20  }
0xd7: {  	[tilespmem:s6], [sflag:$0x1] =	stream.indirect_vreg.gather [hbm4b:s20+s8], $0x80, v21, vm0, $0xb8;
	[tilespmem:$0xB100] =	vst v63  }
0xd8: {  	s6 =	rddreg [dreg:$0xc]  }
0xd9: {  	[tilespmem:s11], [sflag:$0x1] =	stream.indirect_vreg.gather [hbm4b:s6+s8], $0x80, v21, vm0, $0xb8;
	[tilespmem:$0xB100] =	vst v63  }
0xda: {  	_ = 	snop  }
0xdb: {  	v61 =	vshll.u32 v22, $0x3;
	[tilespmem:s12], [sflag:$0x1] =	stream.indirect_vreg.gather [hbm4b:s10+s8], $0x80, v20, vm0, $0xb8;
	[tilespmem:$0xB100] =	vst v63  }
0xdc: {  	v22 =	vand.u32 $0x7, v22;
	v21 =	vand.u32 $0xFFFFFFC0, v61  }
0xdd: {  	v21 =	vor.u32 v22, v21;
	[tilespmem:s13], [sflag:$0x1] =	stream.indirect_vreg.gather [hbm4b:s2+s8], $0x80, v20, vm0, $0xb8;
	[tilespmem:$0xB100] =	vst v63  }
0xde: {  	v22 =	vperm.xlane v21, v17  }
0xdf: {  	[tilespmem:s17], [sflag:$0x1] =	stream.indirect_vreg.gather [hbm4b:s20+s8], $0x80, v20, vm0, $0xb8;
	[tilespmem:$0xB100] =	vst v63  }
0xe0: {  	v22 =	vadd.s32 v18, v22  }
0xe1: {  	[tilespmem:s18], [sflag:$0x1] =	stream.indirect_vreg.gather [hbm4b:s6+s8], $0x80, v20, vm0, $0xb8;
	[tilespmem:$0xB100] =	vst v63  }
0xe2: {  	_ =	swait.ge [sflag:s3], $0x4000  }
0xe3: {  	[sflag:s3] =	ssyncset.done $0x0  }
0xe4: {  	[sflag:s3] =	ssyncadd.s32 $0xFFFFC000  }
0xe5: {  	[hbm4b:s7+s8] =	stream.indirect_vreg.scatter [tilespmem:s1], [sflag:$0x3], $0x80, v22, vm0, $0xb8;
	[tilespmem:$0xB100] =	vst v63  }
0xe6: {  	v20 =	vperm.xlane v21, v19  }
0xe7: {  	[hbm4b:s14+s8] =	stream.indirect_vreg.scatter [tilespmem:s4], [sflag:$0x3], $0x80, v22, vm0, $0xb8;
	[tilespmem:$0xB100] =	vst v63  }
0xe8: {  	s5 =	simm.s32 $0x4100;
	v20 =	vadd.s32 v18, v20  }
0xe9: {  	[hbm4b:s15+s8] =	stream.indirect_vreg.scatter [tilespmem:s5], [sflag:$0x3], $0x80, v22, vm0, $0xb8;
	[tilespmem:$0xB100] =	vst v63  }
0xea: {  	_ = 	snop  }
0xeb: {  	[hbm4b:s16+s8] =	stream.indirect_vreg.scatter [tilespmem:s11], [sflag:$0x3], $0x80, v22, vm0, $0xb8;
	[tilespmem:$0xB100] =	vst v63  }
0xec: {  	_ = 	snop  }
0xed: {  	[hbm4b:s7+s8] =	stream.indirect_vreg.scatter [tilespmem:s12], [sflag:$0x3], $0x80, v20, vm0, $0xb8;
	[tilespmem:$0xB100] =	vst v63  }
0xee: {  	_ = 	snop  }
0xef: {  	[hbm4b:s14+s8] =	stream.indirect_vreg.scatter [tilespmem:s13], [sflag:$0x3], $0x80, v20, vm0, $0xb8;
	[tilespmem:$0xB100] =	vst v63  }
0xf0: {  	_ = 	snop  }
0xf1: {  	[hbm4b:s15+s8] =	stream.indirect_vreg.scatter [tilespmem:s17], [sflag:$0x3], $0x80, v20, vm0, $0xb8;
	[tilespmem:$0xB100] =	vst v63  }
0xf2: {  	_ = 	snop  }
0xf3: {  	[hbm4b:s16+s8] =	stream.indirect_vreg.scatter [tilespmem:s18], [sflag:$0x3], $0x80, v20, vm0, $0xb8;
	[tilespmem:$0xB100] =	vst v63  }
0xf4: {  	v20 =	vld [tilespmem:$0x410];
	_ =	sdelay $0x4  }
0xf5: {  	v62 =	vshll.u32 v20, $0x3  }
0xf6: {  	v20 =	vand.u32 $0x7, v20;
	v21 =	vand.u32 $0xFFFFFFC0, v62  }
0xf7: {  	v20 =	vor.u32 v20, v21  }
0xf8: {  	v21 =	vperm.xlane v20, v17;
	_ =	sdelay $0x1  }
0xf9: {  	v21 =	vadd.s32 v18, v21;
	_ =	sdelay $0x4  }
0xfa: {  	v22 =	vld [tilespmem:$0x1A90];
	[tilespmem:s19], [sflag:$0x2] =	stream.indirect_vreg.gather [hbm4b:s10+s8], $0x80, v21, vm0, $0xb8  }
0xfb: {  	s13 =	simm.s32 $0x7900;
	v20 =	vperm.xlane v20, v19  }
0xfc: {  	[tilespmem:s13], [sflag:$0x2] =	stream.indirect_vreg.gather [hbm4b:s2+s8], $0x80, v21, vm0, $0xb8;
	[tilespmem:$0xB100] =	vst v63  }
0xfd: {  	s17 =	simm.s32 $0x8100;
	v20 =	vadd.s32 v18, v20  }
0xfe: {  	[tilespmem:s17], [sflag:$0x2] =	stream.indirect_vreg.gather [hbm4b:s20+s8], $0x80, v21, vm0, $0xb8;
	[tilespmem:$0xB100] =	vst v63  }
0xff: {  	s19 =	simm.s32 $0x8900  }
0x100: {  	[tilespmem:s19], [sflag:$0x2] =	stream.indirect_vreg.gather [hbm4b:s6+s8], $0x80, v21, vm0, $0xb8;
	[tilespmem:$0xB100] =	vst v63  }
0x101: {  	s25 =	simm.s32 $0x9100  }
0x102: {  	v63 =	vshll.u32 v22, $0x3;
	[tilespmem:s25], [sflag:$0x2] =	stream.indirect_vreg.gather [hbm4b:s10+s8], $0x80, v20, vm0, $0xb8;
	[tilespmem:$0xB100] =	vst v63  }
0x103: {  	s31 =	simm.s32 $0x9900;
	v22 =	vand.u32 $0x7, v22;
	v21 =	vand.u32 $0xFFFFFFC0, v63  }
0x104: {  	v21 =	vor.u32 v22, v21;
	[tilespmem:s31], [sflag:$0x2] =	stream.indirect_vreg.gather [hbm4b:s2+s8], $0x80, v20, vm0, $0xb8;
	[tilespmem:$0xB100] =	vst v63  }
0x105: {  	s1 =	simm.s32 $0xA100;
	v22 =	vperm.xlane v21, v17  }
0x106: {  	[tilespmem:s1], [sflag:$0x2] =	stream.indirect_vreg.gather [hbm4b:s20+s8], $0x80, v20, vm0, $0xb8;
	[tilespmem:$0xB100] =	vst v63  }
0x107: {  	s18 =	simm.s32 $0xA900;
	v22 =	vadd.s32 v18, v22  }
0x108: {  	[tilespmem:s18], [sflag:$0x2] =	stream.indirect_vreg.gather [hbm4b:s6+s8], $0x80, v20, vm0, $0xb8;
	[tilespmem:$0xB100] =	vst v63  }
0x109: {  	s29 =	sadd.s32 $0x1, s0;
	_ =	swait.ge [sflag:s21], $0x4000  }
0x10a: {  	p0 =	slt.s32 s0, $0x0;
	s9 =	sand.u32 $0x1, s29;
	[sflag:s21] =	ssyncset.done $0x0  }
0x10b: {  	p1 =	seq.s32 s9, $0x1;
	s12 =	simm.s32 $0x7100;
	[sflag:s21] =	ssyncadd.s32 $0xFFFFC000  }
0x10c: {  	[hbm4b:s7+s8] =	stream.indirect_vreg.scatter [tilespmem:s12], [sflag:$0x4], $0x80, v22, vm0, $0xb8;
	[tilespmem:$0xB100] =	vst v63  }
0x10d: {  	s30 =	sshrl.u32 s29, $0x1F;
	p0 =	por !p0, !p1;
	v20 =	vperm.xlane v21, v19  }
0x10e: {  	[hbm4b:s14+s8] =	stream.indirect_vreg.scatter [tilespmem:s13], [sflag:$0x4], $0x80, v22, vm0, $0xb8;
	[tilespmem:$0xB100] =	vst v63  }
0x10f: {  	s0 =	sadd.s32 s30, s29;
	p0 =	por !p0, !p0;
	s4 =	simm.s32 $0x1;
	v20 =	vadd.s32 v18, v20  }
0x110: {  	[hbm4b:s15+s8] =	stream.indirect_vreg.scatter [tilespmem:s17], [sflag:$0x4], $0x80, v22, vm0, $0xb8;
	[tilespmem:$0xB100] =	vst v63  }
0x111: {  	s0 =	sshra.s32 s0, $0x1;
	s4 =	simm.s32 @!p0 $0x0  }
0x112: {  	[hbm4b:s16+s8] =	stream.indirect_vreg.scatter [tilespmem:s19], [sflag:$0x4], $0x80, v22, vm0, $0xb8;
	[tilespmem:$0xB100] =	vst v63  }
0x113: {  	s4 =	ssub.s32 s0, s4  }
0x114: {  	[hbm4b:s7+s8] =	stream.indirect_vreg.scatter [tilespmem:s25], [sflag:$0x4], $0x80, v20, vm0, $0xb8;
	[tilespmem:$0xB100] =	vst v63  }
0x115: {  	p1 =	slt.s32 s4, $0x2  }
0x116: {  	[hbm4b:s14+s8] =	stream.indirect_vreg.scatter [tilespmem:s31], [sflag:$0x4], $0x80, v20, vm0, $0xb8;
	[tilespmem:$0xB100] =	vst v63  }
.Ltmp4:
0x117: {  	_ = 	snop;
	(pc) =	sbr.rel @p1 .LBB2_7-.Ltmp4, $4  }
0x118: {  	_ = 	snop  }
0x119: {  	[hbm4b:s15+s8] =	stream.indirect_vreg.scatter [tilespmem:s1], [sflag:$0x4], $0x80, v20, vm0, $0xb8;
	[tilespmem:$0xB100] =	vst v63  }
0x11a: {  	s5 =	simm.s32 $0x4;
	s12 =	simm.s32 $0x1  }
0x11b: {  	[hbm4b:s16+s8] =	stream.indirect_vreg.scatter [tilespmem:s18], [sflag:$0x4], $0x80, v20, vm0, $0xb8;
	[tilespmem:$0xB100] =	vst v63  }
0x11c: {  	s4 =	simm.s32 $0xFFFFFFFF  }
0x11d: {  	s4 =	simm.s32 @!p0 $0x0  }
0x11e: {  	s0 =	sadd.s32 s4, s0  }
0x11f: {  	s9 =	simm.s32 $0x430;
	s4 =	simm.s32 $0x1AB0;
	s0 =	sadd.s32 $0xFFFFFFFF, s0  }
.LBB2_6:
0x120: {  	_ =	swait.ge [sflag:s22], $0x4000  }
0x121: {  	[sflag:s22] =	ssyncset.done $0x0  }
0x122: {  	[sflag:s22] =	ssyncadd.s32 $0xFFFFC000  }
0x123: {  	v20 =	vld [tilespmem:s9+$0xFFFFFFF0];
	_ =	sdelay $0x4  }
0x124: {  	v21 =	vshll.u32 v20, $0x3  }
0x125: {  	v20 =	vand.u32 $0x7, v20;
	v21 =	vand.u32 $0xFFFFFFC0, v21  }
0x126: {  	v20 =	vor.u32 v20, v21  }
0x127: {  	v21 =	vperm.xlane v20, v17;
	_ =	sdelay $0x1  }
0x128: {  	v21 =	vadd.s32 v18, v21;
	_ =	sdelay $0x3  }
0x129: {  	s17 =	simm.s32 $0x3100  }
0x12a: {  	v22 =	vld [tilespmem:s4+$0xFFFFFFF0];
	[tilespmem:s17], [sflag:$0x1] =	stream.indirect_vreg.gather [hbm4b:s10+s8], $0x80, v21, vm0, $0xb8  }
0x12b: {  	s19 =	simm.s32 $0x3900;
	v20 =	vperm.xlane v20, v19  }
0x12c: {  	[tilespmem:s19], [sflag:$0x1] =	stream.indirect_vreg.gather [hbm4b:s2+s8], $0x80, v21, vm0, $0xb8;
	[tilespmem:$0xB100] =	vst v63  }
0x12d: {  	s13 =	simm.s32 $0x4100;
	v20 =	vadd.s32 v18, v20  }
0x12e: {  	[tilespmem:s13], [sflag:$0x1] =	stream.indirect_vreg.gather [hbm4b:s20+s8], $0x80, v21, vm0, $0xb8;
	[tilespmem:$0xB100] =	vst v63  }
0x12f: {  	_ = 	snop  }
0x130: {  	[tilespmem:s11], [sflag:$0x1] =	stream.indirect_vreg.gather [hbm4b:s6+s8], $0x80, v21, vm0, $0xb8;
	[tilespmem:$0xB100] =	vst v63  }
0x131: {  	s30 =	simm.s32 $0x5100  }
0x132: {  	v60 =	vshll.u32 v22, $0x3;
	[tilespmem:s30], [sflag:$0x1] =	stream.indirect_vreg.gather [hbm4b:s10+s8], $0x80, v20, vm0, $0xb8;
	[tilespmem:$0xB100] =	vst v63  }
0x133: {  	s29 =	simm.s32 $0x5900;
	v22 =	vand.u32 $0x7, v22;
	v21 =	vand.u32 $0xFFFFFFC0, v60  }
0x134: {  	v21 =	vor.u32 v22, v21;
	[tilespmem:s29], [sflag:$0x1] =	stream.indirect_vreg.gather [hbm4b:s2+s8], $0x80, v20, vm0, $0xb8;
	[tilespmem:$0xB100] =	vst v63  }
0x135: {  	s25 =	simm.s32 $0x6100;
	v22 =	vperm.xlane v21, v17  }
0x136: {  	[tilespmem:s25], [sflag:$0x1] =	stream.indirect_vreg.gather [hbm4b:s20+s8], $0x80, v20, vm0, $0xb8;
	[tilespmem:$0xB100] =	vst v63  }
0x137: {  	s3 =	simm.s32 $0x6900;
	v22 =	vadd.s32 v18, v22  }
0x138: {  	[tilespmem:s3], [sflag:$0x1] =	stream.indirect_vreg.gather [hbm4b:s6+s8], $0x80, v20, vm0, $0xb8;
	[tilespmem:$0xB100] =	vst v63  }
0x139: {  	_ =	swait.ge [sflag:s12], $0x4000  }
0x13a: {  	[sflag:s12] =	ssyncset.done $0x0  }
0x13b: {  	[sflag:s12] =	ssyncadd.s32 $0xFFFFC000  }
0x13c: {  	[hbm4b:s7+s8] =	stream.indirect_vreg.scatter [tilespmem:s17], [sflag:$0x3], $0x80, v22, vm0, $0xb8;
	[tilespmem:$0xB100] =	vst v63  }
0x13d: {  	v20 =	vperm.xlane v21, v19  }
0x13e: {  	[hbm4b:s14+s8] =	stream.indirect_vreg.scatter [tilespmem:s19], [sflag:$0x3], $0x80, v22, vm0, $0xb8;
	[tilespmem:$0xB100] =	vst v63  }
0x13f: {  	v20 =	vadd.s32 v18, v20  }
0x140: {  	[hbm4b:s15+s8] =	stream.indirect_vreg.scatter [tilespmem:s13], [sflag:$0x3], $0x80, v22, vm0, $0xb8;
	[tilespmem:$0xB100] =	vst v63  }
0x141: {  	_ = 	snop  }
0x142: {  	[hbm4b:s16+s8] =	stream.indirect_vreg.scatter [tilespmem:s11], [sflag:$0x3], $0x80, v22, vm0, $0xb8;
	[tilespmem:$0xB100] =	vst v63  }
0x143: {  	s25 =	simm.s32 $0x5100  }
0x144: {  	[hbm4b:s7+s8] =	stream.indirect_vreg.scatter [tilespmem:s25], [sflag:$0x3], $0x80, v20, vm0, $0xb8;
	[tilespmem:$0xB100] =	vst v63  }
0x145: {  	s30 =	simm.s32 $0x5900  }
0x146: {  	[hbm4b:s14+s8] =	stream.indirect_vreg.scatter [tilespmem:s30], [sflag:$0x3], $0x80, v20, vm0, $0xb8;
	[tilespmem:$0xB100] =	vst v63  }
0x147: {  	s29 =	simm.s32 $0x6100  }
0x148: {  	[hbm4b:s15+s8] =	stream.indirect_vreg.scatter [tilespmem:s29], [sflag:$0x3], $0x80, v20, vm0, $0xb8;
	[tilespmem:$0xB100] =	vst v63  }
0x149: {  	s3 =	simm.s32 $0x6900  }
0x14a: {  	[hbm4b:s16+s8] =	stream.indirect_vreg.scatter [tilespmem:s3], [sflag:$0x3], $0x80, v20, vm0, $0xb8;
	[tilespmem:$0xB100] =	vst v63  }
0x14b: {  	_ =	swait.ge [sflag:s5], $0x4000  }
0x14c: {  	[sflag:s5] =	ssyncset.done $0x0  }
0x14d: {  	[sflag:s5] =	ssyncadd.s32 $0xFFFFC000  }
0x14e: {  	v20 =	vld [tilespmem:s9+$0x0];
	_ =	sdelay $0x4  }
0x14f: {  	v61 =	vshll.u32 v20, $0x3  }
0x150: {  	v20 =	vand.u32 $0x7, v20;
	v21 =	vand.u32 $0xFFFFFFC0, v61  }
0x151: {  	v20 =	vor.u32 v20, v21  }
0x152: {  	v21 =	vperm.xlane v20, v17;
	_ =	sdelay $0x1  }
0x153: {  	v21 =	vadd.s32 v18, v21;
	_ =	sdelay $0x3  }
0x154: {  	s13 =	simm.s32 $0x7100  }
0x155: {  	v62 =	vld [tilespmem:s4+$0x0];
	[tilespmem:s13], [sflag:$0x2] =	stream.indirect_vreg.gather [hbm4b:s10+s8], $0x80, v21, vm0, $0xb8  }
0x156: {  	s30 =	simm.s32 $0x7900;
	v20 =	vperm.xlane v20, v19  }
0x157: {  	[tilespmem:s30], [sflag:$0x2] =	stream.indirect_vreg.gather [hbm4b:s2+s8], $0x80, v21, vm0, $0xb8;
	[tilespmem:$0xB100] =	vst v63  }
0x158: {  	s29 =	simm.s32 $0x8100;
	v20 =	vadd.s32 v18, v20  }
0x159: {  	[tilespmem:s29], [sflag:$0x2] =	stream.indirect_vreg.gather [hbm4b:s20+s8], $0x80, v21, vm0, $0xb8;
	[tilespmem:$0xB100] =	vst v63  }
0x15a: {  	s19 =	simm.s32 $0x8900  }
0x15b: {  	[tilespmem:s19], [sflag:$0x2] =	stream.indirect_vreg.gather [hbm4b:s6+s8], $0x80, v21, vm0, $0xb8;
	[tilespmem:$0xB100] =	vst v63  }
0x15c: {  	s25 =	simm.s32 $0x9100  }
0x15d: {  	v63 =	vshll.u32 v62, $0x3;
	[tilespmem:s25], [sflag:$0x2] =	stream.indirect_vreg.gather [hbm4b:s10+s8], $0x80, v20, vm0, $0xb8;
	[tilespmem:$0xB100] =	vst v63  }
0x15e: {  	v22 =	vand.u32 $0x7, v62;
	v21 =	vand.u32 $0xFFFFFFC0, v63  }
0x15f: {  	v21 =	vor.u32 v22, v21;
	[tilespmem:s31], [sflag:$0x2] =	stream.indirect_vreg.gather [hbm4b:s2+s8], $0x80, v20, vm0, $0xb8;
	[tilespmem:$0xB100] =	vst v63  }
0x160: {  	v22 =	vperm.xlane v21, v17  }
0x161: {  	[tilespmem:s1], [sflag:$0x2] =	stream.indirect_vreg.gather [hbm4b:s20+s8], $0x80, v20, vm0, $0xb8;
	[tilespmem:$0xB100] =	vst v63  }
0x162: {  	v22 =	vadd.s32 v18, v22  }
0x163: {  	[tilespmem:s18], [sflag:$0x2] =	stream.indirect_vreg.gather [hbm4b:s6+s8], $0x80, v20, vm0, $0xb8;
	[tilespmem:$0xB100] =	vst v63  }
0x164: {  	_ =	swait.ge [sflag:s21], $0x4000  }
0x165: {  	[sflag:s21] =	ssyncset.done $0x0  }
0x166: {  	[sflag:s21] =	ssyncadd.s32 $0xFFFFC000  }
0x167: {  	[hbm4b:s7+s8] =	stream.indirect_vreg.scatter [tilespmem:s13], [sflag:$0x4], $0x80, v22, vm0, $0xb8;
	[tilespmem:$0xB100] =	vst v63  }
0x168: {  	v20 =	vperm.xlane v21, v19  }
0x169: {  	[hbm4b:s14+s8] =	stream.indirect_vreg.scatter [tilespmem:s30], [sflag:$0x4], $0x80, v22, vm0, $0xb8;
	[tilespmem:$0xB100] =	vst v63  }
0x16a: {  	v20 =	vadd.s32 v18, v20  }
0x16b: {  	[hbm4b:s15+s8] =	stream.indirect_vreg.scatter [tilespmem:s29], [sflag:$0x4], $0x80, v22, vm0, $0xb8;
	[tilespmem:$0xB100] =	vst v63  }
0x16c: {  	_ = 	snop  }
0x16d: {  	[hbm4b:s16+s8] =	stream.indirect_vreg.scatter [tilespmem:s19], [sflag:$0x4], $0x80, v22, vm0, $0xb8;
	[tilespmem:$0xB100] =	vst v63  }
0x16e: {  	_ = 	snop  }
0x16f: {  	[hbm4b:s7+s8] =	stream.indirect_vreg.scatter [tilespmem:s25], [sflag:$0x4], $0x80, v20, vm0, $0xb8;
	[tilespmem:$0xB100] =	vst v63  }
0x170: {  	p0 =	sne.s32 s0, $0x1  }
0x171: {  	[hbm4b:s14+s8] =	stream.indirect_vreg.scatter [tilespmem:s31], [sflag:$0x4], $0x80, v20, vm0, $0xb8;
	[tilespmem:$0xB100] =	vst v63  }
.Ltmp5:
0x172: {  	_ = 	snop;
	(pc) =	sbr.rel @p0 .LBB2_6-.Ltmp5, $4  }
0x173: {  	_ = 	snop  }
0x174: {  	[hbm4b:s15+s8] =	stream.indirect_vreg.scatter [tilespmem:s1], [sflag:$0x4], $0x80, v20, vm0, $0xb8;
	[tilespmem:$0xB100] =	vst v63  }
0x175: {  	s0 =	sadd.s32 $0xFFFFFFFF, s0;
	s4 =	sadd.s32 $0x20, s4;
	s9 =	sadd.s32 $0x20, s9  }
0x176: {  	[hbm4b:s16+s8] =	stream.indirect_vreg.scatter [tilespmem:s18], [sflag:$0x4], $0x80, v20, vm0, $0xb8;
	[tilespmem:$0xB100] =	vst v63  }
.LBB2_7:
0x177: {  	_ =	swait.ge [sflag:s22], $0x4000  }
0x178: {  	[sflag:s22] =	ssyncset.done $0x0  }
0x179: {  	[sflag:s22] =	ssyncadd.s32 $0xFFFFC000  }
0x17a: {  	s6 =	simm.s32 $0x4100;
	s12 =	simm.s32 $0x5100;
	_ =	swait.ge [sflag:s5], $0x4000  }
0x17b: {  	s13 =	simm.s32 $0x5900;
	s17 =	simm.s32 $0x6100;
	[sflag:s5] =	ssyncset.done $0x0  }
0x17c: {  	s18 =	simm.s32 $0x6900;
	s3 =	simm.s32 $0x1;
	[sflag:s5] =	ssyncadd.s32 $0xFFFFC000  }
.LBB2_8:
0x17d: {  	(v2sf) =	vpush v16, $0x0;
	_ =	sdelay $0xe  }
0x17e: {  	s0 =	spop (v2sf)  }
0x17f: {  	s0 =	sor.u32 s28, s0  }
0x180: {  	s0 =	sadd.s32 $0xF, s0  }
0x181: {  	s4 =	sand.u32 $0xF, s0  }
0x182: {  	s31 =	sshra.s32 s0, $0x1F;
	p1 =	slt.s32 s0, $0x1;
	p0 =	sne.s32 s4, $0x0  }
0x183: {  	s4 =	sshrl.u32 s31, $0x1C;
	p0 =	por !p1, !p0  }
0x184: {  	s0 =	sadd.s32 s4, s0;
	s4 =	simm.s32 $0x1;
	p0 =	por !p0, !p0  }
0x185: {  	s0 =	sshra.s32 s0, $0x4;
	s4 =	simm.s32 @!p0 $0x0  }
0x186: {  	s0 =	ssub.s32 s0, s4  }
0x187: {  	p0 =	slt.s32 s0, $0x1  }
.Ltmp6:
0x188: {  	_ = 	snop;
	(pc) =	sbr.rel @p0 .LBB2_13-.Ltmp6, $2  }
0x189: {  	_ =	sdelay $0x2  }
0x18a: {  	s10 =	rddreg [dreg:$0x2]  }
0x18b: {  	v16 =	vld [tilespmem:$0x880];
	_ =	sdelay $0x4  }
0x18c: {  	v17 =	vshll.u32 v16, $0x3  }
0x18d: {  	v16 =	vand.u32 $0x7, v16;
	v17 =	vand.u32 $0xFFFFFFC0, v17  }
0x18e: {  	v19 =	vor.u32 v16, v17;
	v16 =	vand.u32 $0x7, v0  }
0x18f: {  	v17 =	vmul.u32 $0x8, v9;
	v18 =	vperm.xlane v19, v16;
	_ =	sdelay $0x1  }
0x190: {  	v20 =	vadd.s32 v17, v18;
	_ =	sdelay $0x3  }
0x191: {  	vm0 =	vmmov $0xffff;
	s2 =	simm.s32 $0x3100  }
0x192: {  	v21 =	vld [tilespmem:$0x1F00];
	v18 =	vor.u32 $0x8, v0;
	[tilespmem:s2], [sflag:$0x1] =	stream.indirect_vreg.gather [hbm4b:s10+s8], $0x80, v20, vm0, $0xb8  }
0x193: {  	s18 =	simm.s32 $0x3900;
	s11 =	rddreg [dreg:$0xd];
	v19 =	vperm.xlane v19, v18  }
0x194: {  	[tilespmem:s18], [sflag:$0x1] =	stream.indirect_vreg.gather [hbm4b:s11+s8], $0x80, v20, vm0, $0xb8;
	[tilespmem:$0xB100] =	vst v63  }
0x195: {  	s25 =	simm.s32 $0x4100;
	s6 =	rddreg [dreg:$0xe];
	v19 =	vadd.s32 v17, v19  }
0x196: {  	[tilespmem:s25], [sflag:$0x1] =	stream.indirect_vreg.gather [hbm4b:s6+s8], $0x80, v20, vm0, $0xb8;
	[tilespmem:$0xB100] =	vst v63  }
0x197: {  	s12 =	simm.s32 $0x4900;
	s1 =	rddreg [dreg:$0xf]  }
0x198: {  	[tilespmem:s12], [sflag:$0x1] =	stream.indirect_vreg.gather [hbm4b:s1+s8], $0x80, v20, vm0, $0xb8;
	[tilespmem:$0xB100] =	vst v63  }
0x199: {  	s13 =	simm.s32 $0x5100  }
0x19a: {  	v20 =	vshll.u32 v21, $0x3;
	[tilespmem:s13], [sflag:$0x1] =	stream.indirect_vreg.gather [hbm4b:s10+s8], $0x80, v19, vm0, $0xb8;
	[tilespmem:$0xB100] =	vst v63  }
0x19b: {  	s9 =	simm.s32 $0x5900;
	v21 =	vand.u32 $0x7, v21;
	v20 =	vand.u32 $0xFFFFFFC0, v20  }
0x19c: {  	v20 =	vor.u32 v21, v20;
	[tilespmem:s9], [sflag:$0x1] =	stream.indirect_vreg.gather [hbm4b:s11+s8], $0x80, v19, vm0, $0xb8;
	[tilespmem:$0xB100] =	vst v63  }
0x19d: {  	s19 =	simm.s32 $0x6100;
	v21 =	vperm.xlane v20, v16  }
0x19e: {  	[tilespmem:s19], [sflag:$0x1] =	stream.indirect_vreg.gather [hbm4b:s6+s8], $0x80, v19, vm0, $0xb8;
	[tilespmem:$0xB100] =	vst v63  }
0x19f: {  	s17 =	simm.s32 $0x6900;
	v21 =	vadd.s32 v17, v21  }
0x1a0: {  	[tilespmem:s17], [sflag:$0x1] =	stream.indirect_vreg.gather [hbm4b:s1+s8], $0x80, v19, vm0, $0xb8;
	[tilespmem:$0xB100] =	vst v63  }
0x1a1: {  	_ =	swait.ge [sflag:s3], $0x4000  }
0x1a2: {  	[sflag:s3] =	ssyncset.done $0x0  }
0x1a3: {  	[sflag:s3] =	ssyncadd.s32 $0xFFFFC000  }
0x1a4: {  	[hbm4b:s7+s8] =	stream.indirect_vreg.scatter [tilespmem:s2], [sflag:$0x3], $0x80, v21, vm0, $0xb8;
	[tilespmem:$0xB100] =	vst v63  }
0x1a5: {  	v19 =	vperm.xlane v20, v18  }
0x1a6: {  	[hbm4b:s14+s8] =	stream.indirect_vreg.scatter [tilespmem:s18], [sflag:$0x3], $0x80, v21, vm0, $0xb8;
	[tilespmem:$0xB100] =	vst v63  }
0x1a7: {  	v19 =	vadd.s32 v17, v19  }
0x1a8: {  	[hbm4b:s15+s8] =	stream.indirect_vreg.scatter [tilespmem:s25], [sflag:$0x3], $0x80, v21, vm0, $0xb8;
	[tilespmem:$0xB100] =	vst v63  }
0x1a9: {  	_ = 	snop  }
0x1aa: {  	[hbm4b:s16+s8] =	stream.indirect_vreg.scatter [tilespmem:s12], [sflag:$0x3], $0x80, v21, vm0, $0xb8;
	[tilespmem:$0xB100] =	vst v63  }
0x1ab: {  	_ = 	snop  }
0x1ac: {  	[hbm4b:s7+s8] =	stream.indirect_vreg.scatter [tilespmem:s13], [sflag:$0x3], $0x80, v19, vm0, $0xb8;
	[tilespmem:$0xB100] =	vst v63  }
0x1ad: {  	_ = 	snop  }
0x1ae: {  	[hbm4b:s14+s8] =	stream.indirect_vreg.scatter [tilespmem:s9], [sflag:$0x3], $0x80, v19, vm0, $0xb8;
	[tilespmem:$0xB100] =	vst v63  }
0x1af: {  	_ = 	snop  }
0x1b0: {  	[hbm4b:s15+s8] =	stream.indirect_vreg.scatter [tilespmem:s19], [sflag:$0x3], $0x80, v19, vm0, $0xb8;
	[tilespmem:$0xB100] =	vst v63  }
0x1b1: {  	_ = 	snop  }
0x1b2: {  	[hbm4b:s16+s8] =	stream.indirect_vreg.scatter [tilespmem:s17], [sflag:$0x3], $0x80, v19, vm0, $0xb8;
	[tilespmem:$0xB100] =	vst v63  }
0x1b3: {  	v19 =	vld [tilespmem:$0x890];
	_ =	sdelay $0x4  }
0x1b4: {  	v20 =	vshll.u32 v19, $0x3  }
0x1b5: {  	v19 =	vand.u32 $0x7, v19;
	v20 =	vand.u32 $0xFFFFFFC0, v20  }
0x1b6: {  	v19 =	vor.u32 v19, v20  }
0x1b7: {  	v20 =	vperm.xlane v19, v16;
	_ =	sdelay $0x1  }
0x1b8: {  	v20 =	vadd.s32 v17, v20;
	_ =	sdelay $0x3  }
0x1b9: {  	s4 =	simm.s32 $0x7100  }
0x1ba: {  	v21 =	vld [tilespmem:$0x1F10];
	[tilespmem:s4], [sflag:$0x2] =	stream.indirect_vreg.gather [hbm4b:s10+s8], $0x80, v20, vm0, $0xb8  }
0x1bb: {  	s12 =	simm.s32 $0x7900;
	v19 =	vperm.xlane v19, v18  }
0x1bc: {  	[tilespmem:s12], [sflag:$0x2] =	stream.indirect_vreg.gather [hbm4b:s11+s8], $0x80, v20, vm0, $0xb8;
	[tilespmem:$0xB100] =	vst v63  }
0x1bd: {  	s17 =	simm.s32 $0x8100;
	v19 =	vadd.s32 v17, v19  }
0x1be: {  	[tilespmem:s17], [sflag:$0x2] =	stream.indirect_vreg.gather [hbm4b:s6+s8], $0x80, v20, vm0, $0xb8;
	[tilespmem:$0xB100] =	vst v63  }
0x1bf: {  	s30 =	simm.s32 $0x8900  }
0x1c0: {  	[tilespmem:s30], [sflag:$0x2] =	stream.indirect_vreg.gather [hbm4b:s1+s8], $0x80, v20, vm0, $0xb8;
	[tilespmem:$0xB100] =	vst v63  }
0x1c1: {  	s31 =	simm.s32 $0x9100  }
0x1c2: {  	v20 =	vshll.u32 v21, $0x3;
	[tilespmem:s31], [sflag:$0x2] =	stream.indirect_vreg.gather [hbm4b:s10+s8], $0x80, v19, vm0, $0xb8;
	[tilespmem:$0xB100] =	vst v63  }
0x1c3: {  	s28 =	simm.s32 $0x9900;
	v21 =	vand.u32 $0x7, v21;
	v20 =	vand.u32 $0xFFFFFFC0, v20  }
0x1c4: {  	v20 =	vor.u32 v21, v20;
	[tilespmem:s28], [sflag:$0x2] =	stream.indirect_vreg.gather [hbm4b:s11+s8], $0x80, v19, vm0, $0xb8;
	[tilespmem:$0xB100] =	vst v63  }
0x1c5: {  	s3 =	simm.s32 $0xA100;
	v21 =	vperm.xlane v20, v16  }
0x1c6: {  	[tilespmem:s3], [sflag:$0x2] =	stream.indirect_vreg.gather [hbm4b:s6+s8], $0x80, v19, vm0, $0xb8;
	[tilespmem:$0xB100] =	vst v63  }
0x1c7: {  	s21 =	simm.s32 $0xA900;
	s22 =	simm.s32 $0x2;
	v21 =	vadd.s32 v17, v21  }
0x1c8: {  	[tilespmem:s21], [sflag:$0x2] =	stream.indirect_vreg.gather [hbm4b:s1+s8], $0x80, v19, vm0, $0xb8;
	[tilespmem:$0xB100] =	vst v63  }
0x1c9: {  	s18 =	sadd.s32 $0x1, s0;
	_ =	swait.ge [sflag:s22], $0x4000  }
0x1ca: {  	s19 =	sand.u32 $0x1, s18;
	[sflag:s22] =	ssyncset.done $0x0  }
0x1cb: {  	p0 =	slt.s32 s0, $0x0;
	p1 =	seq.s32 s19, $0x1;
	[sflag:s22] =	ssyncadd.s32 $0xFFFFC000  }
0x1cc: {  	[hbm4b:s7+s8] =	stream.indirect_vreg.scatter [tilespmem:s4], [sflag:$0x4], $0x80, v21, vm0, $0xb8;
	[tilespmem:$0xB100] =	vst v63  }
0x1cd: {  	s29 =	sshrl.u32 s18, $0x1F;
	p0 =	por !p0, !p1;
	v19 =	vperm.xlane v20, v18  }
0x1ce: {  	[hbm4b:s14+s8] =	stream.indirect_vreg.scatter [tilespmem:s12], [sflag:$0x4], $0x80, v21, vm0, $0xb8;
	[tilespmem:$0xB100] =	vst v63  }
0x1cf: {  	s0 =	sadd.s32 s29, s18;
	p0 =	por !p0, !p0;
	v19 =	vadd.s32 v17, v19;
	s4 =	simm.s32 $0x1  }
0x1d0: {  	[hbm4b:s15+s8] =	stream.indirect_vreg.scatter [tilespmem:s17], [sflag:$0x4], $0x80, v21, vm0, $0xb8;
	[tilespmem:$0xB100] =	vst v63  }
0x1d1: {  	s0 =	sshra.s32 s0, $0x1;
	s4 =	simm.s32 @!p0 $0x0  }
0x1d2: {  	[hbm4b:s16+s8] =	stream.indirect_vreg.scatter [tilespmem:s30], [sflag:$0x4], $0x80, v21, vm0, $0xb8;
	[tilespmem:$0xB100] =	vst v63  }
0x1d3: {  	s4 =	ssub.s32 s0, s4  }
0x1d4: {  	[hbm4b:s7+s8] =	stream.indirect_vreg.scatter [tilespmem:s31], [sflag:$0x4], $0x80, v19, vm0, $0xb8;
	[tilespmem:$0xB100] =	vst v63  }
0x1d5: {  	p1 =	slt.s32 s4, $0x2  }
0x1d6: {  	[hbm4b:s14+s8] =	stream.indirect_vreg.scatter [tilespmem:s28], [sflag:$0x4], $0x80, v19, vm0, $0xb8;
	[tilespmem:$0xB100] =	vst v63  }
.Ltmp7:
0x1d7: {  	_ = 	snop;
	(pc) =	sbr.rel @p1 .LBB2_12-.Ltmp7, $4  }
0x1d8: {  	_ = 	snop  }
0x1d9: {  	[hbm4b:s15+s8] =	stream.indirect_vreg.scatter [tilespmem:s3], [sflag:$0x4], $0x80, v19, vm0, $0xb8;
	[tilespmem:$0xB100] =	vst v63  }
0x1da: {  	s5 =	simm.s32 $0x4;
	s20 =	simm.s32 $0x1;
	s2 =	simm.s32 $0x3  }
0x1db: {  	[hbm4b:s16+s8] =	stream.indirect_vreg.scatter [tilespmem:s21], [sflag:$0x4], $0x80, v19, vm0, $0xb8;
	[tilespmem:$0xB100] =	vst v63  }
0x1dc: {  	s4 =	simm.s32 $0xFFFFFFFF  }
0x1dd: {  	s4 =	simm.s32 @!p0 $0x0  }
0x1de: {  	s0 =	sadd.s32 s4, s0  }
0x1df: {  	s9 =	simm.s32 $0x8B0;
	s4 =	simm.s32 $0x1F30;
	s0 =	sadd.s32 $0xFFFFFFFF, s0  }
.LBB2_11:
0x1e0: {  	_ =	swait.ge [sflag:s2], $0x4000  }
0x1e1: {  	[sflag:s2] =	ssyncset.done $0x0  }
0x1e2: {  	[sflag:s2] =	ssyncadd.s32 $0xFFFFC000  }
0x1e3: {  	v19 =	vld [tilespmem:s9+$0xFFFFFFF0];
	_ =	sdelay $0x4  }
0x1e4: {  	v20 =	vshll.u32 v19, $0x3  }
0x1e5: {  	v19 =	vand.u32 $0x7, v19;
	v20 =	vand.u32 $0xFFFFFFC0, v20  }
0x1e6: {  	v19 =	vor.u32 v19, v20  }
0x1e7: {  	v20 =	vperm.xlane v19, v16;
	_ =	sdelay $0x1  }
0x1e8: {  	v20 =	vadd.s32 v17, v20;
	_ =	sdelay $0x3  }
0x1e9: {  	s17 =	simm.s32 $0x3100  }
0x1ea: {  	v21 =	vld [tilespmem:s4+$0xFFFFFFF0];
	[tilespmem:s17], [sflag:$0x1] =	stream.indirect_vreg.gather [hbm4b:s10+s8], $0x80, v20, vm0, $0xb8  }
0x1eb: {  	s12 =	simm.s32 $0x3900;
	v19 =	vperm.xlane v19, v18  }
0x1ec: {  	[tilespmem:s12], [sflag:$0x1] =	stream.indirect_vreg.gather [hbm4b:s11+s8], $0x80, v20, vm0, $0xb8;
	[tilespmem:$0xB100] =	vst v63  }
0x1ed: {  	v19 =	vadd.s32 v17, v19  }
0x1ee: {  	[tilespmem:s25], [sflag:$0x1] =	stream.indirect_vreg.gather [hbm4b:s6+s8], $0x80, v20, vm0, $0xb8;
	[tilespmem:$0xB100] =	vst v63  }
0x1ef: {  	s25 =	simm.s32 $0x4900  }
0x1f0: {  	[tilespmem:s25], [sflag:$0x1] =	stream.indirect_vreg.gather [hbm4b:s1+s8], $0x80, v20, vm0, $0xb8;
	[tilespmem:$0xB100] =	vst v63  }
0x1f1: {  	_ = 	snop  }
0x1f2: {  	v20 =	vshll.u32 v21, $0x3;
	[tilespmem:s13], [sflag:$0x1] =	stream.indirect_vreg.gather [hbm4b:s10+s8], $0x80, v19, vm0, $0xb8;
	[tilespmem:$0xB100] =	vst v63  }
0x1f3: {  	s19 =	simm.s32 $0x5900;
	v21 =	vand.u32 $0x7, v21;
	v20 =	vand.u32 $0xFFFFFFC0, v20  }
0x1f4: {  	v20 =	vor.u32 v21, v20;
	[tilespmem:s19], [sflag:$0x1] =	stream.indirect_vreg.gather [hbm4b:s11+s8], $0x80, v19, vm0, $0xb8;
	[tilespmem:$0xB100] =	vst v63  }
0x1f5: {  	s18 =	simm.s32 $0x6100;
	v21 =	vperm.xlane v20, v16  }
0x1f6: {  	[tilespmem:s18], [sflag:$0x1] =	stream.indirect_vreg.gather [hbm4b:s6+s8], $0x80, v19, vm0, $0xb8;
	[tilespmem:$0xB100] =	vst v63  }
0x1f7: {  	s19 =	simm.s32 $0x6900;
	v21 =	vadd.s32 v17, v21  }
0x1f8: {  	[tilespmem:s19], [sflag:$0x1] =	stream.indirect_vreg.gather [hbm4b:s1+s8], $0x80, v19, vm0, $0xb8;
	[tilespmem:$0xB100] =	vst v63  }
0x1f9: {  	_ =	swait.ge [sflag:s20], $0x4000  }
0x1fa: {  	[sflag:s20] =	ssyncset.done $0x0  }
0x1fb: {  	[sflag:s20] =	ssyncadd.s32 $0xFFFFC000  }
0x1fc: {  	[hbm4b:s7+s8] =	stream.indirect_vreg.scatter [tilespmem:s17], [sflag:$0x3], $0x80, v21, vm0, $0xb8;
	[tilespmem:$0xB100] =	vst v63  }
0x1fd: {  	v19 =	vperm.xlane v20, v18  }
0x1fe: {  	[hbm4b:s14+s8] =	stream.indirect_vreg.scatter [tilespmem:s12], [sflag:$0x3], $0x80, v21, vm0, $0xb8;
	[tilespmem:$0xB100] =	vst v63  }
0x1ff: {  	s29 =	simm.s32 $0x4100;
	v19 =	vadd.s32 v17, v19  }
0x200: {  	[hbm4b:s15+s8] =	stream.indirect_vreg.scatter [tilespmem:s29], [sflag:$0x3], $0x80, v21, vm0, $0xb8;
	[tilespmem:$0xB100] =	vst v63  }
0x201: {  	_ = 	snop  }
0x202: {  	[hbm4b:s16+s8] =	stream.indirect_vreg.scatter [tilespmem:s25], [sflag:$0x3], $0x80, v21, vm0, $0xb8;
	[tilespmem:$0xB100] =	vst v63  }
0x203: {  	_ = 	snop  }
0x204: {  	[hbm4b:s7+s8] =	stream.indirect_vreg.scatter [tilespmem:s13], [sflag:$0x3], $0x80, v19, vm0, $0xb8;
	[tilespmem:$0xB100] =	vst v63  }
0x205: {  	s17 =	simm.s32 $0x5900  }
0x206: {  	[hbm4b:s14+s8] =	stream.indirect_vreg.scatter [tilespmem:s17], [sflag:$0x3], $0x80, v19, vm0, $0xb8;
	[tilespmem:$0xB100] =	vst v63  }
0x207: {  	_ = 	snop  }
0x208: {  	[hbm4b:s15+s8] =	stream.indirect_vreg.scatter [tilespmem:s18], [sflag:$0x3], $0x80, v19, vm0, $0xb8;
	[tilespmem:$0xB100] =	vst v63  }
0x209: {  	_ = 	snop  }
0x20a: {  	[hbm4b:s16+s8] =	stream.indirect_vreg.scatter [tilespmem:s19], [sflag:$0x3], $0x80, v19, vm0, $0xb8;
	[tilespmem:$0xB100] =	vst v63  }
0x20b: {  	_ =	swait.ge [sflag:s5], $0x4000  }
0x20c: {  	[sflag:s5] =	ssyncset.done $0x0  }
0x20d: {  	[sflag:s5] =	ssyncadd.s32 $0xFFFFC000  }
0x20e: {  	v19 =	vld [tilespmem:s9+$0x0];
	_ =	sdelay $0x4  }
0x20f: {  	v20 =	vshll.u32 v19, $0x3  }
0x210: {  	v19 =	vand.u32 $0x7, v19;
	v20 =	vand.u32 $0xFFFFFFC0, v20  }
0x211: {  	v19 =	vor.u32 v19, v20  }
0x212: {  	v20 =	vperm.xlane v19, v16;
	_ =	sdelay $0x1  }
0x213: {  	v20 =	vadd.s32 v17, v20;
	_ =	sdelay $0x3  }
0x214: {  	s29 =	simm.s32 $0x7100  }
0x215: {  	v63 =	vld [tilespmem:s4+$0x0];
	[tilespmem:s29], [sflag:$0x2] =	stream.indirect_vreg.gather [hbm4b:s10+s8], $0x80, v20, vm0, $0xb8  }
0x216: {  	s12 =	simm.s32 $0x7900;
	v19 =	vperm.xlane v19, v18  }
0x217: {  	[tilespmem:s12], [sflag:$0x2] =	stream.indirect_vreg.gather [hbm4b:s11+s8], $0x80, v20, vm0, $0xb8;
	[tilespmem:$0xB100] =	vst v63  }
0x218: {  	s17 =	simm.s32 $0x8100;
	v19 =	vadd.s32 v17, v19  }
0x219: {  	[tilespmem:s17], [sflag:$0x2] =	stream.indirect_vreg.gather [hbm4b:s6+s8], $0x80, v20, vm0, $0xb8;
	[tilespmem:$0xB100] =	vst v63  }
0x21a: {  	_ = 	snop  }
0x21b: {  	[tilespmem:s30], [sflag:$0x2] =	stream.indirect_vreg.gather [hbm4b:s1+s8], $0x80, v20, vm0, $0xb8;
	[tilespmem:$0xB100] =	vst v63  }
0x21c: {  	_ = 	snop  }
0x21d: {  	v20 =	vshll.u32 v63, $0x3;
	[tilespmem:s31], [sflag:$0x2] =	stream.indirect_vreg.gather [hbm4b:s10+s8], $0x80, v19, vm0, $0xb8;
	[tilespmem:$0xB100] =	vst v63  }
0x21e: {  	v21 =	vand.u32 $0x7, v63;
	v20 =	vand.u32 $0xFFFFFFC0, v20  }
0x21f: {  	v20 =	vor.u32 v21, v20;
	[tilespmem:s28], [sflag:$0x2] =	stream.indirect_vreg.gather [hbm4b:s11+s8], $0x80, v19, vm0, $0xb8;
	[tilespmem:$0xB100] =	vst v63  }
0x220: {  	v21 =	vperm.xlane v20, v16  }
0x221: {  	[tilespmem:s3], [sflag:$0x2] =	stream.indirect_vreg.gather [hbm4b:s6+s8], $0x80, v19, vm0, $0xb8;
	[tilespmem:$0xB100] =	vst v63  }
0x222: {  	v21 =	vadd.s32 v17, v21  }
0x223: {  	[tilespmem:s21], [sflag:$0x2] =	stream.indirect_vreg.gather [hbm4b:s1+s8], $0x80, v19, vm0, $0xb8;
	[tilespmem:$0xB100] =	vst v63  }
0x224: {  	_ =	swait.ge [sflag:s22], $0x4000  }
0x225: {  	[sflag:s22] =	ssyncset.done $0x0  }
0x226: {  	[sflag:s22] =	ssyncadd.s32 $0xFFFFC000  }
0x227: {  	[hbm4b:s7+s8] =	stream.indirect_vreg.scatter [tilespmem:s29], [sflag:$0x4], $0x80, v21, vm0, $0xb8;
	[tilespmem:$0xB100] =	vst v63  }
0x228: {  	v19 =	vperm.xlane v20, v18  }
0x229: {  	[hbm4b:s14+s8] =	stream.indirect_vreg.scatter [tilespmem:s12], [sflag:$0x4], $0x80, v21, vm0, $0xb8;
	[tilespmem:$0xB100] =	vst v63  }
0x22a: {  	v19 =	vadd.s32 v17, v19  }
0x22b: {  	[hbm4b:s15+s8] =	stream.indirect_vreg.scatter [tilespmem:s17], [sflag:$0x4], $0x80, v21, vm0, $0xb8;
	[tilespmem:$0xB100] =	vst v63  }
0x22c: {  	_ = 	snop  }
0x22d: {  	[hbm4b:s16+s8] =	stream.indirect_vreg.scatter [tilespmem:s30], [sflag:$0x4], $0x80, v21, vm0, $0xb8;
	[tilespmem:$0xB100] =	vst v63  }
0x22e: {  	_ = 	snop  }
0x22f: {  	[hbm4b:s7+s8] =	stream.indirect_vreg.scatter [tilespmem:s31], [sflag:$0x4], $0x80, v19, vm0, $0xb8;
	[tilespmem:$0xB100] =	vst v63  }
0x230: {  	p0 =	sne.s32 s0, $0x1  }
0x231: {  	[hbm4b:s14+s8] =	stream.indirect_vreg.scatter [tilespmem:s28], [sflag:$0x4], $0x80, v19, vm0, $0xb8;
	[tilespmem:$0xB100] =	vst v63  }
.Ltmp8:
0x232: {  	_ = 	snop;
	(pc) =	sbr.rel @p0 .LBB2_11-.Ltmp8, $4  }
0x233: {  	s0 =	sadd.s32 $0xFFFFFFFF, s0;
	s25 =	simm.s32 $0x4100  }
0x234: {  	[hbm4b:s15+s8] =	stream.indirect_vreg.scatter [tilespmem:s3], [sflag:$0x4], $0x80, v19, vm0, $0xb8;
	[tilespmem:$0xB100] =	vst v63  }
0x235: {  	s13 =	simm.s32 $0x5100;
	s4 =	sadd.s32 $0x20, s4;
	s9 =	sadd.s32 $0x20, s9  }
0x236: {  	[hbm4b:s16+s8] =	stream.indirect_vreg.scatter [tilespmem:s21], [sflag:$0x4], $0x80, v19, vm0, $0xb8;
	[tilespmem:$0xB100] =	vst v63  }
.LBB2_12:
0x237: {  	_ =	swait.ge [sflag:s2], $0x4000  }
0x238: {  	[sflag:s2] =	ssyncset.done $0x0  }
0x239: {  	s3 =	simm.s32 $0x1;
	s22 =	simm.s32 $0x3;
	[sflag:s2] =	ssyncadd.s32 $0xFFFFC000  }
0x23a: {  	s6 =	simm.s32 $0x4100;
	s11 =	simm.s32 $0x4900;
	_ =	swait.ge [sflag:s5], $0x4000  }
0x23b: {  	s12 =	simm.s32 $0x5100;
	s13 =	simm.s32 $0x5900;
	[sflag:s5] =	ssyncset.done $0x0  }
0x23c: {  	s17 =	simm.s32 $0x6100;
	s18 =	simm.s32 $0x6900;
	[sflag:s5] =	ssyncadd.s32 $0xFFFFC000  }
.LBB2_13:
0x23d: {  	(v2sf) =	vpush v15, $0x0;
	_ =	sdelay $0xe  }
0x23e: {  	s0 =	spop (v2sf)  }
0x23f: {  	s0 =	sor.u32 s26, s0  }
0x240: {  	s0 =	sadd.s32 $0xF, s0  }
0x241: {  	s4 =	sand.u32 $0xF, s0  }
0x242: {  	s31 =	sshra.s32 s0, $0x1F;
	p1 =	slt.s32 s0, $0x1;
	p0 =	sne.s32 s4, $0x0  }
0x243: {  	s4 =	sshrl.u32 s31, $0x1C;
	p0 =	por !p1, !p0  }
0x244: {  	s0 =	sadd.s32 s4, s0;
	s4 =	simm.s32 $0x1;
	p0 =	por !p0, !p0  }
0x245: {  	s0 =	sshra.s32 s0, $0x4;
	s4 =	simm.s32 @!p0 $0x0  }
0x246: {  	s0 =	ssub.s32 s0, s4  }
0x247: {  	p0 =	slt.s32 s0, $0x1  }
.Ltmp9:
0x248: {  	_ = 	snop;
	(pc) =	sbr.rel @p0 .LBB2_18-.Ltmp9, $3  }
0x249: {  	_ =	sdelay $0x1  }
0x24a: {  	s10 =	rddreg [dreg:$0x3]  }
0x24b: {  	s9 =	rddreg [dreg:$0x18]  }
0x24c: {  	v15 =	vld [tilespmem:$0xD00];
	_ =	sdelay $0x4  }
0x24d: {  	v16 =	vshll.u32 v15, $0x3  }
0x24e: {  	v15 =	vand.u32 $0x7, v15;
	v16 =	vand.u32 $0xFFFFFFC0, v16  }
0x24f: {  	v18 =	vor.u32 v15, v16;
	v15 =	vand.u32 $0x7, v0  }
0x250: {  	v16 =	vmul.u32 $0x8, v9;
	v17 =	vperm.xlane v18, v15;
	_ =	sdelay $0x1  }
0x251: {  	v19 =	vadd.s32 v16, v17;
	_ =	sdelay $0x3  }
0x252: {  	vm0 =	vmmov $0xffff;
	s2 =	simm.s32 $0x3100  }
0x253: {  	v20 =	vld [tilespmem:$0x2380];
	v17 =	vor.u32 $0x8, v0;
	[tilespmem:s2], [sflag:$0x1] =	stream.indirect_vreg.gather [hbm4b:s10+s8], $0x80, v19, vm0, $0xb8  }
0x254: {  	s26 =	rddreg [dreg:$0x10];
	s4 =	simm.s32 $0x3900;
	v18 =	vperm.xlane v18, v17  }
0x255: {  	[tilespmem:s4], [sflag:$0x1] =	stream.indirect_vreg.gather [hbm4b:s26+s8], $0x80, v19, vm0, $0xb8;
	[tilespmem:$0xB100] =	vst v63  }
0x256: {  	s13 =	simm.s32 $0x4100;
	s6 =	rddreg [dreg:$0x11];
	v18 =	vadd.s32 v16, v18  }
0x257: {  	[tilespmem:s13], [sflag:$0x1] =	stream.indirect_vreg.gather [hbm4b:s6+s8], $0x80, v19, vm0, $0xb8;
	[tilespmem:$0xB100] =	vst v63  }
0x258: {  	s1 =	rddreg [dreg:$0x12]  }
0x259: {  	[tilespmem:s11], [sflag:$0x1] =	stream.indirect_vreg.gather [hbm4b:s1+s8], $0x80, v19, vm0, $0xb8;
	[tilespmem:$0xB100] =	vst v63  }
0x25a: {  	s12 =	simm.s32 $0x5100  }
0x25b: {  	v19 =	vshll.u32 v20, $0x3;
	[tilespmem:s12], [sflag:$0x1] =	stream.indirect_vreg.gather [hbm4b:s10+s8], $0x80, v18, vm0, $0xb8;
	[tilespmem:$0xB100] =	vst v63  }
0x25c: {  	s19 =	simm.s32 $0x5900;
	v20 =	vand.u32 $0x7, v20;
	v19 =	vand.u32 $0xFFFFFFC0, v19  }
0x25d: {  	v19 =	vor.u32 v20, v19;
	[tilespmem:s19], [sflag:$0x1] =	stream.indirect_vreg.gather [hbm4b:s26+s8], $0x80, v18, vm0, $0xb8;
	[tilespmem:$0xB100] =	vst v63  }
0x25e: {  	s9 =	simm.s32 $0x6100;
	v20 =	vperm.xlane v19, v15  }
0x25f: {  	[tilespmem:s9], [sflag:$0x1] =	stream.indirect_vreg.gather [hbm4b:s6+s8], $0x80, v18, vm0, $0xb8;
	[tilespmem:$0xB100] =	vst v63  }
0x260: {  	s17 =	simm.s32 $0x6900;
	v20 =	vadd.s32 v16, v20  }
0x261: {  	[tilespmem:s17], [sflag:$0x1] =	stream.indirect_vreg.gather [hbm4b:s1+s8], $0x80, v18, vm0, $0xb8;
	[tilespmem:$0xB100] =	vst v63  }
0x262: {  	_ =	swait.ge [sflag:s3], $0x4000  }
0x263: {  	[sflag:s3] =	ssyncset.done $0x0  }
0x264: {  	[sflag:s3] =	ssyncadd.s32 $0xFFFFC000  }
0x265: {  	[hbm4b:s7+s8] =	stream.indirect_vreg.scatter [tilespmem:s2], [sflag:$0x3], $0x80, v20, vm0, $0xb8;
	[tilespmem:$0xB100] =	vst v63  }
0x266: {  	v18 =	vperm.xlane v19, v17  }
0x267: {  	[hbm4b:s14+s8] =	stream.indirect_vreg.scatter [tilespmem:s4], [sflag:$0x3], $0x80, v20, vm0, $0xb8;
	[tilespmem:$0xB100] =	vst v63  }
0x268: {  	v18 =	vadd.s32 v16, v18  }
0x269: {  	[hbm4b:s15+s8] =	stream.indirect_vreg.scatter [tilespmem:s13], [sflag:$0x3], $0x80, v20, vm0, $0xb8;
	[tilespmem:$0xB100] =	vst v63  }
0x26a: {  	_ = 	snop  }
0x26b: {  	[hbm4b:s16+s8] =	stream.indirect_vreg.scatter [tilespmem:s11], [sflag:$0x3], $0x80, v20, vm0, $0xb8;
	[tilespmem:$0xB100] =	vst v63  }
0x26c: {  	_ = 	snop  }
0x26d: {  	[hbm4b:s7+s8] =	stream.indirect_vreg.scatter [tilespmem:s12], [sflag:$0x3], $0x80, v18, vm0, $0xb8;
	[tilespmem:$0xB100] =	vst v63  }
0x26e: {  	_ = 	snop  }
0x26f: {  	[hbm4b:s14+s8] =	stream.indirect_vreg.scatter [tilespmem:s19], [sflag:$0x3], $0x80, v18, vm0, $0xb8;
	[tilespmem:$0xB100] =	vst v63  }
0x270: {  	_ = 	snop  }
0x271: {  	[hbm4b:s15+s8] =	stream.indirect_vreg.scatter [tilespmem:s9], [sflag:$0x3], $0x80, v18, vm0, $0xb8;
	[tilespmem:$0xB100] =	vst v63  }
0x272: {  	_ = 	snop  }
0x273: {  	[hbm4b:s16+s8] =	stream.indirect_vreg.scatter [tilespmem:s17], [sflag:$0x3], $0x80, v18, vm0, $0xb8;
	[tilespmem:$0xB100] =	vst v63  }
0x274: {  	v18 =	vld [tilespmem:$0xD10];
	_ =	sdelay $0x4  }
0x275: {  	v19 =	vshll.u32 v18, $0x3  }
0x276: {  	v18 =	vand.u32 $0x7, v18;
	v19 =	vand.u32 $0xFFFFFFC0, v19  }
0x277: {  	v18 =	vor.u32 v18, v19  }
0x278: {  	v19 =	vperm.xlane v18, v15;
	_ =	sdelay $0x1  }
0x279: {  	v19 =	vadd.s32 v16, v19;
	_ =	sdelay $0x3  }
0x27a: {  	s18 =	simm.s32 $0x7100  }
0x27b: {  	v20 =	vld [tilespmem:$0x2390];
	[tilespmem:s18], [sflag:$0x2] =	stream.indirect_vreg.gather [hbm4b:s10+s8], $0x80, v19, vm0, $0xb8  }
0x27c: {  	s17 =	simm.s32 $0x7900;
	v18 =	vperm.xlane v18, v17  }
0x27d: {  	[tilespmem:s17], [sflag:$0x2] =	stream.indirect_vreg.gather [hbm4b:s26+s8], $0x80, v19, vm0, $0xb8;
	[tilespmem:$0xB100] =	vst v63  }
0x27e: {  	s29 =	simm.s32 $0x8100;
	v18 =	vadd.s32 v16, v18  }
0x27f: {  	[tilespmem:s29], [sflag:$0x2] =	stream.indirect_vreg.gather [hbm4b:s6+s8], $0x80, v19, vm0, $0xb8;
	[tilespmem:$0xB100] =	vst v63  }
0x280: {  	s30 =	simm.s32 $0x8900  }
0x281: {  	[tilespmem:s30], [sflag:$0x2] =	stream.indirect_vreg.gather [hbm4b:s1+s8], $0x80, v19, vm0, $0xb8;
	[tilespmem:$0xB100] =	vst v63  }
0x282: {  	s31 =	simm.s32 $0x9100  }
0x283: {  	v19 =	vshll.u32 v20, $0x3;
	[tilespmem:s31], [sflag:$0x2] =	stream.indirect_vreg.gather [hbm4b:s10+s8], $0x80, v18, vm0, $0xb8;
	[tilespmem:$0xB100] =	vst v63  }
0x284: {  	s28 =	simm.s32 $0x9900;
	v20 =	vand.u32 $0x7, v20;
	v19 =	vand.u32 $0xFFFFFFC0, v19  }
0x285: {  	v19 =	vor.u32 v20, v19;
	[tilespmem:s28], [sflag:$0x2] =	stream.indirect_vreg.gather [hbm4b:s26+s8], $0x80, v18, vm0, $0xb8;
	[tilespmem:$0xB100] =	vst v63  }
0x286: {  	s3 =	simm.s32 $0xA100;
	v20 =	vperm.xlane v19, v15  }
0x287: {  	[tilespmem:s3], [sflag:$0x2] =	stream.indirect_vreg.gather [hbm4b:s6+s8], $0x80, v18, vm0, $0xb8;
	[tilespmem:$0xB100] =	vst v63  }
0x288: {  	s21 =	simm.s32 $0xA900;
	s22 =	simm.s32 $0x2;
	v20 =	vadd.s32 v16, v20  }
0x289: {  	[tilespmem:s21], [sflag:$0x2] =	stream.indirect_vreg.gather [hbm4b:s1+s8], $0x80, v18, vm0, $0xb8;
	[tilespmem:$0xB100] =	vst v63  }
0x28a: {  	_ =	swait.ge [sflag:s22], $0x4000  }
0x28b: {  	[sflag:s22] =	ssyncset.done $0x0  }
0x28c: {  	[sflag:s22] =	ssyncadd.s32 $0xFFFFC000  }
0x28d: {  	[hbm4b:s7+s8] =	stream.indirect_vreg.scatter [tilespmem:s18], [sflag:$0x4], $0x80, v20, vm0, $0xb8;
	[tilespmem:$0xB100] =	vst v63  }
0x28e: {  	s18 =	sadd.s32 $0x1, s0  }
0x28f: {  	s19 =	sand.u32 $0x1, s18  }
0x290: {  	[hbm4b:s14+s8] =	stream.indirect_vreg.scatter [tilespmem:s17], [sflag:$0x4], $0x80, v20, vm0, $0xb8;
	[tilespmem:$0xB100] =	vst v63  }
0x291: {  	p0 =	slt.s32 s0, $0x0;
	v18 =	vperm.xlane v19, v17;
	p1 =	seq.s32 s19, $0x1  }
0x292: {  	s25 =	sshrl.u32 s18, $0x1F;
	p0 =	por !p0, !p1  }
0x293: {  	v18 =	vadd.s32 v16, v18;
	[hbm4b:s15+s8] =	stream.indirect_vreg.scatter [tilespmem:s29], [sflag:$0x4], $0x80, v20, vm0, $0xb8;
	[tilespmem:$0xB100] =	vst v63  }
0x294: {  	s4 =	simm.s32 $0x1;
	s0 =	sadd.s32 s25, s18;
	p0 =	por !p0, !p0  }
0x295: {  	s0 =	sshra.s32 s0, $0x1;
	s4 =	simm.s32 @!p0 $0x0  }
0x296: {  	[hbm4b:s16+s8] =	stream.indirect_vreg.scatter [tilespmem:s30], [sflag:$0x4], $0x80, v20, vm0, $0xb8;
	[tilespmem:$0xB100] =	vst v63  }
0x297: {  	s4 =	ssub.s32 s0, s4  }
0x298: {  	[hbm4b:s7+s8] =	stream.indirect_vreg.scatter [tilespmem:s31], [sflag:$0x4], $0x80, v18, vm0, $0xb8;
	[tilespmem:$0xB100] =	vst v63  }
0x299: {  	p1 =	slt.s32 s4, $0x2  }
0x29a: {  	[hbm4b:s14+s8] =	stream.indirect_vreg.scatter [tilespmem:s28], [sflag:$0x4], $0x80, v18, vm0, $0xb8;
	[tilespmem:$0xB100] =	vst v63  }
.Ltmp10:
0x29b: {  	_ = 	snop;
	(pc) =	sbr.rel @p1 .LBB2_17-.Ltmp10, $4  }
0x29c: {  	_ = 	snop  }
0x29d: {  	[hbm4b:s15+s8] =	stream.indirect_vreg.scatter [tilespmem:s3], [sflag:$0x4], $0x80, v18, vm0, $0xb8;
	[tilespmem:$0xB100] =	vst v63  }
0x29e: {  	s5 =	simm.s32 $0x4;
	s20 =	simm.s32 $0x1;
	s2 =	simm.s32 $0x3  }
0x29f: {  	[hbm4b:s16+s8] =	stream.indirect_vreg.scatter [tilespmem:s21], [sflag:$0x4], $0x80, v18, vm0, $0xb8;
	[tilespmem:$0xB100] =	vst v63  }
0x2a0: {  	s4 =	simm.s32 $0xFFFFFFFF  }
0x2a1: {  	s4 =	simm.s32 @!p0 $0x0  }
0x2a2: {  	s0 =	sadd.s32 s4, s0  }
0x2a3: {  	s9 =	simm.s32 $0xD30;
	s4 =	simm.s32 $0x23B0;
	s0 =	sadd.s32 $0xFFFFFFFF, s0  }
.LBB2_16:
0x2a4: {  	_ =	swait.ge [sflag:s2], $0x4000  }
0x2a5: {  	[sflag:s2] =	ssyncset.done $0x0  }
0x2a6: {  	[sflag:s2] =	ssyncadd.s32 $0xFFFFC000  }
0x2a7: {  	v18 =	vld [tilespmem:s9+$0xFFFFFFF0];
	_ =	sdelay $0x4  }
0x2a8: {  	v19 =	vshll.u32 v18, $0x3  }
0x2a9: {  	v18 =	vand.u32 $0x7, v18;
	v19 =	vand.u32 $0xFFFFFFC0, v19  }
0x2aa: {  	v18 =	vor.u32 v18, v19  }
0x2ab: {  	v19 =	vperm.xlane v18, v15;
	_ =	sdelay $0x1  }
0x2ac: {  	v19 =	vadd.s32 v16, v19;
	_ =	sdelay $0x3  }
0x2ad: {  	s18 =	simm.s32 $0x3100  }
0x2ae: {  	v20 =	vld [tilespmem:s4+$0xFFFFFFF0];
	[tilespmem:s18], [sflag:$0x1] =	stream.indirect_vreg.gather [hbm4b:s10+s8], $0x80, v19, vm0, $0xb8  }
0x2af: {  	s19 =	simm.s32 $0x3900;
	v18 =	vperm.xlane v18, v17  }
0x2b0: {  	[tilespmem:s19], [sflag:$0x1] =	stream.indirect_vreg.gather [hbm4b:s26+s8], $0x80, v19, vm0, $0xb8;
	[tilespmem:$0xB100] =	vst v63  }
0x2b1: {  	s25 =	simm.s32 $0x4100;
	v18 =	vadd.s32 v16, v18  }
0x2b2: {  	[tilespmem:s25], [sflag:$0x1] =	stream.indirect_vreg.gather [hbm4b:s6+s8], $0x80, v19, vm0, $0xb8;
	[tilespmem:$0xB100] =	vst v63  }
0x2b3: {  	_ = 	snop  }
0x2b4: {  	[tilespmem:s11], [sflag:$0x1] =	stream.indirect_vreg.gather [hbm4b:s1+s8], $0x80, v19, vm0, $0xb8;
	[tilespmem:$0xB100] =	vst v63  }
0x2b5: {  	s12 =	simm.s32 $0x5100  }
0x2b6: {  	v19 =	vshll.u32 v20, $0x3;
	[tilespmem:s12], [sflag:$0x1] =	stream.indirect_vreg.gather [hbm4b:s10+s8], $0x80, v18, vm0, $0xb8;
	[tilespmem:$0xB100] =	vst v63  }
0x2b7: {  	s13 =	simm.s32 $0x5900;
	v20 =	vand.u32 $0x7, v20;
	v19 =	vand.u32 $0xFFFFFFC0, v19  }
0x2b8: {  	v19 =	vor.u32 v20, v19;
	[tilespmem:s13], [sflag:$0x1] =	stream.indirect_vreg.gather [hbm4b:s26+s8], $0x80, v18, vm0, $0xb8;
	[tilespmem:$0xB100] =	vst v63  }
0x2b9: {  	s19 =	simm.s32 $0x6100;
	v20 =	vperm.xlane v19, v15  }
0x2ba: {  	[tilespmem:s19], [sflag:$0x1] =	stream.indirect_vreg.gather [hbm4b:s6+s8], $0x80, v18, vm0, $0xb8;
	[tilespmem:$0xB100] =	vst v63  }
0x2bb: {  	s17 =	simm.s32 $0x6900;
	v20 =	vadd.s32 v16, v20  }
0x2bc: {  	[tilespmem:s17], [sflag:$0x1] =	stream.indirect_vreg.gather [hbm4b:s1+s8], $0x80, v18, vm0, $0xb8;
	[tilespmem:$0xB100] =	vst v63  }
0x2bd: {  	_ =	swait.ge [sflag:s20], $0x4000  }
0x2be: {  	[sflag:s20] =	ssyncset.done $0x0  }
0x2bf: {  	[sflag:s20] =	ssyncadd.s32 $0xFFFFC000  }
0x2c0: {  	[hbm4b:s7+s8] =	stream.indirect_vreg.scatter [tilespmem:s18], [sflag:$0x3], $0x80, v20, vm0, $0xb8;
	[tilespmem:$0xB100] =	vst v63  }
0x2c1: {  	s12 =	simm.s32 $0x3900;
	v18 =	vperm.xlane v19, v17  }
0x2c2: {  	[hbm4b:s14+s8] =	stream.indirect_vreg.scatter [tilespmem:s12], [sflag:$0x3], $0x80, v20, vm0, $0xb8;
	[tilespmem:$0xB100] =	vst v63  }
0x2c3: {  	v18 =	vadd.s32 v16, v18  }
0x2c4: {  	[hbm4b:s15+s8] =	stream.indirect_vreg.scatter [tilespmem:s25], [sflag:$0x3], $0x80, v20, vm0, $0xb8;
	[tilespmem:$0xB100] =	vst v63  }
0x2c5: {  	_ = 	snop  }
0x2c6: {  	[hbm4b:s16+s8] =	stream.indirect_vreg.scatter [tilespmem:s11], [sflag:$0x3], $0x80, v20, vm0, $0xb8;
	[tilespmem:$0xB100] =	vst v63  }
0x2c7: {  	s17 =	simm.s32 $0x5100  }
0x2c8: {  	[hbm4b:s7+s8] =	stream.indirect_vreg.scatter [tilespmem:s17], [sflag:$0x3], $0x80, v18, vm0, $0xb8;
	[tilespmem:$0xB100] =	vst v63  }
0x2c9: {  	_ = 	snop  }
0x2ca: {  	[hbm4b:s14+s8] =	stream.indirect_vreg.scatter [tilespmem:s13], [sflag:$0x3], $0x80, v18, vm0, $0xb8;
	[tilespmem:$0xB100] =	vst v63  }
0x2cb: {  	_ = 	snop  }
0x2cc: {  	[hbm4b:s15+s8] =	stream.indirect_vreg.scatter [tilespmem:s19], [sflag:$0x3], $0x80, v18, vm0, $0xb8;
	[tilespmem:$0xB100] =	vst v63  }
0x2cd: {  	s19 =	simm.s32 $0x6900  }
0x2ce: {  	[hbm4b:s16+s8] =	stream.indirect_vreg.scatter [tilespmem:s19], [sflag:$0x3], $0x80, v18, vm0, $0xb8;
	[tilespmem:$0xB100] =	vst v63  }
0x2cf: {  	_ =	swait.ge [sflag:s5], $0x4000  }
0x2d0: {  	[sflag:s5] =	ssyncset.done $0x0  }
0x2d1: {  	[sflag:s5] =	ssyncadd.s32 $0xFFFFC000  }
0x2d2: {  	v18 =	vld [tilespmem:s9+$0x0];
	_ =	sdelay $0x4  }
0x2d3: {  	v19 =	vshll.u32 v18, $0x3  }
0x2d4: {  	v18 =	vand.u32 $0x7, v18;
	v19 =	vand.u32 $0xFFFFFFC0, v19  }
0x2d5: {  	v18 =	vor.u32 v18, v19  }
0x2d6: {  	v19 =	vperm.xlane v18, v15;
	_ =	sdelay $0x1  }
0x2d7: {  	v19 =	vadd.s32 v16, v19;
	_ =	sdelay $0x3  }
0x2d8: {  	s18 =	simm.s32 $0x7100  }
0x2d9: {  	v63 =	vld [tilespmem:s4+$0x0];
	[tilespmem:s18], [sflag:$0x2] =	stream.indirect_vreg.gather [hbm4b:s10+s8], $0x80, v19, vm0, $0xb8  }
0x2da: {  	s25 =	simm.s32 $0x7900;
	v18 =	vperm.xlane v18, v17  }
0x2db: {  	[tilespmem:s25], [sflag:$0x2] =	stream.indirect_vreg.gather [hbm4b:s26+s8], $0x80, v19, vm0, $0xb8;
	[tilespmem:$0xB100] =	vst v63  }
0x2dc: {  	v18 =	vadd.s32 v16, v18  }
0x2dd: {  	[tilespmem:s29], [sflag:$0x2] =	stream.indirect_vreg.gather [hbm4b:s6+s8], $0x80, v19, vm0, $0xb8;
	[tilespmem:$0xB100] =	vst v63  }
0x2de: {  	_ = 	snop  }
0x2df: {  	[tilespmem:s30], [sflag:$0x2] =	stream.indirect_vreg.gather [hbm4b:s1+s8], $0x80, v19, vm0, $0xb8;
	[tilespmem:$0xB100] =	vst v63  }
0x2e0: {  	_ = 	snop  }
0x2e1: {  	v19 =	vshll.u32 v63, $0x3;
	[tilespmem:s31], [sflag:$0x2] =	stream.indirect_vreg.gather [hbm4b:s10+s8], $0x80, v18, vm0, $0xb8;
	[tilespmem:$0xB100] =	vst v63  }
0x2e2: {  	v20 =	vand.u32 $0x7, v63;
	v19 =	vand.u32 $0xFFFFFFC0, v19  }
0x2e3: {  	v19 =	vor.u32 v20, v19;
	[tilespmem:s28], [sflag:$0x2] =	stream.indirect_vreg.gather [hbm4b:s26+s8], $0x80, v18, vm0, $0xb8;
	[tilespmem:$0xB100] =	vst v63  }
0x2e4: {  	v20 =	vperm.xlane v19, v15  }
0x2e5: {  	[tilespmem:s3], [sflag:$0x2] =	stream.indirect_vreg.gather [hbm4b:s6+s8], $0x80, v18, vm0, $0xb8;
	[tilespmem:$0xB100] =	vst v63  }
0x2e6: {  	v20 =	vadd.s32 v16, v20  }
0x2e7: {  	[tilespmem:s21], [sflag:$0x2] =	stream.indirect_vreg.gather [hbm4b:s1+s8], $0x80, v18, vm0, $0xb8;
	[tilespmem:$0xB100] =	vst v63  }
0x2e8: {  	_ =	swait.ge [sflag:s22], $0x4000  }
0x2e9: {  	[sflag:s22] =	ssyncset.done $0x0  }
0x2ea: {  	[sflag:s22] =	ssyncadd.s32 $0xFFFFC000  }
0x2eb: {  	[hbm4b:s7+s8] =	stream.indirect_vreg.scatter [tilespmem:s18], [sflag:$0x4], $0x80, v20, vm0, $0xb8;
	[tilespmem:$0xB100] =	vst v63  }
0x2ec: {  	v18 =	vperm.xlane v19, v17  }
0x2ed: {  	[hbm4b:s14+s8] =	stream.indirect_vreg.scatter [tilespmem:s25], [sflag:$0x4], $0x80, v20, vm0, $0xb8;
	[tilespmem:$0xB100] =	vst v63  }
0x2ee: {  	v18 =	vadd.s32 v16, v18  }
0x2ef: {  	[hbm4b:s15+s8] =	stream.indirect_vreg.scatter [tilespmem:s29], [sflag:$0x4], $0x80, v20, vm0, $0xb8;
	[tilespmem:$0xB100] =	vst v63  }
0x2f0: {  	_ = 	snop  }
0x2f1: {  	[hbm4b:s16+s8] =	stream.indirect_vreg.scatter [tilespmem:s30], [sflag:$0x4], $0x80, v20, vm0, $0xb8;
	[tilespmem:$0xB100] =	vst v63  }
0x2f2: {  	_ = 	snop  }
0x2f3: {  	[hbm4b:s7+s8] =	stream.indirect_vreg.scatter [tilespmem:s31], [sflag:$0x4], $0x80, v18, vm0, $0xb8;
	[tilespmem:$0xB100] =	vst v63  }
0x2f4: {  	p0 =	sne.s32 s0, $0x1  }
0x2f5: {  	[hbm4b:s14+s8] =	stream.indirect_vreg.scatter [tilespmem:s28], [sflag:$0x4], $0x80, v18, vm0, $0xb8;
	[tilespmem:$0xB100] =	vst v63  }
.Ltmp11:
0x2f6: {  	_ = 	snop;
	(pc) =	sbr.rel @p0 .LBB2_16-.Ltmp11, $4  }
0x2f7: {  	_ = 	snop  }
0x2f8: {  	[hbm4b:s15+s8] =	stream.indirect_vreg.scatter [tilespmem:s3], [sflag:$0x4], $0x80, v18, vm0, $0xb8;
	[tilespmem:$0xB100] =	vst v63  }
0x2f9: {  	s0 =	sadd.s32 $0xFFFFFFFF, s0;
	s4 =	sadd.s32 $0x20, s4;
	s9 =	sadd.s32 $0x20, s9  }
0x2fa: {  	[hbm4b:s16+s8] =	stream.indirect_vreg.scatter [tilespmem:s21], [sflag:$0x4], $0x80, v18, vm0, $0xb8;
	[tilespmem:$0xB100] =	vst v63  }
.LBB2_17:
0x2fb: {  	_ =	swait.ge [sflag:s2], $0x4000  }
0x2fc: {  	[sflag:s2] =	ssyncset.done $0x0  }
0x2fd: {  	s3 =	simm.s32 $0x1;
	s22 =	simm.s32 $0x3;
	[sflag:s2] =	ssyncadd.s32 $0xFFFFC000  }
0x2fe: {  	s6 =	simm.s32 $0x4100;
	s12 =	simm.s32 $0x5100;
	_ =	swait.ge [sflag:s5], $0x4000  }
0x2ff: {  	s13 =	simm.s32 $0x5900;
	s17 =	simm.s32 $0x6100;
	[sflag:s5] =	ssyncset.done $0x0  }
0x300: {  	s18 =	simm.s32 $0x6900;
	s9 =	rddreg [dreg:$0x18];
	[sflag:s5] =	ssyncadd.s32 $0xFFFFC000  }
.LBB2_18:
0x301: {  	(v2sf) =	vpush v14, $0x0;
	_ =	sdelay $0xe  }
0x302: {  	s0 =	spop (v2sf)  }
0x303: {  	s0 =	sor.u32 s24, s0  }
0x304: {  	s0 =	sadd.s32 $0xF, s0  }
0x305: {  	s4 =	sand.u32 $0xF, s0  }
0x306: {  	s31 =	sshra.s32 s0, $0x1F;
	p1 =	slt.s32 s0, $0x1;
	p0 =	sne.s32 s4, $0x0  }
0x307: {  	s4 =	sshrl.u32 s31, $0x1C;
	p0 =	por !p1, !p0  }
0x308: {  	s0 =	sadd.s32 s4, s0;
	s4 =	simm.s32 $0x1;
	p0 =	por !p0, !p0  }
0x309: {  	s0 =	sshra.s32 s0, $0x4;
	s4 =	simm.s32 @!p0 $0x0  }
0x30a: {  	s0 =	ssub.s32 s0, s4  }
0x30b: {  	p0 =	slt.s32 s0, $0x1  }
.Ltmp12:
0x30c: {  	_ = 	snop;
	(pc) =	sbr.rel @p0 .LBB2_23-.Ltmp12, $3  }
0x30d: {  	_ =	sdelay $0x1  }
0x30e: {  	s10 =	rddreg [dreg:$0x4]  }
0x30f: {  	s5 =	rddreg [dreg:$0x17];
	s26 =	simm.s32 $0x3900  }
0x310: {  	v14 =	vld [tilespmem:$0x1180];
	_ =	sdelay $0x4  }
0x311: {  	v15 =	vshll.u32 v14, $0x3  }
0x312: {  	v14 =	vand.u32 $0x7, v14;
	v15 =	vand.u32 $0xFFFFFFC0, v15  }
0x313: {  	v17 =	vor.u32 v14, v15;
	v14 =	vand.u32 $0x7, v0  }
0x314: {  	v15 =	vmul.u32 $0x8, v9;
	v16 =	vperm.xlane v17, v14;
	_ =	sdelay $0x1  }
0x315: {  	v18 =	vadd.s32 v15, v16;
	_ =	sdelay $0x3  }
0x316: {  	vm0 =	vmmov $0xffff;
	s11 =	simm.s32 $0x3100  }
0x317: {  	v19 =	vld [tilespmem:$0x2800];
	v16 =	vor.u32 $0x8, v0;
	[tilespmem:s11], [sflag:$0x1] =	stream.indirect_vreg.gather [hbm4b:s10+s8], $0x80, v18, vm0, $0xb8  }
0x318: {  	s5 =	simm.s32 $0x3900;
	s26 =	rddreg [dreg:$0x13];
	v17 =	vperm.xlane v17, v16  }
0x319: {  	[tilespmem:s5], [sflag:$0x1] =	stream.indirect_vreg.gather [hbm4b:s26+s8], $0x80, v18, vm0, $0xb8;
	[tilespmem:$0xB100] =	vst v63  }
0x31a: {  	s13 =	simm.s32 $0x4100;
	s24 =	rddreg [dreg:$0x14];
	v17 =	vadd.s32 v15, v17  }
0x31b: {  	[tilespmem:s13], [sflag:$0x1] =	stream.indirect_vreg.gather [hbm4b:s24+s8], $0x80, v18, vm0, $0xb8;
	[tilespmem:$0xB100] =	vst v63  }
0x31c: {  	s17 =	simm.s32 $0x4900;
	s2 =	rddreg [dreg:$0x16]  }
0x31d: {  	[tilespmem:s17], [sflag:$0x1] =	stream.indirect_vreg.gather [hbm4b:s2+s8], $0x80, v18, vm0, $0xb8;
	[tilespmem:$0xB100] =	vst v63  }
0x31e: {  	s18 =	simm.s32 $0x5100  }
0x31f: {  	v18 =	vshll.u32 v19, $0x3;
	[tilespmem:s18], [sflag:$0x1] =	stream.indirect_vreg.gather [hbm4b:s10+s8], $0x80, v17, vm0, $0xb8;
	[tilespmem:$0xB100] =	vst v63  }
0x320: {  	s9 =	simm.s32 $0x5900;
	v19 =	vand.u32 $0x7, v19;
	v18 =	vand.u32 $0xFFFFFFC0, v18  }
0x321: {  	v18 =	vor.u32 v19, v18;
	[tilespmem:s9], [sflag:$0x1] =	stream.indirect_vreg.gather [hbm4b:s26+s8], $0x80, v17, vm0, $0xb8;
	[tilespmem:$0xB100] =	vst v63  }
0x322: {  	s1 =	simm.s32 $0x6100;
	v19 =	vperm.xlane v18, v14  }
0x323: {  	[tilespmem:s1], [sflag:$0x1] =	stream.indirect_vreg.gather [hbm4b:s24+s8], $0x80, v17, vm0, $0xb8;
	[tilespmem:$0xB100] =	vst v63  }
0x324: {  	s6 =	simm.s32 $0x6900;
	v19 =	vadd.s32 v15, v19  }
0x325: {  	[tilespmem:s6], [sflag:$0x1] =	stream.indirect_vreg.gather [hbm4b:s2+s8], $0x80, v17, vm0, $0xb8;
	[tilespmem:$0xB100] =	vst v63  }
0x326: {  	_ =	swait.ge [sflag:s3], $0x4000  }
0x327: {  	[sflag:s3] =	ssyncset.done $0x0  }
0x328: {  	[sflag:s3] =	ssyncadd.s32 $0xFFFFC000  }
0x329: {  	[hbm4b:s7+s8] =	stream.indirect_vreg.scatter [tilespmem:s11], [sflag:$0x3], $0x80, v19, vm0, $0xb8;
	[tilespmem:$0xB100] =	vst v63  }
0x32a: {  	v17 =	vperm.xlane v18, v16  }
0x32b: {  	[hbm4b:s14+s8] =	stream.indirect_vreg.scatter [tilespmem:s5], [sflag:$0x3], $0x80, v19, vm0, $0xb8;
	[tilespmem:$0xB100] =	vst v63  }
0x32c: {  	v17 =	vadd.s32 v15, v17  }
0x32d: {  	[hbm4b:s15+s8] =	stream.indirect_vreg.scatter [tilespmem:s13], [sflag:$0x3], $0x80, v19, vm0, $0xb8;
	[tilespmem:$0xB100] =	vst v63  }
0x32e: {  	_ = 	snop  }
0x32f: {  	[hbm4b:s16+s8] =	stream.indirect_vreg.scatter [tilespmem:s17], [sflag:$0x3], $0x80, v19, vm0, $0xb8;
	[tilespmem:$0xB100] =	vst v63  }
0x330: {  	_ = 	snop  }
0x331: {  	[hbm4b:s7+s8] =	stream.indirect_vreg.scatter [tilespmem:s18], [sflag:$0x3], $0x80, v17, vm0, $0xb8;
	[tilespmem:$0xB100] =	vst v63  }
0x332: {  	_ = 	snop  }
0x333: {  	[hbm4b:s14+s8] =	stream.indirect_vreg.scatter [tilespmem:s9], [sflag:$0x3], $0x80, v17, vm0, $0xb8;
	[tilespmem:$0xB100] =	vst v63  }
0x334: {  	_ = 	snop  }
0x335: {  	[hbm4b:s15+s8] =	stream.indirect_vreg.scatter [tilespmem:s1], [sflag:$0x3], $0x80, v17, vm0, $0xb8;
	[tilespmem:$0xB100] =	vst v63  }
0x336: {  	_ = 	snop  }
0x337: {  	[hbm4b:s16+s8] =	stream.indirect_vreg.scatter [tilespmem:s6], [sflag:$0x3], $0x80, v17, vm0, $0xb8;
	[tilespmem:$0xB100] =	vst v63  }
0x338: {  	v17 =	vld [tilespmem:$0x1190];
	_ =	sdelay $0x4  }
0x339: {  	v18 =	vshll.u32 v17, $0x3  }
0x33a: {  	v17 =	vand.u32 $0x7, v17;
	v18 =	vand.u32 $0xFFFFFFC0, v18  }
0x33b: {  	v17 =	vor.u32 v17, v18  }
0x33c: {  	v18 =	vperm.xlane v17, v14;
	_ =	sdelay $0x1  }
0x33d: {  	v18 =	vadd.s32 v15, v18;
	_ =	sdelay $0x3  }
0x33e: {  	s4 =	simm.s32 $0x7100  }
0x33f: {  	v19 =	vld [tilespmem:$0x2810];
	[tilespmem:s4], [sflag:$0x2] =	stream.indirect_vreg.gather [hbm4b:s10+s8], $0x80, v18, vm0, $0xb8  }
0x340: {  	s17 =	simm.s32 $0x7900;
	v17 =	vperm.xlane v17, v16  }
0x341: {  	[tilespmem:s17], [sflag:$0x2] =	stream.indirect_vreg.gather [hbm4b:s26+s8], $0x80, v18, vm0, $0xb8;
	[tilespmem:$0xB100] =	vst v63  }
0x342: {  	s29 =	simm.s32 $0x8100;
	v17 =	vadd.s32 v15, v17  }
0x343: {  	[tilespmem:s29], [sflag:$0x2] =	stream.indirect_vreg.gather [hbm4b:s24+s8], $0x80, v18, vm0, $0xb8;
	[tilespmem:$0xB100] =	vst v63  }
0x344: {  	s30 =	simm.s32 $0x8900  }
0x345: {  	[tilespmem:s30], [sflag:$0x2] =	stream.indirect_vreg.gather [hbm4b:s2+s8], $0x80, v18, vm0, $0xb8;
	[tilespmem:$0xB100] =	vst v63  }
0x346: {  	s31 =	simm.s32 $0x9100  }
0x347: {  	v18 =	vshll.u32 v19, $0x3;
	[tilespmem:s31], [sflag:$0x2] =	stream.indirect_vreg.gather [hbm4b:s10+s8], $0x80, v17, vm0, $0xb8;
	[tilespmem:$0xB100] =	vst v63  }
0x348: {  	s28 =	simm.s32 $0x9900;
	v19 =	vand.u32 $0x7, v19;
	v18 =	vand.u32 $0xFFFFFFC0, v18  }
0x349: {  	v18 =	vor.u32 v19, v18;
	[tilespmem:s28], [sflag:$0x2] =	stream.indirect_vreg.gather [hbm4b:s26+s8], $0x80, v17, vm0, $0xb8;
	[tilespmem:$0xB100] =	vst v63  }
0x34a: {  	s3 =	simm.s32 $0xA100;
	v19 =	vperm.xlane v18, v14  }
0x34b: {  	[tilespmem:s3], [sflag:$0x2] =	stream.indirect_vreg.gather [hbm4b:s24+s8], $0x80, v17, vm0, $0xb8;
	[tilespmem:$0xB100] =	vst v63  }
0x34c: {  	s21 =	simm.s32 $0xA900;
	s22 =	simm.s32 $0x2;
	v19 =	vadd.s32 v15, v19  }
0x34d: {  	[tilespmem:s21], [sflag:$0x2] =	stream.indirect_vreg.gather [hbm4b:s2+s8], $0x80, v17, vm0, $0xb8;
	[tilespmem:$0xB100] =	vst v63  }
0x34e: {  	s18 =	sadd.s32 $0x1, s0;
	_ =	swait.ge [sflag:s22], $0x4000  }
0x34f: {  	s19 =	sand.u32 $0x1, s18;
	[sflag:s22] =	ssyncset.done $0x0  }
0x350: {  	p0 =	slt.s32 s0, $0x0;
	p1 =	seq.s32 s19, $0x1;
	[sflag:s22] =	ssyncadd.s32 $0xFFFFC000  }
0x351: {  	[hbm4b:s7+s8] =	stream.indirect_vreg.scatter [tilespmem:s4], [sflag:$0x4], $0x80, v19, vm0, $0xb8;
	[tilespmem:$0xB100] =	vst v63  }
0x352: {  	s25 =	sshrl.u32 s18, $0x1F;
	p0 =	por !p0, !p1;
	v17 =	vperm.xlane v18, v16  }
0x353: {  	[hbm4b:s14+s8] =	stream.indirect_vreg.scatter [tilespmem:s17], [sflag:$0x4], $0x80, v19, vm0, $0xb8;
	[tilespmem:$0xB100] =	vst v63  }
0x354: {  	s0 =	sadd.s32 s25, s18;
	p0 =	por !p0, !p0;
	v17 =	vadd.s32 v15, v17;
	s4 =	simm.s32 $0x1  }
0x355: {  	[hbm4b:s15+s8] =	stream.indirect_vreg.scatter [tilespmem:s29], [sflag:$0x4], $0x80, v19, vm0, $0xb8;
	[tilespmem:$0xB100] =	vst v63  }
0x356: {  	s0 =	sshra.s32 s0, $0x1;
	s4 =	simm.s32 @!p0 $0x0  }
0x357: {  	[hbm4b:s16+s8] =	stream.indirect_vreg.scatter [tilespmem:s30], [sflag:$0x4], $0x80, v19, vm0, $0xb8;
	[tilespmem:$0xB100] =	vst v63  }
0x358: {  	s4 =	ssub.s32 s0, s4  }
0x359: {  	[hbm4b:s7+s8] =	stream.indirect_vreg.scatter [tilespmem:s31], [sflag:$0x4], $0x80, v17, vm0, $0xb8;
	[tilespmem:$0xB100] =	vst v63  }
0x35a: {  	p1 =	slt.s32 s4, $0x2  }
0x35b: {  	[hbm4b:s14+s8] =	stream.indirect_vreg.scatter [tilespmem:s28], [sflag:$0x4], $0x80, v17, vm0, $0xb8;
	[tilespmem:$0xB100] =	vst v63  }
.Ltmp13:
0x35c: {  	_ = 	snop;
	(pc) =	sbr.rel @p1 .LBB2_22-.Ltmp13, $4  }
0x35d: {  	_ = 	snop  }
0x35e: {  	[hbm4b:s15+s8] =	stream.indirect_vreg.scatter [tilespmem:s3], [sflag:$0x4], $0x80, v17, vm0, $0xb8;
	[tilespmem:$0xB100] =	vst v63  }
0x35f: {  	s12 =	simm.s32 $0x4;
	s20 =	simm.s32 $0x1;
	s6 =	simm.s32 $0x3  }
0x360: {  	[hbm4b:s16+s8] =	stream.indirect_vreg.scatter [tilespmem:s21], [sflag:$0x4], $0x80, v17, vm0, $0xb8;
	[tilespmem:$0xB100] =	vst v63  }
0x361: {  	s4 =	simm.s32 $0xFFFFFFFF  }
0x362: {  	s4 =	simm.s32 @!p0 $0x0  }
0x363: {  	s0 =	sadd.s32 s4, s0  }
0x364: {  	s9 =	simm.s32 $0x11B0;
	s4 =	simm.s32 $0x2830;
	s0 =	sadd.s32 $0xFFFFFFFF, s0  }
.LBB2_21:
0x365: {  	_ =	swait.ge [sflag:s6], $0x4000  }
0x366: {  	[sflag:s6] =	ssyncset.done $0x0  }
0x367: {  	[sflag:s6] =	ssyncadd.s32 $0xFFFFC000  }
0x368: {  	v17 =	vld [tilespmem:s9+$0xFFFFFFF0];
	_ =	sdelay $0x4  }
0x369: {  	v18 =	vshll.u32 v17, $0x3  }
0x36a: {  	v17 =	vand.u32 $0x7, v17;
	v18 =	vand.u32 $0xFFFFFFC0, v18  }
0x36b: {  	v17 =	vor.u32 v17, v18  }
0x36c: {  	v18 =	vperm.xlane v17, v14;
	_ =	sdelay $0x1  }
0x36d: {  	v18 =	vadd.s32 v15, v18;
	_ =	sdelay $0x3  }
0x36e: {  	s25 =	simm.s32 $0x3100  }
0x36f: {  	v19 =	vld [tilespmem:s4+$0xFFFFFFF0];
	[tilespmem:s25], [sflag:$0x1] =	stream.indirect_vreg.gather [hbm4b:s10+s8], $0x80, v18, vm0, $0xb8  }
0x370: {  	v17 =	vperm.xlane v17, v16  }
0x371: {  	[tilespmem:s5], [sflag:$0x1] =	stream.indirect_vreg.gather [hbm4b:s26+s8], $0x80, v18, vm0, $0xb8;
	[tilespmem:$0xB100] =	vst v63  }
0x372: {  	s11 =	simm.s32 $0x4100;
	v17 =	vadd.s32 v15, v17  }
0x373: {  	[tilespmem:s11], [sflag:$0x1] =	stream.indirect_vreg.gather [hbm4b:s24+s8], $0x80, v18, vm0, $0xb8;
	[tilespmem:$0xB100] =	vst v63  }
0x374: {  	s13 =	simm.s32 $0x4900  }
0x375: {  	[tilespmem:s13], [sflag:$0x1] =	stream.indirect_vreg.gather [hbm4b:s2+s8], $0x80, v18, vm0, $0xb8;
	[tilespmem:$0xB100] =	vst v63  }
0x376: {  	s17 =	simm.s32 $0x5100  }
0x377: {  	v18 =	vshll.u32 v19, $0x3;
	[tilespmem:s17], [sflag:$0x1] =	stream.indirect_vreg.gather [hbm4b:s10+s8], $0x80, v17, vm0, $0xb8;
	[tilespmem:$0xB100] =	vst v63  }
0x378: {  	s18 =	simm.s32 $0x5900;
	v19 =	vand.u32 $0x7, v19;
	v18 =	vand.u32 $0xFFFFFFC0, v18  }
0x379: {  	v18 =	vor.u32 v19, v18;
	[tilespmem:s18], [sflag:$0x1] =	stream.indirect_vreg.gather [hbm4b:s26+s8], $0x80, v17, vm0, $0xb8;
	[tilespmem:$0xB100] =	vst v63  }
0x37a: {  	s19 =	simm.s32 $0x6100;
	v19 =	vperm.xlane v18, v14  }
0x37b: {  	[tilespmem:s19], [sflag:$0x1] =	stream.indirect_vreg.gather [hbm4b:s24+s8], $0x80, v17, vm0, $0xb8;
	[tilespmem:$0xB100] =	vst v63  }
0x37c: {  	s1 =	simm.s32 $0x6900;
	v19 =	vadd.s32 v15, v19  }
0x37d: {  	[tilespmem:s1], [sflag:$0x1] =	stream.indirect_vreg.gather [hbm4b:s2+s8], $0x80, v17, vm0, $0xb8;
	[tilespmem:$0xB100] =	vst v63  }
0x37e: {  	_ =	swait.ge [sflag:s20], $0x4000  }
0x37f: {  	[sflag:s20] =	ssyncset.done $0x0  }
0x380: {  	[sflag:s20] =	ssyncadd.s32 $0xFFFFC000  }
0x381: {  	[hbm4b:s7+s8] =	stream.indirect_vreg.scatter [tilespmem:s25], [sflag:$0x3], $0x80, v19, vm0, $0xb8;
	[tilespmem:$0xB100] =	vst v63  }
0x382: {  	v17 =	vperm.xlane v18, v16  }
0x383: {  	[hbm4b:s14+s8] =	stream.indirect_vreg.scatter [tilespmem:s5], [sflag:$0x3], $0x80, v19, vm0, $0xb8;
	[tilespmem:$0xB100] =	vst v63  }
0x384: {  	v17 =	vadd.s32 v15, v17  }
0x385: {  	[hbm4b:s15+s8] =	stream.indirect_vreg.scatter [tilespmem:s11], [sflag:$0x3], $0x80, v19, vm0, $0xb8;
	[tilespmem:$0xB100] =	vst v63  }
0x386: {  	_ = 	snop  }
0x387: {  	[hbm4b:s16+s8] =	stream.indirect_vreg.scatter [tilespmem:s13], [sflag:$0x3], $0x80, v19, vm0, $0xb8;
	[tilespmem:$0xB100] =	vst v63  }
0x388: {  	_ = 	snop  }
0x389: {  	[hbm4b:s7+s8] =	stream.indirect_vreg.scatter [tilespmem:s17], [sflag:$0x3], $0x80, v17, vm0, $0xb8;
	[tilespmem:$0xB100] =	vst v63  }
0x38a: {  	_ = 	snop  }
0x38b: {  	[hbm4b:s14+s8] =	stream.indirect_vreg.scatter [tilespmem:s18], [sflag:$0x3], $0x80, v17, vm0, $0xb8;
	[tilespmem:$0xB100] =	vst v63  }
0x38c: {  	_ = 	snop  }
0x38d: {  	[hbm4b:s15+s8] =	stream.indirect_vreg.scatter [tilespmem:s19], [sflag:$0x3], $0x80, v17, vm0, $0xb8;
	[tilespmem:$0xB100] =	vst v63  }
0x38e: {  	_ = 	snop  }
0x38f: {  	[hbm4b:s16+s8] =	stream.indirect_vreg.scatter [tilespmem:s1], [sflag:$0x3], $0x80, v17, vm0, $0xb8;
	[tilespmem:$0xB100] =	vst v63  }
0x390: {  	_ =	swait.ge [sflag:s12], $0x4000  }
0x391: {  	[sflag:s12] =	ssyncset.done $0x0  }
0x392: {  	[sflag:s12] =	ssyncadd.s32 $0xFFFFC000  }
0x393: {  	v17 =	vld [tilespmem:s9+$0x0];
	_ =	sdelay $0x4  }
0x394: {  	v18 =	vshll.u32 v17, $0x3  }
0x395: {  	v17 =	vand.u32 $0x7, v17;
	v18 =	vand.u32 $0xFFFFFFC0, v18  }
0x396: {  	v17 =	vor.u32 v17, v18  }
0x397: {  	v18 =	vperm.xlane v17, v14;
	_ =	sdelay $0x1  }
0x398: {  	v18 =	vadd.s32 v15, v18;
	_ =	sdelay $0x3  }
0x399: {  	s25 =	simm.s32 $0x7100  }
0x39a: {  	v19 =	vld [tilespmem:s4+$0x0];
	[tilespmem:s25], [sflag:$0x2] =	stream.indirect_vreg.gather [hbm4b:s10+s8], $0x80, v18, vm0, $0xb8  }
0x39b: {  	s19 =	simm.s32 $0x7900;
	v17 =	vperm.xlane v17, v16  }
0x39c: {  	[tilespmem:s19], [sflag:$0x2] =	stream.indirect_vreg.gather [hbm4b:s26+s8], $0x80, v18, vm0, $0xb8;
	[tilespmem:$0xB100] =	vst v63  }
0x39d: {  	v17 =	vadd.s32 v15, v17  }
0x39e: {  	[tilespmem:s29], [sflag:$0x2] =	stream.indirect_vreg.gather [hbm4b:s24+s8], $0x80, v18, vm0, $0xb8;
	[tilespmem:$0xB100] =	vst v63  }
0x39f: {  	_ = 	snop  }
0x3a0: {  	[tilespmem:s30], [sflag:$0x2] =	stream.indirect_vreg.gather [hbm4b:s2+s8], $0x80, v18, vm0, $0xb8;
	[tilespmem:$0xB100] =	vst v63  }
0x3a1: {  	_ = 	snop  }
0x3a2: {  	v18 =	vshll.u32 v19, $0x3;
	[tilespmem:s31], [sflag:$0x2] =	stream.indirect_vreg.gather [hbm4b:s10+s8], $0x80, v17, vm0, $0xb8;
	[tilespmem:$0xB100] =	vst v63  }
0x3a3: {  	v19 =	vand.u32 $0x7, v19;
	v18 =	vand.u32 $0xFFFFFFC0, v18  }
0x3a4: {  	v18 =	vor.u32 v19, v18;
	[tilespmem:s28], [sflag:$0x2] =	stream.indirect_vreg.gather [hbm4b:s26+s8], $0x80, v17, vm0, $0xb8;
	[tilespmem:$0xB100] =	vst v63  }
0x3a5: {  	v19 =	vperm.xlane v18, v14  }
0x3a6: {  	[tilespmem:s3], [sflag:$0x2] =	stream.indirect_vreg.gather [hbm4b:s24+s8], $0x80, v17, vm0, $0xb8;
	[tilespmem:$0xB100] =	vst v63  }
0x3a7: {  	v19 =	vadd.s32 v15, v19  }
0x3a8: {  	[tilespmem:s21], [sflag:$0x2] =	stream.indirect_vreg.gather [hbm4b:s2+s8], $0x80, v17, vm0, $0xb8;
	[tilespmem:$0xB100] =	vst v63  }
0x3a9: {  	_ =	swait.ge [sflag:s22], $0x4000  }
0x3aa: {  	[sflag:s22] =	ssyncset.done $0x0  }
0x3ab: {  	[sflag:s22] =	ssyncadd.s32 $0xFFFFC000  }
0x3ac: {  	[hbm4b:s7+s8] =	stream.indirect_vreg.scatter [tilespmem:s25], [sflag:$0x4], $0x80, v19, vm0, $0xb8;
	[tilespmem:$0xB100] =	vst v63  }
0x3ad: {  	v17 =	vperm.xlane v18, v16  }
0x3ae: {  	[hbm4b:s14+s8] =	stream.indirect_vreg.scatter [tilespmem:s19], [sflag:$0x4], $0x80, v19, vm0, $0xb8;
	[tilespmem:$0xB100] =	vst v63  }
0x3af: {  	v17 =	vadd.s32 v15, v17  }
0x3b0: {  	[hbm4b:s15+s8] =	stream.indirect_vreg.scatter [tilespmem:s29], [sflag:$0x4], $0x80, v19, vm0, $0xb8;
	[tilespmem:$0xB100] =	vst v63  }
0x3b1: {  	_ = 	snop  }
0x3b2: {  	[hbm4b:s16+s8] =	stream.indirect_vreg.scatter [tilespmem:s30], [sflag:$0x4], $0x80, v19, vm0, $0xb8;
	[tilespmem:$0xB100] =	vst v63  }
0x3b3: {  	_ = 	snop  }
0x3b4: {  	[hbm4b:s7+s8] =	stream.indirect_vreg.scatter [tilespmem:s31], [sflag:$0x4], $0x80, v17, vm0, $0xb8;
	[tilespmem:$0xB100] =	vst v63  }
0x3b5: {  	p0 =	sne.s32 s0, $0x1  }
0x3b6: {  	[hbm4b:s14+s8] =	stream.indirect_vreg.scatter [tilespmem:s28], [sflag:$0x4], $0x80, v17, vm0, $0xb8;
	[tilespmem:$0xB100] =	vst v63  }
.Ltmp14:
0x3b7: {  	_ = 	snop;
	(pc) =	sbr.rel @p0 .LBB2_21-.Ltmp14, $4  }
0x3b8: {  	s0 =	sadd.s32 $0xFFFFFFFF, s0  }
0x3b9: {  	[hbm4b:s15+s8] =	stream.indirect_vreg.scatter [tilespmem:s3], [sflag:$0x4], $0x80, v17, vm0, $0xb8;
	[tilespmem:$0xB100] =	vst v63  }
0x3ba: {  	s5 =	simm.s32 $0x3900;
	s4 =	sadd.s32 $0x20, s4;
	s9 =	sadd.s32 $0x20, s9  }
0x3bb: {  	[hbm4b:s16+s8] =	stream.indirect_vreg.scatter [tilespmem:s21], [sflag:$0x4], $0x80, v17, vm0, $0xb8;
	[tilespmem:$0xB100] =	vst v63  }
.LBB2_22:
0x3bc: {  	_ =	swait.ge [sflag:s6], $0x4000;
	s26 =	simm.s32 $0x3900  }
0x3bd: {  	s11 =	simm.s32 $0x4900;
	s13 =	simm.s32 $0x5900;
	[sflag:s6] =	ssyncset.done $0x0  }
0x3be: {  	s17 =	simm.s32 $0x6100;
	s18 =	simm.s32 $0x6900;
	[sflag:s6] =	ssyncadd.s32 $0xFFFFC000  }
0x3bf: {  	s3 =	simm.s32 $0x1;
	s22 =	simm.s32 $0x3;
	_ =	swait.ge [sflag:s12], $0x4000  }
0x3c0: {  	s6 =	simm.s32 $0x4100;
	[sflag:s12] =	ssyncset.done $0x0;
	s5 =	rddreg [dreg:$0x17]  }
0x3c1: {  	s9 =	rddreg [dreg:$0x18];
	[sflag:s12] =	ssyncadd.s32 $0xFFFFC000;
	s12 =	simm.s32 $0x5100  }
.LBB2_23:
0x3c2: {  	(v2sf) =	vpush v13, $0x0;
	_ =	sdelay $0xe  }
0x3c3: {  	s0 =	spop (v2sf)  }
0x3c4: {  	s0 =	sor.u32 s23, s0  }
0x3c5: {  	s0 =	sadd.s32 $0xF, s0  }
0x3c6: {  	s4 =	sand.u32 $0xF, s0  }
0x3c7: {  	s31 =	sshra.s32 s0, $0x1F;
	p1 =	slt.s32 s0, $0x1;
	p0 =	sne.s32 s4, $0x0  }
0x3c8: {  	s4 =	sshrl.u32 s31, $0x1C;
	p0 =	por !p1, !p0  }
0x3c9: {  	s0 =	sadd.s32 s4, s0;
	s4 =	simm.s32 $0x1;
	p0 =	por !p0, !p0  }
0x3ca: {  	s0 =	sshra.s32 s0, $0x4;
	s4 =	simm.s32 @!p0 $0x0  }
0x3cb: {  	s0 =	ssub.s32 s0, s4  }
0x3cc: {  	p0 =	slt.s32 s0, $0x1  }
.Ltmp15:
0x3cd: {  	_ = 	snop;
	(pc) =	sbr.rel @p0 .LBB2_28-.Ltmp15, $4  }
0x3ce: {  	s10 =	rddreg [dreg:$0x5]  }
0x3cf: {  	s2 =	simm.s32 $0x3100;
	s19 =	simm.s32 $0x7900;
	s20 =	simm.s32 $0x8100  }
0x3d0: {  	s29 =	simm.s32 $0x9100;
	s28 =	simm.s32 $0x9900;
	s30 =	simm.s32 $0xA100  }
0x3d1: {  	s21 =	simm.s32 $0x2;
	s23 =	simm.s32 $0x8900;
	s4 =	rddreg [dreg:$0x1a]  }
0x3d2: {  	v13 =	vld [tilespmem:$0x1600];
	_ =	sdelay $0x4  }
0x3d3: {  	v14 =	vshll.u32 v13, $0x3  }
0x3d4: {  	v13 =	vand.u32 $0x7, v13;
	v14 =	vand.u32 $0xFFFFFFC0, v14  }
0x3d5: {  	v16 =	vor.u32 v13, v14;
	v13 =	vand.u32 $0x7, v0  }
0x3d6: {  	v14 =	vmul.u32 $0x8, v9;
	v15 =	vperm.xlane v16, v13;
	_ =	sdelay $0x1  }
0x3d7: {  	v17 =	vadd.s32 v14, v15;
	_ =	sdelay $0x3  }
0x3d8: {  	vm0 =	vmmov $0xffff  }
0x3d9: {  	v18 =	vld [tilespmem:$0x2C80];
	v15 =	vor.u32 $0x8, v0;
	[tilespmem:s2], [sflag:$0x1] =	stream.indirect_vreg.gather [hbm4b:s10+s8], $0x80, v17, vm0, $0xb8  }
0x3da: {  	v16 =	vperm.xlane v16, v15  }
0x3db: {  	[tilespmem:s26], [sflag:$0x1] =	stream.indirect_vreg.gather [hbm4b:s5+s8], $0x80, v17, vm0, $0xb8;
	[tilespmem:$0xB100] =	vst v63  }
0x3dc: {  	v16 =	vadd.s32 v14, v16  }
0x3dd: {  	[tilespmem:s6], [sflag:$0x1] =	stream.indirect_vreg.gather [hbm4b:s9+s8], $0x80, v17, vm0, $0xb8;
	[tilespmem:$0xB100] =	vst v63  }
0x3de: {  	s24 =	rddreg [dreg:$0x19]  }
0x3df: {  	[tilespmem:s11], [sflag:$0x1] =	stream.indirect_vreg.gather [hbm4b:s24+s8], $0x80, v17, vm0, $0xb8;
	[tilespmem:$0xB100] =	vst v63  }
0x3e0: {  	_ = 	snop  }
0x3e1: {  	v17 =	vshll.u32 v18, $0x3;
	[tilespmem:s12], [sflag:$0x1] =	stream.indirect_vreg.gather [hbm4b:s10+s8], $0x80, v16, vm0, $0xb8;
	[tilespmem:$0xB100] =	vst v63  }
0x3e2: {  	v18 =	vand.u32 $0x7, v18;
	v17 =	vand.u32 $0xFFFFFFC0, v17  }
0x3e3: {  	v17 =	vor.u32 v18, v17;
	[tilespmem:s13], [sflag:$0x1] =	stream.indirect_vreg.gather [hbm4b:s5+s8], $0x80, v16, vm0, $0xb8;
	[tilespmem:$0xB100] =	vst v63  }
0x3e4: {  	v18 =	vperm.xlane v17, v13  }
0x3e5: {  	[tilespmem:s17], [sflag:$0x1] =	stream.indirect_vreg.gather [hbm4b:s9+s8], $0x80, v16, vm0, $0xb8;
	[tilespmem:$0xB100] =	vst v63  }
0x3e6: {  	v18 =	vadd.s32 v14, v18  }
0x3e7: {  	[tilespmem:s18], [sflag:$0x1] =	stream.indirect_vreg.gather [hbm4b:s24+s8], $0x80, v16, vm0, $0xb8;
	[tilespmem:$0xB100] =	vst v63  }
0x3e8: {  	_ =	swait.ge [sflag:s3], $0x4000  }
0x3e9: {  	[sflag:s3] =	ssyncset.done $0x0  }
0x3ea: {  	s1 =	simm.s32 $0x3100;
	[sflag:s3] =	ssyncadd.s32 $0xFFFFC000  }
0x3eb: {  	[hbm4b:s7+s8] =	stream.indirect_vreg.scatter [tilespmem:s1], [sflag:$0x3], $0x80, v18, vm0, $0xb8;
	[tilespmem:$0xB100] =	vst v63  }
0x3ec: {  	v16 =	vperm.xlane v17, v15  }
0x3ed: {  	[hbm4b:s14+s8] =	stream.indirect_vreg.scatter [tilespmem:s26], [sflag:$0x3], $0x80, v18, vm0, $0xb8;
	[tilespmem:$0xB100] =	vst v63  }
0x3ee: {  	v16 =	vadd.s32 v14, v16  }
0x3ef: {  	[hbm4b:s15+s8] =	stream.indirect_vreg.scatter [tilespmem:s6], [sflag:$0x3], $0x80, v18, vm0, $0xb8;
	[tilespmem:$0xB100] =	vst v63  }
0x3f0: {  	_ = 	snop  }
0x3f1: {  	[hbm4b:s16+s8] =	stream.indirect_vreg.scatter [tilespmem:s11], [sflag:$0x3], $0x80, v18, vm0, $0xb8;
	[tilespmem:$0xB100] =	vst v63  }
0x3f2: {  	_ = 	snop  }
0x3f3: {  	[hbm4b:s7+s8] =	stream.indirect_vreg.scatter [tilespmem:s12], [sflag:$0x3], $0x80, v16, vm0, $0xb8;
	[tilespmem:$0xB100] =	vst v63  }
0x3f4: {  	_ = 	snop  }
0x3f5: {  	[hbm4b:s14+s8] =	stream.indirect_vreg.scatter [tilespmem:s13], [sflag:$0x3], $0x80, v16, vm0, $0xb8;
	[tilespmem:$0xB100] =	vst v63  }
0x3f6: {  	_ = 	snop  }
0x3f7: {  	[hbm4b:s15+s8] =	stream.indirect_vreg.scatter [tilespmem:s17], [sflag:$0x3], $0x80, v16, vm0, $0xb8;
	[tilespmem:$0xB100] =	vst v63  }
0x3f8: {  	_ = 	snop  }
0x3f9: {  	[hbm4b:s16+s8] =	stream.indirect_vreg.scatter [tilespmem:s18], [sflag:$0x3], $0x80, v16, vm0, $0xb8;
	[tilespmem:$0xB100] =	vst v63  }
0x3fa: {  	v16 =	vld [tilespmem:$0x1610];
	_ =	sdelay $0x4  }
0x3fb: {  	v17 =	vshll.u32 v16, $0x3  }
0x3fc: {  	v16 =	vand.u32 $0x7, v16;
	v17 =	vand.u32 $0xFFFFFFC0, v17  }
0x3fd: {  	v16 =	vor.u32 v16, v17  }
0x3fe: {  	v17 =	vperm.xlane v16, v13;
	_ =	sdelay $0x1  }
0x3ff: {  	v17 =	vadd.s32 v14, v17;
	_ =	sdelay $0x3  }
0x400: {  	s12 =	simm.s32 $0x7100  }
0x401: {  	v18 =	vld [tilespmem:$0x2C90];
	[tilespmem:s12], [sflag:$0x2] =	stream.indirect_vreg.gather [hbm4b:s10+s8], $0x80, v17, vm0, $0xb8  }
0x402: {  	v16 =	vperm.xlane v16, v15  }
0x403: {  	[tilespmem:s19], [sflag:$0x2] =	stream.indirect_vreg.gather [hbm4b:s5+s8], $0x80, v17, vm0, $0xb8;
	[tilespmem:$0xB100] =	vst v63  }
0x404: {  	v16 =	vadd.s32 v14, v16  }
0x405: {  	[tilespmem:s20], [sflag:$0x2] =	stream.indirect_vreg.gather [hbm4b:s9+s8], $0x80, v17, vm0, $0xb8;
	[tilespmem:$0xB100] =	vst v63  }
0x406: {  	_ = 	snop  }
0x407: {  	[tilespmem:s23], [sflag:$0x2] =	stream.indirect_vreg.gather [hbm4b:s24+s8], $0x80, v17, vm0, $0xb8;
	[tilespmem:$0xB100] =	vst v63  }
0x408: {  	_ = 	snop  }
0x409: {  	v17 =	vshll.u32 v18, $0x3;
	[tilespmem:s29], [sflag:$0x2] =	stream.indirect_vreg.gather [hbm4b:s10+s8], $0x80, v16, vm0, $0xb8;
	[tilespmem:$0xB100] =	vst v63  }
0x40a: {  	v18 =	vand.u32 $0x7, v18;
	v17 =	vand.u32 $0xFFFFFFC0, v17  }
0x40b: {  	v17 =	vor.u32 v18, v17;
	[tilespmem:s28], [sflag:$0x2] =	stream.indirect_vreg.gather [hbm4b:s5+s8], $0x80, v16, vm0, $0xb8;
	[tilespmem:$0xB100] =	vst v63  }
0x40c: {  	v18 =	vperm.xlane v17, v13  }
0x40d: {  	[tilespmem:s30], [sflag:$0x2] =	stream.indirect_vreg.gather [hbm4b:s9+s8], $0x80, v16, vm0, $0xb8;
	[tilespmem:$0xB100] =	vst v63  }
0x40e: {  	s4 =	sadd.s32 $0x1, s0;
	s6 =	simm.s32 $0xA900;
	v18 =	vadd.s32 v14, v18  }
0x40f: {  	[tilespmem:s6], [sflag:$0x2] =	stream.indirect_vreg.gather [hbm4b:s24+s8], $0x80, v16, vm0, $0xb8;
	[tilespmem:$0xB100] =	vst v63  }
0x410: {  	s13 =	sand.u32 $0x1, s4;
	_ =	swait.ge [sflag:s21], $0x4000  }
0x411: {  	p0 =	slt.s32 s0, $0x0;
	p1 =	seq.s32 s13, $0x1;
	[sflag:s21] =	ssyncset.done $0x0  }
0x412: {  	p0 =	por !p0, !p1;
	[sflag:s21] =	ssyncadd.s32 $0xFFFFC000  }
0x413: {  	[hbm4b:s7+s8] =	stream.indirect_vreg.scatter [tilespmem:s12], [sflag:$0x4], $0x80, v18, vm0, $0xb8;
	[tilespmem:$0xB100] =	vst v63  }
0x414: {  	p0 =	por !p0, !p0;
	s18 =	sshrl.u32 s4, $0x1F;
	v16 =	vperm.xlane v17, v15  }
0x415: {  	[hbm4b:s14+s8] =	stream.indirect_vreg.scatter [tilespmem:s19], [sflag:$0x4], $0x80, v18, vm0, $0xb8;
	[tilespmem:$0xB100] =	vst v63  }
0x416: {  	s0 =	sadd.s32 s18, s4;
	s4 =	simm.s32 $0x1;
	s29 =	simm.s32 $0x8100;
	v16 =	vadd.s32 v14, v16  }
0x417: {  	[hbm4b:s15+s8] =	stream.indirect_vreg.scatter [tilespmem:s29], [sflag:$0x4], $0x80, v18, vm0, $0xb8;
	[tilespmem:$0xB100] =	vst v63  }
0x418: {  	s0 =	sshra.s32 s0, $0x1;
	s4 =	simm.s32 @!p0 $0x0;
	s30 =	simm.s32 $0x8900  }
0x419: {  	[hbm4b:s16+s8] =	stream.indirect_vreg.scatter [tilespmem:s30], [sflag:$0x4], $0x80, v18, vm0, $0xb8;
	[tilespmem:$0xB100] =	vst v63  }
0x41a: {  	s31 =	simm.s32 $0x9100;
	s4 =	ssub.s32 s0, s4  }
0x41b: {  	[hbm4b:s7+s8] =	stream.indirect_vreg.scatter [tilespmem:s31], [sflag:$0x4], $0x80, v16, vm0, $0xb8;
	[tilespmem:$0xB100] =	vst v63  }
0x41c: {  	p1 =	slt.s32 s4, $0x2;
	s28 =	simm.s32 $0x9900  }
0x41d: {  	[hbm4b:s14+s8] =	stream.indirect_vreg.scatter [tilespmem:s28], [sflag:$0x4], $0x80, v16, vm0, $0xb8;
	[tilespmem:$0xB100] =	vst v63  }
.Ltmp16:
0x41e: {  	s25 =	simm.s32 $0x6900;
	(pc) =	sbr.rel @p1 .LBB2_27-.Ltmp16, $4  }
0x41f: {  	s2 =	simm.s32 $0xA100;
	s1 =	simm.s32 $0x4100;
	s17 =	simm.s32 $0x5900  }
0x420: {  	[hbm4b:s15+s8] =	stream.indirect_vreg.scatter [tilespmem:s2], [sflag:$0x4], $0x80, v16, vm0, $0xb8;
	[tilespmem:$0xB100] =	vst v63  }
0x421: {  	s20 =	simm.s32 $0x4;
	s23 =	smov.u32 s9;
	s19 =	simm.s32 $0x7900  }
0x422: {  	[hbm4b:s16+s8] =	stream.indirect_vreg.scatter [tilespmem:s6], [sflag:$0x4], $0x80, v16, vm0, $0xb8;
	[tilespmem:$0xB100] =	vst v63  }
0x423: {  	s4 =	simm.s32 $0xFFFFFFFF  }
0x424: {  	s4 =	simm.s32 @!p0 $0x0  }
0x425: {  	s0 =	sadd.s32 s4, s0  }
0x426: {  	s9 =	simm.s32 $0x1630;
	s4 =	simm.s32 $0x2CB0;
	s0 =	sadd.s32 $0xFFFFFFFF, s0  }
.LBB2_26:
0x427: {  	_ =	swait.ge [sflag:s22], $0x4000  }
0x428: {  	[sflag:s22] =	ssyncset.done $0x0  }
0x429: {  	[sflag:s22] =	ssyncadd.s32 $0xFFFFC000  }
0x42a: {  	v16 =	vld [tilespmem:s9+$0xFFFFFFF0];
	_ =	sdelay $0x4  }
0x42b: {  	v17 =	vshll.u32 v16, $0x3  }
0x42c: {  	v16 =	vand.u32 $0x7, v16;
	v17 =	vand.u32 $0xFFFFFFC0, v17  }
0x42d: {  	v16 =	vor.u32 v16, v17  }
0x42e: {  	v17 =	vperm.xlane v16, v13;
	_ =	sdelay $0x1  }
0x42f: {  	v17 =	vadd.s32 v14, v17;
	_ =	sdelay $0x3  }
0x430: {  	s13 =	simm.s32 $0x3100  }
0x431: {  	v18 =	vld [tilespmem:s4+$0xFFFFFFF0];
	[tilespmem:s13], [sflag:$0x1] =	stream.indirect_vreg.gather [hbm4b:s10+s8], $0x80, v17, vm0, $0xb8  }
0x432: {  	v16 =	vperm.xlane v16, v15  }
0x433: {  	[tilespmem:s26], [sflag:$0x1] =	stream.indirect_vreg.gather [hbm4b:s5+s8], $0x80, v17, vm0, $0xb8;
	[tilespmem:$0xB100] =	vst v63  }
0x434: {  	v16 =	vadd.s32 v14, v16  }
0x435: {  	[tilespmem:s1], [sflag:$0x1] =	stream.indirect_vreg.gather [hbm4b:s23+s8], $0x80, v17, vm0, $0xb8;
	[tilespmem:$0xB100] =	vst v63  }
0x436: {  	_ = 	snop  }
0x437: {  	[tilespmem:s11], [sflag:$0x1] =	stream.indirect_vreg.gather [hbm4b:s24+s8], $0x80, v17, vm0, $0xb8;
	[tilespmem:$0xB100] =	vst v63  }
0x438: {  	s18 =	simm.s32 $0x5100  }
0x439: {  	v17 =	vshll.u32 v18, $0x3;
	[tilespmem:s18], [sflag:$0x1] =	stream.indirect_vreg.gather [hbm4b:s10+s8], $0x80, v16, vm0, $0xb8;
	[tilespmem:$0xB100] =	vst v63  }
0x43a: {  	v18 =	vand.u32 $0x7, v18;
	v17 =	vand.u32 $0xFFFFFFC0, v17  }
0x43b: {  	v17 =	vor.u32 v18, v17;
	[tilespmem:s17], [sflag:$0x1] =	stream.indirect_vreg.gather [hbm4b:s5+s8], $0x80, v16, vm0, $0xb8;
	[tilespmem:$0xB100] =	vst v63  }
0x43c: {  	s18 =	simm.s32 $0x6100;
	v18 =	vperm.xlane v17, v13  }
0x43d: {  	[tilespmem:s18], [sflag:$0x1] =	stream.indirect_vreg.gather [hbm4b:s23+s8], $0x80, v16, vm0, $0xb8;
	[tilespmem:$0xB100] =	vst v63  }
0x43e: {  	v18 =	vadd.s32 v14, v18  }
0x43f: {  	[tilespmem:s25], [sflag:$0x1] =	stream.indirect_vreg.gather [hbm4b:s24+s8], $0x80, v16, vm0, $0xb8;
	[tilespmem:$0xB100] =	vst v63  }
0x440: {  	_ =	swait.ge [sflag:s3], $0x4000  }
0x441: {  	[sflag:s3] =	ssyncset.done $0x0  }
0x442: {  	[sflag:s3] =	ssyncadd.s32 $0xFFFFC000  }
0x443: {  	[hbm4b:s7+s8] =	stream.indirect_vreg.scatter [tilespmem:s13], [sflag:$0x3], $0x80, v18, vm0, $0xb8;
	[tilespmem:$0xB100] =	vst v63  }
0x444: {  	v16 =	vperm.xlane v17, v15  }
0x445: {  	[hbm4b:s14+s8] =	stream.indirect_vreg.scatter [tilespmem:s26], [sflag:$0x3], $0x80, v18, vm0, $0xb8;
	[tilespmem:$0xB100] =	vst v63  }
0x446: {  	v16 =	vadd.s32 v14, v16  }
0x447: {  	[hbm4b:s15+s8] =	stream.indirect_vreg.scatter [tilespmem:s1], [sflag:$0x3], $0x80, v18, vm0, $0xb8;
	[tilespmem:$0xB100] =	vst v63  }
0x448: {  	_ = 	snop  }
0x449: {  	[hbm4b:s16+s8] =	stream.indirect_vreg.scatter [tilespmem:s11], [sflag:$0x3], $0x80, v18, vm0, $0xb8;
	[tilespmem:$0xB100] =	vst v63  }
0x44a: {  	s13 =	simm.s32 $0x5100  }
0x44b: {  	[hbm4b:s7+s8] =	stream.indirect_vreg.scatter [tilespmem:s13], [sflag:$0x3], $0x80, v16, vm0, $0xb8;
	[tilespmem:$0xB100] =	vst v63  }
0x44c: {  	_ = 	snop  }
0x44d: {  	[hbm4b:s14+s8] =	stream.indirect_vreg.scatter [tilespmem:s17], [sflag:$0x3], $0x80, v16, vm0, $0xb8;
	[tilespmem:$0xB100] =	vst v63  }
0x44e: {  	_ = 	snop  }
0x44f: {  	[hbm4b:s15+s8] =	stream.indirect_vreg.scatter [tilespmem:s18], [sflag:$0x3], $0x80, v16, vm0, $0xb8;
	[tilespmem:$0xB100] =	vst v63  }
0x450: {  	_ = 	snop  }
0x451: {  	[hbm4b:s16+s8] =	stream.indirect_vreg.scatter [tilespmem:s25], [sflag:$0x3], $0x80, v16, vm0, $0xb8;
	[tilespmem:$0xB100] =	vst v63  }
0x452: {  	_ =	swait.ge [sflag:s20], $0x4000  }
0x453: {  	[sflag:s20] =	ssyncset.done $0x0  }
0x454: {  	[sflag:s20] =	ssyncadd.s32 $0xFFFFC000  }
0x455: {  	v16 =	vld [tilespmem:s9+$0x0];
	_ =	sdelay $0x4  }
0x456: {  	v17 =	vshll.u32 v16, $0x3  }
0x457: {  	v16 =	vand.u32 $0x7, v16;
	v17 =	vand.u32 $0xFFFFFFC0, v17  }
0x458: {  	v16 =	vor.u32 v16, v17  }
0x459: {  	v17 =	vperm.xlane v16, v13;
	_ =	sdelay $0x1  }
0x45a: {  	v17 =	vadd.s32 v14, v17;
	_ =	sdelay $0x4  }
0x45b: {  	v63 =	vld [tilespmem:s4+$0x0];
	[tilespmem:s12], [sflag:$0x2] =	stream.indirect_vreg.gather [hbm4b:s10+s8], $0x80, v17, vm0, $0xb8  }
0x45c: {  	v16 =	vperm.xlane v16, v15  }
0x45d: {  	[tilespmem:s19], [sflag:$0x2] =	stream.indirect_vreg.gather [hbm4b:s5+s8], $0x80, v17, vm0, $0xb8;
	[tilespmem:$0xB100] =	vst v63  }
0x45e: {  	v16 =	vadd.s32 v14, v16  }
0x45f: {  	[tilespmem:s29], [sflag:$0x2] =	stream.indirect_vreg.gather [hbm4b:s23+s8], $0x80, v17, vm0, $0xb8;
	[tilespmem:$0xB100] =	vst v63  }
0x460: {  	_ = 	snop  }
0x461: {  	[tilespmem:s30], [sflag:$0x2] =	stream.indirect_vreg.gather [hbm4b:s24+s8], $0x80, v17, vm0, $0xb8;
	[tilespmem:$0xB100] =	vst v63  }
0x462: {  	_ = 	snop  }
0x463: {  	v17 =	vshll.u32 v63, $0x3;
	[tilespmem:s31], [sflag:$0x2] =	stream.indirect_vreg.gather [hbm4b:s10+s8], $0x80, v16, vm0, $0xb8;
	[tilespmem:$0xB100] =	vst v63  }
0x464: {  	v18 =	vand.u32 $0x7, v63;
	v17 =	vand.u32 $0xFFFFFFC0, v17  }
0x465: {  	v17 =	vor.u32 v18, v17;
	[tilespmem:s28], [sflag:$0x2] =	stream.indirect_vreg.gather [hbm4b:s5+s8], $0x80, v16, vm0, $0xb8;
	[tilespmem:$0xB100] =	vst v63  }
0x466: {  	v18 =	vperm.xlane v17, v13  }
0x467: {  	[tilespmem:s2], [sflag:$0x2] =	stream.indirect_vreg.gather [hbm4b:s23+s8], $0x80, v16, vm0, $0xb8;
	[tilespmem:$0xB100] =	vst v63  }
0x468: {  	v18 =	vadd.s32 v14, v18  }
0x469: {  	[tilespmem:s6], [sflag:$0x2] =	stream.indirect_vreg.gather [hbm4b:s24+s8], $0x80, v16, vm0, $0xb8;
	[tilespmem:$0xB100] =	vst v63  }
0x46a: {  	_ =	swait.ge [sflag:s21], $0x4000  }
0x46b: {  	[sflag:s21] =	ssyncset.done $0x0  }
0x46c: {  	[sflag:s21] =	ssyncadd.s32 $0xFFFFC000  }
0x46d: {  	[hbm4b:s7+s8] =	stream.indirect_vreg.scatter [tilespmem:s12], [sflag:$0x4], $0x80, v18, vm0, $0xb8;
	[tilespmem:$0xB100] =	vst v63  }
0x46e: {  	v16 =	vperm.xlane v17, v15  }
0x46f: {  	[hbm4b:s14+s8] =	stream.indirect_vreg.scatter [tilespmem:s19], [sflag:$0x4], $0x80, v18, vm0, $0xb8;
	[tilespmem:$0xB100] =	vst v63  }
0x470: {  	v16 =	vadd.s32 v14, v16  }
0x471: {  	[hbm4b:s15+s8] =	stream.indirect_vreg.scatter [tilespmem:s29], [sflag:$0x4], $0x80, v18, vm0, $0xb8;
	[tilespmem:$0xB100] =	vst v63  }
0x472: {  	_ = 	snop  }
0x473: {  	[hbm4b:s16+s8] =	stream.indirect_vreg.scatter [tilespmem:s30], [sflag:$0x4], $0x80, v18, vm0, $0xb8;
	[tilespmem:$0xB100] =	vst v63  }
0x474: {  	_ = 	snop  }
0x475: {  	[hbm4b:s7+s8] =	stream.indirect_vreg.scatter [tilespmem:s31], [sflag:$0x4], $0x80, v16, vm0, $0xb8;
	[tilespmem:$0xB100] =	vst v63  }
0x476: {  	p0 =	sne.s32 s0, $0x1  }
0x477: {  	[hbm4b:s14+s8] =	stream.indirect_vreg.scatter [tilespmem:s28], [sflag:$0x4], $0x80, v16, vm0, $0xb8;
	[tilespmem:$0xB100] =	vst v63  }
.Ltmp17:
0x478: {  	_ = 	snop;
	(pc) =	sbr.rel @p0 .LBB2_26-.Ltmp17, $4  }
0x479: {  	_ = 	snop  }
0x47a: {  	[hbm4b:s15+s8] =	stream.indirect_vreg.scatter [tilespmem:s2], [sflag:$0x4], $0x80, v16, vm0, $0xb8;
	[tilespmem:$0xB100] =	vst v63  }
0x47b: {  	s0 =	sadd.s32 $0xFFFFFFFF, s0;
	s4 =	sadd.s32 $0x20, s4;
	s9 =	sadd.s32 $0x20, s9  }
0x47c: {  	[hbm4b:s16+s8] =	stream.indirect_vreg.scatter [tilespmem:s6], [sflag:$0x4], $0x80, v16, vm0, $0xb8;
	[tilespmem:$0xB100] =	vst v63  }
.Ltmp18:
0x47d: {  	_ = 	snop;
	(pc) =	sbr.rel .LBB2_27-.Ltmp18, $1  }
0x47e: {  	_ =	sdelay $0x3  }
.LBB2_29:
0x47f: {  	_ =	sfence.sel $0x180000  }
0x480: {  	[bflag:$0x0] =	sbarrier.arrive $0xFFFF  }
0x481: {  	_ =	strace $0x90000047  }
0x482: {  	s0 =	stileid.u32;
	[bflag:$0x2] =	sbarrier.arrive $0xFFFF  }
0x483: {  	p0 =	sne.s32 s0, $0x0;
	s0 =	rddreg [dreg:$0x7]  }
0x484: {  	s0 =	sadd.s32 @!p0 $0x100000, s0  }
0x485: {  	[sflag:s0] =	ssyncadd.tile.s32 @!p0 $0x1;
	_ =	shalt  }
.Lfunc_end2:
_tile_overlayer_lowered:
.L_overlay_start_2:
0x486: {  	(tag) =	ssettag $0x2  }
0x487: {  	s0 =	rddreg [dreg:$0x0];
	s2 =	stileid.u32  }
0x488: {  	s1 =	rddreg [dreg:$0x1];
	p0 =	sne.s32 s2, $0x0  }
0x489: {  	s3 =	rddreg [dreg:$0x2];
	[bflag:$0x3] =	sbarrier.arrive $0xFFFF;
	s2 =	simm.s32 @!p0 $0x1C05  }
0x48a: {  	[timem:s3], [sflag:s2] =	dma.local @!p0 [hbm:s0], s1  }
0x48b: {  	s0 =	simm.s32 @!p0 $0x5  }
0x48c: {  	_ =	swait.ge @!p0 [sflag:s0], s1  }
0x48d: {  	s1 =	ssub.s32 @!p0 $0x0, s1;
	[sflag:s0] =	ssyncset.done @!p0 $0x0  }
0x48e: {  	[sflag:s0] =	ssyncadd.s32 @!p0 s1  }
0x48f: {  	[bflag:$0x3] =	sbarrier.arrive $0xFFFF  }
0x490: {  	_ =	shalt  }

</sc_bundles>
